<compile_context>
chip_gen: v7x
topology: tpu7x:2x2x1
jax: 0.10.2.dev20260603
libtpu: 0.0.44.dev20260713+nightly
codegen_flags: <defaults>
</compile_context>

<pallas_src>
import functools
import jax
import jax.numpy as jnp
from jax import lax
from jax.experimental import pallas as pl
from jax.experimental.pallas import tpu as pltpu
from jax.experimental.pallas import tpu_sc as plsc

NCORES = 2
NSUB = 16
NW = NCORES * NSUB
CH = 128


def _sc_mesh():
    return plsc.VectorSubcoreMesh(
        core_axis_name="c", subcore_axis_name="s",
        num_cores=NCORES, num_subcores=NSUB)


def _make_weights_kernel(cpt, cnt_pad, pad_seg):
    zpt = cnt_pad // NSUB

    @functools.partial(
        pl.kernel,
        out_type=jax.ShapeDtypeStruct((NW, cpt, CH), jnp.float32),
        mesh=_sc_mesh(),
        scratch_types=[
            pltpu.VMEM((NCORES, cpt, CH), jnp.int32),
            pltpu.VMEM((CH,), jnp.float32),
            pltpu.VMEM((2, CH), jnp.float32),
            pltpu.VMEM((2, CH), jnp.float32),
            pltpu.VMEM((zpt,), jnp.float32),
            pltpu.SemaphoreType.DMA,
            pltpu.SemaphoreType.DMA((2,)),
            pltpu.SemaphoreType.DMA((2,)),
            pltpu.VMEM_SHARED((cnt_pad,), jnp.float32),
        ],
    )
    def k(seg_hbm, w_hbm, seg_v, ones_v, cval_r, wout_r, zz_v,
          sem_c, sem_cv, sem_wo, cnt_sh):
        cid = lax.axis_index("c")
        sid = lax.axis_index("s")
        row = NCORES * sid + cid
        for l in range(CH // 16):
            ones_v[pl.ds(l * 16, 16)] = jnp.full((16,), 1.0, jnp.float32)

        def zfill(i, _):
            zz_v[pl.ds(i * 16, 16)] = jnp.zeros((16,), jnp.float32)
            return 0
        lax.fori_loop(0, zpt // 16, zfill, 0)
        for t in range(NCORES):
            pltpu.sync_copy(seg_hbm.at[NCORES * sid + t], seg_v.at[t])
        pltpu.sync_copy(zz_v, cnt_sh.at[pl.ds(sid * zpt, zpt)])
        plsc.subcore_barrier()

        def count_body(j, _):
            for t in range(NCORES):
                pltpu.async_copy(ones_v, cnt_sh.at[seg_v.at[t, j]], sem_c,
                                 add=True)
            return 0
        lax.fori_loop(0, cpt, count_body, 0)

        def count_drain(j, _):
            for t in range(NCORES):
                pltpu.make_async_copy(ones_v, cnt_sh.at[seg_v.at[t, j]],
                                      sem_c).wait()
            return 0
        lax.fori_loop(0, cpt, count_drain, 0)
        plsc.subcore_barrier()

        def wpre(j, p):
            pltpu.async_copy(cnt_sh.at[seg_v.at[cid, j]], cval_r.at[p],
                             sem_cv.at[p])

        def wprime(p0, _):
            wpre(p0, p0)
            return 0
        lax.fori_loop(0, 2, wprime, 0)

        def w_body(j, _):
            p = lax.rem(j, 2)
            pltpu.make_async_copy(cnt_sh.at[seg_v.at[cid, j]], cval_r.at[p],
                                  sem_cv.at[p]).wait()

            @pl.when(j >= 2)
            def _():
                pltpu.make_async_copy(wout_r.at[p], w_hbm.at[row, j],
                                      sem_wo.at[p]).wait()
            for l in range(CH // 16):
                sl = pl.ds(l * 16, 16)
                c = cval_r[p, sl]
                s = seg_v[cid, j, sl]
                w = 1.0 / jnp.maximum(c, 1.0)
                wout_r[p, sl] = jnp.where(s >= pad_seg, 0.0, w)
            pltpu.async_copy(wout_r.at[p], w_hbm.at[row, j], sem_wo.at[p])

            @pl.when(j + 2 < cpt)
            def _():
                wpre(j + 2, p)
            return 0
        lax.fori_loop(0, cpt, w_body, 0)

        def wdrain(q, _):
            j = cpt - 2 + q
            p = lax.rem(j, 2)
            pltpu.make_async_copy(wout_r.at[p], w_hbm.at[row, j],
                                  sem_wo.at[p]).wait()
            return 0
        lax.fori_loop(0, 2, wdrain, 0)

    return k


def _make_agg_kernel(n_pad, d, cpt):
    zs = n_pad // NSUB

    @functools.partial(
        pl.kernel,
        out_type=jax.ShapeDtypeStruct((NCORES, n_pad, d), jnp.float32),
        mesh=_sc_mesh(),
        scratch_types=[
            pltpu.VMEM((cpt, CH), jnp.int32),
            pltpu.VMEM((2, CH), jnp.int32),
            pltpu.VMEM((2, CH), jnp.float32),
            pltpu.VMEM((2, CH, d), jnp.float32),
            pltpu.SemaphoreType.DMA((2,)),
            pltpu.SemaphoreType.DMA((2,)),
            pltpu.SemaphoreType.DMA((2,)),
            pltpu.VMEM_SHARED((n_pad, d), jnp.float32),
        ],
        compiler_params=pltpu.CompilerParams(needs_layout_passes=False),
    )
    def k(xw_hbm, gidx_hbm, dst_hbm, w_hbm, out_hbm,
          gidx_v, dst_r, w_r, rows_b, sem_g, sem_d, sem_w, acc_sh):
        cid = lax.axis_index("c")
        sid = lax.axis_index("s")
        wid = NCORES * sid + cid
        pltpu.sync_copy(gidx_hbm.at[wid], gidx_v)

        def zfill(i, _):
            for g in range(d // 16):
                rows_b[0, i, pl.ds(g * 16, 16)] = jnp.zeros((16,), jnp.float32)
            return 0
        lax.fori_loop(0, CH, zfill, 0)
        nfull, rem = divmod(zs, CH)
        for q in range(nfull):
            pltpu.sync_copy(rows_b.at[0],
                            acc_sh.at[pl.ds(sid * zs + q * CH, CH)])
        if rem:
            pltpu.sync_copy(rows_b.at[0, pl.ds(0, rem)],
                            acc_sh.at[pl.ds(sid * zs + nfull * CH, rem)])
        plsc.subcore_barrier()

        def prefetch(j, p):
            pltpu.async_copy(xw_hbm.at[gidx_v.at[j]], rows_b.at[p],
                             sem_g.at[p])
            pltpu.async_copy(dst_hbm.at[wid, j], dst_r.at[p], sem_d.at[p])
            pltpu.async_copy(w_hbm.at[wid, j], w_r.at[p], sem_w.at[p])

        def prime(p0, _):
            prefetch(p0, p0)
            return 0
        lax.fori_loop(0, 2, prime, 0)

        def chunk_body(j, _):
            p = lax.rem(j, 2)
            pltpu.make_async_copy(xw_hbm.at[gidx_v.at[j]], rows_b.at[p],
                                  sem_g.at[p]).wait()
            pltpu.make_async_copy(w_hbm.at[wid, j], w_r.at[p],
                                  sem_w.at[p]).wait()
            pv = jnp.full((16,), p, jnp.int32)

            def row_body(i8, _):
                for u in range(8):
                    i = i8 * 8 + u
                    wspl = plsc.load_gather(
                        w_r, [pv, jnp.full((16,), i, jnp.int32)])
                    for g in range(d // 16):
                        sl = pl.ds(g * 16, 16)
                        rows_b[p, i, sl] = rows_b[p, i, sl] * wspl
                return 0
            lax.fori_loop(0, CH // 8, row_body, 0)

            pltpu.make_async_copy(dst_hbm.at[wid, j], dst_r.at[p],
                                  sem_d.at[p]).wait()
            pltpu.sync_copy(rows_b.at[p], acc_sh.at[dst_r.at[p]], add=True)

            @pl.when(j + 2 < cpt)
            def _():
                prefetch(j + 2, p)
            return 0
        lax.fori_loop(0, cpt, chunk_body, 0)
        plsc.subcore_barrier()
        pltpu.sync_copy(acc_sh.at[pl.ds(sid * zs, zs)],
                        out_hbm.at[cid, pl.ds(sid * zs, zs)])

    return k


def _relmm(x, W, bn):
    n, din = x.shape
    r, _, dout = W.shape
    h = dout // 2

    def body(x_ref, w_ref, out_ref):
        xb = x_ref[...]
        for ri in range(r):
            out_ref[:, ri, :] = jnp.dot(xb, w_ref[ri],
                                        preferred_element_type=jnp.float32)

    return pl.pallas_call(
        body,
        grid=(n // bn,),
        in_specs=[
            pl.BlockSpec((bn, din), lambda i: (i, 0)),
            pl.BlockSpec((r, din, dout), lambda i: (0, 0, 0)),
        ],
        out_specs=pl.BlockSpec((bn, r, dout), lambda i: (i, 0, 0)),
        out_shape=jax.ShapeDtypeStruct((n, r, dout), jnp.float32),
    )(x, W)


def _post_relmm(p, x, root, b, W2, bn):
    n, din = x.shape
    n_pad = p.shape[1]
    dout = root.shape[1]
    r = W2.shape[0]

    def body(p_ref, x_ref, root_ref, b_ref, w2_ref, h_ref, xw_ref):
        h = (p_ref[0] + p_ref[1]
             + jnp.dot(x_ref[...], root_ref[...],
                       preferred_element_type=jnp.float32)
             + b_ref[...])
        h = jnp.maximum(h, 0.0)
        h_ref[...] = h
        for ri in range(r):
            xw_ref[:, ri, :] = jnp.dot(h, w2_ref[ri],
                                       preferred_element_type=jnp.float32)

    return pl.pallas_call(
        body,
        grid=(n // bn,),
        in_specs=[
            pl.BlockSpec((2, bn, dout), lambda i: (0, i, 0)),
            pl.BlockSpec((bn, din), lambda i: (i, 0)),
            pl.BlockSpec((din, dout), lambda i: (0, 0)),
            pl.BlockSpec((1, dout), lambda i: (0, 0)),
            pl.BlockSpec((r, dout, dout), lambda i: (0, 0, 0)),
        ],
        out_specs=[
            pl.BlockSpec((bn, dout), lambda i: (i, 0)),
            pl.BlockSpec((bn, r, dout), lambda i: (i, 0, 0)),
        ],
        out_shape=[
            jax.ShapeDtypeStruct((n, dout), jnp.float32),
            jax.ShapeDtypeStruct((n, r, dout), jnp.float32),
        ],
    )(p, x, root, b, W2)


def _post_final(p, x, root, b, wc, bc, bn):
    n, din = x.shape
    dout = root.shape[1]
    dc = wc.shape[1]

    def body(p_ref, x_ref, root_ref, b_ref, wc_ref, bc_ref,
             h_ref, lg_ref):
        h = (p_ref[0] + p_ref[1]
             + jnp.dot(x_ref[...], root_ref[...],
                       preferred_element_type=jnp.float32)
             + b_ref[...])
        h_ref[...] = h
        lg_ref[...] = jnp.dot(h, wc_ref[...],
                              preferred_element_type=jnp.float32) + bc_ref[...]

    return pl.pallas_call(
        body,
        grid=(n // bn,),
        in_specs=[
            pl.BlockSpec((2, bn, dout), lambda i: (0, i, 0)),
            pl.BlockSpec((bn, din), lambda i: (i, 0)),
            pl.BlockSpec((din, dout), lambda i: (0, 0)),
            pl.BlockSpec((1, dout), lambda i: (0, 0)),
            pl.BlockSpec((dout, dc), lambda i: (0, 0)),
            pl.BlockSpec((1, dc), lambda i: (0, 0)),
        ],
        out_specs=[
            pl.BlockSpec((bn, dout), lambda i: (i, 0)),
            pl.BlockSpec((bn, dc), lambda i: (i, 0)),
        ],
        out_shape=[
            jax.ShapeDtypeStruct((n, dout), jnp.float32),
            jax.ShapeDtypeStruct((n, dc), jnp.float32),
        ],
    )(p, x, root, b, wc, bc)


def kernel(x, edge_index, edge_type, W1, root1, b1, W2, root2, b2, Wc, bc):
    n, din = x.shape
    r = W1.shape[0]
    d = W1.shape[2]
    e = edge_type.shape[0]
    nc = Wc.shape[1]

    cpt = -(-e // (NW * CH))
    e_pad = NW * cpt * CH
    pad = e_pad - e
    pad_seg = n * r
    cnt_pad = pad_seg + 1
    if cnt_pad % (NSUB * 16):
        cnt_pad += NSUB * 16 - cnt_pad % (NSUB * 16)
    n_pad = NSUB * (-(-n // (NSUB * 8)) * 8)

    src = edge_index[0]
    dst = edge_index[1]
    et = edge_type.astype(jnp.int32)
    gidx = src * r + et
    seg = dst * r + et
    i0 = jnp.zeros((pad,), jnp.int32)
    gidx3 = jnp.concatenate([gidx, i0]).reshape(NW, cpt, CH)
    seg3 = jnp.concatenate([seg, jnp.full((pad,), pad_seg, jnp.int32)]
                           ).reshape(NW, cpt, CH)
    dst3 = jnp.concatenate([dst, i0]).reshape(NW, cpt, CH)

    w3 = _make_weights_kernel(cpt, cnt_pad, pad_seg)(seg3)
    agg = _make_agg_kernel(n_pad, d, cpt)

    bn = 2000
    b1_2d = b1.reshape(1, d)
    b2_2d = b2.reshape(1, d)
    wc_pad = jnp.zeros((d, d), jnp.float32).at[:, :nc].set(Wc)
    bc_pad = jnp.zeros((1, d), jnp.float32).at[:, :nc].set(bc)

    xw1 = _relmm(x, W1, bn).reshape(n * r, d)
    p1 = agg(xw1, gidx3, dst3, w3)
    h, xw2_3d = _post_relmm(p1, x, root1, b1_2d, W2, bn)

    p2 = agg(xw2_3d.reshape(n * r, d), gidx3, dst3, w3)
    h2, logits_pad = _post_final(p2, h, root2, b2_2d, wc_pad, bc_pad, bn)
    return (h2, logits_pad[:, :nc])

# --- scband reference (transcript-rebuilt; emitter-appended) ---
"""Pipeline reference for scband-rgcn-24472723653074 (READ-ONLY COPY).

The authoritative reference and input builder live on the scoring server;
editing this copy changes nothing except your own understanding.
"""

import jax, jax.numpy as jnp
import numpy as np

N = 10000
E = 320000
R = 8
IN = 128
HID = 128
OUT = 128
NC = 16


def setup_inputs(seed: int = 0) -> dict:
    key = jax.random.key(seed)
    ks = jax.random.split(key, 12)
    x = jax.random.normal(ks[0], (N, IN), dtype=jnp.float32)
    edge_index = jax.random.randint(ks[1], (2, E), 0, N, dtype=jnp.int32)
    edge_type = jax.random.randint(ks[2], (E,), 0, R, dtype=jnp.int32)
    s = 1.0 / np.sqrt(IN)
    W1 = jax.random.normal(ks[3], (R, IN, HID), dtype=jnp.float32) * s
    root1 = jax.random.normal(ks[4], (IN, HID), dtype=jnp.float32) * s
    b1 = jnp.zeros((HID,), dtype=jnp.float32)
    s2 = 1.0 / np.sqrt(HID)
    W2 = jax.random.normal(ks[5], (R, HID, OUT), dtype=jnp.float32) * s2
    root2 = jax.random.normal(ks[6], (HID, OUT), dtype=jnp.float32) * s2
    b2 = jnp.zeros((OUT,), dtype=jnp.float32)
    Wc = jax.random.normal(ks[7], (OUT, NC), dtype=jnp.float32) * (1.0 / np.sqrt(OUT))
    bc = jnp.zeros((NC,), dtype=jnp.float32)
    return {"x": x, "edge_index": edge_index, "edge_type": edge_type,
            "W1": W1, "root1": root1, "b1": b1,
            "W2": W2, "root2": root2, "b2": b2,
            "Wc": Wc, "bc": bc}


def _rgcn_conv(x, W, root, b, src, dst, etype):
    # PyG RGCNConv semantics: per-relation linear transform, mean aggregation
    # over incoming edges of each relation, plus root transform and bias.
    n = x.shape[0]
    xw = jnp.einsum('ni,rio->nro', x, W)          # [N, R, out]
    msgs = xw[src, etype]                          # gather per-edge message [E, out]
    seg = dst * R + etype                          # (node, relation) bucket
    sums = jax.ops.segment_sum(msgs, seg, num_segments=n * R)
    cnts = jax.ops.segment_sum(jnp.ones((msgs.shape[0],), jnp.float32), seg, num_segments=n * R)
    means = sums / jnp.clip(cnts, 1.0)[:, None]
    agg = means.reshape(n, R, -1).sum(axis=1)      # sum over relations of per-relation means
    return agg + x @ root + b


def reference(x, edge_index, edge_type, W1, root1, b1, W2, root2, b2, Wc, bc):
    src = edge_index[0]
    dst = edge_index[1]
    h = _rgcn_conv(x, W1, root1, b1, src, dst, edge_type)
    h = jax.nn.relu(h)
    h2 = _rgcn_conv(h, W2, root2, b2, src, dst, edge_type)
    logits = h2 @ Wc + bc
    return (h2, logits)

if __name__ == "__main__":
    import jax
    _d = setup_inputs()
    print(jax.jit(kernel)(*tuple(_d.values())))

</pallas_src>

<mosaic_0001>
#map = affine_map<(d0, d1) -> (0, 0)>
#map1 = affine_map<(d0, d1) -> (0, 0, 0)>
module attributes {stable_mosaic.version = 14 : i64} {
  func.func @k(%arg0: i32, %arg1: i32, %arg2: memref<80000x128xf32, #tpu.memory_space<hbm>>, %arg3: memref<32x79x128xi32, #tpu.memory_space<hbm>>, %arg4: memref<32x79x128xi32, #tpu.memory_space<hbm>>, %arg5: memref<32x79x128xf32, #tpu.memory_space<hbm>>, %arg6: memref<2x10112x128xf32, #tpu.memory_space<hbm>>, %arg7: memref<79x128xi32, #tpu.memory_space<vmem>>, %arg8: memref<2x128xi32, #tpu.memory_space<vmem>>, %arg9: memref<2x128xf32, #tpu.memory_space<vmem>>, %arg10: memref<2x128x128xf32, #tpu.memory_space<vmem>>, %arg11: memref<2x!tpu.dma_semaphore, #tpu.memory_space<semaphore_mem>>, %arg12: memref<2x!tpu.dma_semaphore, #tpu.memory_space<semaphore_mem>>, %arg13: memref<2x!tpu.dma_semaphore, #tpu.memory_space<semaphore_mem>>, %arg14: memref<10112x128xf32, #tpu.memory_space<vmem_shared>>) attributes {dimension_semantics = [#tpu.dimension_semantics<core_parallel>, #tpu.dimension_semantics<subcore_parallel>], iteration_bounds = array<i64: 2, 16>, scalar_prefetch = 0 : i64, scratch_operands = 8 : i64, tpu.core_type = #tpu.core_type<sc_vector_subcore>, window_params = [{transform_indices = #map}, {transform_indices = #map1}, {transform_indices = #map1}, {transform_indices = #map1}, {transform_indices = #map1}]} {
    %mul3A = arith.constant 2 : i32
    %mul3A_0 = arith.muli %mul3A, %arg1 : i32
    %add3A = arith.addi %mul3A_0, %arg0 : i32
    "tpu.region"() ({
      %run_scoped3A_50 = tpu.sem_alloc : memref<!tpu.dma_semaphore, #tpu.memory_space<semaphore_mem>>
      %dma_start3A = arith.constant 0 : i32
      %dma_start3A_51 = arith.constant 0 : i32
      %dma_start3A_52 = tpu.memref_slice %arg3[%add3A, %dma_start3A, %dma_start3A_51] : memref<32x79x128xi32, #tpu.memory_space<hbm>> -> memref<1x79x128xi32, #tpu.memory_space<hbm>>
      %dma_start3A_53 = tpu.memref_squeeze %dma_start3A_52 : memref<1x79x128xi32, #tpu.memory_space<hbm>> -> memref<79x128xi32, #tpu.memory_space<hbm>>
      %dma_start3A_54 = arith.constant 0 : i32
      %dma_start3A_55 = arith.constant 0 : i32
      %dma_start3A_56 = tpu.memref_slice %arg3[%add3A, %dma_start3A_54, %dma_start3A_55] : memref<32x79x128xi32, #tpu.memory_space<hbm>> -> memref<1x79x128xi32, #tpu.memory_space<hbm>>
      %dma_start3A_57 = tpu.memref_squeeze %dma_start3A_56 : memref<1x79x128xi32, #tpu.memory_space<hbm>> -> memref<79x128xi32, #tpu.memory_space<hbm>>
      tpu.enqueue_dma source(%dma_start3A_57 : memref<79x128xi32, #tpu.memory_space<hbm>>) target(%arg7 : memref<79x128xi32, #tpu.memory_space<vmem>>) target_semaphore(%run_scoped3A_50 : memref<!tpu.dma_semaphore, #tpu.memory_space<semaphore_mem>>)
      %dma_wait3A = arith.constant 0 : i32
      %dma_wait3A_58 = arith.constant 0 : i32
      %dma_wait3A_59 = tpu.memref_slice %arg3[%add3A, %dma_wait3A, %dma_wait3A_58] : memref<32x79x128xi32, #tpu.memory_space<hbm>> -> memref<1x79x128xi32, #tpu.memory_space<hbm>>
      %dma_wait3A_60 = tpu.memref_squeeze %dma_wait3A_59 : memref<1x79x128xi32, #tpu.memory_space<hbm>> -> memref<79x128xi32, #tpu.memory_space<hbm>>
      %dma_wait3A_61 = arith.constant 0 : i32
      %dma_wait3A_62 = arith.constant 0 : i32
      %dma_wait3A_63 = tpu.memref_slice %arg3[%add3A, %dma_wait3A_61, %dma_wait3A_62] : memref<32x79x128xi32, #tpu.memory_space<hbm>> -> memref<1x79x128xi32, #tpu.memory_space<hbm>>
      %dma_wait3A_64 = tpu.memref_squeeze %dma_wait3A_63 : memref<1x79x128xi32, #tpu.memory_space<hbm>> -> memref<79x128xi32, #tpu.memory_space<hbm>>
      tpu.wait_dma2 semaphore(%run_scoped3A_50 : memref<!tpu.dma_semaphore, #tpu.memory_space<semaphore_mem>>) src(%dma_wait3A_64 : memref<79x128xi32, #tpu.memory_space<hbm>>) dst(%arg7 : memref<79x128xi32, #tpu.memory_space<vmem>>)
      tpu.yield
    }) : () -> ()
    %scan3A = arith.constant 0 : i32
    %scan3A_1 = arith.constant 0 : i32
    %scan3A_2 = arith.constant 128 : i32
    %scan3A_3 = arith.addi %scan3A_1, %scan3A_2 : i32
    %scan3A_4 = arith.constant 1 : i32
    %scan3A_5 = scf.for %scan3A_50 = %scan3A_1 to %scan3A_3 step %scan3A_4 iter_args(%scan3A_51 = %scan3A) -> (i32)  : i32 {
      %broadcast_in_dim3A = arith.constant 0.000000e+00 : f32
      %broadcast_in_dim3A_52 = vector.broadcast %broadcast_in_dim3A : f32 to vector<16xf32>
      %swap3A = arith.constant 0 : i32
      %swap3A_53 = arith.index_cast %swap3A : i32 to index
      %swap3A_54 = arith.index_cast %scan3A_50 : i32 to index
      %swap3A_55 = arith.constant 0 : index
      %swap3A_56 = tpu.vector_load %arg10[%swap3A_53, %swap3A_54, %swap3A_55] {strides = array<i32>} : memref<2x128x128xf32, #tpu.memory_space<vmem>>, vector<16xf32>,
      tpu.vector_store %arg10[%swap3A_53, %swap3A_54, %swap3A_55], %broadcast_in_dim3A_52 {strides = array<i32>} : memref<2x128x128xf32, #tpu.memory_space<vmem>>, vector<16xf32>,
      %broadcast_in_dim3A_57 = arith.constant 0.000000e+00 : f32
      %broadcast_in_dim3A_58 = vector.broadcast %broadcast_in_dim3A_57 : f32 to vector<16xf32>
      %swap3A_59 = arith.constant 0 : i32
      %swap3A_60 = arith.index_cast %swap3A_59 : i32 to index
      %swap3A_61 = arith.index_cast %scan3A_50 : i32 to index
      %swap3A_62 = arith.constant 16 : index
      %swap3A_63 = tpu.vector_load %arg10[%swap3A_60, %swap3A_61, %swap3A_62] {strides = array<i32>} : memref<2x128x128xf32, #tpu.memory_space<vmem>>, vector<16xf32>,
      tpu.vector_store %arg10[%swap3A_60, %swap3A_61, %swap3A_62], %broadcast_in_dim3A_58 {strides = array<i32>} : memref<2x128x128xf32, #tpu.memory_space<vmem>>, vector<16xf32>,
      %broadcast_in_dim3A_64 = arith.constant 0.000000e+00 : f32
      %broadcast_in_dim3A_65 = vector.broadcast %broadcast_in_dim3A_64 : f32 to vector<16xf32>
      %swap3A_66 = arith.constant 0 : i32
      %swap3A_67 = arith.index_cast %swap3A_66 : i32 to index
      %swap3A_68 = arith.index_cast %scan3A_50 : i32 to index
      %swap3A_69 = arith.constant 32 : index
      %swap3A_70 = tpu.vector_load %arg10[%swap3A_67, %swap3A_68, %swap3A_69] {strides = array<i32>} : memref<2x128x128xf32, #tpu.memory_space<vmem>>, vector<16xf32>,
      tpu.vector_store %arg10[%swap3A_67, %swap3A_68, %swap3A_69], %broadcast_in_dim3A_65 {strides = array<i32>} : memref<2x128x128xf32, #tpu.memory_space<vmem>>, vector<16xf32>,
      %broadcast_in_dim3A_71 = arith.constant 0.000000e+00 : f32
      %broadcast_in_dim3A_72 = vector.broadcast %broadcast_in_dim3A_71 : f32 to vector<16xf32>
      %swap3A_73 = arith.constant 0 : i32
      %swap3A_74 = arith.index_cast %swap3A_73 : i32 to index
      %swap3A_75 = arith.index_cast %scan3A_50 : i32 to index
      %swap3A_76 = arith.constant 48 : index
      %swap3A_77 = tpu.vector_load %arg10[%swap3A_74, %swap3A_75, %swap3A_76] {strides = array<i32>} : memref<2x128x128xf32, #tpu.memory_space<vmem>>, vector<16xf32>,
      tpu.vector_store %arg10[%swap3A_74, %swap3A_75, %swap3A_76], %broadcast_in_dim3A_72 {strides = array<i32>} : memref<2x128x128xf32, #tpu.memory_space<vmem>>, vector<16xf32>,
      %broadcast_in_dim3A_78 = arith.constant 0.000000e+00 : f32
      %broadcast_in_dim3A_79 = vector.broadcast %broadcast_in_dim3A_78 : f32 to vector<16xf32>
      %swap3A_80 = arith.constant 0 : i32
      %swap3A_81 = arith.index_cast %swap3A_80 : i32 to index
      %swap3A_82 = arith.index_cast %scan3A_50 : i32 to index
      %swap3A_83 = arith.constant 64 : index
      %swap3A_84 = tpu.vector_load %arg10[%swap3A_81, %swap3A_82, %swap3A_83] {strides = array<i32>} : memref<2x128x128xf32, #tpu.memory_space<vmem>>, vector<16xf32>,
      tpu.vector_store %arg10[%swap3A_81, %swap3A_82, %swap3A_83], %broadcast_in_dim3A_79 {strides = array<i32>} : memref<2x128x128xf32, #tpu.memory_space<vmem>>, vector<16xf32>,
      %broadcast_in_dim3A_85 = arith.constant 0.000000e+00 : f32
      %broadcast_in_dim3A_86 = vector.broadcast %broadcast_in_dim3A_85 : f32 to vector<16xf32>
      %swap3A_87 = arith.constant 0 : i32
      %swap3A_88 = arith.index_cast %swap3A_87 : i32 to index
      %swap3A_89 = arith.index_cast %scan3A_50 : i32 to index
      %swap3A_90 = arith.constant 80 : index
      %swap3A_91 = tpu.vector_load %arg10[%swap3A_88, %swap3A_89, %swap3A_90] {strides = array<i32>} : memref<2x128x128xf32, #tpu.memory_space<vmem>>, vector<16xf32>,
      tpu.vector_store %arg10[%swap3A_88, %swap3A_89, %swap3A_90], %broadcast_in_dim3A_86 {strides = array<i32>} : memref<2x128x128xf32, #tpu.memory_space<vmem>>, vector<16xf32>,
      %broadcast_in_dim3A_92 = arith.constant 0.000000e+00 : f32
      %broadcast_in_dim3A_93 = vector.broadcast %broadcast_in_dim3A_92 : f32 to vector<16xf32>
      %swap3A_94 = arith.constant 0 : i32
      %swap3A_95 = arith.index_cast %swap3A_94 : i32 to index
      %swap3A_96 = arith.index_cast %scan3A_50 : i32 to index
      %swap3A_97 = arith.constant 96 : index
      %swap3A_98 = tpu.vector_load %arg10[%swap3A_95, %swap3A_96, %swap3A_97] {strides = array<i32>} : memref<2x128x128xf32, #tpu.memory_space<vmem>>, vector<16xf32>,
      tpu.vector_store %arg10[%swap3A_95, %swap3A_96, %swap3A_97], %broadcast_in_dim3A_93 {strides = array<i32>} : memref<2x128x128xf32, #tpu.memory_space<vmem>>, vector<16xf32>,
      %broadcast_in_dim3A_99 = arith.constant 0.000000e+00 : f32
      %broadcast_in_dim3A_100 = vector.broadcast %broadcast_in_dim3A_99 : f32 to vector<16xf32>
      %swap3A_101 = arith.constant 0 : i32
      %swap3A_102 = arith.index_cast %swap3A_101 : i32 to index
      %swap3A_103 = arith.index_cast %scan3A_50 : i32 to index
      %swap3A_104 = arith.constant 112 : index
      %swap3A_105 = tpu.vector_load %arg10[%swap3A_102, %swap3A_103, %swap3A_104] {strides = array<i32>} : memref<2x128x128xf32, #tpu.memory_space<vmem>>, vector<16xf32>,
      tpu.vector_store %arg10[%swap3A_102, %swap3A_103, %swap3A_104], %broadcast_in_dim3A_100 {strides = array<i32>} : memref<2x128x128xf32, #tpu.memory_space<vmem>>, vector<16xf32>,
      %scan3A_106 = arith.constant 0 : i32
      scf.yield %scan3A_106 : i32
    }
    %scan3A_6 = arith.constant 128 : i32
    %mul3A_7 = arith.constant 632 : i32
    %mul3A_8 = arith.muli %arg1, %mul3A_7 : i32
    %add3A_9 = arith.constant 0 : i32
    %add3A_10 = arith.addi %mul3A_8, %add3A_9 : i32
    %run_scoped3A = arith.constant 0 : i32
    "tpu.region"() ({
      %run_scoped3A_50 = tpu.sem_alloc : memref<!tpu.dma_semaphore, #tpu.memory_space<semaphore_mem>>
      %dma_start3A = arith.constant 0 : i32
      %dma_start3A_51 = arith.constant 0 : i32
      %dma_start3A_52 = tpu.memref_slice %arg10[%run_scoped3A, %dma_start3A, %dma_start3A_51] : memref<2x128x128xf32, #tpu.memory_space<vmem>> -> memref<1x128x128xf32, #tpu.memory_space<vmem>>
      %dma_start3A_53 = tpu.memref_squeeze %dma_start3A_52 : memref<1x128x128xf32, #tpu.memory_space<vmem>> -> memref<128x128xf32, #tpu.memory_space<vmem>>
      %dma_start3A_54 = arith.constant 0 : i32
      %dma_start3A_55 = tpu.memref_slice %arg14[%add3A_10, %dma_start3A_54] : memref<10112x128xf32, #tpu.memory_space<vmem_shared>> -> memref<128x128xf32, #tpu.memory_space<vmem_shared>>
      %dma_start3A_56 = arith.constant 0 : i32
      %dma_start3A_57 = tpu.memref_slice %arg14[%add3A_10, %dma_start3A_56] : memref<10112x128xf32, #tpu.memory_space<vmem_shared>> -> memref<128x128xf32, #tpu.memory_space<vmem_shared>>
      %dma_start3A_58 = arith.constant 0 : i32
      %dma_start3A_59 = arith.constant 0 : i32
      %dma_start3A_60 = tpu.memref_slice %arg10[%run_scoped3A, %dma_start3A_58, %dma_start3A_59] : memref<2x128x128xf32, #tpu.memory_space<vmem>> -> memref<1x128x128xf32, #tpu.memory_space<vmem>>
      %dma_start3A_61 = tpu.memref_squeeze %dma_start3A_60 : memref<1x128x128xf32, #tpu.memory_space<vmem>> -> memref<128x128xf32, #tpu.memory_space<vmem>>
      tpu.enqueue_dma source(%dma_start3A_61 : memref<128x128xf32, #tpu.memory_space<vmem>>) target(%dma_start3A_57 : memref<128x128xf32, #tpu.memory_space<vmem_shared>>) target_semaphore(%run_scoped3A_50 : memref<!tpu.dma_semaphore, #tpu.memory_space<semaphore_mem>>)
      %dma_wait3A = arith.constant 0 : i32
      %dma_wait3A_62 = arith.constant 0 : i32
      %dma_wait3A_63 = tpu.memref_slice %arg10[%run_scoped3A, %dma_wait3A, %dma_wait3A_62] : memref<2x128x128xf32, #tpu.memory_space<vmem>> -> memref<1x128x128xf32, #tpu.memory_space<vmem>>
      %dma_wait3A_64 = tpu.memref_squeeze %dma_wait3A_63 : memref<1x128x128xf32, #tpu.memory_space<vmem>> -> memref<128x128xf32, #tpu.memory_space<vmem>>
      %dma_wait3A_65 = arith.constant 0 : i32
      %dma_wait3A_66 = tpu.memref_slice %arg14[%add3A_10, %dma_wait3A_65] : memref<10112x128xf32, #tpu.memory_space<vmem_shared>> -> memref<128x128xf32, #tpu.memory_space<vmem_shared>>
      %dma_wait3A_67 = arith.constant 0 : i32
      %dma_wait3A_68 = tpu.memref_slice %arg14[%add3A_10, %dma_wait3A_67] : memref<10112x128xf32, #tpu.memory_space<vmem_shared>> -> memref<128x128xf32, #tpu.memory_space<vmem_shared>>
      %dma_wait3A_69 = arith.constant 0 : i32
      %dma_wait3A_70 = arith.constant 0 : i32
      %dma_wait3A_71 = tpu.memref_slice %arg10[%run_scoped3A, %dma_wait3A_69, %dma_wait3A_70] : memref<2x128x128xf32, #tpu.memory_space<vmem>> -> memref<1x128x128xf32, #tpu.memory_space<vmem>>
      %dma_wait3A_72 = tpu.memref_squeeze %dma_wait3A_71 : memref<1x128x128xf32, #tpu.memory_space<vmem>> -> memref<128x128xf32, #tpu.memory_space<vmem>>
      tpu.wait_dma2 semaphore(%run_scoped3A_50 : memref<!tpu.dma_semaphore, #tpu.memory_space<semaphore_mem>>) src(%dma_wait3A_72 : memref<128x128xf32, #tpu.memory_space<vmem>>) dst(%dma_wait3A_68 : memref<128x128xf32, #tpu.memory_space<vmem_shared>>)
      tpu.yield
    }) : () -> ()
    %mul3A_11 = arith.constant 632 : i32
    %mul3A_12 = arith.muli %arg1, %mul3A_11 : i32
    %add3A_13 = arith.constant 128 : i32
    %add3A_14 = arith.addi %mul3A_12, %add3A_13 : i32
    %run_scoped3A_15 = arith.constant 0 : i32
    "tpu.region"() ({
      %run_scoped3A_50 = tpu.sem_alloc : memref<!tpu.dma_semaphore, #tpu.memory_space<semaphore_mem>>
      %dma_start3A = arith.constant 0 : i32
      %dma_start3A_51 = arith.constant 0 : i32
      %dma_start3A_52 = tpu.memref_slice %arg10[%run_scoped3A_15, %dma_start3A, %dma_start3A_51] : memref<2x128x128xf32, #tpu.memory_space<vmem>> -> memref<1x128x128xf32, #tpu.memory_space<vmem>>
      %dma_start3A_53 = tpu.memref_squeeze %dma_start3A_52 : memref<1x128x128xf32, #tpu.memory_space<vmem>> -> memref<128x128xf32, #tpu.memory_space<vmem>>
      %dma_start3A_54 = arith.constant 0 : i32
      %dma_start3A_55 = tpu.memref_slice %arg14[%add3A_14, %dma_start3A_54] : memref<10112x128xf32, #tpu.memory_space<vmem_shared>> -> memref<128x128xf32, #tpu.memory_space<vmem_shared>>
      %dma_start3A_56 = arith.constant 0 : i32
      %dma_start3A_57 = tpu.memref_slice %arg14[%add3A_14, %dma_start3A_56] : memref<10112x128xf32, #tpu.memory_space<vmem_shared>> -> memref<128x128xf32, #tpu.memory_space<vmem_shared>>
      %dma_start3A_58 = arith.constant 0 : i32
      %dma_start3A_59 = arith.constant 0 : i32
      %dma_start3A_60 = tpu.memref_slice %arg10[%run_scoped3A_15, %dma_start3A_58, %dma_start3A_59] : memref<2x128x128xf32, #tpu.memory_space<vmem>> -> memref<1x128x128xf32, #tpu.memory_space<vmem>>
      %dma_start3A_61 = tpu.memref_squeeze %dma_start3A_60 : memref<1x128x128xf32, #tpu.memory_space<vmem>> -> memref<128x128xf32, #tpu.memory_space<vmem>>
      tpu.enqueue_dma source(%dma_start3A_61 : memref<128x128xf32, #tpu.memory_space<vmem>>) target(%dma_start3A_57 : memref<128x128xf32, #tpu.memory_space<vmem_shared>>) target_semaphore(%run_scoped3A_50 : memref<!tpu.dma_semaphore, #tpu.memory_space<semaphore_mem>>)
      %dma_wait3A = arith.constant 0 : i32
      %dma_wait3A_62 = arith.constant 0 : i32
      %dma_wait3A_63 = tpu.memref_slice %arg10[%run_scoped3A_15, %dma_wait3A, %dma_wait3A_62] : memref<2x128x128xf32, #tpu.memory_space<vmem>> -> memref<1x128x128xf32, #tpu.memory_space<vmem>>
      %dma_wait3A_64 = tpu.memref_squeeze %dma_wait3A_63 : memref<1x128x128xf32, #tpu.memory_space<vmem>> -> memref<128x128xf32, #tpu.memory_space<vmem>>
      %dma_wait3A_65 = arith.constant 0 : i32
      %dma_wait3A_66 = tpu.memref_slice %arg14[%add3A_14, %dma_wait3A_65] : memref<10112x128xf32, #tpu.memory_space<vmem_shared>> -> memref<128x128xf32, #tpu.memory_space<vmem_shared>>
      %dma_wait3A_67 = arith.constant 0 : i32
      %dma_wait3A_68 = tpu.memref_slice %arg14[%add3A_14, %dma_wait3A_67] : memref<10112x128xf32, #tpu.memory_space<vmem_shared>> -> memref<128x128xf32, #tpu.memory_space<vmem_shared>>
      %dma_wait3A_69 = arith.constant 0 : i32
      %dma_wait3A_70 = arith.constant 0 : i32
      %dma_wait3A_71 = tpu.memref_slice %arg10[%run_scoped3A_15, %dma_wait3A_69, %dma_wait3A_70] : memref<2x128x128xf32, #tpu.memory_space<vmem>> -> memref<1x128x128xf32, #tpu.memory_space<vmem>>
      %dma_wait3A_72 = tpu.memref_squeeze %dma_wait3A_71 : memref<1x128x128xf32, #tpu.memory_space<vmem>> -> memref<128x128xf32, #tpu.memory_space<vmem>>
      tpu.wait_dma2 semaphore(%run_scoped3A_50 : memref<!tpu.dma_semaphore, #tpu.memory_space<semaphore_mem>>) src(%dma_wait3A_72 : memref<128x128xf32, #tpu.memory_space<vmem>>) dst(%dma_wait3A_68 : memref<128x128xf32, #tpu.memory_space<vmem_shared>>)
      tpu.yield
    }) : () -> ()
    %mul3A_16 = arith.constant 632 : i32
    %mul3A_17 = arith.muli %arg1, %mul3A_16 : i32
    %add3A_18 = arith.constant 256 : i32
    %add3A_19 = arith.addi %mul3A_17, %add3A_18 : i32
    %run_scoped3A_20 = arith.constant 0 : i32
    "tpu.region"() ({
      %run_scoped3A_50 = tpu.sem_alloc : memref<!tpu.dma_semaphore, #tpu.memory_space<semaphore_mem>>
      %dma_start3A = arith.constant 0 : i32
      %dma_start3A_51 = arith.constant 0 : i32
      %dma_start3A_52 = tpu.memref_slice %arg10[%run_scoped3A_20, %dma_start3A, %dma_start3A_51] : memref<2x128x128xf32, #tpu.memory_space<vmem>> -> memref<1x128x128xf32, #tpu.memory_space<vmem>>
      %dma_start3A_53 = tpu.memref_squeeze %dma_start3A_52 : memref<1x128x128xf32, #tpu.memory_space<vmem>> -> memref<128x128xf32, #tpu.memory_space<vmem>>
      %dma_start3A_54 = arith.constant 0 : i32
      %dma_start3A_55 = tpu.memref_slice %arg14[%add3A_19, %dma_start3A_54] : memref<10112x128xf32, #tpu.memory_space<vmem_shared>> -> memref<128x128xf32, #tpu.memory_space<vmem_shared>>
      %dma_start3A_56 = arith.constant 0 : i32
      %dma_start3A_57 = tpu.memref_slice %arg14[%add3A_19, %dma_start3A_56] : memref<10112x128xf32, #tpu.memory_space<vmem_shared>> -> memref<128x128xf32, #tpu.memory_space<vmem_shared>>
      %dma_start3A_58 = arith.constant 0 : i32
      %dma_start3A_59 = arith.constant 0 : i32
      %dma_start3A_60 = tpu.memref_slice %arg10[%run_scoped3A_20, %dma_start3A_58, %dma_start3A_59] : memref<2x128x128xf32, #tpu.memory_space<vmem>> -> memref<1x128x128xf32, #tpu.memory_space<vmem>>
      %dma_start3A_61 = tpu.memref_squeeze %dma_start3A_60 : memref<1x128x128xf32, #tpu.memory_space<vmem>> -> memref<128x128xf32, #tpu.memory_space<vmem>>
      tpu.enqueue_dma source(%dma_start3A_61 : memref<128x128xf32, #tpu.memory_space<vmem>>) target(%dma_start3A_57 : memref<128x128xf32, #tpu.memory_space<vmem_shared>>) target_semaphore(%run_scoped3A_50 : memref<!tpu.dma_semaphore, #tpu.memory_space<semaphore_mem>>)
      %dma_wait3A = arith.constant 0 : i32
      %dma_wait3A_62 = arith.constant 0 : i32
      %dma_wait3A_63 = tpu.memref_slice %arg10[%run_scoped3A_20, %dma_wait3A, %dma_wait3A_62] : memref<2x128x128xf32, #tpu.memory_space<vmem>> -> memref<1x128x128xf32, #tpu.memory_space<vmem>>
      %dma_wait3A_64 = tpu.memref_squeeze %dma_wait3A_63 : memref<1x128x128xf32, #tpu.memory_space<vmem>> -> memref<128x128xf32, #tpu.memory_space<vmem>>
      %dma_wait3A_65 = arith.constant 0 : i32
      %dma_wait3A_66 = tpu.memref_slice %arg14[%add3A_19, %dma_wait3A_65] : memref<10112x128xf32, #tpu.memory_space<vmem_shared>> -> memref<128x128xf32, #tpu.memory_space<vmem_shared>>
      %dma_wait3A_67 = arith.constant 0 : i32
      %dma_wait3A_68 = tpu.memref_slice %arg14[%add3A_19, %dma_wait3A_67] : memref<10112x128xf32, #tpu.memory_space<vmem_shared>> -> memref<128x128xf32, #tpu.memory_space<vmem_shared>>
      %dma_wait3A_69 = arith.constant 0 : i32
      %dma_wait3A_70 = arith.constant 0 : i32
      %dma_wait3A_71 = tpu.memref_slice %arg10[%run_scoped3A_20, %dma_wait3A_69, %dma_wait3A_70] : memref<2x128x128xf32, #tpu.memory_space<vmem>> -> memref<1x128x128xf32, #tpu.memory_space<vmem>>
      %dma_wait3A_72 = tpu.memref_squeeze %dma_wait3A_71 : memref<1x128x128xf32, #tpu.memory_space<vmem>> -> memref<128x128xf32, #tpu.memory_space<vmem>>
      tpu.wait_dma2 semaphore(%run_scoped3A_50 : memref<!tpu.dma_semaphore, #tpu.memory_space<semaphore_mem>>) src(%dma_wait3A_72 : memref<128x128xf32, #tpu.memory_space<vmem>>) dst(%dma_wait3A_68 : memref<128x128xf32, #tpu.memory_space<vmem_shared>>)
      tpu.yield
    }) : () -> ()
    %mul3A_21 = arith.constant 632 : i32
    %mul3A_22 = arith.muli %arg1, %mul3A_21 : i32
    %add3A_23 = arith.constant 384 : i32
    %add3A_24 = arith.addi %mul3A_22, %add3A_23 : i32
    %run_scoped3A_25 = arith.constant 0 : i32
    "tpu.region"() ({
      %run_scoped3A_50 = tpu.sem_alloc : memref<!tpu.dma_semaphore, #tpu.memory_space<semaphore_mem>>
      %dma_start3A = arith.constant 0 : i32
      %dma_start3A_51 = arith.constant 0 : i32
      %dma_start3A_52 = tpu.memref_slice %arg10[%run_scoped3A_25, %dma_start3A, %dma_start3A_51] : memref<2x128x128xf32, #tpu.memory_space<vmem>> -> memref<1x128x128xf32, #tpu.memory_space<vmem>>
      %dma_start3A_53 = tpu.memref_squeeze %dma_start3A_52 : memref<1x128x128xf32, #tpu.memory_space<vmem>> -> memref<128x128xf32, #tpu.memory_space<vmem>>
      %dma_start3A_54 = arith.constant 0 : i32
      %dma_start3A_55 = tpu.memref_slice %arg14[%add3A_24, %dma_start3A_54] : memref<10112x128xf32, #tpu.memory_space<vmem_shared>> -> memref<128x128xf32, #tpu.memory_space<vmem_shared>>
      %dma_start3A_56 = arith.constant 0 : i32
      %dma_start3A_57 = tpu.memref_slice %arg14[%add3A_24, %dma_start3A_56] : memref<10112x128xf32, #tpu.memory_space<vmem_shared>> -> memref<128x128xf32, #tpu.memory_space<vmem_shared>>
      %dma_start3A_58 = arith.constant 0 : i32
      %dma_start3A_59 = arith.constant 0 : i32
      %dma_start3A_60 = tpu.memref_slice %arg10[%run_scoped3A_25, %dma_start3A_58, %dma_start3A_59] : memref<2x128x128xf32, #tpu.memory_space<vmem>> -> memref<1x128x128xf32, #tpu.memory_space<vmem>>
      %dma_start3A_61 = tpu.memref_squeeze %dma_start3A_60 : memref<1x128x128xf32, #tpu.memory_space<vmem>> -> memref<128x128xf32, #tpu.memory_space<vmem>>
      tpu.enqueue_dma source(%dma_start3A_61 : memref<128x128xf32, #tpu.memory_space<vmem>>) target(%dma_start3A_57 : memref<128x128xf32, #tpu.memory_space<vmem_shared>>) target_semaphore(%run_scoped3A_50 : memref<!tpu.dma_semaphore, #tpu.memory_space<semaphore_mem>>)
      %dma_wait3A = arith.constant 0 : i32
      %dma_wait3A_62 = arith.constant 0 : i32
      %dma_wait3A_63 = tpu.memref_slice %arg10[%run_scoped3A_25, %dma_wait3A, %dma_wait3A_62] : memref<2x128x128xf32, #tpu.memory_space<vmem>> -> memref<1x128x128xf32, #tpu.memory_space<vmem>>
      %dma_wait3A_64 = tpu.memref_squeeze %dma_wait3A_63 : memref<1x128x128xf32, #tpu.memory_space<vmem>> -> memref<128x128xf32, #tpu.memory_space<vmem>>
      %dma_wait3A_65 = arith.constant 0 : i32
      %dma_wait3A_66 = tpu.memref_slice %arg14[%add3A_24, %dma_wait3A_65] : memref<10112x128xf32, #tpu.memory_space<vmem_shared>> -> memref<128x128xf32, #tpu.memory_space<vmem_shared>>
      %dma_wait3A_67 = arith.constant 0 : i32
      %dma_wait3A_68 = tpu.memref_slice %arg14[%add3A_24, %dma_wait3A_67] : memref<10112x128xf32, #tpu.memory_space<vmem_shared>> -> memref<128x128xf32, #tpu.memory_space<vmem_shared>>
      %dma_wait3A_69 = arith.constant 0 : i32
      %dma_wait3A_70 = arith.constant 0 : i32
      %dma_wait3A_71 = tpu.memref_slice %arg10[%run_scoped3A_25, %dma_wait3A_69, %dma_wait3A_70] : memref<2x128x128xf32, #tpu.memory_space<vmem>> -> memref<1x128x128xf32, #tpu.memory_space<vmem>>
      %dma_wait3A_72 = tpu.memref_squeeze %dma_wait3A_71 : memref<1x128x128xf32, #tpu.memory_space<vmem>> -> memref<128x128xf32, #tpu.memory_space<vmem>>
      tpu.wait_dma2 semaphore(%run_scoped3A_50 : memref<!tpu.dma_semaphore, #tpu.memory_space<semaphore_mem>>) src(%dma_wait3A_72 : memref<128x128xf32, #tpu.memory_space<vmem>>) dst(%dma_wait3A_68 : memref<128x128xf32, #tpu.memory_space<vmem_shared>>)
      tpu.yield
    }) : () -> ()
    %mul3A_26 = arith.constant 632 : i32
    %mul3A_27 = arith.muli %arg1, %mul3A_26 : i32
    %add3A_28 = arith.constant 512 : i32
    %add3A_29 = arith.addi %mul3A_27, %add3A_28 : i32
    %run_scoped3A_30 = arith.constant 0 : i32
    "tpu.region"() ({
      %run_scoped3A_50 = tpu.sem_alloc : memref<!tpu.dma_semaphore, #tpu.memory_space<semaphore_mem>>
      %dma_start3A = arith.constant 0 : i32
      %dma_start3A_51 = arith.constant 0 : i32
      %dma_start3A_52 = tpu.memref_slice %arg10[%run_scoped3A_30, %dma_start3A, %dma_start3A_51] : memref<2x128x128xf32, #tpu.memory_space<vmem>> -> memref<1x120x128xf32, #tpu.memory_space<vmem>>
      %dma_start3A_53 = tpu.memref_squeeze %dma_start3A_52 : memref<1x120x128xf32, #tpu.memory_space<vmem>> -> memref<120x128xf32, #tpu.memory_space<vmem>>
      %dma_start3A_54 = arith.constant 0 : i32
      %dma_start3A_55 = tpu.memref_slice %arg14[%add3A_29, %dma_start3A_54] : memref<10112x128xf32, #tpu.memory_space<vmem_shared>> -> memref<120x128xf32, #tpu.memory_space<vmem_shared>>
      %dma_start3A_56 = arith.constant 0 : i32
      %dma_start3A_57 = tpu.memref_slice %arg14[%add3A_29, %dma_start3A_56] : memref<10112x128xf32, #tpu.memory_space<vmem_shared>> -> memref<120x128xf32, #tpu.memory_space<vmem_shared>>
      %dma_start3A_58 = arith.constant 0 : i32
      %dma_start3A_59 = arith.constant 0 : i32
      %dma_start3A_60 = tpu.memref_slice %arg10[%run_scoped3A_30, %dma_start3A_58, %dma_start3A_59] : memref<2x128x128xf32, #tpu.memory_space<vmem>> -> memref<1x120x128xf32, #tpu.memory_space<vmem>>
      %dma_start3A_61 = tpu.memref_squeeze %dma_start3A_60 : memref<1x120x128xf32, #tpu.memory_space<vmem>> -> memref<120x128xf32, #tpu.memory_space<vmem>>
      tpu.enqueue_dma source(%dma_start3A_61 : memref<120x128xf32, #tpu.memory_space<vmem>>) target(%dma_start3A_57 : memref<120x128xf32, #tpu.memory_space<vmem_shared>>) target_semaphore(%run_scoped3A_50 : memref<!tpu.dma_semaphore, #tpu.memory_space<semaphore_mem>>)
      %dma_wait3A = arith.constant 0 : i32
      %dma_wait3A_62 = arith.constant 0 : i32
      %dma_wait3A_63 = tpu.memref_slice %arg10[%run_scoped3A_30, %dma_wait3A, %dma_wait3A_62] : memref<2x128x128xf32, #tpu.memory_space<vmem>> -> memref<1x120x128xf32, #tpu.memory_space<vmem>>
      %dma_wait3A_64 = tpu.memref_squeeze %dma_wait3A_63 : memref<1x120x128xf32, #tpu.memory_space<vmem>> -> memref<120x128xf32, #tpu.memory_space<vmem>>
      %dma_wait3A_65 = arith.constant 0 : i32
      %dma_wait3A_66 = tpu.memref_slice %arg14[%add3A_29, %dma_wait3A_65] : memref<10112x128xf32, #tpu.memory_space<vmem_shared>> -> memref<120x128xf32, #tpu.memory_space<vmem_shared>>
      %dma_wait3A_67 = arith.constant 0 : i32
      %dma_wait3A_68 = tpu.memref_slice %arg14[%add3A_29, %dma_wait3A_67] : memref<10112x128xf32, #tpu.memory_space<vmem_shared>> -> memref<120x128xf32, #tpu.memory_space<vmem_shared>>
      %dma_wait3A_69 = arith.constant 0 : i32
      %dma_wait3A_70 = arith.constant 0 : i32
      %dma_wait3A_71 = tpu.memref_slice %arg10[%run_scoped3A_30, %dma_wait3A_69, %dma_wait3A_70] : memref<2x128x128xf32, #tpu.memory_space<vmem>> -> memref<1x120x128xf32, #tpu.memory_space<vmem>>
      %dma_wait3A_72 = tpu.memref_squeeze %dma_wait3A_71 : memref<1x120x128xf32, #tpu.memory_space<vmem>> -> memref<120x128xf32, #tpu.memory_space<vmem>>
      tpu.wait_dma2 semaphore(%run_scoped3A_50 : memref<!tpu.dma_semaphore, #tpu.memory_space<semaphore_mem>>) src(%dma_wait3A_72 : memref<120x128xf32, #tpu.memory_space<vmem>>) dst(%dma_wait3A_68 : memref<120x128xf32, #tpu.memory_space<vmem_shared>>)
      tpu.yield
    }) : () -> ()
    %barrier3A = arith.constant 0 : index
    tpu.barrier barrier_id(%barrier3A)
    %scan3A_31 = arith.constant 0 : i32
    %scan3A_32 = arith.constant 0 : i32
    %scan3A_33 = arith.constant 2 : i32
    %scan3A_34 = arith.addi %scan3A_32, %scan3A_33 : i32
    %scan3A_35 = arith.constant 1 : i32
    %scan3A_36 = scf.for %scan3A_50 = %scan3A_32 to %scan3A_34 step %scan3A_35 iter_args(%scan3A_51 = %scan3A_31) -> (i32)  : i32 {
      %dma_start3A = arith.constant 0 : i32
      %dma_start3A_52 = arith.constant 0 : i32
      %dma_start3A_53 = tpu.memref_slice %arg10[%scan3A_50, %dma_start3A, %dma_start3A_52] : memref<2x128x128xf32, #tpu.memory_space<vmem>> -> memref<1x128x128xf32, #tpu.memory_space<vmem>>
      %dma_start3A_54 = tpu.memref_squeeze %dma_start3A_53 : memref<1x128x128xf32, #tpu.memory_space<vmem>> -> memref<128x128xf32, #tpu.memory_space<vmem>>
      %dma_start3A_55 = arith.constant 0 : i32
      %dma_start3A_56 = tpu.memref_slice %arg7[%scan3A_50, %dma_start3A_55] : memref<79x128xi32, #tpu.memory_space<vmem>> -> memref<1x128xi32, #tpu.memory_space<vmem>>
      %dma_start3A_57 = tpu.memref_squeeze %dma_start3A_56 : memref<1x128xi32, #tpu.memory_space<vmem>> -> memref<128xi32, #tpu.memory_space<vmem>>
      %dma_start3A_58 = arith.constant 0 : i32
      %dma_start3A_59 = arith.constant 0 : i32
      %dma_start3A_60 = tpu.memref_slice %arg2[%dma_start3A_58, %dma_start3A_59] : memref<80000x128xf32, #tpu.memory_space<hbm>> -> memref<80000x128xf32, #tpu.memory_space<hbm>>
      %dma_start3A_61 = tpu.memref_slice %arg11[%scan3A_50] : memref<2x!tpu.dma_semaphore, #tpu.memory_space<semaphore_mem>> -> memref<1x!tpu.dma_semaphore, #tpu.memory_space<semaphore_mem>>
      %dma_start3A_62 = tpu.memref_squeeze %dma_start3A_61 : memref<1x!tpu.dma_semaphore, #tpu.memory_space<semaphore_mem>> -> memref<!tpu.dma_semaphore, #tpu.memory_space<semaphore_mem>>
      tpu.enqueue_indirect_dma source(%dma_start3A_60 : memref<80000x128xf32, #tpu.memory_space<hbm>>) target(%dma_start3A_54 : memref<128x128xf32, #tpu.memory_space<vmem>>) offsets(%dma_start3A_57 : memref<128xi32, #tpu.memory_space<vmem>>) semaphore(%dma_start3A_62 : memref<!tpu.dma_semaphore, #tpu.memory_space<semaphore_mem>>)
      %dma_start3A_63 = arith.constant 0 : i32
      %dma_start3A_64 = tpu.memref_slice %arg8[%scan3A_50, %dma_start3A_63] : memref<2x128xi32, #tpu.memory_space<vmem>> -> memref<1x128xi32, #tpu.memory_space<vmem>>
      %dma_start3A_65 = tpu.memref_squeeze %dma_start3A_64 : memref<1x128xi32, #tpu.memory_space<vmem>> -> memref<128xi32, #tpu.memory_space<vmem>>
      %dma_start3A_66 = arith.constant 0 : i32
      %dma_start3A_67 = tpu.memref_slice %arg4[%add3A, %scan3A_50, %dma_start3A_66] : memref<32x79x128xi32, #tpu.memory_space<hbm>> -> memref<1x1x128xi32, #tpu.memory_space<hbm>>
      %dma_start3A_68 = tpu.memref_squeeze %dma_start3A_67 : memref<1x1x128xi32, #tpu.memory_space<hbm>> -> memref<128xi32, #tpu.memory_space<hbm>>
      %dma_start3A_69 = tpu.memref_slice %arg12[%scan3A_50] : memref<2x!tpu.dma_semaphore, #tpu.memory_space<semaphore_mem>> -> memref<1x!tpu.dma_semaphore, #tpu.memory_space<semaphore_mem>>
      %dma_start3A_70 = tpu.memref_squeeze %dma_start3A_69 : memref<1x!tpu.dma_semaphore, #tpu.memory_space<semaphore_mem>> -> memref<!tpu.dma_semaphore, #tpu.memory_space<semaphore_mem>>
      %dma_start3A_71 = arith.constant 0 : i32
      %dma_start3A_72 = tpu.memref_slice %arg8[%scan3A_50, %dma_start3A_71] : memref<2x128xi32, #tpu.memory_space<vmem>> -> memref<1x128xi32, #tpu.memory_space<vmem>>
      %dma_start3A_73 = tpu.memref_squeeze %dma_start3A_72 : memref<1x128xi32, #tpu.memory_space<vmem>> -> memref<128xi32, #tpu.memory_space<vmem>>
      %dma_start3A_74 = arith.constant 0 : i32
      %dma_start3A_75 = tpu.memref_slice %arg4[%add3A, %scan3A_50, %dma_start3A_74] : memref<32x79x128xi32, #tpu.memory_space<hbm>> -> memref<1x1x128xi32, #tpu.memory_space<hbm>>
      %dma_start3A_76 = tpu.memref_squeeze %dma_start3A_75 : memref<1x1x128xi32, #tpu.memory_space<hbm>> -> memref<128xi32, #tpu.memory_space<hbm>>
      tpu.enqueue_dma source(%dma_start3A_76 : memref<128xi32, #tpu.memory_space<hbm>>) target(%dma_start3A_73 : memref<128xi32, #tpu.memory_space<vmem>>) target_semaphore(%dma_start3A_70 : memref<!tpu.dma_semaphore, #tpu.memory_space<semaphore_mem>>)
      %dma_start3A_77 = arith.constant 0 : i32
      %dma_start3A_78 = tpu.memref_slice %arg9[%scan3A_50, %dma_start3A_77] : memref<2x128xf32, #tpu.memory_space<vmem>> -> memref<1x128xf32, #tpu.memory_space<vmem>>
      %dma_start3A_79 = tpu.memref_squeeze %dma_start3A_78 : memref<1x128xf32, #tpu.memory_space<vmem>> -> memref<128xf32, #tpu.memory_space<vmem>>
      %dma_start3A_80 = arith.constant 0 : i32
      %dma_start3A_81 = tpu.memref_slice %arg5[%add3A, %scan3A_50, %dma_start3A_80] : memref<32x79x128xf32, #tpu.memory_space<hbm>> -> memref<1x1x128xf32, #tpu.memory_space<hbm>>
      %dma_start3A_82 = tpu.memref_squeeze %dma_start3A_81 : memref<1x1x128xf32, #tpu.memory_space<hbm>> -> memref<128xf32, #tpu.memory_space<hbm>>
      %dma_start3A_83 = tpu.memref_slice %arg13[%scan3A_50] : memref<2x!tpu.dma_semaphore, #tpu.memory_space<semaphore_mem>> -> memref<1x!tpu.dma_semaphore, #tpu.memory_space<semaphore_mem>>
      %dma_start3A_84 = tpu.memref_squeeze %dma_start3A_83 : memref<1x!tpu.dma_semaphore, #tpu.memory_space<semaphore_mem>> -> memref<!tpu.dma_semaphore, #tpu.memory_space<semaphore_mem>>
      %dma_start3A_85 = arith.constant 0 : i32
      %dma_start3A_86 = tpu.memref_slice %arg9[%scan3A_50, %dma_start3A_85] : memref<2x128xf32, #tpu.memory_space<vmem>> -> memref<1x128xf32, #tpu.memory_space<vmem>>
      %dma_start3A_87 = tpu.memref_squeeze %dma_start3A_86 : memref<1x128xf32, #tpu.memory_space<vmem>> -> memref<128xf32, #tpu.memory_space<vmem>>
      %dma_start3A_88 = arith.constant 0 : i32
      %dma_start3A_89 = tpu.memref_slice %arg5[%add3A, %scan3A_50, %dma_start3A_88] : memref<32x79x128xf32, #tpu.memory_space<hbm>> -> memref<1x1x128xf32, #tpu.memory_space<hbm>>
      %dma_start3A_90 = tpu.memref_squeeze %dma_start3A_89 : memref<1x1x128xf32, #tpu.memory_space<hbm>> -> memref<128xf32, #tpu.memory_space<hbm>>
      tpu.enqueue_dma source(%dma_start3A_90 : memref<128xf32, #tpu.memory_space<hbm>>) target(%dma_start3A_87 : memref<128xf32, #tpu.memory_space<vmem>>) target_semaphore(%dma_start3A_84 : memref<!tpu.dma_semaphore, #tpu.memory_space<semaphore_mem>>)
      %scan3A_91 = arith.constant 0 : i32
      scf.yield %scan3A_91 : i32
    }
    %scan3A_37 = arith.constant 2 : i32
    %scan3A_38 = arith.constant 0 : i32
    %scan3A_39 = arith.constant 0 : i32
    %scan3A_40 = arith.constant 79 : i32
    %scan3A_41 = arith.addi %scan3A_39, %scan3A_40 : i32
    %scan3A_42 = arith.constant 1 : i32
    %scan3A_43 = scf.for %scan3A_50 = %scan3A_39 to %scan3A_41 step %scan3A_42 iter_args(%scan3A_51 = %scan3A_38) -> (i32)  : i32 {
      %rem3A = arith.constant 2 : i32
      %rem3A_52 = arith.remsi %scan3A_50, %rem3A : i32
      %dma_wait3A = arith.constant 0 : i32
      %dma_wait3A_53 = arith.constant 0 : i32
      %dma_wait3A_54 = tpu.memref_slice %arg10[%rem3A_52, %dma_wait3A, %dma_wait3A_53] : memref<2x128x128xf32, #tpu.memory_space<vmem>> -> memref<1x128x128xf32, #tpu.memory_space<vmem>>
      %dma_wait3A_55 = tpu.memref_squeeze %dma_wait3A_54 : memref<1x128x128xf32, #tpu.memory_space<vmem>> -> memref<128x128xf32, #tpu.memory_space<vmem>>
      %dma_wait3A_56 = arith.constant 0 : i32
      %dma_wait3A_57 = tpu.memref_slice %arg7[%scan3A_50, %dma_wait3A_56] : memref<79x128xi32, #tpu.memory_space<vmem>> -> memref<1x128xi32, #tpu.memory_space<vmem>>
      %dma_wait3A_58 = tpu.memref_squeeze %dma_wait3A_57 : memref<1x128xi32, #tpu.memory_space<vmem>> -> memref<128xi32, #tpu.memory_space<vmem>>
      %dma_wait3A_59 = arith.constant 0 : i32
      %dma_wait3A_60 = arith.constant 0 : i32
      %dma_wait3A_61 = tpu.memref_slice %arg2[%dma_wait3A_59, %dma_wait3A_60] : memref<80000x128xf32, #tpu.memory_space<hbm>> -> memref<80000x128xf32, #tpu.memory_space<hbm>>
      %dma_wait3A_62 = tpu.memref_slice %arg11[%rem3A_52] : memref<2x!tpu.dma_semaphore, #tpu.memory_space<semaphore_mem>> -> memref<1x!tpu.dma_semaphore, #tpu.memory_space<semaphore_mem>>
      %dma_wait3A_63 = tpu.memref_squeeze %dma_wait3A_62 : memref<1x!tpu.dma_semaphore, #tpu.memory_space<semaphore_mem>> -> memref<!tpu.dma_semaphore, #tpu.memory_space<semaphore_mem>>
      tpu.wait_indirect_dma semaphore(%dma_wait3A_63 : memref<!tpu.dma_semaphore, #tpu.memory_space<semaphore_mem>>) src(%dma_wait3A_61 : memref<80000x128xf32, #tpu.memory_space<hbm>>) dst(%dma_wait3A_55 : memref<128x128xf32, #tpu.memory_space<vmem>>)
      %dma_wait3A_64 = arith.constant 0 : i32
      %dma_wait3A_65 = tpu.memref_slice %arg9[%rem3A_52, %dma_wait3A_64] : memref<2x128xf32, #tpu.memory_space<vmem>> -> memref<1x128xf32, #tpu.memory_space<vmem>>
      %dma_wait3A_66 = tpu.memref_squeeze %dma_wait3A_65 : memref<1x128xf32, #tpu.memory_space<vmem>> -> memref<128xf32, #tpu.memory_space<vmem>>
      %dma_wait3A_67 = arith.constant 0 : i32
      %dma_wait3A_68 = tpu.memref_slice %arg5[%add3A, %scan3A_50, %dma_wait3A_67] : memref<32x79x128xf32, #tpu.memory_space<hbm>> -> memref<1x1x128xf32, #tpu.memory_space<hbm>>
      %dma_wait3A_69 = tpu.memref_squeeze %dma_wait3A_68 : memref<1x1x128xf32, #tpu.memory_space<hbm>> -> memref<128xf32, #tpu.memory_space<hbm>>
      %dma_wait3A_70 = tpu.memref_slice %arg13[%rem3A_52] : memref<2x!tpu.dma_semaphore, #tpu.memory_space<semaphore_mem>> -> memref<1x!tpu.dma_semaphore, #tpu.memory_space<semaphore_mem>>
      %dma_wait3A_71 = tpu.memref_squeeze %dma_wait3A_70 : memref<1x!tpu.dma_semaphore, #tpu.memory_space<semaphore_mem>> -> memref<!tpu.dma_semaphore, #tpu.memory_space<semaphore_mem>>
      %dma_wait3A_72 = arith.constant 0 : i32
      %dma_wait3A_73 = tpu.memref_slice %arg9[%rem3A_52, %dma_wait3A_72] : memref<2x128xf32, #tpu.memory_space<vmem>> -> memref<1x128xf32, #tpu.memory_space<vmem>>
      %dma_wait3A_74 = tpu.memref_squeeze %dma_wait3A_73 : memref<1x128xf32, #tpu.memory_space<vmem>> -> memref<128xf32, #tpu.memory_space<vmem>>
      %dma_wait3A_75 = arith.constant 0 : i32
      %dma_wait3A_76 = tpu.memref_slice %arg5[%add3A, %scan3A_50, %dma_wait3A_75] : memref<32x79x128xf32, #tpu.memory_space<hbm>> -> memref<1x1x128xf32, #tpu.memory_space<hbm>>
      %dma_wait3A_77 = tpu.memref_squeeze %dma_wait3A_76 : memref<1x1x128xf32, #tpu.memory_space<hbm>> -> memref<128xf32, #tpu.memory_space<hbm>>
      tpu.wait_dma2 semaphore(%dma_wait3A_71 : memref<!tpu.dma_semaphore, #tpu.memory_space<semaphore_mem>>) src(%dma_wait3A_77 : memref<128xf32, #tpu.memory_space<hbm>>) dst(%dma_wait3A_74 : memref<128xf32, #tpu.memory_space<vmem>>)
      %broadcast_in_dim3A = vector.broadcast %rem3A_52 : i32 to vector<16xi32>
      %scan3A_78 = arith.constant 0 : i32
      %scan3A_79 = arith.constant 0 : i32
      %scan3A_80 = arith.constant 16 : i32
      %scan3A_81 = arith.addi %scan3A_79, %scan3A_80 : i32
      %scan3A_82 = arith.constant 1 : i32
      %scan3A_83 = scf.for %scan3A_104 = %scan3A_79 to %scan3A_81 step %scan3A_82 iter_args(%scan3A_105 = %scan3A_78) -> (i32)  : i32 {
        %mul3A_106 = arith.constant 8 : i32
        %mul3A_107 = arith.muli %scan3A_104, %mul3A_106 : i32
        %add3A_108 = arith.constant 0 : i32
        %add3A_109 = arith.addi %mul3A_107, %add3A_108 : i32
        %broadcast_in_dim3A_110 = vector.broadcast %add3A_109 : i32 to vector<16xi32>
        %gather3A = tpu.vector_load_idx %arg9[%broadcast_in_dim3A, %broadcast_in_dim3A_110] : memref<2x128xf32, #tpu.memory_space<vmem>>[vector<16xi32>, vector<16xi32>], vector<16xf32>,
        %get3A = arith.index_cast %rem3A_52 : i32 to index
        %get3A_111 = arith.index_cast %add3A_109 : i32 to index
        %get3A_112 = arith.constant 0 : index
        %get3A_113 = tpu.vector_load %arg10[%get3A, %get3A_111, %get3A_112] {strides = array<i32>} : memref<2x128x128xf32, #tpu.memory_space<vmem>>, vector<16xf32>,
        %mul3A_114 = arith.mulf %get3A_113, %gather3A : vector<16xf32>
        %swap3A = arith.index_cast %rem3A_52 : i32 to index
        %swap3A_115 = arith.index_cast %add3A_109 : i32 to index
        %swap3A_116 = arith.constant 0 : index
        %swap3A_117 = tpu.vector_load %arg10[%swap3A, %swap3A_115, %swap3A_116] {strides = array<i32>} : memref<2x128x128xf32, #tpu.memory_space<vmem>>, vector<16xf32>,
        tpu.vector_store %arg10[%swap3A, %swap3A_115, %swap3A_116], %mul3A_114 {strides = array<i32>} : memref<2x128x128xf32, #tpu.memory_space<vmem>>, vector<16xf32>,
        %get3A_118 = arith.index_cast %rem3A_52 : i32 to index
        %get3A_119 = arith.index_cast %add3A_109 : i32 to index
        %get3A_120 = arith.constant 16 : index
        %get3A_121 = tpu.vector_load %arg10[%get3A_118, %get3A_119, %get3A_120] {strides = array<i32>} : memref<2x128x128xf32, #tpu.memory_space<vmem>>, vector<16xf32>,
        %mul3A_122 = arith.mulf %get3A_121, %gather3A : vector<16xf32>
        %swap3A_123 = arith.index_cast %rem3A_52 : i32 to index
        %swap3A_124 = arith.index_cast %add3A_109 : i32 to index
        %swap3A_125 = arith.constant 16 : index
        %swap3A_126 = tpu.vector_load %arg10[%swap3A_123, %swap3A_124, %swap3A_125] {strides = array<i32>} : memref<2x128x128xf32, #tpu.memory_space<vmem>>, vector<16xf32>,
        tpu.vector_store %arg10[%swap3A_123, %swap3A_124, %swap3A_125], %mul3A_122 {strides = array<i32>} : memref<2x128x128xf32, #tpu.memory_space<vmem>>, vector<16xf32>,
        %get3A_127 = arith.index_cast %rem3A_52 : i32 to index
        %get3A_128 = arith.index_cast %add3A_109 : i32 to index
        %get3A_129 = arith.constant 32 : index
        %get3A_130 = tpu.vector_load %arg10[%get3A_127, %get3A_128, %get3A_129] {strides = array<i32>} : memref<2x128x128xf32, #tpu.memory_space<vmem>>, vector<16xf32>,
        %mul3A_131 = arith.mulf %get3A_130, %gather3A : vector<16xf32>
        %swap3A_132 = arith.index_cast %rem3A_52 : i32 to index
        %swap3A_133 = arith.index_cast %add3A_109 : i32 to index
        %swap3A_134 = arith.constant 32 : index
        %swap3A_135 = tpu.vector_load %arg10[%swap3A_132, %swap3A_133, %swap3A_134] {strides = array<i32>} : memref<2x128x128xf32, #tpu.memory_space<vmem>>, vector<16xf32>,
        tpu.vector_store %arg10[%swap3A_132, %swap3A_133, %swap3A_134], %mul3A_131 {strides = array<i32>} : memref<2x128x128xf32, #tpu.memory_space<vmem>>, vector<16xf32>,
        %get3A_136 = arith.index_cast %rem3A_52 : i32 to index
        %get3A_137 = arith.index_cast %add3A_109 : i32 to index
        %get3A_138 = arith.constant 48 : index
        %get3A_139 = tpu.vector_load %arg10[%get3A_136, %get3A_137, %get3A_138] {strides = array<i32>} : memref<2x128x128xf32, #tpu.memory_space<vmem>>, vector<16xf32>,
        %mul3A_140 = arith.mulf %get3A_139, %gather3A : vector<16xf32>
        %swap3A_141 = arith.index_cast %rem3A_52 : i32 to index
        %swap3A_142 = arith.index_cast %add3A_109 : i32 to index
        %swap3A_143 = arith.constant 48 : index
        %swap3A_144 = tpu.vector_load %arg10[%swap3A_141, %swap3A_142, %swap3A_143] {strides = array<i32>} : memref<2x128x128xf32, #tpu.memory_space<vmem>>, vector<16xf32>,
        tpu.vector_store %arg10[%swap3A_141, %swap3A_142, %swap3A_143], %mul3A_140 {strides = array<i32>} : memref<2x128x128xf32, #tpu.memory_space<vmem>>, vector<16xf32>,
        %get3A_145 = arith.index_cast %rem3A_52 : i32 to index
        %get3A_146 = arith.index_cast %add3A_109 : i32 to index
        %get3A_147 = arith.constant 64 : index
        %get3A_148 = tpu.vector_load %arg10[%get3A_145, %get3A_146, %get3A_147] {strides = array<i32>} : memref<2x128x128xf32, #tpu.memory_space<vmem>>, vector<16xf32>,
        %mul3A_149 = arith.mulf %get3A_148, %gather3A : vector<16xf32>
        %swap3A_150 = arith.index_cast %rem3A_52 : i32 to index
        %swap3A_151 = arith.index_cast %add3A_109 : i32 to index
        %swap3A_152 = arith.constant 64 : index
        %swap3A_153 = tpu.vector_load %arg10[%swap3A_150, %swap3A_151, %swap3A_152] {strides = array<i32>} : memref<2x128x128xf32, #tpu.memory_space<vmem>>, vector<16xf32>,
        tpu.vector_store %arg10[%swap3A_150, %swap3A_151, %swap3A_152], %mul3A_149 {strides = array<i32>} : memref<2x128x128xf32, #tpu.memory_space<vmem>>, vector<16xf32>,
        %get3A_154 = arith.index_cast %rem3A_52 : i32 to index
        %get3A_155 = arith.index_cast %add3A_109 : i32 to index
        %get3A_156 = arith.constant 80 : index
        %get3A_157 = tpu.vector_load %arg10[%get3A_154, %get3A_155, %get3A_156] {strides = array<i32>} : memref<2x128x128xf32, #tpu.memory_space<vmem>>, vector<16xf32>,
        %mul3A_158 = arith.mulf %get3A_157, %gather3A : vector<16xf32>
        %swap3A_159 = arith.index_cast %rem3A_52 : i32 to index
        %swap3A_160 = arith.index_cast %add3A_109 : i32 to index
        %swap3A_161 = arith.constant 80 : index
        %swap3A_162 = tpu.vector_load %arg10[%swap3A_159, %swap3A_160, %swap3A_161] {strides = array<i32>} : memref<2x128x128xf32, #tpu.memory_space<vmem>>, vector<16xf32>,
        tpu.vector_store %arg10[%swap3A_159, %swap3A_160, %swap3A_161], %mul3A_158 {strides = array<i32>} : memref<2x128x128xf32, #tpu.memory_space<vmem>>, vector<16xf32>,
        %get3A_163 = arith.index_cast %rem3A_52 : i32 to index
        %get3A_164 = arith.index_cast %add3A_109 : i32 to index
        %get3A_165 = arith.constant 96 : index
        %get3A_166 = tpu.vector_load %arg10[%get3A_163, %get3A_164, %get3A_165] {strides = array<i32>} : memref<2x128x128xf32, #tpu.memory_space<vmem>>, vector<16xf32>,
        %mul3A_167 = arith.mulf %get3A_166, %gather3A : vector<16xf32>
        %swap3A_168 = arith.index_cast %rem3A_52 : i32 to index
        %swap3A_169 = arith.index_cast %add3A_109 : i32 to index
        %swap3A_170 = arith.constant 96 : index
        %swap3A_171 = tpu.vector_load %arg10[%swap3A_168, %swap3A_169, %swap3A_170] {strides = array<i32>} : memref<2x128x128xf32, #tpu.memory_space<vmem>>, vector<16xf32>,
        tpu.vector_store %arg10[%swap3A_168, %swap3A_169, %swap3A_170], %mul3A_167 {strides = array<i32>} : memref<2x128x128xf32, #tpu.memory_space<vmem>>, vector<16xf32>,
        %get3A_172 = arith.index_cast %rem3A_52 : i32 to index
        %get3A_173 = arith.index_cast %add3A_109 : i32 to index
        %get3A_174 = arith.constant 112 : index
        %get3A_175 = tpu.vector_load %arg10[%get3A_172, %get3A_173, %get3A_174] {strides = array<i32>} : memref<2x128x128xf32, #tpu.memory_space<vmem>>, vector<16xf32>,
        %mul3A_176 = arith.mulf %get3A_175, %gather3A : vector<16xf32>
        %swap3A_177 = arith.index_cast %rem3A_52 : i32 to index
        %swap3A_178 = arith.index_cast %add3A_109 : i32 to index
        %swap3A_179 = arith.constant 112 : index
        %swap3A_180 = tpu.vector_load %arg10[%swap3A_177, %swap3A_178, %swap3A_179] {strides = array<i32>} : memref<2x128x128xf32, #tpu.memory_space<vmem>>, vector<16xf32>,
        tpu.vector_store %arg10[%swap3A_177, %swap3A_178, %swap3A_179], %mul3A_176 {strides = array<i32>} : memref<2x128x128xf32, #tpu.memory_space<vmem>>, vector<16xf32>,
        %mul3A_181 = arith.constant 8 : i32
        %mul3A_182 = arith.muli %scan3A_104, %mul3A_181 : i32
        %add3A_183 = arith.constant 1 : i32
        %add3A_184 = arith.addi %mul3A_182, %add3A_183 : i32
        %broadcast_in_dim3A_185 = vector.broadcast %add3A_184 : i32 to vector<16xi32>
        %gather3A_186 = tpu.vector_load_idx %arg9[%broadcast_in_dim3A, %broadcast_in_dim3A_185] : memref<2x128xf32, #tpu.memory_space<vmem>>[vector<16xi32>, vector<16xi32>], vector<16xf32>,
        %get3A_187 = arith.index_cast %rem3A_52 : i32 to index
        %get3A_188 = arith.index_cast %add3A_184 : i32 to index
        %get3A_189 = arith.constant 0 : index
        %get3A_190 = tpu.vector_load %arg10[%get3A_187, %get3A_188, %get3A_189] {strides = array<i32>} : memref<2x128x128xf32, #tpu.memory_space<vmem>>, vector<16xf32>,
        %mul3A_191 = arith.mulf %get3A_190, %gather3A_186 : vector<16xf32>
        %swap3A_192 = arith.index_cast %rem3A_52 : i32 to index
        %swap3A_193 = arith.index_cast %add3A_184 : i32 to index
        %swap3A_194 = arith.constant 0 : index
        %swap3A_195 = tpu.vector_load %arg10[%swap3A_192, %swap3A_193, %swap3A_194] {strides = array<i32>} : memref<2x128x128xf32, #tpu.memory_space<vmem>>, vector<16xf32>,
        tpu.vector_store %arg10[%swap3A_192, %swap3A_193, %swap3A_194], %mul3A_191 {strides = array<i32>} : memref<2x128x128xf32, #tpu.memory_space<vmem>>, vector<16xf32>,
        %get3A_196 = arith.index_cast %rem3A_52 : i32 to index
        %get3A_197 = arith.index_cast %add3A_184 : i32 to index
        %get3A_198 = arith.constant 16 : index
        %get3A_199 = tpu.vector_load %arg10[%get3A_196, %get3A_197, %get3A_198] {strides = array<i32>} : memref<2x128x128xf32, #tpu.memory_space<vmem>>, vector<16xf32>,
        %mul3A_200 = arith.mulf %get3A_199, %gather3A_186 : vector<16xf32>
        %swap3A_201 = arith.index_cast %rem3A_52 : i32 to index
        %swap3A_202 = arith.index_cast %add3A_184 : i32 to index
        %swap3A_203 = arith.constant 16 : index
        %swap3A_204 = tpu.vector_load %arg10[%swap3A_201, %swap3A_202, %swap3A_203] {strides = array<i32>} : memref<2x128x128xf32, #tpu.memory_space<vmem>>, vector<16xf32>,
        tpu.vector_store %arg10[%swap3A_201, %swap3A_202, %swap3A_203], %mul3A_200 {strides = array<i32>} : memref<2x128x128xf32, #tpu.memory_space<vmem>>, vector<16xf32>,
        %get3A_205 = arith.index_cast %rem3A_52 : i32 to index
        %get3A_206 = arith.index_cast %add3A_184 : i32 to index
        %get3A_207 = arith.constant 32 : index
        %get3A_208 = tpu.vector_load %arg10[%get3A_205, %get3A_206, %get3A_207] {strides = array<i32>} : memref<2x128x128xf32, #tpu.memory_space<vmem>>, vector<16xf32>,
        %mul3A_209 = arith.mulf %get3A_208, %gather3A_186 : vector<16xf32>
        %swap3A_210 = arith.index_cast %rem3A_52 : i32 to index
        %swap3A_211 = arith.index_cast %add3A_184 : i32 to index
        %swap3A_212 = arith.constant 32 : index
        %swap3A_213 = tpu.vector_load %arg10[%swap3A_210, %swap3A_211, %swap3A_212] {strides = array<i32>} : memref<2x128x128xf32, #tpu.memory_space<vmem>>, vector<16xf32>,
        tpu.vector_store %arg10[%swap3A_210, %swap3A_211, %swap3A_212], %mul3A_209 {strides = array<i32>} : memref<2x128x128xf32, #tpu.memory_space<vmem>>, vector<16xf32>,
        %get3A_214 = arith.index_cast %rem3A_52 : i32 to index
        %get3A_215 = arith.index_cast %add3A_184 : i32 to index
        %get3A_216 = arith.constant 48 : index
        %get3A_217 = tpu.vector_load %arg10[%get3A_214, %get3A_215, %get3A_216] {strides = array<i32>} : memref<2x128x128xf32, #tpu.memory_space<vmem>>, vector<16xf32>,
        %mul3A_218 = arith.mulf %get3A_217, %gather3A_186 : vector<16xf32>
        %swap3A_219 = arith.index_cast %rem3A_52 : i32 to index
        %swap3A_220 = arith.index_cast %add3A_184 : i32 to index
        %swap3A_221 = arith.constant 48 : index
        %swap3A_222 = tpu.vector_load %arg10[%swap3A_219, %swap3A_220, %swap3A_221] {strides = array<i32>} : memref<2x128x128xf32, #tpu.memory_space<vmem>>, vector<16xf32>,
        tpu.vector_store %arg10[%swap3A_219, %swap3A_220, %swap3A_221], %mul3A_218 {strides = array<i32>} : memref<2x128x128xf32, #tpu.memory_space<vmem>>, vector<16xf32>,
        %get3A_223 = arith.index_cast %rem3A_52 : i32 to index
        %get3A_224 = arith.index_cast %add3A_184 : i32 to index
        %get3A_225 = arith.constant 64 : index
        %get3A_226 = tpu.vector_load %arg10[%get3A_223, %get3A_224, %get3A_225] {strides = array<i32>} : memref<2x128x128xf32, #tpu.memory_space<vmem>>, vector<16xf32>,
        %mul3A_227 = arith.mulf %get3A_226, %gather3A_186 : vector<16xf32>
        %swap3A_228 = arith.index_cast %rem3A_52 : i32 to index
        %swap3A_229 = arith.index_cast %add3A_184 : i32 to index
        %swap3A_230 = arith.constant 64 : index
        %swap3A_231 = tpu.vector_load %arg10[%swap3A_228, %swap3A_229, %swap3A_230] {strides = array<i32>} : memref<2x128x128xf32, #tpu.memory_space<vmem>>, vector<16xf32>,
        tpu.vector_store %arg10[%swap3A_228, %swap3A_229, %swap3A_230], %mul3A_227 {strides = array<i32>} : memref<2x128x128xf32, #tpu.memory_space<vmem>>, vector<16xf32>,
        %get3A_232 = arith.index_cast %rem3A_52 : i32 to index
        %get3A_233 = arith.index_cast %add3A_184 : i32 to index
        %get3A_234 = arith.constant 80 : index
        %get3A_235 = tpu.vector_load %arg10[%get3A_232, %get3A_233, %get3A_234] {strides = array<i32>} : memref<2x128x128xf32, #tpu.memory_space<vmem>>, vector<16xf32>,
        %mul3A_236 = arith.mulf %get3A_235, %gather3A_186 : vector<16xf32>
        %swap3A_237 = arith.index_cast %rem3A_52 : i32 to index
        %swap3A_238 = arith.index_cast %add3A_184 : i32 to index
        %swap3A_239 = arith.constant 80 : index
        %swap3A_240 = tpu.vector_load %arg10[%swap3A_237, %swap3A_238, %swap3A_239] {strides = array<i32>} : memref<2x128x128xf32, #tpu.memory_space<vmem>>, vector<16xf32>,
        tpu.vector_store %arg10[%swap3A_237, %swap3A_238, %swap3A_239], %mul3A_236 {strides = array<i32>} : memref<2x128x128xf32, #tpu.memory_space<vmem>>, vector<16xf32>,
        %get3A_241 = arith.index_cast %rem3A_52 : i32 to index
        %get3A_242 = arith.index_cast %add3A_184 : i32 to index
        %get3A_243 = arith.constant 96 : index
        %get3A_244 = tpu.vector_load %arg10[%get3A_241, %get3A_242, %get3A_243] {strides = array<i32>} : memref<2x128x128xf32, #tpu.memory_space<vmem>>, vector<16xf32>,
        %mul3A_245 = arith.mulf %get3A_244, %gather3A_186 : vector<16xf32>
        %swap3A_246 = arith.index_cast %rem3A_52 : i32 to index
        %swap3A_247 = arith.index_cast %add3A_184 : i32 to index
        %swap3A_248 = arith.constant 96 : index
        %swap3A_249 = tpu.vector_load %arg10[%swap3A_246, %swap3A_247, %swap3A_248] {strides = array<i32>} : memref<2x128x128xf32, #tpu.memory_space<vmem>>, vector<16xf32>,
        tpu.vector_store %arg10[%swap3A_246, %swap3A_247, %swap3A_248], %mul3A_245 {strides = array<i32>} : memref<2x128x128xf32, #tpu.memory_space<vmem>>, vector<16xf32>,
        %get3A_250 = arith.index_cast %rem3A_52 : i32 to index
        %get3A_251 = arith.index_cast %add3A_184 : i32 to index
        %get3A_252 = arith.constant 112 : index
        %get3A_253 = tpu.vector_load %arg10[%get3A_250, %get3A_251, %get3A_252] {strides = array<i32>} : memref<2x128x128xf32, #tpu.memory_space<vmem>>, vector<16xf32>,
        %mul3A_254 = arith.mulf %get3A_253, %gather3A_186 : vector<16xf32>
        %swap3A_255 = arith.index_cast %rem3A_52 : i32 to index
        %swap3A_256 = arith.index_cast %add3A_184 : i32 to index
        %swap3A_257 = arith.constant 112 : index
        %swap3A_258 = tpu.vector_load %arg10[%swap3A_255, %swap3A_256, %swap3A_257] {strides = array<i32>} : memref<2x128x128xf32, #tpu.memory_space<vmem>>, vector<16xf32>,
        tpu.vector_store %arg10[%swap3A_255, %swap3A_256, %swap3A_257], %mul3A_254 {strides = array<i32>} : memref<2x128x128xf32, #tpu.memory_space<vmem>>, vector<16xf32>,
        %mul3A_259 = arith.constant 8 : i32
        %mul3A_260 = arith.muli %scan3A_104, %mul3A_259 : i32
        %add3A_261 = arith.constant 2 : i32
        %add3A_262 = arith.addi %mul3A_260, %add3A_261 : i32
        %broadcast_in_dim3A_263 = vector.broadcast %add3A_262 : i32 to vector<16xi32>
        %gather3A_264 = tpu.vector_load_idx %arg9[%broadcast_in_dim3A, %broadcast_in_dim3A_263] : memref<2x128xf32, #tpu.memory_space<vmem>>[vector<16xi32>, vector<16xi32>], vector<16xf32>,
        %get3A_265 = arith.index_cast %rem3A_52 : i32 to index
        %get3A_266 = arith.index_cast %add3A_262 : i32 to index
        %get3A_267 = arith.constant 0 : index
        %get3A_268 = tpu.vector_load %arg10[%get3A_265, %get3A_266, %get3A_267] {strides = array<i32>} : memref<2x128x128xf32, #tpu.memory_space<vmem>>, vector<16xf32>,
        %mul3A_269 = arith.mulf %get3A_268, %gather3A_264 : vector<16xf32>
        %swap3A_270 = arith.index_cast %rem3A_52 : i32 to index
        %swap3A_271 = arith.index_cast %add3A_262 : i32 to index
        %swap3A_272 = arith.constant 0 : index
        %swap3A_273 = tpu.vector_load %arg10[%swap3A_270, %swap3A_271, %swap3A_272] {strides = array<i32>} : memref<2x128x128xf32, #tpu.memory_space<vmem>>, vector<16xf32>,
        tpu.vector_store %arg10[%swap3A_270, %swap3A_271, %swap3A_272], %mul3A_269 {strides = array<i32>} : memref<2x128x128xf32, #tpu.memory_space<vmem>>, vector<16xf32>,
        %get3A_274 = arith.index_cast %rem3A_52 : i32 to index
        %get3A_275 = arith.index_cast %add3A_262 : i32 to index
        %get3A_276 = arith.constant 16 : index
        %get3A_277 = tpu.vector_load %arg10[%get3A_274, %get3A_275, %get3A_276] {strides = array<i32>} : memref<2x128x128xf32, #tpu.memory_space<vmem>>, vector<16xf32>,
        %mul3A_278 = arith.mulf %get3A_277, %gather3A_264 : vector<16xf32>
        %swap3A_279 = arith.index_cast %rem3A_52 : i32 to index
        %swap3A_280 = arith.index_cast %add3A_262 : i32 to index
        %swap3A_281 = arith.constant 16 : index
        %swap3A_282 = tpu.vector_load %arg10[%swap3A_279, %swap3A_280, %swap3A_281] {strides = array<i32>} : memref<2x128x128xf32, #tpu.memory_space<vmem>>, vector<16xf32>,
        tpu.vector_store %arg10[%swap3A_279, %swap3A_280, %swap3A_281], %mul3A_278 {strides = array<i32>} : memref<2x128x128xf32, #tpu.memory_space<vmem>>, vector<16xf32>,
        %get3A_283 = arith.index_cast %rem3A_52 : i32 to index
        %get3A_284 = arith.index_cast %add3A_262 : i32 to index
        %get3A_285 = arith.constant 32 : index
        %get3A_286 = tpu.vector_load %arg10[%get3A_283, %get3A_284, %get3A_285] {strides = array<i32>} : memref<2x128x128xf32, #tpu.memory_space<vmem>>, vector<16xf32>,
        %mul3A_287 = arith.mulf %get3A_286, %gather3A_264 : vector<16xf32>
        %swap3A_288 = arith.index_cast %rem3A_52 : i32 to index
        %swap3A_289 = arith.index_cast %add3A_262 : i32 to index
        %swap3A_290 = arith.constant 32 : index
        %swap3A_291 = tpu.vector_load %arg10[%swap3A_288, %swap3A_289, %swap3A_290] {strides = array<i32>} : memref<2x128x128xf32, #tpu.memory_space<vmem>>, vector<16xf32>,
        tpu.vector_store %arg10[%swap3A_288, %swap3A_289, %swap3A_290], %mul3A_287 {strides = array<i32>} : memref<2x128x128xf32, #tpu.memory_space<vmem>>, vector<16xf32>,
        %get3A_292 = arith.index_cast %rem3A_52 : i32 to index
        %get3A_293 = arith.index_cast %add3A_262 : i32 to index
        %get3A_294 = arith.constant 48 : index
        %get3A_295 = tpu.vector_load %arg10[%get3A_292, %get3A_293, %get3A_294] {strides = array<i32>} : memref<2x128x128xf32, #tpu.memory_space<vmem>>, vector<16xf32>,
        %mul3A_296 = arith.mulf %get3A_295, %gather3A_264 : vector<16xf32>
        %swap3A_297 = arith.index_cast %rem3A_52 : i32 to index
        %swap3A_298 = arith.index_cast %add3A_262 : i32 to index
        %swap3A_299 = arith.constant 48 : index
        %swap3A_300 = tpu.vector_load %arg10[%swap3A_297, %swap3A_298, %swap3A_299] {strides = array<i32>} : memref<2x128x128xf32, #tpu.memory_space<vmem>>, vector<16xf32>,
        tpu.vector_store %arg10[%swap3A_297, %swap3A_298, %swap3A_299], %mul3A_296 {strides = array<i32>} : memref<2x128x128xf32, #tpu.memory_space<vmem>>, vector<16xf32>,
        %get3A_301 = arith.index_cast %rem3A_52 : i32 to index
        %get3A_302 = arith.index_cast %add3A_262 : i32 to index
        %get3A_303 = arith.constant 64 : index
        %get3A_304 = tpu.vector_load %arg10[%get3A_301, %get3A_302, %get3A_303] {strides = array<i32>} : memref<2x128x128xf32, #tpu.memory_space<vmem>>, vector<16xf32>,
        %mul3A_305 = arith.mulf %get3A_304, %gather3A_264 : vector<16xf32>
        %swap3A_306 = arith.index_cast %rem3A_52 : i32 to index
        %swap3A_307 = arith.index_cast %add3A_262 : i32 to index
        %swap3A_308 = arith.constant 64 : index
        %swap3A_309 = tpu.vector_load %arg10[%swap3A_306, %swap3A_307, %swap3A_308] {strides = array<i32>} : memref<2x128x128xf32, #tpu.memory_space<vmem>>, vector<16xf32>,
        tpu.vector_store %arg10[%swap3A_306, %swap3A_307, %swap3A_308], %mul3A_305 {strides = array<i32>} : memref<2x128x128xf32, #tpu.memory_space<vmem>>, vector<16xf32>,
        %get3A_310 = arith.index_cast %rem3A_52 : i32 to index
        %get3A_311 = arith.index_cast %add3A_262 : i32 to index
        %get3A_312 = arith.constant 80 : index
        %get3A_313 = tpu.vector_load %arg10[%get3A_310, %get3A_311, %get3A_312] {strides = array<i32>} : memref<2x128x128xf32, #tpu.memory_space<vmem>>, vector<16xf32>,
        %mul3A_314 = arith.mulf %get3A_313, %gather3A_264 : vector<16xf32>
        %swap3A_315 = arith.index_cast %rem3A_52 : i32 to index
        %swap3A_316 = arith.index_cast %add3A_262 : i32 to index
        %swap3A_317 = arith.constant 80 : index
        %swap3A_318 = tpu.vector_load %arg10[%swap3A_315, %swap3A_316, %swap3A_317] {strides = array<i32>} : memref<2x128x128xf32, #tpu.memory_space<vmem>>, vector<16xf32>,
        tpu.vector_store %arg10[%swap3A_315, %swap3A_316, %swap3A_317], %mul3A_314 {strides = array<i32>} : memref<2x128x128xf32, #tpu.memory_space<vmem>>, vector<16xf32>,
        %get3A_319 = arith.index_cast %rem3A_52 : i32 to index
        %get3A_320 = arith.index_cast %add3A_262 : i32 to index
        %get3A_321 = arith.constant 96 : index
        %get3A_322 = tpu.vector_load %arg10[%get3A_319, %get3A_320, %get3A_321] {strides = array<i32>} : memref<2x128x128xf32, #tpu.memory_space<vmem>>, vector<16xf32>,
        %mul3A_323 = arith.mulf %get3A_322, %gather3A_264 : vector<16xf32>
        %swap3A_324 = arith.index_cast %rem3A_52 : i32 to index
        %swap3A_325 = arith.index_cast %add3A_262 : i32 to index
        %swap3A_326 = arith.constant 96 : index
        %swap3A_327 = tpu.vector_load %arg10[%swap3A_324, %swap3A_325, %swap3A_326] {strides = array<i32>} : memref<2x128x128xf32, #tpu.memory_space<vmem>>, vector<16xf32>,
        tpu.vector_store %arg10[%swap3A_324, %swap3A_325, %swap3A_326], %mul3A_323 {strides = array<i32>} : memref<2x128x128xf32, #tpu.memory_space<vmem>>, vector<16xf32>,
        %get3A_328 = arith.index_cast %rem3A_52 : i32 to index
        %get3A_329 = arith.index_cast %add3A_262 : i32 to index
        %get3A_330 = arith.constant 112 : index
        %get3A_331 = tpu.vector_load %arg10[%get3A_328, %get3A_329, %get3A_330] {strides = array<i32>} : memref<2x128x128xf32, #tpu.memory_space<vmem>>, vector<16xf32>,
        %mul3A_332 = arith.mulf %get3A_331, %gather3A_264 : vector<16xf32>
        %swap3A_333 = arith.index_cast %rem3A_52 : i32 to index
        %swap3A_334 = arith.index_cast %add3A_262 : i32 to index
        %swap3A_335 = arith.constant 112 : index
        %swap3A_336 = tpu.vector_load %arg10[%swap3A_333, %swap3A_334, %swap3A_335] {strides = array<i32>} : memref<2x128x128xf32, #tpu.memory_space<vmem>>, vector<16xf32>,
        tpu.vector_store %arg10[%swap3A_333, %swap3A_334, %swap3A_335], %mul3A_332 {strides = array<i32>} : memref<2x128x128xf32, #tpu.memory_space<vmem>>, vector<16xf32>,
        %mul3A_337 = arith.constant 8 : i32
        %mul3A_338 = arith.muli %scan3A_104, %mul3A_337 : i32
        %add3A_339 = arith.constant 3 : i32
        %add3A_340 = arith.addi %mul3A_338, %add3A_339 : i32
        %broadcast_in_dim3A_341 = vector.broadcast %add3A_340 : i32 to vector<16xi32>
        %gather3A_342 = tpu.vector_load_idx %arg9[%broadcast_in_dim3A, %broadcast_in_dim3A_341] : memref<2x128xf32, #tpu.memory_space<vmem>>[vector<16xi32>, vector<16xi32>], vector<16xf32>,
        %get3A_343 = arith.index_cast %rem3A_52 : i32 to index
        %get3A_344 = arith.index_cast %add3A_340 : i32 to index
        %get3A_345 = arith.constant 0 : index
        %get3A_346 = tpu.vector_load %arg10[%get3A_343, %get3A_344, %get3A_345] {strides = array<i32>} : memref<2x128x128xf32, #tpu.memory_space<vmem>>, vector<16xf32>,
        %mul3A_347 = arith.mulf %get3A_346, %gather3A_342 : vector<16xf32>
        %swap3A_348 = arith.index_cast %rem3A_52 : i32 to index
        %swap3A_349 = arith.index_cast %add3A_340 : i32 to index
        %swap3A_350 = arith.constant 0 : index
        %swap3A_351 = tpu.vector_load %arg10[%swap3A_348, %swap3A_349, %swap3A_350] {strides = array<i32>} : memref<2x128x128xf32, #tpu.memory_space<vmem>>, vector<16xf32>,
        tpu.vector_store %arg10[%swap3A_348, %swap3A_349, %swap3A_350], %mul3A_347 {strides = array<i32>} : memref<2x128x128xf32, #tpu.memory_space<vmem>>, vector<16xf32>,
        %get3A_352 = arith.index_cast %rem3A_52 : i32 to index
        %get3A_353 = arith.index_cast %add3A_340 : i32 to index
        %get3A_354 = arith.constant 16 : index
        %get3A_355 = tpu.vector_load %arg10[%get3A_352, %get3A_353, %get3A_354] {strides = array<i32>} : memref<2x128x128xf32, #tpu.memory_space<vmem>>, vector<16xf32>,
        %mul3A_356 = arith.mulf %get3A_355, %gather3A_342 : vector<16xf32>
        %swap3A_357 = arith.index_cast %rem3A_52 : i32 to index
        %swap3A_358 = arith.index_cast %add3A_340 : i32 to index
        %swap3A_359 = arith.constant 16 : index
        %swap3A_360 = tpu.vector_load %arg10[%swap3A_357, %swap3A_358, %swap3A_359] {strides = array<i32>} : memref<2x128x128xf32, #tpu.memory_space<vmem>>, vector<16xf32>,
        tpu.vector_store %arg10[%swap3A_357, %swap3A_358, %swap3A_359], %mul3A_356 {strides = array<i32>} : memref<2x128x128xf32, #tpu.memory_space<vmem>>, vector<16xf32>,
        %get3A_361 = arith.index_cast %rem3A_52 : i32 to index
        %get3A_362 = arith.index_cast %add3A_340 : i32 to index
        %get3A_363 = arith.constant 32 : index
        %get3A_364 = tpu.vector_load %arg10[%get3A_361, %get3A_362, %get3A_363] {strides = array<i32>} : memref<2x128x128xf32, #tpu.memory_space<vmem>>, vector<16xf32>,
        %mul3A_365 = arith.mulf %get3A_364, %gather3A_342 : vector<16xf32>
        %swap3A_366 = arith.index_cast %rem3A_52 : i32 to index
        %swap3A_367 = arith.index_cast %add3A_340 : i32 to index
        %swap3A_368 = arith.constant 32 : index
        %swap3A_369 = tpu.vector_load %arg10[%swap3A_366, %swap3A_367, %swap3A_368] {strides = array<i32>} : memref<2x128x128xf32, #tpu.memory_space<vmem>>, vector<16xf32>,
        tpu.vector_store %arg10[%swap3A_366, %swap3A_367, %swap3A_368], %mul3A_365 {strides = array<i32>} : memref<2x128x128xf32, #tpu.memory_space<vmem>>, vector<16xf32>,
        %get3A_370 = arith.index_cast %rem3A_52 : i32 to index
        %get3A_371 = arith.index_cast %add3A_340 : i32 to index
        %get3A_372 = arith.constant 48 : index
        %get3A_373 = tpu.vector_load %arg10[%get3A_370, %get3A_371, %get3A_372] {strides = array<i32>} : memref<2x128x128xf32, #tpu.memory_space<vmem>>, vector<16xf32>,
        %mul3A_374 = arith.mulf %get3A_373, %gather3A_342 : vector<16xf32>
        %swap3A_375 = arith.index_cast %rem3A_52 : i32 to index
        %swap3A_376 = arith.index_cast %add3A_340 : i32 to index
        %swap3A_377 = arith.constant 48 : index
        %swap3A_378 = tpu.vector_load %arg10[%swap3A_375, %swap3A_376, %swap3A_377] {strides = array<i32>} : memref<2x128x128xf32, #tpu.memory_space<vmem>>, vector<16xf32>,
        tpu.vector_store %arg10[%swap3A_375, %swap3A_376, %swap3A_377], %mul3A_374 {strides = array<i32>} : memref<2x128x128xf32, #tpu.memory_space<vmem>>, vector<16xf32>,
        %get3A_379 = arith.index_cast %rem3A_52 : i32 to index
        %get3A_380 = arith.index_cast %add3A_340 : i32 to index
        %get3A_381 = arith.constant 64 : index
        %get3A_382 = tpu.vector_load %arg10[%get3A_379, %get3A_380, %get3A_381] {strides = array<i32>} : memref<2x128x128xf32, #tpu.memory_space<vmem>>, vector<16xf32>,
        %mul3A_383 = arith.mulf %get3A_382, %gather3A_342 : vector<16xf32>
        %swap3A_384 = arith.index_cast %rem3A_52 : i32 to index
        %swap3A_385 = arith.index_cast %add3A_340 : i32 to index
        %swap3A_386 = arith.constant 64 : index
        %swap3A_387 = tpu.vector_load %arg10[%swap3A_384, %swap3A_385, %swap3A_386] {strides = array<i32>} : memref<2x128x128xf32, #tpu.memory_space<vmem>>, vector<16xf32>,
        tpu.vector_store %arg10[%swap3A_384, %swap3A_385, %swap3A_386], %mul3A_383 {strides = array<i32>} : memref<2x128x128xf32, #tpu.memory_space<vmem>>, vector<16xf32>,
        %get3A_388 = arith.index_cast %rem3A_52 : i32 to index
        %get3A_389 = arith.index_cast %add3A_340 : i32 to index
        %get3A_390 = arith.constant 80 : index
        %get3A_391 = tpu.vector_load %arg10[%get3A_388, %get3A_389, %get3A_390] {strides = array<i32>} : memref<2x128x128xf32, #tpu.memory_space<vmem>>, vector<16xf32>,
        %mul3A_392 = arith.mulf %get3A_391, %gather3A_342 : vector<16xf32>
        %swap3A_393 = arith.index_cast %rem3A_52 : i32 to index
        %swap3A_394 = arith.index_cast %add3A_340 : i32 to index
        %swap3A_395 = arith.constant 80 : index
        %swap3A_396 = tpu.vector_load %arg10[%swap3A_393, %swap3A_394, %swap3A_395] {strides = array<i32>} : memref<2x128x128xf32, #tpu.memory_space<vmem>>, vector<16xf32>,
        tpu.vector_store %arg10[%swap3A_393, %swap3A_394, %swap3A_395], %mul3A_392 {strides = array<i32>} : memref<2x128x128xf32, #tpu.memory_space<vmem>>, vector<16xf32>,
        %get3A_397 = arith.index_cast %rem3A_52 : i32 to index
        %get3A_398 = arith.index_cast %add3A_340 : i32 to index
        %get3A_399 = arith.constant 96 : index
        %get3A_400 = tpu.vector_load %arg10[%get3A_397, %get3A_398, %get3A_399] {strides = array<i32>} : memref<2x128x128xf32, #tpu.memory_space<vmem>>, vector<16xf32>,
        %mul3A_401 = arith.mulf %get3A_400, %gather3A_342 : vector<16xf32>
        %swap3A_402 = arith.index_cast %rem3A_52 : i32 to index
        %swap3A_403 = arith.index_cast %add3A_340 : i32 to index
        %swap3A_404 = arith.constant 96 : index
        %swap3A_405 = tpu.vector_load %arg10[%swap3A_402, %swap3A_403, %swap3A_404] {strides = array<i32>} : memref<2x128x128xf32, #tpu.memory_space<vmem>>, vector<16xf32>,
        tpu.vector_store %arg10[%swap3A_402, %swap3A_403, %swap3A_404], %mul3A_401 {strides = array<i32>} : memref<2x128x128xf32, #tpu.memory_space<vmem>>, vector<16xf32>,
        %get3A_406 = arith.index_cast %rem3A_52 : i32 to index
        %get3A_407 = arith.index_cast %add3A_340 : i32 to index
        %get3A_408 = arith.constant 112 : index
        %get3A_409 = tpu.vector_load %arg10[%get3A_406, %get3A_407, %get3A_408] {strides = array<i32>} : memref<2x128x128xf32, #tpu.memory_space<vmem>>, vector<16xf32>,
        %mul3A_410 = arith.mulf %get3A_409, %gather3A_342 : vector<16xf32>
        %swap3A_411 = arith.index_cast %rem3A_52 : i32 to index
        %swap3A_412 = arith.index_cast %add3A_340 : i32 to index
        %swap3A_413 = arith.constant 112 : index
        %swap3A_414 = tpu.vector_load %arg10[%swap3A_411, %swap3A_412, %swap3A_413] {strides = array<i32>} : memref<2x128x128xf32, #tpu.memory_space<vmem>>, vector<16xf32>,
        tpu.vector_store %arg10[%swap3A_411, %swap3A_412, %swap3A_413], %mul3A_410 {strides = array<i32>} : memref<2x128x128xf32, #tpu.memory_space<vmem>>, vector<16xf32>,
        %mul3A_415 = arith.constant 8 : i32
        %mul3A_416 = arith.muli %scan3A_104, %mul3A_415 : i32
        %add3A_417 = arith.constant 4 : i32
        %add3A_418 = arith.addi %mul3A_416, %add3A_417 : i32
        %broadcast_in_dim3A_419 = vector.broadcast %add3A_418 : i32 to vector<16xi32>
        %gather3A_420 = tpu.vector_load_idx %arg9[%broadcast_in_dim3A, %broadcast_in_dim3A_419] : memref<2x128xf32, #tpu.memory_space<vmem>>[vector<16xi32>, vector<16xi32>], vector<16xf32>,
        %get3A_421 = arith.index_cast %rem3A_52 : i32 to index
        %get3A_422 = arith.index_cast %add3A_418 : i32 to index
        %get3A_423 = arith.constant 0 : index
        %get3A_424 = tpu.vector_load %arg10[%get3A_421, %get3A_422, %get3A_423] {strides = array<i32>} : memref<2x128x128xf32, #tpu.memory_space<vmem>>, vector<16xf32>,
        %mul3A_425 = arith.mulf %get3A_424, %gather3A_420 : vector<16xf32>
        %swap3A_426 = arith.index_cast %rem3A_52 : i32 to index
        %swap3A_427 = arith.index_cast %add3A_418 : i32 to index
        %swap3A_428 = arith.constant 0 : index
        %swap3A_429 = tpu.vector_load %arg10[%swap3A_426, %swap3A_427, %swap3A_428] {strides = array<i32>} : memref<2x128x128xf32, #tpu.memory_space<vmem>>, vector<16xf32>,
        tpu.vector_store %arg10[%swap3A_426, %swap3A_427, %swap3A_428], %mul3A_425 {strides = array<i32>} : memref<2x128x128xf32, #tpu.memory_space<vmem>>, vector<16xf32>,
        %get3A_430 = arith.index_cast %rem3A_52 : i32 to index
        %get3A_431 = arith.index_cast %add3A_418 : i32 to index
        %get3A_432 = arith.constant 16 : index
        %get3A_433 = tpu.vector_load %arg10[%get3A_430, %get3A_431, %get3A_432] {strides = array<i32>} : memref<2x128x128xf32, #tpu.memory_space<vmem>>, vector<16xf32>,
        %mul3A_434 = arith.mulf %get3A_433, %gather3A_420 : vector<16xf32>
        %swap3A_435 = arith.index_cast %rem3A_52 : i32 to index
        %swap3A_436 = arith.index_cast %add3A_418 : i32 to index
        %swap3A_437 = arith.constant 16 : index
        %swap3A_438 = tpu.vector_load %arg10[%swap3A_435, %swap3A_436, %swap3A_437] {strides = array<i32>} : memref<2x128x128xf32, #tpu.memory_space<vmem>>, vector<16xf32>,
        tpu.vector_store %arg10[%swap3A_435, %swap3A_436, %swap3A_437], %mul3A_434 {strides = array<i32>} : memref<2x128x128xf32, #tpu.memory_space<vmem>>, vector<16xf32>,
        %get3A_439 = arith.index_cast %rem3A_52 : i32 to index
        %get3A_440 = arith.index_cast %add3A_418 : i32 to index
        %get3A_441 = arith.constant 32 : index
        %get3A_442 = tpu.vector_load %arg10[%get3A_439, %get3A_440, %get3A_441] {strides = array<i32>} : memref<2x128x128xf32, #tpu.memory_space<vmem>>, vector<16xf32>,
        %mul3A_443 = arith.mulf %get3A_442, %gather3A_420 : vector<16xf32>
        %swap3A_444 = arith.index_cast %rem3A_52 : i32 to index
        %swap3A_445 = arith.index_cast %add3A_418 : i32 to index
        %swap3A_446 = arith.constant 32 : index
        %swap3A_447 = tpu.vector_load %arg10[%swap3A_444, %swap3A_445, %swap3A_446] {strides = array<i32>} : memref<2x128x128xf32, #tpu.memory_space<vmem>>, vector<16xf32>,
        tpu.vector_store %arg10[%swap3A_444, %swap3A_445, %swap3A_446], %mul3A_443 {strides = array<i32>} : memref<2x128x128xf32, #tpu.memory_space<vmem>>, vector<16xf32>,
        %get3A_448 = arith.index_cast %rem3A_52 : i32 to index
        %get3A_449 = arith.index_cast %add3A_418 : i32 to index
        %get3A_450 = arith.constant 48 : index
        %get3A_451 = tpu.vector_load %arg10[%get3A_448, %get3A_449, %get3A_450] {strides = array<i32>} : memref<2x128x128xf32, #tpu.memory_space<vmem>>, vector<16xf32>,
        %mul3A_452 = arith.mulf %get3A_451, %gather3A_420 : vector<16xf32>
        %swap3A_453 = arith.index_cast %rem3A_52 : i32 to index
        %swap3A_454 = arith.index_cast %add3A_418 : i32 to index
        %swap3A_455 = arith.constant 48 : index
        %swap3A_456 = tpu.vector_load %arg10[%swap3A_453, %swap3A_454, %swap3A_455] {strides = array<i32>} : memref<2x128x128xf32, #tpu.memory_space<vmem>>, vector<16xf32>,
        tpu.vector_store %arg10[%swap3A_453, %swap3A_454, %swap3A_455], %mul3A_452 {strides = array<i32>} : memref<2x128x128xf32, #tpu.memory_space<vmem>>, vector<16xf32>,
        %get3A_457 = arith.index_cast %rem3A_52 : i32 to index
        %get3A_458 = arith.index_cast %add3A_418 : i32 to index
        %get3A_459 = arith.constant 64 : index
        %get3A_460 = tpu.vector_load %arg10[%get3A_457, %get3A_458, %get3A_459] {strides = array<i32>} : memref<2x128x128xf32, #tpu.memory_space<vmem>>, vector<16xf32>,
        %mul3A_461 = arith.mulf %get3A_460, %gather3A_420 : vector<16xf32>
        %swap3A_462 = arith.index_cast %rem3A_52 : i32 to index
        %swap3A_463 = arith.index_cast %add3A_418 : i32 to index
        %swap3A_464 = arith.constant 64 : index
        %swap3A_465 = tpu.vector_load %arg10[%swap3A_462, %swap3A_463, %swap3A_464] {strides = array<i32>} : memref<2x128x128xf32, #tpu.memory_space<vmem>>, vector<16xf32>,
        tpu.vector_store %arg10[%swap3A_462, %swap3A_463, %swap3A_464], %mul3A_461 {strides = array<i32>} : memref<2x128x128xf32, #tpu.memory_space<vmem>>, vector<16xf32>,
        %get3A_466 = arith.index_cast %rem3A_52 : i32 to index
        %get3A_467 = arith.index_cast %add3A_418 : i32 to index
        %get3A_468 = arith.constant 80 : index
        %get3A_469 = tpu.vector_load %arg10[%get3A_466, %get3A_467, %get3A_468] {strides = array<i32>} : memref<2x128x128xf32, #tpu.memory_space<vmem>>, vector<16xf32>,
        %mul3A_470 = arith.mulf %get3A_469, %gather3A_420 : vector<16xf32>
        %swap3A_471 = arith.index_cast %rem3A_52 : i32 to index
        %swap3A_472 = arith.index_cast %add3A_418 : i32 to index
        %swap3A_473 = arith.constant 80 : index
        %swap3A_474 = tpu.vector_load %arg10[%swap3A_471, %swap3A_472, %swap3A_473] {strides = array<i32>} : memref<2x128x128xf32, #tpu.memory_space<vmem>>, vector<16xf32>,
        tpu.vector_store %arg10[%swap3A_471, %swap3A_472, %swap3A_473], %mul3A_470 {strides = array<i32>} : memref<2x128x128xf32, #tpu.memory_space<vmem>>, vector<16xf32>,
        %get3A_475 = arith.index_cast %rem3A_52 : i32 to index
        %get3A_476 = arith.index_cast %add3A_418 : i32 to index
        %get3A_477 = arith.constant 96 : index
        %get3A_478 = tpu.vector_load %arg10[%get3A_475, %get3A_476, %get3A_477] {strides = array<i32>} : memref<2x128x128xf32, #tpu.memory_space<vmem>>, vector<16xf32>,
        %mul3A_479 = arith.mulf %get3A_478, %gather3A_420 : vector<16xf32>
        %swap3A_480 = arith.index_cast %rem3A_52 : i32 to index
        %swap3A_481 = arith.index_cast %add3A_418 : i32 to index
        %swap3A_482 = arith.constant 96 : index
        %swap3A_483 = tpu.vector_load %arg10[%swap3A_480, %swap3A_481, %swap3A_482] {strides = array<i32>} : memref<2x128x128xf32, #tpu.memory_space<vmem>>, vector<16xf32>,
        tpu.vector_store %arg10[%swap3A_480, %swap3A_481, %swap3A_482], %mul3A_479 {strides = array<i32>} : memref<2x128x128xf32, #tpu.memory_space<vmem>>, vector<16xf32>,
        %get3A_484 = arith.index_cast %rem3A_52 : i32 to index
        %get3A_485 = arith.index_cast %add3A_418 : i32 to index
        %get3A_486 = arith.constant 112 : index
        %get3A_487 = tpu.vector_load %arg10[%get3A_484, %get3A_485, %get3A_486] {strides = array<i32>} : memref<2x128x128xf32, #tpu.memory_space<vmem>>, vector<16xf32>,
        %mul3A_488 = arith.mulf %get3A_487, %gather3A_420 : vector<16xf32>
        %swap3A_489 = arith.index_cast %rem3A_52 : i32 to index
        %swap3A_490 = arith.index_cast %add3A_418 : i32 to index
        %swap3A_491 = arith.constant 112 : index
        %swap3A_492 = tpu.vector_load %arg10[%swap3A_489, %swap3A_490, %swap3A_491] {strides = array<i32>} : memref<2x128x128xf32, #tpu.memory_space<vmem>>, vector<16xf32>,
        tpu.vector_store %arg10[%swap3A_489, %swap3A_490, %swap3A_491], %mul3A_488 {strides = array<i32>} : memref<2x128x128xf32, #tpu.memory_space<vmem>>, vector<16xf32>,
        %mul3A_493 = arith.constant 8 : i32
        %mul3A_494 = arith.muli %scan3A_104, %mul3A_493 : i32
        %add3A_495 = arith.constant 5 : i32
        %add3A_496 = arith.addi %mul3A_494, %add3A_495 : i32
        %broadcast_in_dim3A_497 = vector.broadcast %add3A_496 : i32 to vector<16xi32>
        %gather3A_498 = tpu.vector_load_idx %arg9[%broadcast_in_dim3A, %broadcast_in_dim3A_497] : memref<2x128xf32, #tpu.memory_space<vmem>>[vector<16xi32>, vector<16xi32>], vector<16xf32>,
        %get3A_499 = arith.index_cast %rem3A_52 : i32 to index
        %get3A_500 = arith.index_cast %add3A_496 : i32 to index
        %get3A_501 = arith.constant 0 : index
        %get3A_502 = tpu.vector_load %arg10[%get3A_499, %get3A_500, %get3A_501] {strides = array<i32>} : memref<2x128x128xf32, #tpu.memory_space<vmem>>, vector<16xf32>,
        %mul3A_503 = arith.mulf %get3A_502, %gather3A_498 : vector<16xf32>
        %swap3A_504 = arith.index_cast %rem3A_52 : i32 to index
        %swap3A_505 = arith.index_cast %add3A_496 : i32 to index
        %swap3A_506 = arith.constant 0 : index
        %swap3A_507 = tpu.vector_load %arg10[%swap3A_504, %swap3A_505, %swap3A_506] {strides = array<i32>} : memref<2x128x128xf32, #tpu.memory_space<vmem>>, vector<16xf32>,
        tpu.vector_store %arg10[%swap3A_504, %swap3A_505, %swap3A_506], %mul3A_503 {strides = array<i32>} : memref<2x128x128xf32, #tpu.memory_space<vmem>>, vector<16xf32>,
        %get3A_508 = arith.index_cast %rem3A_52 : i32 to index
        %get3A_509 = arith.index_cast %add3A_496 : i32 to index
        %get3A_510 = arith.constant 16 : index
        %get3A_511 = tpu.vector_load %arg10[%get3A_508, %get3A_509, %get3A_510] {strides = array<i32>} : memref<2x128x128xf32, #tpu.memory_space<vmem>>, vector<16xf32>,
        %mul3A_512 = arith.mulf %get3A_511, %gather3A_498 : vector<16xf32>
        %swap3A_513 = arith.index_cast %rem3A_52 : i32 to index
        %swap3A_514 = arith.index_cast %add3A_496 : i32 to index
        %swap3A_515 = arith.constant 16 : index
        %swap3A_516 = tpu.vector_load %arg10[%swap3A_513, %swap3A_514, %swap3A_515] {strides = array<i32>} : memref<2x128x128xf32, #tpu.memory_space<vmem>>, vector<16xf32>,
        tpu.vector_store %arg10[%swap3A_513, %swap3A_514, %swap3A_515], %mul3A_512 {strides = array<i32>} : memref<2x128x128xf32, #tpu.memory_space<vmem>>, vector<16xf32>,
        %get3A_517 = arith.index_cast %rem3A_52 : i32 to index
        %get3A_518 = arith.index_cast %add3A_496 : i32 to index
        %get3A_519 = arith.constant 32 : index
        %get3A_520 = tpu.vector_load %arg10[%get3A_517, %get3A_518, %get3A_519] {strides = array<i32>} : memref<2x128x128xf32, #tpu.memory_space<vmem>>, vector<16xf32>,
        %mul3A_521 = arith.mulf %get3A_520, %gather3A_498 : vector<16xf32>
        %swap3A_522 = arith.index_cast %rem3A_52 : i32 to index
        %swap3A_523 = arith.index_cast %add3A_496 : i32 to index
        %swap3A_524 = arith.constant 32 : index
        %swap3A_525 = tpu.vector_load %arg10[%swap3A_522, %swap3A_523, %swap3A_524] {strides = array<i32>} : memref<2x128x128xf32, #tpu.memory_space<vmem>>, vector<16xf32>,
        tpu.vector_store %arg10[%swap3A_522, %swap3A_523, %swap3A_524], %mul3A_521 {strides = array<i32>} : memref<2x128x128xf32, #tpu.memory_space<vmem>>, vector<16xf32>,
        %get3A_526 = arith.index_cast %rem3A_52 : i32 to index
        %get3A_527 = arith.index_cast %add3A_496 : i32 to index
        %get3A_528 = arith.constant 48 : index
        %get3A_529 = tpu.vector_load %arg10[%get3A_526, %get3A_527, %get3A_528] {strides = array<i32>} : memref<2x128x128xf32, #tpu.memory_space<vmem>>, vector<16xf32>,
        %mul3A_530 = arith.mulf %get3A_529, %gather3A_498 : vector<16xf32>
        %swap3A_531 = arith.index_cast %rem3A_52 : i32 to index
        %swap3A_532 = arith.index_cast %add3A_496 : i32 to index
        %swap3A_533 = arith.constant 48 : index
        %swap3A_534 = tpu.vector_load %arg10[%swap3A_531, %swap3A_532, %swap3A_533] {strides = array<i32>} : memref<2x128x128xf32, #tpu.memory_space<vmem>>, vector<16xf32>,
        tpu.vector_store %arg10[%swap3A_531, %swap3A_532, %swap3A_533], %mul3A_530 {strides = array<i32>} : memref<2x128x128xf32, #tpu.memory_space<vmem>>, vector<16xf32>,
        %get3A_535 = arith.index_cast %rem3A_52 : i32 to index
        %get3A_536 = arith.index_cast %add3A_496 : i32 to index
        %get3A_537 = arith.constant 64 : index
        %get3A_538 = tpu.vector_load %arg10[%get3A_535, %get3A_536, %get3A_537] {strides = array<i32>} : memref<2x128x128xf32, #tpu.memory_space<vmem>>, vector<16xf32>,
        %mul3A_539 = arith.mulf %get3A_538, %gather3A_498 : vector<16xf32>
        %swap3A_540 = arith.index_cast %rem3A_52 : i32 to index
        %swap3A_541 = arith.index_cast %add3A_496 : i32 to index
        %swap3A_542 = arith.constant 64 : index
        %swap3A_543 = tpu.vector_load %arg10[%swap3A_540, %swap3A_541, %swap3A_542] {strides = array<i32>} : memref<2x128x128xf32, #tpu.memory_space<vmem>>, vector<16xf32>,
        tpu.vector_store %arg10[%swap3A_540, %swap3A_541, %swap3A_542], %mul3A_539 {strides = array<i32>} : memref<2x128x128xf32, #tpu.memory_space<vmem>>, vector<16xf32>,
        %get3A_544 = arith.index_cast %rem3A_52 : i32 to index
        %get3A_545 = arith.index_cast %add3A_496 : i32 to index
        %get3A_546 = arith.constant 80 : index
        %get3A_547 = tpu.vector_load %arg10[%get3A_544, %get3A_545, %get3A_546] {strides = array<i32>} : memref<2x128x128xf32, #tpu.memory_space<vmem>>, vector<16xf32>,
        %mul3A_548 = arith.mulf %get3A_547, %gather3A_498 : vector<16xf32>
        %swap3A_549 = arith.index_cast %rem3A_52 : i32 to index
        %swap3A_550 = arith.index_cast %add3A_496 : i32 to index
        %swap3A_551 = arith.constant 80 : index
        %swap3A_552 = tpu.vector_load %arg10[%swap3A_549, %swap3A_550, %swap3A_551] {strides = array<i32>} : memref<2x128x128xf32, #tpu.memory_space<vmem>>, vector<16xf32>,
        tpu.vector_store %arg10[%swap3A_549, %swap3A_550, %swap3A_551], %mul3A_548 {strides = array<i32>} : memref<2x128x128xf32, #tpu.memory_space<vmem>>, vector<16xf32>,
        %get3A_553 = arith.index_cast %rem3A_52 : i32 to index
        %get3A_554 = arith.index_cast %add3A_496 : i32 to index
        %get3A_555 = arith.constant 96 : index
        %get3A_556 = tpu.vector_load %arg10[%get3A_553, %get3A_554, %get3A_555] {strides = array<i32>} : memref<2x128x128xf32, #tpu.memory_space<vmem>>, vector<16xf32>,
        %mul3A_557 = arith.mulf %get3A_556, %gather3A_498 : vector<16xf32>
        %swap3A_558 = arith.index_cast %rem3A_52 : i32 to index
        %swap3A_559 = arith.index_cast %add3A_496 : i32 to index
        %swap3A_560 = arith.constant 96 : index
        %swap3A_561 = tpu.vector_load %arg10[%swap3A_558, %swap3A_559, %swap3A_560] {strides = array<i32>} : memref<2x128x128xf32, #tpu.memory_space<vmem>>, vector<16xf32>,
        tpu.vector_store %arg10[%swap3A_558, %swap3A_559, %swap3A_560], %mul3A_557 {strides = array<i32>} : memref<2x128x128xf32, #tpu.memory_space<vmem>>, vector<16xf32>,
        %get3A_562 = arith.index_cast %rem3A_52 : i32 to index
        %get3A_563 = arith.index_cast %add3A_496 : i32 to index
        %get3A_564 = arith.constant 112 : index
        %get3A_565 = tpu.vector_load %arg10[%get3A_562, %get3A_563, %get3A_564] {strides = array<i32>} : memref<2x128x128xf32, #tpu.memory_space<vmem>>, vector<16xf32>,
        %mul3A_566 = arith.mulf %get3A_565, %gather3A_498 : vector<16xf32>
        %swap3A_567 = arith.index_cast %rem3A_52 : i32 to index
        %swap3A_568 = arith.index_cast %add3A_496 : i32 to index
        %swap3A_569 = arith.constant 112 : index
        %swap3A_570 = tpu.vector_load %arg10[%swap3A_567, %swap3A_568, %swap3A_569] {strides = array<i32>} : memref<2x128x128xf32, #tpu.memory_space<vmem>>, vector<16xf32>,
        tpu.vector_store %arg10[%swap3A_567, %swap3A_568, %swap3A_569], %mul3A_566 {strides = array<i32>} : memref<2x128x128xf32, #tpu.memory_space<vmem>>, vector<16xf32>,
        %mul3A_571 = arith.constant 8 : i32
        %mul3A_572 = arith.muli %scan3A_104, %mul3A_571 : i32
        %add3A_573 = arith.constant 6 : i32
        %add3A_574 = arith.addi %mul3A_572, %add3A_573 : i32
        %broadcast_in_dim3A_575 = vector.broadcast %add3A_574 : i32 to vector<16xi32>
        %gather3A_576 = tpu.vector_load_idx %arg9[%broadcast_in_dim3A, %broadcast_in_dim3A_575] : memref<2x128xf32, #tpu.memory_space<vmem>>[vector<16xi32>, vector<16xi32>], vector<16xf32>,
        %get3A_577 = arith.index_cast %rem3A_52 : i32 to index
        %get3A_578 = arith.index_cast %add3A_574 : i32 to index
        %get3A_579 = arith.constant 0 : index
        %get3A_580 = tpu.vector_load %arg10[%get3A_577, %get3A_578, %get3A_579] {strides = array<i32>} : memref<2x128x128xf32, #tpu.memory_space<vmem>>, vector<16xf32>,
        %mul3A_581 = arith.mulf %get3A_580, %gather3A_576 : vector<16xf32>
        %swap3A_582 = arith.index_cast %rem3A_52 : i32 to index
        %swap3A_583 = arith.index_cast %add3A_574 : i32 to index
        %swap3A_584 = arith.constant 0 : index
        %swap3A_585 = tpu.vector_load %arg10[%swap3A_582, %swap3A_583, %swap3A_584] {strides = array<i32>} : memref<2x128x128xf32, #tpu.memory_space<vmem>>, vector<16xf32>,
        tpu.vector_store %arg10[%swap3A_582, %swap3A_583, %swap3A_584], %mul3A_581 {strides = array<i32>} : memref<2x128x128xf32, #tpu.memory_space<vmem>>, vector<16xf32>,
        %get3A_586 = arith.index_cast %rem3A_52 : i32 to index
        %get3A_587 = arith.index_cast %add3A_574 : i32 to index
        %get3A_588 = arith.constant 16 : index
        %get3A_589 = tpu.vector_load %arg10[%get3A_586, %get3A_587, %get3A_588] {strides = array<i32>} : memref<2x128x128xf32, #tpu.memory_space<vmem>>, vector<16xf32>,
        %mul3A_590 = arith.mulf %get3A_589, %gather3A_576 : vector<16xf32>
        %swap3A_591 = arith.index_cast %rem3A_52 : i32 to index
        %swap3A_592 = arith.index_cast %add3A_574 : i32 to index
        %swap3A_593 = arith.constant 16 : index
        %swap3A_594 = tpu.vector_load %arg10[%swap3A_591, %swap3A_592, %swap3A_593] {strides = array<i32>} : memref<2x128x128xf32, #tpu.memory_space<vmem>>, vector<16xf32>,
        tpu.vector_store %arg10[%swap3A_591, %swap3A_592, %swap3A_593], %mul3A_590 {strides = array<i32>} : memref<2x128x128xf32, #tpu.memory_space<vmem>>, vector<16xf32>,
        %get3A_595 = arith.index_cast %rem3A_52 : i32 to index
        %get3A_596 = arith.index_cast %add3A_574 : i32 to index
        %get3A_597 = arith.constant 32 : index
        %get3A_598 = tpu.vector_load %arg10[%get3A_595, %get3A_596, %get3A_597] {strides = array<i32>} : memref<2x128x128xf32, #tpu.memory_space<vmem>>, vector<16xf32>,
        %mul3A_599 = arith.mulf %get3A_598, %gather3A_576 : vector<16xf32>
        %swap3A_600 = arith.index_cast %rem3A_52 : i32 to index
        %swap3A_601 = arith.index_cast %add3A_574 : i32 to index
        %swap3A_602 = arith.constant 32 : index
        %swap3A_603 = tpu.vector_load %arg10[%swap3A_600, %swap3A_601, %swap3A_602] {strides = array<i32>} : memref<2x128x128xf32, #tpu.memory_space<vmem>>, vector<16xf32>,
        tpu.vector_store %arg10[%swap3A_600, %swap3A_601, %swap3A_602], %mul3A_599 {strides = array<i32>} : memref<2x128x128xf32, #tpu.memory_space<vmem>>, vector<16xf32>,
        %get3A_604 = arith.index_cast %rem3A_52 : i32 to index
        %get3A_605 = arith.index_cast %add3A_574 : i32 to index
        %get3A_606 = arith.constant 48 : index
        %get3A_607 = tpu.vector_load %arg10[%get3A_604, %get3A_605, %get3A_606] {strides = array<i32>} : memref<2x128x128xf32, #tpu.memory_space<vmem>>, vector<16xf32>,
        %mul3A_608 = arith.mulf %get3A_607, %gather3A_576 : vector<16xf32>
        %swap3A_609 = arith.index_cast %rem3A_52 : i32 to index
        %swap3A_610 = arith.index_cast %add3A_574 : i32 to index
        %swap3A_611 = arith.constant 48 : index
        %swap3A_612 = tpu.vector_load %arg10[%swap3A_609, %swap3A_610, %swap3A_611] {strides = array<i32>} : memref<2x128x128xf32, #tpu.memory_space<vmem>>, vector<16xf32>,
        tpu.vector_store %arg10[%swap3A_609, %swap3A_610, %swap3A_611], %mul3A_608 {strides = array<i32>} : memref<2x128x128xf32, #tpu.memory_space<vmem>>, vector<16xf32>,
        %get3A_613 = arith.index_cast %rem3A_52 : i32 to index
        %get3A_614 = arith.index_cast %add3A_574 : i32 to index
        %get3A_615 = arith.constant 64 : index
        %get3A_616 = tpu.vector_load %arg10[%get3A_613, %get3A_614, %get3A_615] {strides = array<i32>} : memref<2x128x128xf32, #tpu.memory_space<vmem>>, vector<16xf32>,
        %mul3A_617 = arith.mulf %get3A_616, %gather3A_576 : vector<16xf32>
        %swap3A_618 = arith.index_cast %rem3A_52 : i32 to index
        %swap3A_619 = arith.index_cast %add3A_574 : i32 to index
        %swap3A_620 = arith.constant 64 : index
        %swap3A_621 = tpu.vector_load %arg10[%swap3A_618, %swap3A_619, %swap3A_620] {strides = array<i32>} : memref<2x128x128xf32, #tpu.memory_space<vmem>>, vector<16xf32>,
        tpu.vector_store %arg10[%swap3A_618, %swap3A_619, %swap3A_620], %mul3A_617 {strides = array<i32>} : memref<2x128x128xf32, #tpu.memory_space<vmem>>, vector<16xf32>,
        %get3A_622 = arith.index_cast %rem3A_52 : i32 to index
        %get3A_623 = arith.index_cast %add3A_574 : i32 to index
        %get3A_624 = arith.constant 80 : index
        %get3A_625 = tpu.vector_load %arg10[%get3A_622, %get3A_623, %get3A_624] {strides = array<i32>} : memref<2x128x128xf32, #tpu.memory_space<vmem>>, vector<16xf32>,
        %mul3A_626 = arith.mulf %get3A_625, %gather3A_576 : vector<16xf32>
        %swap3A_627 = arith.index_cast %rem3A_52 : i32 to index
        %swap3A_628 = arith.index_cast %add3A_574 : i32 to index
        %swap3A_629 = arith.constant 80 : index
        %swap3A_630 = tpu.vector_load %arg10[%swap3A_627, %swap3A_628, %swap3A_629] {strides = array<i32>} : memref<2x128x128xf32, #tpu.memory_space<vmem>>, vector<16xf32>,
        tpu.vector_store %arg10[%swap3A_627, %swap3A_628, %swap3A_629], %mul3A_626 {strides = array<i32>} : memref<2x128x128xf32, #tpu.memory_space<vmem>>, vector<16xf32>,
        %get3A_631 = arith.index_cast %rem3A_52 : i32 to index
        %get3A_632 = arith.index_cast %add3A_574 : i32 to index
        %get3A_633 = arith.constant 96 : index
        %get3A_634 = tpu.vector_load %arg10[%get3A_631, %get3A_632, %get3A_633] {strides = array<i32>} : memref<2x128x128xf32, #tpu.memory_space<vmem>>, vector<16xf32>,
        %mul3A_635 = arith.mulf %get3A_634, %gather3A_576 : vector<16xf32>
        %swap3A_636 = arith.index_cast %rem3A_52 : i32 to index
        %swap3A_637 = arith.index_cast %add3A_574 : i32 to index
        %swap3A_638 = arith.constant 96 : index
        %swap3A_639 = tpu.vector_load %arg10[%swap3A_636, %swap3A_637, %swap3A_638] {strides = array<i32>} : memref<2x128x128xf32, #tpu.memory_space<vmem>>, vector<16xf32>,
        tpu.vector_store %arg10[%swap3A_636, %swap3A_637, %swap3A_638], %mul3A_635 {strides = array<i32>} : memref<2x128x128xf32, #tpu.memory_space<vmem>>, vector<16xf32>,
        %get3A_640 = arith.index_cast %rem3A_52 : i32 to index
        %get3A_641 = arith.index_cast %add3A_574 : i32 to index
        %get3A_642 = arith.constant 112 : index
        %get3A_643 = tpu.vector_load %arg10[%get3A_640, %get3A_641, %get3A_642] {strides = array<i32>} : memref<2x128x128xf32, #tpu.memory_space<vmem>>, vector<16xf32>,
        %mul3A_644 = arith.mulf %get3A_643, %gather3A_576 : vector<16xf32>
        %swap3A_645 = arith.index_cast %rem3A_52 : i32 to index
        %swap3A_646 = arith.index_cast %add3A_574 : i32 to index
        %swap3A_647 = arith.constant 112 : index
        %swap3A_648 = tpu.vector_load %arg10[%swap3A_645, %swap3A_646, %swap3A_647] {strides = array<i32>} : memref<2x128x128xf32, #tpu.memory_space<vmem>>, vector<16xf32>,
        tpu.vector_store %arg10[%swap3A_645, %swap3A_646, %swap3A_647], %mul3A_644 {strides = array<i32>} : memref<2x128x128xf32, #tpu.memory_space<vmem>>, vector<16xf32>,
        %mul3A_649 = arith.constant 8 : i32
        %mul3A_650 = arith.muli %scan3A_104, %mul3A_649 : i32
        %add3A_651 = arith.constant 7 : i32
        %add3A_652 = arith.addi %mul3A_650, %add3A_651 : i32
        %broadcast_in_dim3A_653 = vector.broadcast %add3A_652 : i32 to vector<16xi32>
        %gather3A_654 = tpu.vector_load_idx %arg9[%broadcast_in_dim3A, %broadcast_in_dim3A_653] : memref<2x128xf32, #tpu.memory_space<vmem>>[vector<16xi32>, vector<16xi32>], vector<16xf32>,
        %get3A_655 = arith.index_cast %rem3A_52 : i32 to index
        %get3A_656 = arith.index_cast %add3A_652 : i32 to index
        %get3A_657 = arith.constant 0 : index
        %get3A_658 = tpu.vector_load %arg10[%get3A_655, %get3A_656, %get3A_657] {strides = array<i32>} : memref<2x128x128xf32, #tpu.memory_space<vmem>>, vector<16xf32>,
        %mul3A_659 = arith.mulf %get3A_658, %gather3A_654 : vector<16xf32>
        %swap3A_660 = arith.index_cast %rem3A_52 : i32 to index
        %swap3A_661 = arith.index_cast %add3A_652 : i32 to index
        %swap3A_662 = arith.constant 0 : index
        %swap3A_663 = tpu.vector_load %arg10[%swap3A_660, %swap3A_661, %swap3A_662] {strides = array<i32>} : memref<2x128x128xf32, #tpu.memory_space<vmem>>, vector<16xf32>,
        tpu.vector_store %arg10[%swap3A_660, %swap3A_661, %swap3A_662], %mul3A_659 {strides = array<i32>} : memref<2x128x128xf32, #tpu.memory_space<vmem>>, vector<16xf32>,
        %get3A_664 = arith.index_cast %rem3A_52 : i32 to index
        %get3A_665 = arith.index_cast %add3A_652 : i32 to index
        %get3A_666 = arith.constant 16 : index
        %get3A_667 = tpu.vector_load %arg10[%get3A_664, %get3A_665, %get3A_666] {strides = array<i32>} : memref<2x128x128xf32, #tpu.memory_space<vmem>>, vector<16xf32>,
        %mul3A_668 = arith.mulf %get3A_667, %gather3A_654 : vector<16xf32>
        %swap3A_669 = arith.index_cast %rem3A_52 : i32 to index
        %swap3A_670 = arith.index_cast %add3A_652 : i32 to index
        %swap3A_671 = arith.constant 16 : index
        %swap3A_672 = tpu.vector_load %arg10[%swap3A_669, %swap3A_670, %swap3A_671] {strides = array<i32>} : memref<2x128x128xf32, #tpu.memory_space<vmem>>, vector<16xf32>,
        tpu.vector_store %arg10[%swap3A_669, %swap3A_670, %swap3A_671], %mul3A_668 {strides = array<i32>} : memref<2x128x128xf32, #tpu.memory_space<vmem>>, vector<16xf32>,
        %get3A_673 = arith.index_cast %rem3A_52 : i32 to index
        %get3A_674 = arith.index_cast %add3A_652 : i32 to index
        %get3A_675 = arith.constant 32 : index
        %get3A_676 = tpu.vector_load %arg10[%get3A_673, %get3A_674, %get3A_675] {strides = array<i32>} : memref<2x128x128xf32, #tpu.memory_space<vmem>>, vector<16xf32>,
        %mul3A_677 = arith.mulf %get3A_676, %gather3A_654 : vector<16xf32>
        %swap3A_678 = arith.index_cast %rem3A_52 : i32 to index
        %swap3A_679 = arith.index_cast %add3A_652 : i32 to index
        %swap3A_680 = arith.constant 32 : index
        %swap3A_681 = tpu.vector_load %arg10[%swap3A_678, %swap3A_679, %swap3A_680] {strides = array<i32>} : memref<2x128x128xf32, #tpu.memory_space<vmem>>, vector<16xf32>,
        tpu.vector_store %arg10[%swap3A_678, %swap3A_679, %swap3A_680], %mul3A_677 {strides = array<i32>} : memref<2x128x128xf32, #tpu.memory_space<vmem>>, vector<16xf32>,
        %get3A_682 = arith.index_cast %rem3A_52 : i32 to index
        %get3A_683 = arith.index_cast %add3A_652 : i32 to index
        %get3A_684 = arith.constant 48 : index
        %get3A_685 = tpu.vector_load %arg10[%get3A_682, %get3A_683, %get3A_684] {strides = array<i32>} : memref<2x128x128xf32, #tpu.memory_space<vmem>>, vector<16xf32>,
        %mul3A_686 = arith.mulf %get3A_685, %gather3A_654 : vector<16xf32>
        %swap3A_687 = arith.index_cast %rem3A_52 : i32 to index
        %swap3A_688 = arith.index_cast %add3A_652 : i32 to index
        %swap3A_689 = arith.constant 48 : index
        %swap3A_690 = tpu.vector_load %arg10[%swap3A_687, %swap3A_688, %swap3A_689] {strides = array<i32>} : memref<2x128x128xf32, #tpu.memory_space<vmem>>, vector<16xf32>,
        tpu.vector_store %arg10[%swap3A_687, %swap3A_688, %swap3A_689], %mul3A_686 {strides = array<i32>} : memref<2x128x128xf32, #tpu.memory_space<vmem>>, vector<16xf32>,
        %get3A_691 = arith.index_cast %rem3A_52 : i32 to index
        %get3A_692 = arith.index_cast %add3A_652 : i32 to index
        %get3A_693 = arith.constant 64 : index
        %get3A_694 = tpu.vector_load %arg10[%get3A_691, %get3A_692, %get3A_693] {strides = array<i32>} : memref<2x128x128xf32, #tpu.memory_space<vmem>>, vector<16xf32>,
        %mul3A_695 = arith.mulf %get3A_694, %gather3A_654 : vector<16xf32>
        %swap3A_696 = arith.index_cast %rem3A_52 : i32 to index
        %swap3A_697 = arith.index_cast %add3A_652 : i32 to index
        %swap3A_698 = arith.constant 64 : index
        %swap3A_699 = tpu.vector_load %arg10[%swap3A_696, %swap3A_697, %swap3A_698] {strides = array<i32>} : memref<2x128x128xf32, #tpu.memory_space<vmem>>, vector<16xf32>,
        tpu.vector_store %arg10[%swap3A_696, %swap3A_697, %swap3A_698], %mul3A_695 {strides = array<i32>} : memref<2x128x128xf32, #tpu.memory_space<vmem>>, vector<16xf32>,
        %get3A_700 = arith.index_cast %rem3A_52 : i32 to index
        %get3A_701 = arith.index_cast %add3A_652 : i32 to index
        %get3A_702 = arith.constant 80 : index
        %get3A_703 = tpu.vector_load %arg10[%get3A_700, %get3A_701, %get3A_702] {strides = array<i32>} : memref<2x128x128xf32, #tpu.memory_space<vmem>>, vector<16xf32>,
        %mul3A_704 = arith.mulf %get3A_703, %gather3A_654 : vector<16xf32>
        %swap3A_705 = arith.index_cast %rem3A_52 : i32 to index
        %swap3A_706 = arith.index_cast %add3A_652 : i32 to index
        %swap3A_707 = arith.constant 80 : index
        %swap3A_708 = tpu.vector_load %arg10[%swap3A_705, %swap3A_706, %swap3A_707] {strides = array<i32>} : memref<2x128x128xf32, #tpu.memory_space<vmem>>, vector<16xf32>,
        tpu.vector_store %arg10[%swap3A_705, %swap3A_706, %swap3A_707], %mul3A_704 {strides = array<i32>} : memref<2x128x128xf32, #tpu.memory_space<vmem>>, vector<16xf32>,
        %get3A_709 = arith.index_cast %rem3A_52 : i32 to index
        %get3A_710 = arith.index_cast %add3A_652 : i32 to index
        %get3A_711 = arith.constant 96 : index
        %get3A_712 = tpu.vector_load %arg10[%get3A_709, %get3A_710, %get3A_711] {strides = array<i32>} : memref<2x128x128xf32, #tpu.memory_space<vmem>>, vector<16xf32>,
        %mul3A_713 = arith.mulf %get3A_712, %gather3A_654 : vector<16xf32>
        %swap3A_714 = arith.index_cast %rem3A_52 : i32 to index
        %swap3A_715 = arith.index_cast %add3A_652 : i32 to index
        %swap3A_716 = arith.constant 96 : index
        %swap3A_717 = tpu.vector_load %arg10[%swap3A_714, %swap3A_715, %swap3A_716] {strides = array<i32>} : memref<2x128x128xf32, #tpu.memory_space<vmem>>, vector<16xf32>,
        tpu.vector_store %arg10[%swap3A_714, %swap3A_715, %swap3A_716], %mul3A_713 {strides = array<i32>} : memref<2x128x128xf32, #tpu.memory_space<vmem>>, vector<16xf32>,
        %get3A_718 = arith.index_cast %rem3A_52 : i32 to index
        %get3A_719 = arith.index_cast %add3A_652 : i32 to index
        %get3A_720 = arith.constant 112 : index
        %get3A_721 = tpu.vector_load %arg10[%get3A_718, %get3A_719, %get3A_720] {strides = array<i32>} : memref<2x128x128xf32, #tpu.memory_space<vmem>>, vector<16xf32>,
        %mul3A_722 = arith.mulf %get3A_721, %gather3A_654 : vector<16xf32>
        %swap3A_723 = arith.index_cast %rem3A_52 : i32 to index
        %swap3A_724 = arith.index_cast %add3A_652 : i32 to index
        %swap3A_725 = arith.constant 112 : index
        %swap3A_726 = tpu.vector_load %arg10[%swap3A_723, %swap3A_724, %swap3A_725] {strides = array<i32>} : memref<2x128x128xf32, #tpu.memory_space<vmem>>, vector<16xf32>,
        tpu.vector_store %arg10[%swap3A_723, %swap3A_724, %swap3A_725], %mul3A_722 {strides = array<i32>} : memref<2x128x128xf32, #tpu.memory_space<vmem>>, vector<16xf32>,
        %scan3A_727 = arith.constant 0 : i32
        scf.yield %scan3A_727 : i32
      }
      %scan3A_84 = arith.constant 16 : i32
      %dma_wait3A_85 = arith.constant 0 : i32
      %dma_wait3A_86 = tpu.memref_slice %arg8[%rem3A_52, %dma_wait3A_85] : memref<2x128xi32, #tpu.memory_space<vmem>> -> memref<1x128xi32, #tpu.memory_space<vmem>>
      %dma_wait3A_87 = tpu.memref_squeeze %dma_wait3A_86 : memref<1x128xi32, #tpu.memory_space<vmem>> -> memref<128xi32, #tpu.memory_space<vmem>>
      %dma_wait3A_88 = arith.constant 0 : i32
      %dma_wait3A_89 = tpu.memref_slice %arg4[%add3A, %scan3A_50, %dma_wait3A_88] : memref<32x79x128xi32, #tpu.memory_space<hbm>> -> memref<1x1x128xi32, #tpu.memory_space<hbm>>
      %dma_wait3A_90 = tpu.memref_squeeze %dma_wait3A_89 : memref<1x1x128xi32, #tpu.memory_space<hbm>> -> memref<128xi32, #tpu.memory_space<hbm>>
      %dma_wait3A_91 = tpu.memref_slice %arg12[%rem3A_52] : memref<2x!tpu.dma_semaphore, #tpu.memory_space<semaphore_mem>> -> memref<1x!tpu.dma_semaphore, #tpu.memory_space<semaphore_mem>>
      %dma_wait3A_92 = tpu.memref_squeeze %dma_wait3A_91 : memref<1x!tpu.dma_semaphore, #tpu.memory_space<semaphore_mem>> -> memref<!tpu.dma_semaphore, #tpu.memory_space<semaphore_mem>>
      %dma_wait3A_93 = arith.constant 0 : i32
      %dma_wait3A_94 = tpu.memref_slice %arg8[%rem3A_52, %dma_wait3A_93] : memref<2x128xi32, #tpu.memory_space<vmem>> -> memref<1x128xi32, #tpu.memory_space<vmem>>
      %dma_wait3A_95 = tpu.memref_squeeze %dma_wait3A_94 : memref<1x128xi32, #tpu.memory_space<vmem>> -> memref<128xi32, #tpu.memory_space<vmem>>
      %dma_wait3A_96 = arith.constant 0 : i32
      %dma_wait3A_97 = tpu.memref_slice %arg4[%add3A, %scan3A_50, %dma_wait3A_96] : memref<32x79x128xi32, #tpu.memory_space<hbm>> -> memref<1x1x128xi32, #tpu.memory_space<hbm>>
      %dma_wait3A_98 = tpu.memref_squeeze %dma_wait3A_97 : memref<1x1x128xi32, #tpu.memory_space<hbm>> -> memref<128xi32, #tpu.memory_space<hbm>>
      tpu.wait_dma2 semaphore(%dma_wait3A_92 : memref<!tpu.dma_semaphore, #tpu.memory_space<semaphore_mem>>) src(%dma_wait3A_98 : memref<128xi32, #tpu.memory_space<hbm>>) dst(%dma_wait3A_95 : memref<128xi32, #tpu.memory_space<vmem>>)
      "tpu.region"() ({
        %run_scoped3A_104 = tpu.sem_alloc : memref<!tpu.dma_semaphore, #tpu.memory_space<semaphore_mem>>
        %dma_start3A = arith.constant 0 : i32
        %dma_start3A_105 = arith.constant 0 : i32
        %dma_start3A_106 = tpu.memref_slice %arg10[%rem3A_52, %dma_start3A, %dma_start3A_105] : memref<2x128x128xf32, #tpu.memory_space<vmem>> -> memref<1x128x128xf32, #tpu.memory_space<vmem>>
        %dma_start3A_107 = tpu.memref_squeeze %dma_start3A_106 : memref<1x128x128xf32, #tpu.memory_space<vmem>> -> memref<128x128xf32, #tpu.memory_space<vmem>>
        %dma_start3A_108 = arith.constant 0 : i32
        %dma_start3A_109 = tpu.memref_slice %arg8[%rem3A_52, %dma_start3A_108] : memref<2x128xi32, #tpu.memory_space<vmem>> -> memref<1x128xi32, #tpu.memory_space<vmem>>
        %dma_start3A_110 = tpu.memref_squeeze %dma_start3A_109 : memref<1x128xi32, #tpu.memory_space<vmem>> -> memref<128xi32, #tpu.memory_space<vmem>>
        %dma_start3A_111 = arith.constant 0 : i32
        %dma_start3A_112 = arith.constant 0 : i32
        %dma_start3A_113 = tpu.memref_slice %arg14[%dma_start3A_111, %dma_start3A_112] : memref<10112x128xf32, #tpu.memory_space<vmem_shared>> -> memref<10112x128xf32, #tpu.memory_space<vmem_shared>>
        tpu.enqueue_indirect_dma source(%dma_start3A_107 : memref<128x128xf32, #tpu.memory_space<vmem>>) target(%dma_start3A_113 : memref<10112x128xf32, #tpu.memory_space<vmem_shared>>) offsets(%dma_start3A_110 : memref<128xi32, #tpu.memory_space<vmem>>) semaphore(%run_scoped3A_104 : memref<!tpu.dma_semaphore, #tpu.memory_space<semaphore_mem>>) {add = true}
        %dma_wait3A_114 = arith.constant 0 : i32
        %dma_wait3A_115 = arith.constant 0 : i32
        %dma_wait3A_116 = tpu.memref_slice %arg10[%rem3A_52, %dma_wait3A_114, %dma_wait3A_115] : memref<2x128x128xf32, #tpu.memory_space<vmem>> -> memref<1x128x128xf32, #tpu.memory_space<vmem>>
        %dma_wait3A_117 = tpu.memref_squeeze %dma_wait3A_116 : memref<1x128x128xf32, #tpu.memory_space<vmem>> -> memref<128x128xf32, #tpu.memory_space<vmem>>
        %dma_wait3A_118 = arith.constant 0 : i32
        %dma_wait3A_119 = tpu.memref_slice %arg8[%rem3A_52, %dma_wait3A_118] : memref<2x128xi32, #tpu.memory_space<vmem>> -> memref<1x128xi32, #tpu.memory_space<vmem>>
        %dma_wait3A_120 = tpu.memref_squeeze %dma_wait3A_119 : memref<1x128xi32, #tpu.memory_space<vmem>> -> memref<128xi32, #tpu.memory_space<vmem>>
        %dma_wait3A_121 = arith.constant 0 : i32
        %dma_wait3A_122 = arith.constant 0 : i32
        %dma_wait3A_123 = tpu.memref_slice %arg14[%dma_wait3A_121, %dma_wait3A_122] : memref<10112x128xf32, #tpu.memory_space<vmem_shared>> -> memref<10112x128xf32, #tpu.memory_space<vmem_shared>>
        tpu.wait_indirect_dma semaphore(%run_scoped3A_104 : memref<!tpu.dma_semaphore, #tpu.memory_space<semaphore_mem>>) src(%dma_wait3A_117 : memref<128x128xf32, #tpu.memory_space<vmem>>) dst(%dma_wait3A_123 : memref<10112x128xf32, #tpu.memory_space<vmem_shared>>)
        tpu.yield
      }) : () -> ()
      %add3A_99 = arith.constant 2 : i32
      %add3A_100 = arith.addi %scan3A_50, %add3A_99 : i32
      %lt3A = arith.constant 79 : i32
      %lt3A_101 = arith.cmpi slt, %add3A_100, %lt3A : i32
      %convert_element_type3A = arith.extui %lt3A_101 : i1 to i32
      %cond3A = arith.constant 0 : i32
      %cond3A_102 = arith.cmpi ne, %convert_element_type3A, %cond3A : i32
      scf.if %cond3A_102 {
        %add3A_104 = arith.constant 2 : i32
        %add3A_105 = arith.addi %scan3A_50, %add3A_104 : i32
        %dma_start3A = arith.constant 0 : i32
        %dma_start3A_106 = arith.constant 0 : i32
        %dma_start3A_107 = tpu.memref_slice %arg10[%rem3A_52, %dma_start3A, %dma_start3A_106] : memref<2x128x128xf32, #tpu.memory_space<vmem>> -> memref<1x128x128xf32, #tpu.memory_space<vmem>>
        %dma_start3A_108 = tpu.memref_squeeze %dma_start3A_107 : memref<1x128x128xf32, #tpu.memory_space<vmem>> -> memref<128x128xf32, #tpu.memory_space<vmem>>
        %dma_start3A_109 = arith.constant 0 : i32
        %dma_start3A_110 = tpu.memref_slice %arg7[%add3A_105, %dma_start3A_109] : memref<79x128xi32, #tpu.memory_space<vmem>> -> memref<1x128xi32, #tpu.memory_space<vmem>>
        %dma_start3A_111 = tpu.memref_squeeze %dma_start3A_110 : memref<1x128xi32, #tpu.memory_space<vmem>> -> memref<128xi32, #tpu.memory_space<vmem>>
        %dma_start3A_112 = arith.constant 0 : i32
        %dma_start3A_113 = arith.constant 0 : i32
        %dma_start3A_114 = tpu.memref_slice %arg2[%dma_start3A_112, %dma_start3A_113] : memref<80000x128xf32, #tpu.memory_space<hbm>> -> memref<80000x128xf32, #tpu.memory_space<hbm>>
        %dma_start3A_115 = tpu.memref_slice %arg11[%rem3A_52] : memref<2x!tpu.dma_semaphore, #tpu.memory_space<semaphore_mem>> -> memref<1x!tpu.dma_semaphore, #tpu.memory_space<semaphore_mem>>
        %dma_start3A_116 = tpu.memref_squeeze %dma_start3A_115 : memref<1x!tpu.dma_semaphore, #tpu.memory_space<semaphore_mem>> -> memref<!tpu.dma_semaphore, #tpu.memory_space<semaphore_mem>>
        tpu.enqueue_indirect_dma source(%dma_start3A_114 : memref<80000x128xf32, #tpu.memory_space<hbm>>) target(%dma_start3A_108 : memref<128x128xf32, #tpu.memory_space<vmem>>) offsets(%dma_start3A_111 : memref<128xi32, #tpu.memory_space<vmem>>) semaphore(%dma_start3A_116 : memref<!tpu.dma_semaphore, #tpu.memory_space<semaphore_mem>>)
        %dma_start3A_117 = arith.constant 0 : i32
        %dma_start3A_118 = tpu.memref_slice %arg8[%rem3A_52, %dma_start3A_117] : memref<2x128xi32, #tpu.memory_space<vmem>> -> memref<1x128xi32, #tpu.memory_space<vmem>>
        %dma_start3A_119 = tpu.memref_squeeze %dma_start3A_118 : memref<1x128xi32, #tpu.memory_space<vmem>> -> memref<128xi32, #tpu.memory_space<vmem>>
        %dma_start3A_120 = arith.constant 0 : i32
        %dma_start3A_121 = tpu.memref_slice %arg4[%add3A, %add3A_105, %dma_start3A_120] : memref<32x79x128xi32, #tpu.memory_space<hbm>> -> memref<1x1x128xi32, #tpu.memory_space<hbm>>
        %dma_start3A_122 = tpu.memref_squeeze %dma_start3A_121 : memref<1x1x128xi32, #tpu.memory_space<hbm>> -> memref<128xi32, #tpu.memory_space<hbm>>
        %dma_start3A_123 = tpu.memref_slice %arg12[%rem3A_52] : memref<2x!tpu.dma_semaphore, #tpu.memory_space<semaphore_mem>> -> memref<1x!tpu.dma_semaphore, #tpu.memory_space<semaphore_mem>>
        %dma_start3A_124 = tpu.memref_squeeze %dma_start3A_123 : memref<1x!tpu.dma_semaphore, #tpu.memory_space<semaphore_mem>> -> memref<!tpu.dma_semaphore, #tpu.memory_space<semaphore_mem>>
        %dma_start3A_125 = arith.constant 0 : i32
        %dma_start3A_126 = tpu.memref_slice %arg8[%rem3A_52, %dma_start3A_125] : memref<2x128xi32, #tpu.memory_space<vmem>> -> memref<1x128xi32, #tpu.memory_space<vmem>>
        %dma_start3A_127 = tpu.memref_squeeze %dma_start3A_126 : memref<1x128xi32, #tpu.memory_space<vmem>> -> memref<128xi32, #tpu.memory_space<vmem>>
        %dma_start3A_128 = arith.constant 0 : i32
        %dma_start3A_129 = tpu.memref_slice %arg4[%add3A, %add3A_105, %dma_start3A_128] : memref<32x79x128xi32, #tpu.memory_space<hbm>> -> memref<1x1x128xi32, #tpu.memory_space<hbm>>
        %dma_start3A_130 = tpu.memref_squeeze %dma_start3A_129 : memref<1x1x128xi32, #tpu.memory_space<hbm>> -> memref<128xi32, #tpu.memory_space<hbm>>
        tpu.enqueue_dma source(%dma_start3A_130 : memref<128xi32, #tpu.memory_space<hbm>>) target(%dma_start3A_127 : memref<128xi32, #tpu.memory_space<vmem>>) target_semaphore(%dma_start3A_124 : memref<!tpu.dma_semaphore, #tpu.memory_space<semaphore_mem>>)
        %dma_start3A_131 = arith.constant 0 : i32
        %dma_start3A_132 = tpu.memref_slice %arg9[%rem3A_52, %dma_start3A_131] : memref<2x128xf32, #tpu.memory_space<vmem>> -> memref<1x128xf32, #tpu.memory_space<vmem>>
        %dma_start3A_133 = tpu.memref_squeeze %dma_start3A_132 : memref<1x128xf32, #tpu.memory_space<vmem>> -> memref<128xf32, #tpu.memory_space<vmem>>
        %dma_start3A_134 = arith.constant 0 : i32
        %dma_start3A_135 = tpu.memref_slice %arg5[%add3A, %add3A_105, %dma_start3A_134] : memref<32x79x128xf32, #tpu.memory_space<hbm>> -> memref<1x1x128xf32, #tpu.memory_space<hbm>>
        %dma_start3A_136 = tpu.memref_squeeze %dma_start3A_135 : memref<1x1x128xf32, #tpu.memory_space<hbm>> -> memref<128xf32, #tpu.memory_space<hbm>>
        %dma_start3A_137 = tpu.memref_slice %arg13[%rem3A_52] : memref<2x!tpu.dma_semaphore, #tpu.memory_space<semaphore_mem>> -> memref<1x!tpu.dma_semaphore, #tpu.memory_space<semaphore_mem>>
        %dma_start3A_138 = tpu.memref_squeeze %dma_start3A_137 : memref<1x!tpu.dma_semaphore, #tpu.memory_space<semaphore_mem>> -> memref<!tpu.dma_semaphore, #tpu.memory_space<semaphore_mem>>
        %dma_start3A_139 = arith.constant 0 : i32
        %dma_start3A_140 = tpu.memref_slice %arg9[%rem3A_52, %dma_start3A_139] : memref<2x128xf32, #tpu.memory_space<vmem>> -> memref<1x128xf32, #tpu.memory_space<vmem>>
        %dma_start3A_141 = tpu.memref_squeeze %dma_start3A_140 : memref<1x128xf32, #tpu.memory_space<vmem>> -> memref<128xf32, #tpu.memory_space<vmem>>
        %dma_start3A_142 = arith.constant 0 : i32
        %dma_start3A_143 = tpu.memref_slice %arg5[%add3A, %add3A_105, %dma_start3A_142] : memref<32x79x128xf32, #tpu.memory_space<hbm>> -> memref<1x1x128xf32, #tpu.memory_space<hbm>>
        %dma_start3A_144 = tpu.memref_squeeze %dma_start3A_143 : memref<1x1x128xf32, #tpu.memory_space<hbm>> -> memref<128xf32, #tpu.memory_space<hbm>>
        tpu.enqueue_dma source(%dma_start3A_144 : memref<128xf32, #tpu.memory_space<hbm>>) target(%dma_start3A_141 : memref<128xf32, #tpu.memory_space<vmem>>) target_semaphore(%dma_start3A_138 : memref<!tpu.dma_semaphore, #tpu.memory_space<semaphore_mem>>)
      } else {
      }
      %scan3A_103 = arith.constant 0 : i32
      scf.yield %scan3A_103 : i32
    }
    %scan3A_44 = arith.constant 79 : i32
    %barrier3A_45 = arith.constant 0 : index
    tpu.barrier barrier_id(%barrier3A_45)
    %mul3A_46 = arith.constant 632 : i32
    %mul3A_47 = arith.muli %arg1, %mul3A_46 : i32
    %mul3A_48 = arith.constant 632 : i32
    %mul3A_49 = arith.muli %arg1, %mul3A_48 : i32
    "tpu.region"() ({
      %run_scoped3A_50 = tpu.sem_alloc : memref<!tpu.dma_semaphore, #tpu.memory_space<semaphore_mem>>
      %dma_start3A = arith.constant 0 : i32
      %dma_start3A_51 = tpu.memref_slice %arg6[%arg0, %mul3A_49, %dma_start3A] : memref<2x10112x128xf32, #tpu.memory_space<hbm>> -> memref<1x632x128xf32, #tpu.memory_space<hbm>>
      %dma_start3A_52 = tpu.memref_squeeze %dma_start3A_51 : memref<1x632x128xf32, #tpu.memory_space<hbm>> -> memref<632x128xf32, #tpu.memory_space<hbm>>
      %dma_start3A_53 = arith.constant 0 : i32
      %dma_start3A_54 = tpu.memref_slice %arg14[%mul3A_47, %dma_start3A_53] : memref<10112x128xf32, #tpu.memory_space<vmem_shared>> -> memref<632x128xf32, #tpu.memory_space<vmem_shared>>
      tpu.enqueue_dma source(%dma_start3A_54 : memref<632x128xf32, #tpu.memory_space<vmem_shared>>) target(%dma_start3A_52 : memref<632x128xf32, #tpu.memory_space<hbm>>) target_semaphore(%run_scoped3A_50 : memref<!tpu.dma_semaphore, #tpu.memory_space<semaphore_mem>>)
      %dma_wait3A = arith.constant 0 : i32
      %dma_wait3A_55 = tpu.memref_slice %arg6[%arg0, %mul3A_49, %dma_wait3A] : memref<2x10112x128xf32, #tpu.memory_space<hbm>> -> memref<1x632x128xf32, #tpu.memory_space<hbm>>
      %dma_wait3A_56 = tpu.memref_squeeze %dma_wait3A_55 : memref<1x632x128xf32, #tpu.memory_space<hbm>> -> memref<632x128xf32, #tpu.memory_space<hbm>>
      %dma_wait3A_57 = arith.constant 0 : i32
      %dma_wait3A_58 = tpu.memref_slice %arg14[%mul3A_47, %dma_wait3A_57] : memref<10112x128xf32, #tpu.memory_space<vmem_shared>> -> memref<632x128xf32, #tpu.memory_space<vmem_shared>>
      tpu.wait_dma2 semaphore(%run_scoped3A_50 : memref<!tpu.dma_semaphore, #tpu.memory_space<semaphore_mem>>) src(%dma_wait3A_58 : memref<632x128xf32, #tpu.memory_space<vmem_shared>>) dst(%dma_wait3A_56 : memref<632x128xf32, #tpu.memory_space<hbm>>)
      tpu.yield
    }) : () -> ()
    return
  }
}

#map = affine_map<(d0, d1) -> (0, 0, 0)>
module attributes {stable_mosaic.version = 14 : i64} {
  func.func @k(%arg0: i32, %arg1: i32, %arg2: memref<32x79x128xi32, #tpu.memory_space<hbm>>, %arg3: memref<32x79x128xf32, #tpu.memory_space<hbm>>, %arg4: memref<2x79x128xi32, #tpu.memory_space<vmem>>, %arg5: memref<128xf32, #tpu.memory_space<vmem>>, %arg6: memref<2x128xf32, #tpu.memory_space<vmem>>, %arg7: memref<2x128xf32, #tpu.memory_space<vmem>>, %arg8: memref<5008xf32, #tpu.memory_space<vmem>>, %arg9: memref<!tpu.dma_semaphore, #tpu.memory_space<semaphore_mem>>, %arg10: memref<2x!tpu.dma_semaphore, #tpu.memory_space<semaphore_mem>>, %arg11: memref<2x!tpu.dma_semaphore, #tpu.memory_space<semaphore_mem>>, %arg12: memref<80128xf32, #tpu.memory_space<vmem_shared>>) attributes {dimension_semantics = [#tpu.dimension_semantics<core_parallel>, #tpu.dimension_semantics<subcore_parallel>], iteration_bounds = array<i64: 2, 16>, scalar_prefetch = 0 : i64, scratch_operands = 9 : i64, tpu.core_type = #tpu.core_type<sc_vector_subcore>, window_params = [{transform_indices = #map}, {transform_indices = #map}]} {
    %mul3A = arith.constant 2 : i32
    %mul3A_0 = arith.muli %mul3A, %arg1 : i32
    %add3A = arith.addi %mul3A_0, %arg0 : i32
    %broadcast_in_dim3A = arith.constant 1.000000e+00 : f32
    %broadcast_in_dim3A_1 = vector.broadcast %broadcast_in_dim3A : f32 to vector<16xf32>
    %swap3A = arith.constant 0 : index
    %swap3A_2 = tpu.vector_load %arg5[%swap3A] {strides = array<i32>} : memref<128xf32, #tpu.memory_space<vmem>>, vector<16xf32>,
    %swap3A_3 = vector.shape_cast %swap3A_2 : vector<16xf32> to vector<16xf32>
    %swap3A_4 = vector.shape_cast %broadcast_in_dim3A_1 : vector<16xf32> to vector<16xf32>
    tpu.vector_store %arg5[%swap3A], %swap3A_4 {strides = array<i32>} : memref<128xf32, #tpu.memory_space<vmem>>, vector<16xf32>,
    %broadcast_in_dim3A_5 = arith.constant 1.000000e+00 : f32
    %broadcast_in_dim3A_6 = vector.broadcast %broadcast_in_dim3A_5 : f32 to vector<16xf32>
    %swap3A_7 = arith.constant 16 : index
    %swap3A_8 = tpu.vector_load %arg5[%swap3A_7] {strides = array<i32>} : memref<128xf32, #tpu.memory_space<vmem>>, vector<16xf32>,
    %swap3A_9 = vector.shape_cast %swap3A_8 : vector<16xf32> to vector<16xf32>
    %swap3A_10 = vector.shape_cast %broadcast_in_dim3A_6 : vector<16xf32> to vector<16xf32>
    tpu.vector_store %arg5[%swap3A_7], %swap3A_10 {strides = array<i32>} : memref<128xf32, #tpu.memory_space<vmem>>, vector<16xf32>,
    %broadcast_in_dim3A_11 = arith.constant 1.000000e+00 : f32
    %broadcast_in_dim3A_12 = vector.broadcast %broadcast_in_dim3A_11 : f32 to vector<16xf32>
    %swap3A_13 = arith.constant 32 : index
    %swap3A_14 = tpu.vector_load %arg5[%swap3A_13] {strides = array<i32>} : memref<128xf32, #tpu.memory_space<vmem>>, vector<16xf32>,
    %swap3A_15 = vector.shape_cast %swap3A_14 : vector<16xf32> to vector<16xf32>
    %swap3A_16 = vector.shape_cast %broadcast_in_dim3A_12 : vector<16xf32> to vector<16xf32>
    tpu.vector_store %arg5[%swap3A_13], %swap3A_16 {strides = array<i32>} : memref<128xf32, #tpu.memory_space<vmem>>, vector<16xf32>,
    %broadcast_in_dim3A_17 = arith.constant 1.000000e+00 : f32
    %broadcast_in_dim3A_18 = vector.broadcast %broadcast_in_dim3A_17 : f32 to vector<16xf32>
    %swap3A_19 = arith.constant 48 : index
    %swap3A_20 = tpu.vector_load %arg5[%swap3A_19] {strides = array<i32>} : memref<128xf32, #tpu.memory_space<vmem>>, vector<16xf32>,
    %swap3A_21 = vector.shape_cast %swap3A_20 : vector<16xf32> to vector<16xf32>
    %swap3A_22 = vector.shape_cast %broadcast_in_dim3A_18 : vector<16xf32> to vector<16xf32>
    tpu.vector_store %arg5[%swap3A_19], %swap3A_22 {strides = array<i32>} : memref<128xf32, #tpu.memory_space<vmem>>, vector<16xf32>,
    %broadcast_in_dim3A_23 = arith.constant 1.000000e+00 : f32
    %broadcast_in_dim3A_24 = vector.broadcast %broadcast_in_dim3A_23 : f32 to vector<16xf32>
    %swap3A_25 = arith.constant 64 : index
    %swap3A_26 = tpu.vector_load %arg5[%swap3A_25] {strides = array<i32>} : memref<128xf32, #tpu.memory_space<vmem>>, vector<16xf32>,
    %swap3A_27 = vector.shape_cast %swap3A_26 : vector<16xf32> to vector<16xf32>
    %swap3A_28 = vector.shape_cast %broadcast_in_dim3A_24 : vector<16xf32> to vector<16xf32>
    tpu.vector_store %arg5[%swap3A_25], %swap3A_28 {strides = array<i32>} : memref<128xf32, #tpu.memory_space<vmem>>, vector<16xf32>,
    %broadcast_in_dim3A_29 = arith.constant 1.000000e+00 : f32
    %broadcast_in_dim3A_30 = vector.broadcast %broadcast_in_dim3A_29 : f32 to vector<16xf32>
    %swap3A_31 = arith.constant 80 : index
    %swap3A_32 = tpu.vector_load %arg5[%swap3A_31] {strides = array<i32>} : memref<128xf32, #tpu.memory_space<vmem>>, vector<16xf32>,
    %swap3A_33 = vector.shape_cast %swap3A_32 : vector<16xf32> to vector<16xf32>
    %swap3A_34 = vector.shape_cast %broadcast_in_dim3A_30 : vector<16xf32> to vector<16xf32>
    tpu.vector_store %arg5[%swap3A_31], %swap3A_34 {strides = array<i32>} : memref<128xf32, #tpu.memory_space<vmem>>, vector<16xf32>,
    %broadcast_in_dim3A_35 = arith.constant 1.000000e+00 : f32
    %broadcast_in_dim3A_36 = vector.broadcast %broadcast_in_dim3A_35 : f32 to vector<16xf32>
    %swap3A_37 = arith.constant 96 : index
    %swap3A_38 = tpu.vector_load %arg5[%swap3A_37] {strides = array<i32>} : memref<128xf32, #tpu.memory_space<vmem>>, vector<16xf32>,
    %swap3A_39 = vector.shape_cast %swap3A_38 : vector<16xf32> to vector<16xf32>
    %swap3A_40 = vector.shape_cast %broadcast_in_dim3A_36 : vector<16xf32> to vector<16xf32>
    tpu.vector_store %arg5[%swap3A_37], %swap3A_40 {strides = array<i32>} : memref<128xf32, #tpu.memory_space<vmem>>, vector<16xf32>,
    %broadcast_in_dim3A_41 = arith.constant 1.000000e+00 : f32
    %broadcast_in_dim3A_42 = vector.broadcast %broadcast_in_dim3A_41 : f32 to vector<16xf32>
    %swap3A_43 = arith.constant 112 : index
    %swap3A_44 = tpu.vector_load %arg5[%swap3A_43] {strides = array<i32>} : memref<128xf32, #tpu.memory_space<vmem>>, vector<16xf32>,
    %swap3A_45 = vector.shape_cast %swap3A_44 : vector<16xf32> to vector<16xf32>
    %swap3A_46 = vector.shape_cast %broadcast_in_dim3A_42 : vector<16xf32> to vector<16xf32>
    tpu.vector_store %arg5[%swap3A_43], %swap3A_46 {strides = array<i32>} : memref<128xf32, #tpu.memory_space<vmem>>, vector<16xf32>,
    %scan3A = arith.constant 0 : i32
    %scan3A_47 = arith.constant 0 : i32
    %scan3A_48 = arith.constant 313 : i32
    %scan3A_49 = arith.addi %scan3A_47, %scan3A_48 : i32
    %scan3A_50 = arith.constant 1 : i32
    %scan3A_51 = scf.for %scan3A_100 = %scan3A_47 to %scan3A_49 step %scan3A_50 iter_args(%scan3A_101 = %scan3A) -> (i32)  : i32 {
      %broadcast_in_dim3A_102 = arith.constant 0.000000e+00 : f32
      %broadcast_in_dim3A_103 = vector.broadcast %broadcast_in_dim3A_102 : f32 to vector<16xf32>
      %mul3A_104 = arith.constant 16 : i32
      %mul3A_105 = arith.muli %scan3A_100, %mul3A_104 : i32
      %swap3A_106 = arith.index_cast %mul3A_105 : i32 to index
      %swap3A_107 = tpu.vector_load %arg8[%swap3A_106] {strides = array<i32>} : memref<5008xf32, #tpu.memory_space<vmem>>, vector<16xf32>,
      %swap3A_108 = vector.shape_cast %swap3A_107 : vector<16xf32> to vector<16xf32>
      %swap3A_109 = vector.shape_cast %broadcast_in_dim3A_103 : vector<16xf32> to vector<16xf32>
      tpu.vector_store %arg8[%swap3A_106], %swap3A_109 {strides = array<i32>} : memref<5008xf32, #tpu.memory_space<vmem>>, vector<16xf32>,
      %scan3A_110 = arith.constant 0 : i32
      scf.yield %scan3A_110 : i32
    }
    %scan3A_52 = arith.constant 313 : i32
    %mul3A_53 = arith.constant 2 : i32
    %mul3A_54 = arith.muli %mul3A_53, %arg1 : i32
    %add3A_55 = arith.constant 0 : i32
    %add3A_56 = arith.addi %mul3A_54, %add3A_55 : i32
    %run_scoped3A = arith.constant 0 : i32
    "tpu.region"() ({
      %run_scoped3A_100 = tpu.sem_alloc : memref<!tpu.dma_semaphore, #tpu.memory_space<semaphore_mem>>
      %dma_start3A = arith.constant 0 : i32
      %dma_start3A_101 = arith.constant 0 : i32
      %dma_start3A_102 = tpu.memref_slice %arg4[%run_scoped3A, %dma_start3A, %dma_start3A_101] : memref<2x79x128xi32, #tpu.memory_space<vmem>> -> memref<1x79x128xi32, #tpu.memory_space<vmem>>
      %dma_start3A_103 = tpu.memref_squeeze %dma_start3A_102 : memref<1x79x128xi32, #tpu.memory_space<vmem>> -> memref<79x128xi32, #tpu.memory_space<vmem>>
      %dma_start3A_104 = arith.constant 0 : i32
      %dma_start3A_105 = arith.constant 0 : i32
      %dma_start3A_106 = tpu.memref_slice %arg2[%add3A_56, %dma_start3A_104, %dma_start3A_105] : memref<32x79x128xi32, #tpu.memory_space<hbm>> -> memref<1x79x128xi32, #tpu.memory_space<hbm>>
      %dma_start3A_107 = tpu.memref_squeeze %dma_start3A_106 : memref<1x79x128xi32, #tpu.memory_space<hbm>> -> memref<79x128xi32, #tpu.memory_space<hbm>>
      %dma_start3A_108 = arith.constant 0 : i32
      %dma_start3A_109 = arith.constant 0 : i32
      %dma_start3A_110 = tpu.memref_slice %arg4[%run_scoped3A, %dma_start3A_108, %dma_start3A_109] : memref<2x79x128xi32, #tpu.memory_space<vmem>> -> memref<1x79x128xi32, #tpu.memory_space<vmem>>
      %dma_start3A_111 = tpu.memref_squeeze %dma_start3A_110 : memref<1x79x128xi32, #tpu.memory_space<vmem>> -> memref<79x128xi32, #tpu.memory_space<vmem>>
      %dma_start3A_112 = arith.constant 0 : i32
      %dma_start3A_113 = arith.constant 0 : i32
      %dma_start3A_114 = tpu.memref_slice %arg2[%add3A_56, %dma_start3A_112, %dma_start3A_113] : memref<32x79x128xi32, #tpu.memory_space<hbm>> -> memref<1x79x128xi32, #tpu.memory_space<hbm>>
      %dma_start3A_115 = tpu.memref_squeeze %dma_start3A_114 : memref<1x79x128xi32, #tpu.memory_space<hbm>> -> memref<79x128xi32, #tpu.memory_space<hbm>>
      tpu.enqueue_dma source(%dma_start3A_115 : memref<79x128xi32, #tpu.memory_space<hbm>>) target(%dma_start3A_111 : memref<79x128xi32, #tpu.memory_space<vmem>>) target_semaphore(%run_scoped3A_100 : memref<!tpu.dma_semaphore, #tpu.memory_space<semaphore_mem>>)
      %dma_wait3A = arith.constant 0 : i32
      %dma_wait3A_116 = arith.constant 0 : i32
      %dma_wait3A_117 = tpu.memref_slice %arg4[%run_scoped3A, %dma_wait3A, %dma_wait3A_116] : memref<2x79x128xi32, #tpu.memory_space<vmem>> -> memref<1x79x128xi32, #tpu.memory_space<vmem>>
      %dma_wait3A_118 = tpu.memref_squeeze %dma_wait3A_117 : memref<1x79x128xi32, #tpu.memory_space<vmem>> -> memref<79x128xi32, #tpu.memory_space<vmem>>
      %dma_wait3A_119 = arith.constant 0 : i32
      %dma_wait3A_120 = arith.constant 0 : i32
      %dma_wait3A_121 = tpu.memref_slice %arg2[%add3A_56, %dma_wait3A_119, %dma_wait3A_120] : memref<32x79x128xi32, #tpu.memory_space<hbm>> -> memref<1x79x128xi32, #tpu.memory_space<hbm>>
      %dma_wait3A_122 = tpu.memref_squeeze %dma_wait3A_121 : memref<1x79x128xi32, #tpu.memory_space<hbm>> -> memref<79x128xi32, #tpu.memory_space<hbm>>
      %dma_wait3A_123 = arith.constant 0 : i32
      %dma_wait3A_124 = arith.constant 0 : i32
      %dma_wait3A_125 = tpu.memref_slice %arg4[%run_scoped3A, %dma_wait3A_123, %dma_wait3A_124] : memref<2x79x128xi32, #tpu.memory_space<vmem>> -> memref<1x79x128xi32, #tpu.memory_space<vmem>>
      %dma_wait3A_126 = tpu.memref_squeeze %dma_wait3A_125 : memref<1x79x128xi32, #tpu.memory_space<vmem>> -> memref<79x128xi32, #tpu.memory_space<vmem>>
      %dma_wait3A_127 = arith.constant 0 : i32
      %dma_wait3A_128 = arith.constant 0 : i32
      %dma_wait3A_129 = tpu.memref_slice %arg2[%add3A_56, %dma_wait3A_127, %dma_wait3A_128] : memref<32x79x128xi32, #tpu.memory_space<hbm>> -> memref<1x79x128xi32, #tpu.memory_space<hbm>>
      %dma_wait3A_130 = tpu.memref_squeeze %dma_wait3A_129 : memref<1x79x128xi32, #tpu.memory_space<hbm>> -> memref<79x128xi32, #tpu.memory_space<hbm>>
      tpu.wait_dma2 semaphore(%run_scoped3A_100 : memref<!tpu.dma_semaphore, #tpu.memory_space<semaphore_mem>>) src(%dma_wait3A_130 : memref<79x128xi32, #tpu.memory_space<hbm>>) dst(%dma_wait3A_126 : memref<79x128xi32, #tpu.memory_space<vmem>>)
      tpu.yield
    }) : () -> ()
    %mul3A_57 = arith.constant 2 : i32
    %mul3A_58 = arith.muli %mul3A_57, %arg1 : i32
    %add3A_59 = arith.constant 1 : i32
    %add3A_60 = arith.addi %mul3A_58, %add3A_59 : i32
    %run_scoped3A_61 = arith.constant 1 : i32
    "tpu.region"() ({
      %run_scoped3A_100 = tpu.sem_alloc : memref<!tpu.dma_semaphore, #tpu.memory_space<semaphore_mem>>
      %dma_start3A = arith.constant 0 : i32
      %dma_start3A_101 = arith.constant 0 : i32
      %dma_start3A_102 = tpu.memref_slice %arg4[%run_scoped3A_61, %dma_start3A, %dma_start3A_101] : memref<2x79x128xi32, #tpu.memory_space<vmem>> -> memref<1x79x128xi32, #tpu.memory_space<vmem>>
      %dma_start3A_103 = tpu.memref_squeeze %dma_start3A_102 : memref<1x79x128xi32, #tpu.memory_space<vmem>> -> memref<79x128xi32, #tpu.memory_space<vmem>>
      %dma_start3A_104 = arith.constant 0 : i32
      %dma_start3A_105 = arith.constant 0 : i32
      %dma_start3A_106 = tpu.memref_slice %arg2[%add3A_60, %dma_start3A_104, %dma_start3A_105] : memref<32x79x128xi32, #tpu.memory_space<hbm>> -> memref<1x79x128xi32, #tpu.memory_space<hbm>>
      %dma_start3A_107 = tpu.memref_squeeze %dma_start3A_106 : memref<1x79x128xi32, #tpu.memory_space<hbm>> -> memref<79x128xi32, #tpu.memory_space<hbm>>
      %dma_start3A_108 = arith.constant 0 : i32
      %dma_start3A_109 = arith.constant 0 : i32
      %dma_start3A_110 = tpu.memref_slice %arg4[%run_scoped3A_61, %dma_start3A_108, %dma_start3A_109] : memref<2x79x128xi32, #tpu.memory_space<vmem>> -> memref<1x79x128xi32, #tpu.memory_space<vmem>>
      %dma_start3A_111 = tpu.memref_squeeze %dma_start3A_110 : memref<1x79x128xi32, #tpu.memory_space<vmem>> -> memref<79x128xi32, #tpu.memory_space<vmem>>
      %dma_start3A_112 = arith.constant 0 : i32
      %dma_start3A_113 = arith.constant 0 : i32
      %dma_start3A_114 = tpu.memref_slice %arg2[%add3A_60, %dma_start3A_112, %dma_start3A_113] : memref<32x79x128xi32, #tpu.memory_space<hbm>> -> memref<1x79x128xi32, #tpu.memory_space<hbm>>
      %dma_start3A_115 = tpu.memref_squeeze %dma_start3A_114 : memref<1x79x128xi32, #tpu.memory_space<hbm>> -> memref<79x128xi32, #tpu.memory_space<hbm>>
      tpu.enqueue_dma source(%dma_start3A_115 : memref<79x128xi32, #tpu.memory_space<hbm>>) target(%dma_start3A_111 : memref<79x128xi32, #tpu.memory_space<vmem>>) target_semaphore(%run_scoped3A_100 : memref<!tpu.dma_semaphore, #tpu.memory_space<semaphore_mem>>)
      %dma_wait3A = arith.constant 0 : i32
      %dma_wait3A_116 = arith.constant 0 : i32
      %dma_wait3A_117 = tpu.memref_slice %arg4[%run_scoped3A_61, %dma_wait3A, %dma_wait3A_116] : memref<2x79x128xi32, #tpu.memory_space<vmem>> -> memref<1x79x128xi32, #tpu.memory_space<vmem>>
      %dma_wait3A_118 = tpu.memref_squeeze %dma_wait3A_117 : memref<1x79x128xi32, #tpu.memory_space<vmem>> -> memref<79x128xi32, #tpu.memory_space<vmem>>
      %dma_wait3A_119 = arith.constant 0 : i32
      %dma_wait3A_120 = arith.constant 0 : i32
      %dma_wait3A_121 = tpu.memref_slice %arg2[%add3A_60, %dma_wait3A_119, %dma_wait3A_120] : memref<32x79x128xi32, #tpu.memory_space<hbm>> -> memref<1x79x128xi32, #tpu.memory_space<hbm>>
      %dma_wait3A_122 = tpu.memref_squeeze %dma_wait3A_121 : memref<1x79x128xi32, #tpu.memory_space<hbm>> -> memref<79x128xi32, #tpu.memory_space<hbm>>
      %dma_wait3A_123 = arith.constant 0 : i32
      %dma_wait3A_124 = arith.constant 0 : i32
      %dma_wait3A_125 = tpu.memref_slice %arg4[%run_scoped3A_61, %dma_wait3A_123, %dma_wait3A_124] : memref<2x79x128xi32, #tpu.memory_space<vmem>> -> memref<1x79x128xi32, #tpu.memory_space<vmem>>
      %dma_wait3A_126 = tpu.memref_squeeze %dma_wait3A_125 : memref<1x79x128xi32, #tpu.memory_space<vmem>> -> memref<79x128xi32, #tpu.memory_space<vmem>>
      %dma_wait3A_127 = arith.constant 0 : i32
      %dma_wait3A_128 = arith.constant 0 : i32
      %dma_wait3A_129 = tpu.memref_slice %arg2[%add3A_60, %dma_wait3A_127, %dma_wait3A_128] : memref<32x79x128xi32, #tpu.memory_space<hbm>> -> memref<1x79x128xi32, #tpu.memory_space<hbm>>
      %dma_wait3A_130 = tpu.memref_squeeze %dma_wait3A_129 : memref<1x79x128xi32, #tpu.memory_space<hbm>> -> memref<79x128xi32, #tpu.memory_space<hbm>>
      tpu.wait_dma2 semaphore(%run_scoped3A_100 : memref<!tpu.dma_semaphore, #tpu.memory_space<semaphore_mem>>) src(%dma_wait3A_130 : memref<79x128xi32, #tpu.memory_space<hbm>>) dst(%dma_wait3A_126 : memref<79x128xi32, #tpu.memory_space<vmem>>)
      tpu.yield
    }) : () -> ()
    %mul3A_62 = arith.constant 5008 : i32
    %mul3A_63 = arith.muli %arg1, %mul3A_62 : i32
    "tpu.region"() ({
      %run_scoped3A_100 = tpu.sem_alloc : memref<!tpu.dma_semaphore, #tpu.memory_space<semaphore_mem>>
      %dma_start3A = tpu.memref_slice %arg12[%mul3A_63] : memref<80128xf32, #tpu.memory_space<vmem_shared>> -> memref<5008xf32, #tpu.memory_space<vmem_shared>>
      %dma_start3A_101 = tpu.memref_slice %arg12[%mul3A_63] : memref<80128xf32, #tpu.memory_space<vmem_shared>> -> memref<5008xf32, #tpu.memory_space<vmem_shared>>
      tpu.enqueue_dma source(%arg8 : memref<5008xf32, #tpu.memory_space<vmem>>) target(%dma_start3A_101 : memref<5008xf32, #tpu.memory_space<vmem_shared>>) target_semaphore(%run_scoped3A_100 : memref<!tpu.dma_semaphore, #tpu.memory_space<semaphore_mem>>)
      %dma_wait3A = tpu.memref_slice %arg12[%mul3A_63] : memref<80128xf32, #tpu.memory_space<vmem_shared>> -> memref<5008xf32, #tpu.memory_space<vmem_shared>>
      %dma_wait3A_102 = tpu.memref_slice %arg12[%mul3A_63] : memref<80128xf32, #tpu.memory_space<vmem_shared>> -> memref<5008xf32, #tpu.memory_space<vmem_shared>>
      tpu.wait_dma2 semaphore(%run_scoped3A_100 : memref<!tpu.dma_semaphore, #tpu.memory_space<semaphore_mem>>) src(%arg8 : memref<5008xf32, #tpu.memory_space<vmem>>) dst(%dma_wait3A_102 : memref<5008xf32, #tpu.memory_space<vmem_shared>>)
      tpu.yield
    }) : () -> ()
    %barrier3A = arith.constant 0 : index
    tpu.barrier barrier_id(%barrier3A)
    %scan3A_64 = arith.constant 0 : i32
    %scan3A_65 = arith.constant 0 : i32
    %scan3A_66 = arith.constant 79 : i32
    %scan3A_67 = arith.addi %scan3A_65, %scan3A_66 : i32
    %scan3A_68 = arith.constant 1 : i32
    %scan3A_69 = scf.for %scan3A_100 = %scan3A_65 to %scan3A_67 step %scan3A_68 iter_args(%scan3A_101 = %scan3A_64) -> (i32)  : i32 {
      %dma_start3A = arith.constant 0 : i32
      %dma_start3A_102 = arith.constant 0 : i32
      %dma_start3A_103 = tpu.memref_slice %arg4[%dma_start3A, %scan3A_100, %dma_start3A_102] : memref<2x79x128xi32, #tpu.memory_space<vmem>> -> memref<1x1x128xi32, #tpu.memory_space<vmem>>
      %dma_start3A_104 = tpu.memref_squeeze %dma_start3A_103 : memref<1x1x128xi32, #tpu.memory_space<vmem>> -> memref<128xi32, #tpu.memory_space<vmem>>
      %dma_start3A_105 = arith.constant 0 : i32
      %dma_start3A_106 = tpu.memref_slice %arg12[%dma_start3A_105] : memref<80128xf32, #tpu.memory_space<vmem_shared>> -> memref<80128xf32, #tpu.memory_space<vmem_shared>>
      tpu.enqueue_indirect_dma source(%arg5 : memref<128xf32, #tpu.memory_space<vmem>>) target(%dma_start3A_106 : memref<80128xf32, #tpu.memory_space<vmem_shared>>) offsets(%dma_start3A_104 : memref<128xi32, #tpu.memory_space<vmem>>) semaphore(%arg9 : memref<!tpu.dma_semaphore, #tpu.memory_space<semaphore_mem>>) {add = true}
      %dma_start3A_107 = arith.constant 1 : i32
      %dma_start3A_108 = arith.constant 0 : i32
      %dma_start3A_109 = tpu.memref_slice %arg4[%dma_start3A_107, %scan3A_100, %dma_start3A_108] : memref<2x79x128xi32, #tpu.memory_space<vmem>> -> memref<1x1x128xi32, #tpu.memory_space<vmem>>
      %dma_start3A_110 = tpu.memref_squeeze %dma_start3A_109 : memref<1x1x128xi32, #tpu.memory_space<vmem>> -> memref<128xi32, #tpu.memory_space<vmem>>
      %dma_start3A_111 = arith.constant 0 : i32
      %dma_start3A_112 = tpu.memref_slice %arg12[%dma_start3A_111] : memref<80128xf32, #tpu.memory_space<vmem_shared>> -> memref<80128xf32, #tpu.memory_space<vmem_shared>>
      tpu.enqueue_indirect_dma source(%arg5 : memref<128xf32, #tpu.memory_space<vmem>>) target(%dma_start3A_112 : memref<80128xf32, #tpu.memory_space<vmem_shared>>) offsets(%dma_start3A_110 : memref<128xi32, #tpu.memory_space<vmem>>) semaphore(%arg9 : memref<!tpu.dma_semaphore, #tpu.memory_space<semaphore_mem>>) {add = true}
      %scan3A_113 = arith.constant 0 : i32
      scf.yield %scan3A_113 : i32
    }
    %scan3A_70 = arith.constant 79 : i32
    %scan3A_71 = arith.constant 0 : i32
    %scan3A_72 = arith.constant 0 : i32
    %scan3A_73 = arith.constant 79 : i32
    %scan3A_74 = arith.addi %scan3A_72, %scan3A_73 : i32
    %scan3A_75 = arith.constant 1 : i32
    %scan3A_76 = scf.for %scan3A_100 = %scan3A_72 to %scan3A_74 step %scan3A_75 iter_args(%scan3A_101 = %scan3A_71) -> (i32)  : i32 {
      %dma_wait3A = arith.constant 0 : i32
      %dma_wait3A_102 = arith.constant 0 : i32
      %dma_wait3A_103 = tpu.memref_slice %arg4[%dma_wait3A, %scan3A_100, %dma_wait3A_102] : memref<2x79x128xi32, #tpu.memory_space<vmem>> -> memref<1x1x128xi32, #tpu.memory_space<vmem>>
      %dma_wait3A_104 = tpu.memref_squeeze %dma_wait3A_103 : memref<1x1x128xi32, #tpu.memory_space<vmem>> -> memref<128xi32, #tpu.memory_space<vmem>>
      %dma_wait3A_105 = arith.constant 0 : i32
      %dma_wait3A_106 = tpu.memref_slice %arg12[%dma_wait3A_105] : memref<80128xf32, #tpu.memory_space<vmem_shared>> -> memref<80128xf32, #tpu.memory_space<vmem_shared>>
      tpu.wait_indirect_dma semaphore(%arg9 : memref<!tpu.dma_semaphore, #tpu.memory_space<semaphore_mem>>) src(%arg5 : memref<128xf32, #tpu.memory_space<vmem>>) dst(%dma_wait3A_106 : memref<80128xf32, #tpu.memory_space<vmem_shared>>)
      %dma_wait3A_107 = arith.constant 1 : i32
      %dma_wait3A_108 = arith.constant 0 : i32
      %dma_wait3A_109 = tpu.memref_slice %arg4[%dma_wait3A_107, %scan3A_100, %dma_wait3A_108] : memref<2x79x128xi32, #tpu.memory_space<vmem>> -> memref<1x1x128xi32, #tpu.memory_space<vmem>>
      %dma_wait3A_110 = tpu.memref_squeeze %dma_wait3A_109 : memref<1x1x128xi32, #tpu.memory_space<vmem>> -> memref<128xi32, #tpu.memory_space<vmem>>
      %dma_wait3A_111 = arith.constant 0 : i32
      %dma_wait3A_112 = tpu.memref_slice %arg12[%dma_wait3A_111] : memref<80128xf32, #tpu.memory_space<vmem_shared>> -> memref<80128xf32, #tpu.memory_space<vmem_shared>>
      tpu.wait_indirect_dma semaphore(%arg9 : memref<!tpu.dma_semaphore, #tpu.memory_space<semaphore_mem>>) src(%arg5 : memref<128xf32, #tpu.memory_space<vmem>>) dst(%dma_wait3A_112 : memref<80128xf32, #tpu.memory_space<vmem_shared>>)
      %scan3A_113 = arith.constant 0 : i32
      scf.yield %scan3A_113 : i32
    }
    %scan3A_77 = arith.constant 79 : i32
    %barrier3A_78 = arith.constant 0 : index
    tpu.barrier barrier_id(%barrier3A_78)
    %scan3A_79 = arith.constant 0 : i32
    %scan3A_80 = arith.constant 0 : i32
    %scan3A_81 = arith.constant 2 : i32
    %scan3A_82 = arith.addi %scan3A_80, %scan3A_81 : i32
    %scan3A_83 = arith.constant 1 : i32
    %scan3A_84 = scf.for %scan3A_100 = %scan3A_80 to %scan3A_82 step %scan3A_83 iter_args(%scan3A_101 = %scan3A_79) -> (i32)  : i32 {
      %dma_start3A = arith.constant 0 : i32
      %dma_start3A_102 = tpu.memref_slice %arg6[%scan3A_100, %dma_start3A] : memref<2x128xf32, #tpu.memory_space<vmem>> -> memref<1x128xf32, #tpu.memory_space<vmem>>
      %dma_start3A_103 = tpu.memref_squeeze %dma_start3A_102 : memref<1x128xf32, #tpu.memory_space<vmem>> -> memref<128xf32, #tpu.memory_space<vmem>>
      %dma_start3A_104 = arith.constant 0 : i32
      %dma_start3A_105 = tpu.memref_slice %arg4[%arg0, %scan3A_100, %dma_start3A_104] : memref<2x79x128xi32, #tpu.memory_space<vmem>> -> memref<1x1x128xi32, #tpu.memory_space<vmem>>
      %dma_start3A_106 = tpu.memref_squeeze %dma_start3A_105 : memref<1x1x128xi32, #tpu.memory_space<vmem>> -> memref<128xi32, #tpu.memory_space<vmem>>
      %dma_start3A_107 = arith.constant 0 : i32
      %dma_start3A_108 = tpu.memref_slice %arg12[%dma_start3A_107] : memref<80128xf32, #tpu.memory_space<vmem_shared>> -> memref<80128xf32, #tpu.memory_space<vmem_shared>>
      %dma_start3A_109 = tpu.memref_slice %arg10[%scan3A_100] : memref<2x!tpu.dma_semaphore, #tpu.memory_space<semaphore_mem>> -> memref<1x!tpu.dma_semaphore, #tpu.memory_space<semaphore_mem>>
      %dma_start3A_110 = tpu.memref_squeeze %dma_start3A_109 : memref<1x!tpu.dma_semaphore, #tpu.memory_space<semaphore_mem>> -> memref<!tpu.dma_semaphore, #tpu.memory_space<semaphore_mem>>
      tpu.enqueue_indirect_dma source(%dma_start3A_108 : memref<80128xf32, #tpu.memory_space<vmem_shared>>) target(%dma_start3A_103 : memref<128xf32, #tpu.memory_space<vmem>>) offsets(%dma_start3A_106 : memref<128xi32, #tpu.memory_space<vmem>>) semaphore(%dma_start3A_110 : memref<!tpu.dma_semaphore, #tpu.memory_space<semaphore_mem>>)
      %scan3A_111 = arith.constant 0 : i32
      scf.yield %scan3A_111 : i32
    }
    %scan3A_85 = arith.constant 2 : i32
    %scan3A_86 = arith.constant 0 : i32
    %scan3A_87 = arith.constant 0 : i32
    %scan3A_88 = arith.constant 79 : i32
    %scan3A_89 = arith.addi %scan3A_87, %scan3A_88 : i32
    %scan3A_90 = arith.constant 1 : i32
    %scan3A_91 = scf.for %scan3A_100 = %scan3A_87 to %scan3A_89 step %scan3A_90 iter_args(%scan3A_101 = %scan3A_86) -> (i32)  : i32 {
      %rem3A = arith.constant 2 : i32
      %rem3A_102 = arith.remsi %scan3A_100, %rem3A : i32
      %dma_wait3A = arith.constant 0 : i32
      %dma_wait3A_103 = tpu.memref_slice %arg6[%rem3A_102, %dma_wait3A] : memref<2x128xf32, #tpu.memory_space<vmem>> -> memref<1x128xf32, #tpu.memory_space<vmem>>
      %dma_wait3A_104 = tpu.memref_squeeze %dma_wait3A_103 : memref<1x128xf32, #tpu.memory_space<vmem>> -> memref<128xf32, #tpu.memory_space<vmem>>
      %dma_wait3A_105 = arith.constant 0 : i32
      %dma_wait3A_106 = tpu.memref_slice %arg4[%arg0, %scan3A_100, %dma_wait3A_105] : memref<2x79x128xi32, #tpu.memory_space<vmem>> -> memref<1x1x128xi32, #tpu.memory_space<vmem>>
      %dma_wait3A_107 = tpu.memref_squeeze %dma_wait3A_106 : memref<1x1x128xi32, #tpu.memory_space<vmem>> -> memref<128xi32, #tpu.memory_space<vmem>>
      %dma_wait3A_108 = arith.constant 0 : i32
      %dma_wait3A_109 = tpu.memref_slice %arg12[%dma_wait3A_108] : memref<80128xf32, #tpu.memory_space<vmem_shared>> -> memref<80128xf32, #tpu.memory_space<vmem_shared>>
      %dma_wait3A_110 = tpu.memref_slice %arg10[%rem3A_102] : memref<2x!tpu.dma_semaphore, #tpu.memory_space<semaphore_mem>> -> memref<1x!tpu.dma_semaphore, #tpu.memory_space<semaphore_mem>>
      %dma_wait3A_111 = tpu.memref_squeeze %dma_wait3A_110 : memref<1x!tpu.dma_semaphore, #tpu.memory_space<semaphore_mem>> -> memref<!tpu.dma_semaphore, #tpu.memory_space<semaphore_mem>>
      tpu.wait_indirect_dma semaphore(%dma_wait3A_111 : memref<!tpu.dma_semaphore, #tpu.memory_space<semaphore_mem>>) src(%dma_wait3A_109 : memref<80128xf32, #tpu.memory_space<vmem_shared>>) dst(%dma_wait3A_104 : memref<128xf32, #tpu.memory_space<vmem>>)
      %ge3A = arith.constant 2 : i32
      %ge3A_112 = arith.cmpi sge, %scan3A_100, %ge3A : i32
      %convert_element_type3A = arith.extui %ge3A_112 : i1 to i32
      %cond3A = arith.constant 0 : i32
      %cond3A_113 = arith.cmpi ne, %convert_element_type3A, %cond3A : i32
      scf.if %cond3A_113 {
        %dma_wait3A_337 = arith.constant 0 : i32
        %dma_wait3A_338 = tpu.memref_slice %arg7[%rem3A_102, %dma_wait3A_337] : memref<2x128xf32, #tpu.memory_space<vmem>> -> memref<1x128xf32, #tpu.memory_space<vmem>>
        %dma_wait3A_339 = tpu.memref_squeeze %dma_wait3A_338 : memref<1x128xf32, #tpu.memory_space<vmem>> -> memref<128xf32, #tpu.memory_space<vmem>>
        %dma_wait3A_340 = arith.constant 0 : i32
        %dma_wait3A_341 = tpu.memref_slice %arg3[%add3A, %scan3A_100, %dma_wait3A_340] : memref<32x79x128xf32, #tpu.memory_space<hbm>> -> memref<1x1x128xf32, #tpu.memory_space<hbm>>
        %dma_wait3A_342 = tpu.memref_squeeze %dma_wait3A_341 : memref<1x1x128xf32, #tpu.memory_space<hbm>> -> memref<128xf32, #tpu.memory_space<hbm>>
        %dma_wait3A_343 = tpu.memref_slice %arg11[%rem3A_102] : memref<2x!tpu.dma_semaphore, #tpu.memory_space<semaphore_mem>> -> memref<1x!tpu.dma_semaphore, #tpu.memory_space<semaphore_mem>>
        %dma_wait3A_344 = tpu.memref_squeeze %dma_wait3A_343 : memref<1x!tpu.dma_semaphore, #tpu.memory_space<semaphore_mem>> -> memref<!tpu.dma_semaphore, #tpu.memory_space<semaphore_mem>>
        %dma_wait3A_345 = arith.constant 0 : i32
        %dma_wait3A_346 = tpu.memref_slice %arg3[%add3A, %scan3A_100, %dma_wait3A_345] : memref<32x79x128xf32, #tpu.memory_space<hbm>> -> memref<1x1x128xf32, #tpu.memory_space<hbm>>
        %dma_wait3A_347 = tpu.memref_squeeze %dma_wait3A_346 : memref<1x1x128xf32, #tpu.memory_space<hbm>> -> memref<128xf32, #tpu.memory_space<hbm>>
        %dma_wait3A_348 = arith.constant 0 : i32
        %dma_wait3A_349 = tpu.memref_slice %arg7[%rem3A_102, %dma_wait3A_348] : memref<2x128xf32, #tpu.memory_space<vmem>> -> memref<1x128xf32, #tpu.memory_space<vmem>>
        %dma_wait3A_350 = tpu.memref_squeeze %dma_wait3A_349 : memref<1x128xf32, #tpu.memory_space<vmem>> -> memref<128xf32, #tpu.memory_space<vmem>>
        tpu.wait_dma2 semaphore(%dma_wait3A_344 : memref<!tpu.dma_semaphore, #tpu.memory_space<semaphore_mem>>) src(%dma_wait3A_350 : memref<128xf32, #tpu.memory_space<vmem>>) dst(%dma_wait3A_347 : memref<128xf32, #tpu.memory_space<hbm>>)
      } else {
      }
      %get3A = arith.index_cast %rem3A_102 : i32 to index
      %get3A_114 = arith.constant 0 : index
      %get3A_115 = tpu.vector_load %arg6[%get3A, %get3A_114] {strides = array<i32>} : memref<2x128xf32, #tpu.memory_space<vmem>>, vector<1x16xf32>,
      %get3A_116 = vector.shape_cast %get3A_115 : vector<1x16xf32> to vector<16xf32>
      %get3A_117 = arith.index_cast %arg0 : i32 to index
      %get3A_118 = arith.index_cast %scan3A_100 : i32 to index
      %get3A_119 = arith.constant 0 : index
      %get3A_120 = tpu.vector_load %arg4[%get3A_117, %get3A_118, %get3A_119] {strides = array<i32>} : memref<2x79x128xi32, #tpu.memory_space<vmem>>, vector<1x1x16xi32>,
      %get3A_121 = vector.shape_cast %get3A_120 : vector<1x1x16xi32> to vector<16xi32>
      %max3A = arith.constant 1.000000e+00 : f32
      %max3A_122 = vector.broadcast %max3A : f32 to vector<16xf32>
      %max3A_123 = arith.maximumf %get3A_116, %max3A_122 : vector<16xf32>
      %div3A = arith.constant 1.000000e+00 : f32
      %div3A_124 = vector.broadcast %div3A : f32 to vector<16xf32>
      %div3A_125 = arith.divf %div3A_124, %max3A_123 : vector<16xf32>
      %ge3A_126 = arith.constant 80000 : i32
      %ge3A_127 = vector.broadcast %ge3A_126 : i32 to vector<16xi32>
      %ge3A_128 = arith.cmpi sge, %get3A_121, %ge3A_127 : vector<16xi32>
      %jit3A = arith.constant 0.000000e+00 : f32
      %broadcast_in_dim3A_129 = vector.broadcast %jit3A : f32 to vector<16xf32>
      %select_n3A = arith.select %ge3A_128, %broadcast_in_dim3A_129, %div3A_125 : vector<16xi1>, vector<16xf32>
      %swap3A_130 = arith.index_cast %rem3A_102 : i32 to index
      %swap3A_131 = arith.constant 0 : index
      %swap3A_132 = tpu.vector_load %arg7[%swap3A_130, %swap3A_131] {strides = array<i32>} : memref<2x128xf32, #tpu.memory_space<vmem>>, vector<1x16xf32>,
      %swap3A_133 = vector.shape_cast %swap3A_132 : vector<1x16xf32> to vector<16xf32>
      %swap3A_134 = vector.shape_cast %select_n3A : vector<16xf32> to vector<1x16xf32>
      tpu.vector_store %arg7[%swap3A_130, %swap3A_131], %swap3A_134 {strides = array<i32>} : memref<2x128xf32, #tpu.memory_space<vmem>>, vector<1x16xf32>,
      %get3A_135 = arith.index_cast %rem3A_102 : i32 to index
      %get3A_136 = arith.constant 16 : index
      %get3A_137 = tpu.vector_load %arg6[%get3A_135, %get3A_136] {strides = array<i32>} : memref<2x128xf32, #tpu.memory_space<vmem>>, vector<1x16xf32>,
      %get3A_138 = vector.shape_cast %get3A_137 : vector<1x16xf32> to vector<16xf32>
      %get3A_139 = arith.index_cast %arg0 : i32 to index
      %get3A_140 = arith.index_cast %scan3A_100 : i32 to index
      %get3A_141 = arith.constant 16 : index
      %get3A_142 = tpu.vector_load %arg4[%get3A_139, %get3A_140, %get3A_141] {strides = array<i32>} : memref<2x79x128xi32, #tpu.memory_space<vmem>>, vector<1x1x16xi32>,
      %get3A_143 = vector.shape_cast %get3A_142 : vector<1x1x16xi32> to vector<16xi32>
      %max3A_144 = arith.constant 1.000000e+00 : f32
      %max3A_145 = vector.broadcast %max3A_144 : f32 to vector<16xf32>
      %max3A_146 = arith.maximumf %get3A_138, %max3A_145 : vector<16xf32>
      %div3A_147 = arith.constant 1.000000e+00 : f32
      %div3A_148 = vector.broadcast %div3A_147 : f32 to vector<16xf32>
      %div3A_149 = arith.divf %div3A_148, %max3A_146 : vector<16xf32>
      %ge3A_150 = arith.constant 80000 : i32
      %ge3A_151 = vector.broadcast %ge3A_150 : i32 to vector<16xi32>
      %ge3A_152 = arith.cmpi sge, %get3A_143, %ge3A_151 : vector<16xi32>
      %jit3A_153 = arith.constant 0.000000e+00 : f32
      %broadcast_in_dim3A_154 = vector.broadcast %jit3A_153 : f32 to vector<16xf32>
      %select_n3A_155 = arith.select %ge3A_152, %broadcast_in_dim3A_154, %div3A_149 : vector<16xi1>, vector<16xf32>
      %swap3A_156 = arith.index_cast %rem3A_102 : i32 to index
      %swap3A_157 = arith.constant 16 : index
      %swap3A_158 = tpu.vector_load %arg7[%swap3A_156, %swap3A_157] {strides = array<i32>} : memref<2x128xf32, #tpu.memory_space<vmem>>, vector<1x16xf32>,
      %swap3A_159 = vector.shape_cast %swap3A_158 : vector<1x16xf32> to vector<16xf32>
      %swap3A_160 = vector.shape_cast %select_n3A_155 : vector<16xf32> to vector<1x16xf32>
      tpu.vector_store %arg7[%swap3A_156, %swap3A_157], %swap3A_160 {strides = array<i32>} : memref<2x128xf32, #tpu.memory_space<vmem>>, vector<1x16xf32>,
      %get3A_161 = arith.index_cast %rem3A_102 : i32 to index
      %get3A_162 = arith.constant 32 : index
      %get3A_163 = tpu.vector_load %arg6[%get3A_161, %get3A_162] {strides = array<i32>} : memref<2x128xf32, #tpu.memory_space<vmem>>, vector<1x16xf32>,
      %get3A_164 = vector.shape_cast %get3A_163 : vector<1x16xf32> to vector<16xf32>
      %get3A_165 = arith.index_cast %arg0 : i32 to index
      %get3A_166 = arith.index_cast %scan3A_100 : i32 to index
      %get3A_167 = arith.constant 32 : index
      %get3A_168 = tpu.vector_load %arg4[%get3A_165, %get3A_166, %get3A_167] {strides = array<i32>} : memref<2x79x128xi32, #tpu.memory_space<vmem>>, vector<1x1x16xi32>,
      %get3A_169 = vector.shape_cast %get3A_168 : vector<1x1x16xi32> to vector<16xi32>
      %max3A_170 = arith.constant 1.000000e+00 : f32
      %max3A_171 = vector.broadcast %max3A_170 : f32 to vector<16xf32>
      %max3A_172 = arith.maximumf %get3A_164, %max3A_171 : vector<16xf32>
      %div3A_173 = arith.constant 1.000000e+00 : f32
      %div3A_174 = vector.broadcast %div3A_173 : f32 to vector<16xf32>
      %div3A_175 = arith.divf %div3A_174, %max3A_172 : vector<16xf32>
      %ge3A_176 = arith.constant 80000 : i32
      %ge3A_177 = vector.broadcast %ge3A_176 : i32 to vector<16xi32>
      %ge3A_178 = arith.cmpi sge, %get3A_169, %ge3A_177 : vector<16xi32>
      %jit3A_179 = arith.constant 0.000000e+00 : f32
      %broadcast_in_dim3A_180 = vector.broadcast %jit3A_179 : f32 to vector<16xf32>
      %select_n3A_181 = arith.select %ge3A_178, %broadcast_in_dim3A_180, %div3A_175 : vector<16xi1>, vector<16xf32>
      %swap3A_182 = arith.index_cast %rem3A_102 : i32 to index
      %swap3A_183 = arith.constant 32 : index
      %swap3A_184 = tpu.vector_load %arg7[%swap3A_182, %swap3A_183] {strides = array<i32>} : memref<2x128xf32, #tpu.memory_space<vmem>>, vector<1x16xf32>,
      %swap3A_185 = vector.shape_cast %swap3A_184 : vector<1x16xf32> to vector<16xf32>
      %swap3A_186 = vector.shape_cast %select_n3A_181 : vector<16xf32> to vector<1x16xf32>
      tpu.vector_store %arg7[%swap3A_182, %swap3A_183], %swap3A_186 {strides = array<i32>} : memref<2x128xf32, #tpu.memory_space<vmem>>, vector<1x16xf32>,
      %get3A_187 = arith.index_cast %rem3A_102 : i32 to index
      %get3A_188 = arith.constant 48 : index
      %get3A_189 = tpu.vector_load %arg6[%get3A_187, %get3A_188] {strides = array<i32>} : memref<2x128xf32, #tpu.memory_space<vmem>>, vector<1x16xf32>,
      %get3A_190 = vector.shape_cast %get3A_189 : vector<1x16xf32> to vector<16xf32>
      %get3A_191 = arith.index_cast %arg0 : i32 to index
      %get3A_192 = arith.index_cast %scan3A_100 : i32 to index
      %get3A_193 = arith.constant 48 : index
      %get3A_194 = tpu.vector_load %arg4[%get3A_191, %get3A_192, %get3A_193] {strides = array<i32>} : memref<2x79x128xi32, #tpu.memory_space<vmem>>, vector<1x1x16xi32>,
      %get3A_195 = vector.shape_cast %get3A_194 : vector<1x1x16xi32> to vector<16xi32>
      %max3A_196 = arith.constant 1.000000e+00 : f32
      %max3A_197 = vector.broadcast %max3A_196 : f32 to vector<16xf32>
      %max3A_198 = arith.maximumf %get3A_190, %max3A_197 : vector<16xf32>
      %div3A_199 = arith.constant 1.000000e+00 : f32
      %div3A_200 = vector.broadcast %div3A_199 : f32 to vector<16xf32>
      %div3A_201 = arith.divf %div3A_200, %max3A_198 : vector<16xf32>
      %ge3A_202 = arith.constant 80000 : i32
      %ge3A_203 = vector.broadcast %ge3A_202 : i32 to vector<16xi32>
      %ge3A_204 = arith.cmpi sge, %get3A_195, %ge3A_203 : vector<16xi32>
      %jit3A_205 = arith.constant 0.000000e+00 : f32
      %broadcast_in_dim3A_206 = vector.broadcast %jit3A_205 : f32 to vector<16xf32>
      %select_n3A_207 = arith.select %ge3A_204, %broadcast_in_dim3A_206, %div3A_201 : vector<16xi1>, vector<16xf32>
      %swap3A_208 = arith.index_cast %rem3A_102 : i32 to index
      %swap3A_209 = arith.constant 48 : index
      %swap3A_210 = tpu.vector_load %arg7[%swap3A_208, %swap3A_209] {strides = array<i32>} : memref<2x128xf32, #tpu.memory_space<vmem>>, vector<1x16xf32>,
      %swap3A_211 = vector.shape_cast %swap3A_210 : vector<1x16xf32> to vector<16xf32>
      %swap3A_212 = vector.shape_cast %select_n3A_207 : vector<16xf32> to vector<1x16xf32>
      tpu.vector_store %arg7[%swap3A_208, %swap3A_209], %swap3A_212 {strides = array<i32>} : memref<2x128xf32, #tpu.memory_space<vmem>>, vector<1x16xf32>,
      %get3A_213 = arith.index_cast %rem3A_102 : i32 to index
      %get3A_214 = arith.constant 64 : index
      %get3A_215 = tpu.vector_load %arg6[%get3A_213, %get3A_214] {strides = array<i32>} : memref<2x128xf32, #tpu.memory_space<vmem>>, vector<1x16xf32>,
      %get3A_216 = vector.shape_cast %get3A_215 : vector<1x16xf32> to vector<16xf32>
      %get3A_217 = arith.index_cast %arg0 : i32 to index
      %get3A_218 = arith.index_cast %scan3A_100 : i32 to index
      %get3A_219 = arith.constant 64 : index
      %get3A_220 = tpu.vector_load %arg4[%get3A_217, %get3A_218, %get3A_219] {strides = array<i32>} : memref<2x79x128xi32, #tpu.memory_space<vmem>>, vector<1x1x16xi32>,
      %get3A_221 = vector.shape_cast %get3A_220 : vector<1x1x16xi32> to vector<16xi32>
      %max3A_222 = arith.constant 1.000000e+00 : f32
      %max3A_223 = vector.broadcast %max3A_222 : f32 to vector<16xf32>
      %max3A_224 = arith.maximumf %get3A_216, %max3A_223 : vector<16xf32>
      %div3A_225 = arith.constant 1.000000e+00 : f32
      %div3A_226 = vector.broadcast %div3A_225 : f32 to vector<16xf32>
      %div3A_227 = arith.divf %div3A_226, %max3A_224 : vector<16xf32>
      %ge3A_228 = arith.constant 80000 : i32
      %ge3A_229 = vector.broadcast %ge3A_228 : i32 to vector<16xi32>
      %ge3A_230 = arith.cmpi sge, %get3A_221, %ge3A_229 : vector<16xi32>
      %jit3A_231 = arith.constant 0.000000e+00 : f32
      %broadcast_in_dim3A_232 = vector.broadcast %jit3A_231 : f32 to vector<16xf32>
      %select_n3A_233 = arith.select %ge3A_230, %broadcast_in_dim3A_232, %div3A_227 : vector<16xi1>, vector<16xf32>
      %swap3A_234 = arith.index_cast %rem3A_102 : i32 to index
      %swap3A_235 = arith.constant 64 : index
      %swap3A_236 = tpu.vector_load %arg7[%swap3A_234, %swap3A_235] {strides = array<i32>} : memref<2x128xf32, #tpu.memory_space<vmem>>, vector<1x16xf32>,
      %swap3A_237 = vector.shape_cast %swap3A_236 : vector<1x16xf32> to vector<16xf32>
      %swap3A_238 = vector.shape_cast %select_n3A_233 : vector<16xf32> to vector<1x16xf32>
      tpu.vector_store %arg7[%swap3A_234, %swap3A_235], %swap3A_238 {strides = array<i32>} : memref<2x128xf32, #tpu.memory_space<vmem>>, vector<1x16xf32>,
      %get3A_239 = arith.index_cast %rem3A_102 : i32 to index
      %get3A_240 = arith.constant 80 : index
      %get3A_241 = tpu.vector_load %arg6[%get3A_239, %get3A_240] {strides = array<i32>} : memref<2x128xf32, #tpu.memory_space<vmem>>, vector<1x16xf32>,
      %get3A_242 = vector.shape_cast %get3A_241 : vector<1x16xf32> to vector<16xf32>
      %get3A_243 = arith.index_cast %arg0 : i32 to index
      %get3A_244 = arith.index_cast %scan3A_100 : i32 to index
      %get3A_245 = arith.constant 80 : index
      %get3A_246 = tpu.vector_load %arg4[%get3A_243, %get3A_244, %get3A_245] {strides = array<i32>} : memref<2x79x128xi32, #tpu.memory_space<vmem>>, vector<1x1x16xi32>,
      %get3A_247 = vector.shape_cast %get3A_246 : vector<1x1x16xi32> to vector<16xi32>
      %max3A_248 = arith.constant 1.000000e+00 : f32
      %max3A_249 = vector.broadcast %max3A_248 : f32 to vector<16xf32>
      %max3A_250 = arith.maximumf %get3A_242, %max3A_249 : vector<16xf32>
      %div3A_251 = arith.constant 1.000000e+00 : f32
      %div3A_252 = vector.broadcast %div3A_251 : f32 to vector<16xf32>
      %div3A_253 = arith.divf %div3A_252, %max3A_250 : vector<16xf32>
      %ge3A_254 = arith.constant 80000 : i32
      %ge3A_255 = vector.broadcast %ge3A_254 : i32 to vector<16xi32>
      %ge3A_256 = arith.cmpi sge, %get3A_247, %ge3A_255 : vector<16xi32>
      %jit3A_257 = arith.constant 0.000000e+00 : f32
      %broadcast_in_dim3A_258 = vector.broadcast %jit3A_257 : f32 to vector<16xf32>
      %select_n3A_259 = arith.select %ge3A_256, %broadcast_in_dim3A_258, %div3A_253 : vector<16xi1>, vector<16xf32>
      %swap3A_260 = arith.index_cast %rem3A_102 : i32 to index
      %swap3A_261 = arith.constant 80 : index
      %swap3A_262 = tpu.vector_load %arg7[%swap3A_260, %swap3A_261] {strides = array<i32>} : memref<2x128xf32, #tpu.memory_space<vmem>>, vector<1x16xf32>,
      %swap3A_263 = vector.shape_cast %swap3A_262 : vector<1x16xf32> to vector<16xf32>
      %swap3A_264 = vector.shape_cast %select_n3A_259 : vector<16xf32> to vector<1x16xf32>
      tpu.vector_store %arg7[%swap3A_260, %swap3A_261], %swap3A_264 {strides = array<i32>} : memref<2x128xf32, #tpu.memory_space<vmem>>, vector<1x16xf32>,
      %get3A_265 = arith.index_cast %rem3A_102 : i32 to index
      %get3A_266 = arith.constant 96 : index
      %get3A_267 = tpu.vector_load %arg6[%get3A_265, %get3A_266] {strides = array<i32>} : memref<2x128xf32, #tpu.memory_space<vmem>>, vector<1x16xf32>,
      %get3A_268 = vector.shape_cast %get3A_267 : vector<1x16xf32> to vector<16xf32>
      %get3A_269 = arith.index_cast %arg0 : i32 to index
      %get3A_270 = arith.index_cast %scan3A_100 : i32 to index
      %get3A_271 = arith.constant 96 : index
      %get3A_272 = tpu.vector_load %arg4[%get3A_269, %get3A_270, %get3A_271] {strides = array<i32>} : memref<2x79x128xi32, #tpu.memory_space<vmem>>, vector<1x1x16xi32>,
      %get3A_273 = vector.shape_cast %get3A_272 : vector<1x1x16xi32> to vector<16xi32>
      %max3A_274 = arith.constant 1.000000e+00 : f32
      %max3A_275 = vector.broadcast %max3A_274 : f32 to vector<16xf32>
      %max3A_276 = arith.maximumf %get3A_268, %max3A_275 : vector<16xf32>
      %div3A_277 = arith.constant 1.000000e+00 : f32
      %div3A_278 = vector.broadcast %div3A_277 : f32 to vector<16xf32>
      %div3A_279 = arith.divf %div3A_278, %max3A_276 : vector<16xf32>
      %ge3A_280 = arith.constant 80000 : i32
      %ge3A_281 = vector.broadcast %ge3A_280 : i32 to vector<16xi32>
      %ge3A_282 = arith.cmpi sge, %get3A_273, %ge3A_281 : vector<16xi32>
      %jit3A_283 = arith.constant 0.000000e+00 : f32
      %broadcast_in_dim3A_284 = vector.broadcast %jit3A_283 : f32 to vector<16xf32>
      %select_n3A_285 = arith.select %ge3A_282, %broadcast_in_dim3A_284, %div3A_279 : vector<16xi1>, vector<16xf32>
      %swap3A_286 = arith.index_cast %rem3A_102 : i32 to index
      %swap3A_287 = arith.constant 96 : index
      %swap3A_288 = tpu.vector_load %arg7[%swap3A_286, %swap3A_287] {strides = array<i32>} : memref<2x128xf32, #tpu.memory_space<vmem>>, vector<1x16xf32>,
      %swap3A_289 = vector.shape_cast %swap3A_288 : vector<1x16xf32> to vector<16xf32>
      %swap3A_290 = vector.shape_cast %select_n3A_285 : vector<16xf32> to vector<1x16xf32>
      tpu.vector_store %arg7[%swap3A_286, %swap3A_287], %swap3A_290 {strides = array<i32>} : memref<2x128xf32, #tpu.memory_space<vmem>>, vector<1x16xf32>,
      %get3A_291 = arith.index_cast %rem3A_102 : i32 to index
      %get3A_292 = arith.constant 112 : index
      %get3A_293 = tpu.vector_load %arg6[%get3A_291, %get3A_292] {strides = array<i32>} : memref<2x128xf32, #tpu.memory_space<vmem>>, vector<1x16xf32>,
      %get3A_294 = vector.shape_cast %get3A_293 : vector<1x16xf32> to vector<16xf32>
      %get3A_295 = arith.index_cast %arg0 : i32 to index
      %get3A_296 = arith.index_cast %scan3A_100 : i32 to index
      %get3A_297 = arith.constant 112 : index
      %get3A_298 = tpu.vector_load %arg4[%get3A_295, %get3A_296, %get3A_297] {strides = array<i32>} : memref<2x79x128xi32, #tpu.memory_space<vmem>>, vector<1x1x16xi32>,
      %get3A_299 = vector.shape_cast %get3A_298 : vector<1x1x16xi32> to vector<16xi32>
      %max3A_300 = arith.constant 1.000000e+00 : f32
      %max3A_301 = vector.broadcast %max3A_300 : f32 to vector<16xf32>
      %max3A_302 = arith.maximumf %get3A_294, %max3A_301 : vector<16xf32>
      %div3A_303 = arith.constant 1.000000e+00 : f32
      %div3A_304 = vector.broadcast %div3A_303 : f32 to vector<16xf32>
      %div3A_305 = arith.divf %div3A_304, %max3A_302 : vector<16xf32>
      %ge3A_306 = arith.constant 80000 : i32
      %ge3A_307 = vector.broadcast %ge3A_306 : i32 to vector<16xi32>
      %ge3A_308 = arith.cmpi sge, %get3A_299, %ge3A_307 : vector<16xi32>
      %jit3A_309 = arith.constant 0.000000e+00 : f32
      %broadcast_in_dim3A_310 = vector.broadcast %jit3A_309 : f32 to vector<16xf32>
      %select_n3A_311 = arith.select %ge3A_308, %broadcast_in_dim3A_310, %div3A_305 : vector<16xi1>, vector<16xf32>
      %swap3A_312 = arith.index_cast %rem3A_102 : i32 to index
      %swap3A_313 = arith.constant 112 : index
      %swap3A_314 = tpu.vector_load %arg7[%swap3A_312, %swap3A_313] {strides = array<i32>} : memref<2x128xf32, #tpu.memory_space<vmem>>, vector<1x16xf32>,
      %swap3A_315 = vector.shape_cast %swap3A_314 : vector<1x16xf32> to vector<16xf32>
      %swap3A_316 = vector.shape_cast %select_n3A_311 : vector<16xf32> to vector<1x16xf32>
      tpu.vector_store %arg7[%swap3A_312, %swap3A_313], %swap3A_316 {strides = array<i32>} : memref<2x128xf32, #tpu.memory_space<vmem>>, vector<1x16xf32>,
      %dma_start3A = arith.constant 0 : i32
      %dma_start3A_317 = tpu.memref_slice %arg7[%rem3A_102, %dma_start3A] : memref<2x128xf32, #tpu.memory_space<vmem>> -> memref<1x128xf32, #tpu.memory_space<vmem>>
      %dma_start3A_318 = tpu.memref_squeeze %dma_start3A_317 : memref<1x128xf32, #tpu.memory_space<vmem>> -> memref<128xf32, #tpu.memory_space<vmem>>
      %dma_start3A_319 = arith.constant 0 : i32
      %dma_start3A_320 = tpu.memref_slice %arg3[%add3A, %scan3A_100, %dma_start3A_319] : memref<32x79x128xf32, #tpu.memory_space<hbm>> -> memref<1x1x128xf32, #tpu.memory_space<hbm>>
      %dma_start3A_321 = tpu.memref_squeeze %dma_start3A_320 : memref<1x1x128xf32, #tpu.memory_space<hbm>> -> memref<128xf32, #tpu.memory_space<hbm>>
      %dma_start3A_322 = tpu.memref_slice %arg11[%rem3A_102] : memref<2x!tpu.dma_semaphore, #tpu.memory_space<semaphore_mem>> -> memref<1x!tpu.dma_semaphore, #tpu.memory_space<semaphore_mem>>
      %dma_start3A_323 = tpu.memref_squeeze %dma_start3A_322 : memref<1x!tpu.dma_semaphore, #tpu.memory_space<semaphore_mem>> -> memref<!tpu.dma_semaphore, #tpu.memory_space<semaphore_mem>>
      %dma_start3A_324 = arith.constant 0 : i32
      %dma_start3A_325 = tpu.memref_slice %arg3[%add3A, %scan3A_100, %dma_start3A_324] : memref<32x79x128xf32, #tpu.memory_space<hbm>> -> memref<1x1x128xf32, #tpu.memory_space<hbm>>
      %dma_start3A_326 = tpu.memref_squeeze %dma_start3A_325 : memref<1x1x128xf32, #tpu.memory_space<hbm>> -> memref<128xf32, #tpu.memory_space<hbm>>
      %dma_start3A_327 = arith.constant 0 : i32
      %dma_start3A_328 = tpu.memref_slice %arg7[%rem3A_102, %dma_start3A_327] : memref<2x128xf32, #tpu.memory_space<vmem>> -> memref<1x128xf32, #tpu.memory_space<vmem>>
      %dma_start3A_329 = tpu.memref_squeeze %dma_start3A_328 : memref<1x128xf32, #tpu.memory_space<vmem>> -> memref<128xf32, #tpu.memory_space<vmem>>
      tpu.enqueue_dma source(%dma_start3A_329 : memref<128xf32, #tpu.memory_space<vmem>>) target(%dma_start3A_326 : memref<128xf32, #tpu.memory_space<hbm>>) target_semaphore(%dma_start3A_323 : memref<!tpu.dma_semaphore, #tpu.memory_space<semaphore_mem>>)
      %add3A_330 = arith.constant 2 : i32
      %add3A_331 = arith.addi %scan3A_100, %add3A_330 : i32
      %lt3A = arith.constant 79 : i32
      %lt3A_332 = arith.cmpi slt, %add3A_331, %lt3A : i32
      %convert_element_type3A_333 = arith.extui %lt3A_332 : i1 to i32
      %cond3A_334 = arith.constant 0 : i32
      %cond3A_335 = arith.cmpi ne, %convert_element_type3A_333, %cond3A_334 : i32
      scf.if %cond3A_335 {
        %add3A_337 = arith.constant 2 : i32
        %add3A_338 = arith.addi %scan3A_100, %add3A_337 : i32
        %dma_start3A_339 = arith.constant 0 : i32
        %dma_start3A_340 = tpu.memref_slice %arg6[%rem3A_102, %dma_start3A_339] : memref<2x128xf32, #tpu.memory_space<vmem>> -> memref<1x128xf32, #tpu.memory_space<vmem>>
        %dma_start3A_341 = tpu.memref_squeeze %dma_start3A_340 : memref<1x128xf32, #tpu.memory_space<vmem>> -> memref<128xf32, #tpu.memory_space<vmem>>
        %dma_start3A_342 = arith.constant 0 : i32
        %dma_start3A_343 = tpu.memref_slice %arg4[%arg0, %add3A_338, %dma_start3A_342] : memref<2x79x128xi32, #tpu.memory_space<vmem>> -> memref<1x1x128xi32, #tpu.memory_space<vmem>>
        %dma_start3A_344 = tpu.memref_squeeze %dma_start3A_343 : memref<1x1x128xi32, #tpu.memory_space<vmem>> -> memref<128xi32, #tpu.memory_space<vmem>>
        %dma_start3A_345 = arith.constant 0 : i32
        %dma_start3A_346 = tpu.memref_slice %arg12[%dma_start3A_345] : memref<80128xf32, #tpu.memory_space<vmem_shared>> -> memref<80128xf32, #tpu.memory_space<vmem_shared>>
        %dma_start3A_347 = tpu.memref_slice %arg10[%rem3A_102] : memref<2x!tpu.dma_semaphore, #tpu.memory_space<semaphore_mem>> -> memref<1x!tpu.dma_semaphore, #tpu.memory_space<semaphore_mem>>
        %dma_start3A_348 = tpu.memref_squeeze %dma_start3A_347 : memref<1x!tpu.dma_semaphore, #tpu.memory_space<semaphore_mem>> -> memref<!tpu.dma_semaphore, #tpu.memory_space<semaphore_mem>>
        tpu.enqueue_indirect_dma source(%dma_start3A_346 : memref<80128xf32, #tpu.memory_space<vmem_shared>>) target(%dma_start3A_341 : memref<128xf32, #tpu.memory_space<vmem>>) offsets(%dma_start3A_344 : memref<128xi32, #tpu.memory_space<vmem>>) semaphore(%dma_start3A_348 : memref<!tpu.dma_semaphore, #tpu.memory_space<semaphore_mem>>)
      } else {
      }
      %scan3A_336 = arith.constant 0 : i32
      scf.yield %scan3A_336 : i32
    }
    %scan3A_92 = arith.constant 79 : i32
    %scan3A_93 = arith.constant 0 : i32
    %scan3A_94 = arith.constant 0 : i32
    %scan3A_95 = arith.constant 2 : i32
    %scan3A_96 = arith.addi %scan3A_94, %scan3A_95 : i32
    %scan3A_97 = arith.constant 1 : i32
    %scan3A_98 = scf.for %scan3A_100 = %scan3A_94 to %scan3A_96 step %scan3A_97 iter_args(%scan3A_101 = %scan3A_93) -> (i32)  : i32 {
      %add3A_102 = arith.constant 77 : i32
      %add3A_103 = arith.addi %add3A_102, %scan3A_100 : i32
      %rem3A = arith.constant 2 : i32
      %rem3A_104 = arith.remsi %add3A_103, %rem3A : i32
      %dma_wait3A = arith.constant 0 : i32
      %dma_wait3A_105 = tpu.memref_slice %arg7[%rem3A_104, %dma_wait3A] : memref<2x128xf32, #tpu.memory_space<vmem>> -> memref<1x128xf32, #tpu.memory_space<vmem>>
      %dma_wait3A_106 = tpu.memref_squeeze %dma_wait3A_105 : memref<1x128xf32, #tpu.memory_space<vmem>> -> memref<128xf32, #tpu.memory_space<vmem>>
      %dma_wait3A_107 = arith.constant 0 : i32
      %dma_wait3A_108 = tpu.memref_slice %arg3[%add3A, %add3A_103, %dma_wait3A_107] : memref<32x79x128xf32, #tpu.memory_space<hbm>> -> memref<1x1x128xf32, #tpu.memory_space<hbm>>
      %dma_wait3A_109 = tpu.memref_squeeze %dma_wait3A_108 : memref<1x1x128xf32, #tpu.memory_space<hbm>> -> memref<128xf32, #tpu.memory_space<hbm>>
      %dma_wait3A_110 = tpu.memref_slice %arg11[%rem3A_104] : memref<2x!tpu.dma_semaphore, #tpu.memory_space<semaphore_mem>> -> memref<1x!tpu.dma_semaphore, #tpu.memory_space<semaphore_mem>>
      %dma_wait3A_111 = tpu.memref_squeeze %dma_wait3A_110 : memref<1x!tpu.dma_semaphore, #tpu.memory_space<semaphore_mem>> -> memref<!tpu.dma_semaphore, #tpu.memory_space<semaphore_mem>>
      %dma_wait3A_112 = arith.constant 0 : i32
      %dma_wait3A_113 = tpu.memref_slice %arg3[%add3A, %add3A_103, %dma_wait3A_112] : memref<32x79x128xf32, #tpu.memory_space<hbm>> -> memref<1x1x128xf32, #tpu.memory_space<hbm>>
      %dma_wait3A_114 = tpu.memref_squeeze %dma_wait3A_113 : memref<1x1x128xf32, #tpu.memory_space<hbm>> -> memref<128xf32, #tpu.memory_space<hbm>>
      %dma_wait3A_115 = arith.constant 0 : i32
      %dma_wait3A_116 = tpu.memref_slice %arg7[%rem3A_104, %dma_wait3A_115] : memref<2x128xf32, #tpu.memory_space<vmem>> -> memref<1x128xf32, #tpu.memory_space<vmem>>
      %dma_wait3A_117 = tpu.memref_squeeze %dma_wait3A_116 : memref<1x128xf32, #tpu.memory_space<vmem>> -> memref<128xf32, #tpu.memory_space<vmem>>
      tpu.wait_dma2 semaphore(%dma_wait3A_111 : memref<!tpu.dma_semaphore, #tpu.memory_space<semaphore_mem>>) src(%dma_wait3A_117 : memref<128xf32, #tpu.memory_space<vmem>>) dst(%dma_wait3A_114 : memref<128xf32, #tpu.memory_space<hbm>>)
      %scan3A_118 = arith.constant 0 : i32
      scf.yield %scan3A_118 : i32
    }
    %scan3A_99 = arith.constant 2 : i32
    return
  }
}

#map = affine_map<(d0, d1) -> (0, 0)>
#map1 = affine_map<(d0, d1) -> (0, 0, 0)>
module attributes {stable_mosaic.version = 14 : i64} {
  func.func @k(%arg0: i32, %arg1: i32, %arg2: memref<80000x128xf32, #tpu.memory_space<hbm>>, %arg3: memref<32x79x128xi32, #tpu.memory_space<hbm>>, %arg4: memref<32x79x128xi32, #tpu.memory_space<hbm>>, %arg5: memref<32x79x128xf32, #tpu.memory_space<hbm>>, %arg6: memref<2x10112x128xf32, #tpu.memory_space<hbm>>, %arg7: memref<79x128xi32, #tpu.memory_space<vmem>>, %arg8: memref<2x128xi32, #tpu.memory_space<vmem>>, %arg9: memref<2x128xf32, #tpu.memory_space<vmem>>, %arg10: memref<2x128x128xf32, #tpu.memory_space<vmem>>, %arg11: memref<2x!tpu.dma_semaphore, #tpu.memory_space<semaphore_mem>>, %arg12: memref<2x!tpu.dma_semaphore, #tpu.memory_space<semaphore_mem>>, %arg13: memref<2x!tpu.dma_semaphore, #tpu.memory_space<semaphore_mem>>, %arg14: memref<10112x128xf32, #tpu.memory_space<vmem_shared>>) attributes {dimension_semantics = [#tpu.dimension_semantics<core_parallel>, #tpu.dimension_semantics<subcore_parallel>], iteration_bounds = array<i64: 2, 16>, scalar_prefetch = 0 : i64, scratch_operands = 8 : i64, tpu.core_type = #tpu.core_type<sc_vector_subcore>, window_params = [{transform_indices = #map}, {transform_indices = #map1}, {transform_indices = #map1}, {transform_indices = #map1}, {transform_indices = #map1}]} {
    %mul3A = arith.constant 2 : i32
    %mul3A_0 = arith.muli %mul3A, %arg1 : i32
    %add3A = arith.addi %mul3A_0, %arg0 : i32
    "tpu.region"() ({
      %run_scoped3A_50 = tpu.sem_alloc : memref<!tpu.dma_semaphore, #tpu.memory_space<semaphore_mem>>
      %dma_start3A = arith.constant 0 : i32
      %dma_start3A_51 = arith.constant 0 : i32
      %dma_start3A_52 = tpu.memref_slice %arg3[%add3A, %dma_start3A, %dma_start3A_51] : memref<32x79x128xi32, #tpu.memory_space<hbm>> -> memref<1x79x128xi32, #tpu.memory_space<hbm>>
      %dma_start3A_53 = tpu.memref_squeeze %dma_start3A_52 : memref<1x79x128xi32, #tpu.memory_space<hbm>> -> memref<79x128xi32, #tpu.memory_space<hbm>>
      %dma_start3A_54 = arith.constant 0 : i32
      %dma_start3A_55 = arith.constant 0 : i32
      %dma_start3A_56 = tpu.memref_slice %arg3[%add3A, %dma_start3A_54, %dma_start3A_55] : memref<32x79x128xi32, #tpu.memory_space<hbm>> -> memref<1x79x128xi32, #tpu.memory_space<hbm>>
      %dma_start3A_57 = tpu.memref_squeeze %dma_start3A_56 : memref<1x79x128xi32, #tpu.memory_space<hbm>> -> memref<79x128xi32, #tpu.memory_space<hbm>>
      tpu.enqueue_dma source(%dma_start3A_57 : memref<79x128xi32, #tpu.memory_space<hbm>>) target(%arg7 : memref<79x128xi32, #tpu.memory_space<vmem>>) target_semaphore(%run_scoped3A_50 : memref<!tpu.dma_semaphore, #tpu.memory_space<semaphore_mem>>)
      %dma_wait3A = arith.constant 0 : i32
      %dma_wait3A_58 = arith.constant 0 : i32
      %dma_wait3A_59 = tpu.memref_slice %arg3[%add3A, %dma_wait3A, %dma_wait3A_58] : memref<32x79x128xi32, #tpu.memory_space<hbm>> -> memref<1x79x128xi32, #tpu.memory_space<hbm>>
      %dma_wait3A_60 = tpu.memref_squeeze %dma_wait3A_59 : memref<1x79x128xi32, #tpu.memory_space<hbm>> -> memref<79x128xi32, #tpu.memory_space<hbm>>
      %dma_wait3A_61 = arith.constant 0 : i32
      %dma_wait3A_62 = arith.constant 0 : i32
      %dma_wait3A_63 = tpu.memref_slice %arg3[%add3A, %dma_wait3A_61, %dma_wait3A_62] : memref<32x79x128xi32, #tpu.memory_space<hbm>> -> memref<1x79x128xi32, #tpu.memory_space<hbm>>
      %dma_wait3A_64 = tpu.memref_squeeze %dma_wait3A_63 : memref<1x79x128xi32, #tpu.memory_space<hbm>> -> memref<79x128xi32, #tpu.memory_space<hbm>>
      tpu.wait_dma2 semaphore(%run_scoped3A_50 : memref<!tpu.dma_semaphore, #tpu.memory_space<semaphore_mem>>) src(%dma_wait3A_64 : memref<79x128xi32, #tpu.memory_space<hbm>>) dst(%arg7 : memref<79x128xi32, #tpu.memory_space<vmem>>)
      tpu.yield
    }) : () -> ()
    %scan3A = arith.constant 0 : i32
    %scan3A_1 = arith.constant 0 : i32
    %scan3A_2 = arith.constant 128 : i32
    %scan3A_3 = arith.addi %scan3A_1, %scan3A_2 : i32
    %scan3A_4 = arith.constant 1 : i32
    %scan3A_5 = scf.for %scan3A_50 = %scan3A_1 to %scan3A_3 step %scan3A_4 iter_args(%scan3A_51 = %scan3A) -> (i32)  : i32 {
      %broadcast_in_dim3A = arith.constant 0.000000e+00 : f32
      %broadcast_in_dim3A_52 = vector.broadcast %broadcast_in_dim3A : f32 to vector<16xf32>
      %swap3A = arith.constant 0 : i32
      %swap3A_53 = arith.index_cast %swap3A : i32 to index
      %swap3A_54 = arith.index_cast %scan3A_50 : i32 to index
      %swap3A_55 = arith.constant 0 : index
      %swap3A_56 = tpu.vector_load %arg10[%swap3A_53, %swap3A_54, %swap3A_55] {strides = array<i32>} : memref<2x128x128xf32, #tpu.memory_space<vmem>>, vector<16xf32>,
      tpu.vector_store %arg10[%swap3A_53, %swap3A_54, %swap3A_55], %broadcast_in_dim3A_52 {strides = array<i32>} : memref<2x128x128xf32, #tpu.memory_space<vmem>>, vector<16xf32>,
      %broadcast_in_dim3A_57 = arith.constant 0.000000e+00 : f32
      %broadcast_in_dim3A_58 = vector.broadcast %broadcast_in_dim3A_57 : f32 to vector<16xf32>
      %swap3A_59 = arith.constant 0 : i32
      %swap3A_60 = arith.index_cast %swap3A_59 : i32 to index
      %swap3A_61 = arith.index_cast %scan3A_50 : i32 to index
      %swap3A_62 = arith.constant 16 : index
      %swap3A_63 = tpu.vector_load %arg10[%swap3A_60, %swap3A_61, %swap3A_62] {strides = array<i32>} : memref<2x128x128xf32, #tpu.memory_space<vmem>>, vector<16xf32>,
      tpu.vector_store %arg10[%swap3A_60, %swap3A_61, %swap3A_62], %broadcast_in_dim3A_58 {strides = array<i32>} : memref<2x128x128xf32, #tpu.memory_space<vmem>>, vector<16xf32>,
      %broadcast_in_dim3A_64 = arith.constant 0.000000e+00 : f32
      %broadcast_in_dim3A_65 = vector.broadcast %broadcast_in_dim3A_64 : f32 to vector<16xf32>
      %swap3A_66 = arith.constant 0 : i32
      %swap3A_67 = arith.index_cast %swap3A_66 : i32 to index
      %swap3A_68 = arith.index_cast %scan3A_50 : i32 to index
      %swap3A_69 = arith.constant 32 : index
      %swap3A_70 = tpu.vector_load %arg10[%swap3A_67, %swap3A_68, %swap3A_69] {strides = array<i32>} : memref<2x128x128xf32, #tpu.memory_space<vmem>>, vector<16xf32>,
      tpu.vector_store %arg10[%swap3A_67, %swap3A_68, %swap3A_69], %broadcast_in_dim3A_65 {strides = array<i32>} : memref<2x128x128xf32, #tpu.memory_space<vmem>>, vector<16xf32>,
      %broadcast_in_dim3A_71 = arith.constant 0.000000e+00 : f32
      %broadcast_in_dim3A_72 = vector.broadcast %broadcast_in_dim3A_71 : f32 to vector<16xf32>
      %swap3A_73 = arith.constant 0 : i32
      %swap3A_74 = arith.index_cast %swap3A_73 : i32 to index
      %swap3A_75 = arith.index_cast %scan3A_50 : i32 to index
      %swap3A_76 = arith.constant 48 : index
      %swap3A_77 = tpu.vector_load %arg10[%swap3A_74, %swap3A_75, %swap3A_76] {strides = array<i32>} : memref<2x128x128xf32, #tpu.memory_space<vmem>>, vector<16xf32>,
      tpu.vector_store %arg10[%swap3A_74, %swap3A_75, %swap3A_76], %broadcast_in_dim3A_72 {strides = array<i32>} : memref<2x128x128xf32, #tpu.memory_space<vmem>>, vector<16xf32>,
      %broadcast_in_dim3A_78 = arith.constant 0.000000e+00 : f32
      %broadcast_in_dim3A_79 = vector.broadcast %broadcast_in_dim3A_78 : f32 to vector<16xf32>
      %swap3A_80 = arith.constant 0 : i32
      %swap3A_81 = arith.index_cast %swap3A_80 : i32 to index
      %swap3A_82 = arith.index_cast %scan3A_50 : i32 to index
      %swap3A_83 = arith.constant 64 : index
      %swap3A_84 = tpu.vector_load %arg10[%swap3A_81, %swap3A_82, %swap3A_83] {strides = array<i32>} : memref<2x128x128xf32, #tpu.memory_space<vmem>>, vector<16xf32>,
      tpu.vector_store %arg10[%swap3A_81, %swap3A_82, %swap3A_83], %broadcast_in_dim3A_79 {strides = array<i32>} : memref<2x128x128xf32, #tpu.memory_space<vmem>>, vector<16xf32>,
      %broadcast_in_dim3A_85 = arith.constant 0.000000e+00 : f32
      %broadcast_in_dim3A_86 = vector.broadcast %broadcast_in_dim3A_85 : f32 to vector<16xf32>
      %swap3A_87 = arith.constant 0 : i32
      %swap3A_88 = arith.index_cast %swap3A_87 : i32 to index
      %swap3A_89 = arith.index_cast %scan3A_50 : i32 to index
      %swap3A_90 = arith.constant 80 : index
      %swap3A_91 = tpu.vector_load %arg10[%swap3A_88, %swap3A_89, %swap3A_90] {strides = array<i32>} : memref<2x128x128xf32, #tpu.memory_space<vmem>>, vector<16xf32>,
      tpu.vector_store %arg10[%swap3A_88, %swap3A_89, %swap3A_90], %broadcast_in_dim3A_86 {strides = array<i32>} : memref<2x128x128xf32, #tpu.memory_space<vmem>>, vector<16xf32>,
      %broadcast_in_dim3A_92 = arith.constant 0.000000e+00 : f32
      %broadcast_in_dim3A_93 = vector.broadcast %broadcast_in_dim3A_92 : f32 to vector<16xf32>
      %swap3A_94 = arith.constant 0 : i32
      %swap3A_95 = arith.index_cast %swap3A_94 : i32 to index
      %swap3A_96 = arith.index_cast %scan3A_50 : i32 to index
      %swap3A_97 = arith.constant 96 : index
      %swap3A_98 = tpu.vector_load %arg10[%swap3A_95, %swap3A_96, %swap3A_97] {strides = array<i32>} : memref<2x128x128xf32, #tpu.memory_space<vmem>>, vector<16xf32>,
      tpu.vector_store %arg10[%swap3A_95, %swap3A_96, %swap3A_97], %broadcast_in_dim3A_93 {strides = array<i32>} : memref<2x128x128xf32, #tpu.memory_space<vmem>>, vector<16xf32>,
      %broadcast_in_dim3A_99 = arith.constant 0.000000e+00 : f32
      %broadcast_in_dim3A_100 = vector.broadcast %broadcast_in_dim3A_99 : f32 to vector<16xf32>
      %swap3A_101 = arith.constant 0 : i32
      %swap3A_102 = arith.index_cast %swap3A_101 : i32 to index
      %swap3A_103 = arith.index_cast %scan3A_50 : i32 to index
      %swap3A_104 = arith.constant 112 : index
      %swap3A_105 = tpu.vector_load %arg10[%swap3A_102, %swap3A_103, %swap3A_104] {strides = array<i32>} : memref<2x128x128xf32, #tpu.memory_space<vmem>>, vector<16xf32>,
      tpu.vector_store %arg10[%swap3A_102, %swap3A_103, %swap3A_104], %broadcast_in_dim3A_100 {strides = array<i32>} : memref<2x128x128xf32, #tpu.memory_space<vmem>>, vector<16xf32>,
      %scan3A_106 = arith.constant 0 : i32
      scf.yield %scan3A_106 : i32
    }
    %scan3A_6 = arith.constant 128 : i32
    %mul3A_7 = arith.constant 632 : i32
    %mul3A_8 = arith.muli %arg1, %mul3A_7 : i32
    %add3A_9 = arith.constant 0 : i32
    %add3A_10 = arith.addi %mul3A_8, %add3A_9 : i32
    %run_scoped3A = arith.constant 0 : i32
    "tpu.region"() ({
      %run_scoped3A_50 = tpu.sem_alloc : memref<!tpu.dma_semaphore, #tpu.memory_space<semaphore_mem>>
      %dma_start3A = arith.constant 0 : i32
      %dma_start3A_51 = arith.constant 0 : i32
      %dma_start3A_52 = tpu.memref_slice %arg10[%run_scoped3A, %dma_start3A, %dma_start3A_51] : memref<2x128x128xf32, #tpu.memory_space<vmem>> -> memref<1x128x128xf32, #tpu.memory_space<vmem>>
      %dma_start3A_53 = tpu.memref_squeeze %dma_start3A_52 : memref<1x128x128xf32, #tpu.memory_space<vmem>> -> memref<128x128xf32, #tpu.memory_space<vmem>>
      %dma_start3A_54 = arith.constant 0 : i32
      %dma_start3A_55 = tpu.memref_slice %arg14[%add3A_10, %dma_start3A_54] : memref<10112x128xf32, #tpu.memory_space<vmem_shared>> -> memref<128x128xf32, #tpu.memory_space<vmem_shared>>
      %dma_start3A_56 = arith.constant 0 : i32
      %dma_start3A_57 = tpu.memref_slice %arg14[%add3A_10, %dma_start3A_56] : memref<10112x128xf32, #tpu.memory_space<vmem_shared>> -> memref<128x128xf32, #tpu.memory_space<vmem_shared>>
      %dma_start3A_58 = arith.constant 0 : i32
      %dma_start3A_59 = arith.constant 0 : i32
      %dma_start3A_60 = tpu.memref_slice %arg10[%run_scoped3A, %dma_start3A_58, %dma_start3A_59] : memref<2x128x128xf32, #tpu.memory_space<vmem>> -> memref<1x128x128xf32, #tpu.memory_space<vmem>>
      %dma_start3A_61 = tpu.memref_squeeze %dma_start3A_60 : memref<1x128x128xf32, #tpu.memory_space<vmem>> -> memref<128x128xf32, #tpu.memory_space<vmem>>
      tpu.enqueue_dma source(%dma_start3A_61 : memref<128x128xf32, #tpu.memory_space<vmem>>) target(%dma_start3A_57 : memref<128x128xf32, #tpu.memory_space<vmem_shared>>) target_semaphore(%run_scoped3A_50 : memref<!tpu.dma_semaphore, #tpu.memory_space<semaphore_mem>>)
      %dma_wait3A = arith.constant 0 : i32
      %dma_wait3A_62 = arith.constant 0 : i32
      %dma_wait3A_63 = tpu.memref_slice %arg10[%run_scoped3A, %dma_wait3A, %dma_wait3A_62] : memref<2x128x128xf32, #tpu.memory_space<vmem>> -> memref<1x128x128xf32, #tpu.memory_space<vmem>>
      %dma_wait3A_64 = tpu.memref_squeeze %dma_wait3A_63 : memref<1x128x128xf32, #tpu.memory_space<vmem>> -> memref<128x128xf32, #tpu.memory_space<vmem>>
      %dma_wait3A_65 = arith.constant 0 : i32
      %dma_wait3A_66 = tpu.memref_slice %arg14[%add3A_10, %dma_wait3A_65] : memref<10112x128xf32, #tpu.memory_space<vmem_shared>> -> memref<128x128xf32, #tpu.memory_space<vmem_shared>>
      %dma_wait3A_67 = arith.constant 0 : i32
      %dma_wait3A_68 = tpu.memref_slice %arg14[%add3A_10, %dma_wait3A_67] : memref<10112x128xf32, #tpu.memory_space<vmem_shared>> -> memref<128x128xf32, #tpu.memory_space<vmem_shared>>
      %dma_wait3A_69 = arith.constant 0 : i32
      %dma_wait3A_70 = arith.constant 0 : i32
      %dma_wait3A_71 = tpu.memref_slice %arg10[%run_scoped3A, %dma_wait3A_69, %dma_wait3A_70] : memref<2x128x128xf32, #tpu.memory_space<vmem>> -> memref<1x128x128xf32, #tpu.memory_space<vmem>>
      %dma_wait3A_72 = tpu.memref_squeeze %dma_wait3A_71 : memref<1x128x128xf32, #tpu.memory_space<vmem>> -> memref<128x128xf32, #tpu.memory_space<vmem>>
      tpu.wait_dma2 semaphore(%run_scoped3A_50 : memref<!tpu.dma_semaphore, #tpu.memory_space<semaphore_mem>>) src(%dma_wait3A_72 : memref<128x128xf32, #tpu.memory_space<vmem>>) dst(%dma_wait3A_68 : memref<128x128xf32, #tpu.memory_space<vmem_shared>>)
      tpu.yield
    }) : () -> ()
    %mul3A_11 = arith.constant 632 : i32
    %mul3A_12 = arith.muli %arg1, %mul3A_11 : i32
    %add3A_13 = arith.constant 128 : i32
    %add3A_14 = arith.addi %mul3A_12, %add3A_13 : i32
    %run_scoped3A_15 = arith.constant 0 : i32
    "tpu.region"() ({
      %run_scoped3A_50 = tpu.sem_alloc : memref<!tpu.dma_semaphore, #tpu.memory_space<semaphore_mem>>
      %dma_start3A = arith.constant 0 : i32
      %dma_start3A_51 = arith.constant 0 : i32
      %dma_start3A_52 = tpu.memref_slice %arg10[%run_scoped3A_15, %dma_start3A, %dma_start3A_51] : memref<2x128x128xf32, #tpu.memory_space<vmem>> -> memref<1x128x128xf32, #tpu.memory_space<vmem>>
      %dma_start3A_53 = tpu.memref_squeeze %dma_start3A_52 : memref<1x128x128xf32, #tpu.memory_space<vmem>> -> memref<128x128xf32, #tpu.memory_space<vmem>>
      %dma_start3A_54 = arith.constant 0 : i32
      %dma_start3A_55 = tpu.memref_slice %arg14[%add3A_14, %dma_start3A_54] : memref<10112x128xf32, #tpu.memory_space<vmem_shared>> -> memref<128x128xf32, #tpu.memory_space<vmem_shared>>
      %dma_start3A_56 = arith.constant 0 : i32
      %dma_start3A_57 = tpu.memref_slice %arg14[%add3A_14, %dma_start3A_56] : memref<10112x128xf32, #tpu.memory_space<vmem_shared>> -> memref<128x128xf32, #tpu.memory_space<vmem_shared>>
      %dma_start3A_58 = arith.constant 0 : i32
      %dma_start3A_59 = arith.constant 0 : i32
      %dma_start3A_60 = tpu.memref_slice %arg10[%run_scoped3A_15, %dma_start3A_58, %dma_start3A_59] : memref<2x128x128xf32, #tpu.memory_space<vmem>> -> memref<1x128x128xf32, #tpu.memory_space<vmem>>
      %dma_start3A_61 = tpu.memref_squeeze %dma_start3A_60 : memref<1x128x128xf32, #tpu.memory_space<vmem>> -> memref<128x128xf32, #tpu.memory_space<vmem>>
      tpu.enqueue_dma source(%dma_start3A_61 : memref<128x128xf32, #tpu.memory_space<vmem>>) target(%dma_start3A_57 : memref<128x128xf32, #tpu.memory_space<vmem_shared>>) target_semaphore(%run_scoped3A_50 : memref<!tpu.dma_semaphore, #tpu.memory_space<semaphore_mem>>)
      %dma_wait3A = arith.constant 0 : i32
      %dma_wait3A_62 = arith.constant 0 : i32
      %dma_wait3A_63 = tpu.memref_slice %arg10[%run_scoped3A_15, %dma_wait3A, %dma_wait3A_62] : memref<2x128x128xf32, #tpu.memory_space<vmem>> -> memref<1x128x128xf32, #tpu.memory_space<vmem>>
      %dma_wait3A_64 = tpu.memref_squeeze %dma_wait3A_63 : memref<1x128x128xf32, #tpu.memory_space<vmem>> -> memref<128x128xf32, #tpu.memory_space<vmem>>
      %dma_wait3A_65 = arith.constant 0 : i32
      %dma_wait3A_66 = tpu.memref_slice %arg14[%add3A_14, %dma_wait3A_65] : memref<10112x128xf32, #tpu.memory_space<vmem_shared>> -> memref<128x128xf32, #tpu.memory_space<vmem_shared>>
      %dma_wait3A_67 = arith.constant 0 : i32
      %dma_wait3A_68 = tpu.memref_slice %arg14[%add3A_14, %dma_wait3A_67] : memref<10112x128xf32, #tpu.memory_space<vmem_shared>> -> memref<128x128xf32, #tpu.memory_space<vmem_shared>>
      %dma_wait3A_69 = arith.constant 0 : i32
      %dma_wait3A_70 = arith.constant 0 : i32
      %dma_wait3A_71 = tpu.memref_slice %arg10[%run_scoped3A_15, %dma_wait3A_69, %dma_wait3A_70] : memref<2x128x128xf32, #tpu.memory_space<vmem>> -> memref<1x128x128xf32, #tpu.memory_space<vmem>>
      %dma_wait3A_72 = tpu.memref_squeeze %dma_wait3A_71 : memref<1x128x128xf32, #tpu.memory_space<vmem>> -> memref<128x128xf32, #tpu.memory_space<vmem>>
      tpu.wait_dma2 semaphore(%run_scoped3A_50 : memref<!tpu.dma_semaphore, #tpu.memory_space<semaphore_mem>>) src(%dma_wait3A_72 : memref<128x128xf32, #tpu.memory_space<vmem>>) dst(%dma_wait3A_68 : memref<128x128xf32, #tpu.memory_space<vmem_shared>>)
      tpu.yield
    }) : () -> ()
    %mul3A_16 = arith.constant 632 : i32
    %mul3A_17 = arith.muli %arg1, %mul3A_16 : i32
    %add3A_18 = arith.constant 256 : i32
    %add3A_19 = arith.addi %mul3A_17, %add3A_18 : i32
    %run_scoped3A_20 = arith.constant 0 : i32
    "tpu.region"() ({
      %run_scoped3A_50 = tpu.sem_alloc : memref<!tpu.dma_semaphore, #tpu.memory_space<semaphore_mem>>
      %dma_start3A = arith.constant 0 : i32
      %dma_start3A_51 = arith.constant 0 : i32
      %dma_start3A_52 = tpu.memref_slice %arg10[%run_scoped3A_20, %dma_start3A, %dma_start3A_51] : memref<2x128x128xf32, #tpu.memory_space<vmem>> -> memref<1x128x128xf32, #tpu.memory_space<vmem>>
      %dma_start3A_53 = tpu.memref_squeeze %dma_start3A_52 : memref<1x128x128xf32, #tpu.memory_space<vmem>> -> memref<128x128xf32, #tpu.memory_space<vmem>>
      %dma_start3A_54 = arith.constant 0 : i32
      %dma_start3A_55 = tpu.memref_slice %arg14[%add3A_19, %dma_start3A_54] : memref<10112x128xf32, #tpu.memory_space<vmem_shared>> -> memref<128x128xf32, #tpu.memory_space<vmem_shared>>
      %dma_start3A_56 = arith.constant 0 : i32
      %dma_start3A_57 = tpu.memref_slice %arg14[%add3A_19, %dma_start3A_56] : memref<10112x128xf32, #tpu.memory_space<vmem_shared>> -> memref<128x128xf32, #tpu.memory_space<vmem_shared>>
      %dma_start3A_58 = arith.constant 0 : i32
      %dma_start3A_59 = arith.constant 0 : i32
      %dma_start3A_60 = tpu.memref_slice %arg10[%run_scoped3A_20, %dma_start3A_58, %dma_start3A_59] : memref<2x128x128xf32, #tpu.memory_space<vmem>> -> memref<1x128x128xf32, #tpu.memory_space<vmem>>
      %dma_start3A_61 = tpu.memref_squeeze %dma_start3A_60 : memref<1x128x128xf32, #tpu.memory_space<vmem>> -> memref<128x128xf32, #tpu.memory_space<vmem>>
      tpu.enqueue_dma source(%dma_start3A_61 : memref<128x128xf32, #tpu.memory_space<vmem>>) target(%dma_start3A_57 : memref<128x128xf32, #tpu.memory_space<vmem_shared>>) target_semaphore(%run_scoped3A_50 : memref<!tpu.dma_semaphore, #tpu.memory_space<semaphore_mem>>)
      %dma_wait3A = arith.constant 0 : i32
      %dma_wait3A_62 = arith.constant 0 : i32
      %dma_wait3A_63 = tpu.memref_slice %arg10[%run_scoped3A_20, %dma_wait3A, %dma_wait3A_62] : memref<2x128x128xf32, #tpu.memory_space<vmem>> -> memref<1x128x128xf32, #tpu.memory_space<vmem>>
      %dma_wait3A_64 = tpu.memref_squeeze %dma_wait3A_63 : memref<1x128x128xf32, #tpu.memory_space<vmem>> -> memref<128x128xf32, #tpu.memory_space<vmem>>
      %dma_wait3A_65 = arith.constant 0 : i32
      %dma_wait3A_66 = tpu.memref_slice %arg14[%add3A_19, %dma_wait3A_65] : memref<10112x128xf32, #tpu.memory_space<vmem_shared>> -> memref<128x128xf32, #tpu.memory_space<vmem_shared>>
      %dma_wait3A_67 = arith.constant 0 : i32
      %dma_wait3A_68 = tpu.memref_slice %arg14[%add3A_19, %dma_wait3A_67] : memref<10112x128xf32, #tpu.memory_space<vmem_shared>> -> memref<128x128xf32, #tpu.memory_space<vmem_shared>>
      %dma_wait3A_69 = arith.constant 0 : i32
      %dma_wait3A_70 = arith.constant 0 : i32
      %dma_wait3A_71 = tpu.memref_slice %arg10[%run_scoped3A_20, %dma_wait3A_69, %dma_wait3A_70] : memref<2x128x128xf32, #tpu.memory_space<vmem>> -> memref<1x128x128xf32, #tpu.memory_space<vmem>>
      %dma_wait3A_72 = tpu.memref_squeeze %dma_wait3A_71 : memref<1x128x128xf32, #tpu.memory_space<vmem>> -> memref<128x128xf32, #tpu.memory_space<vmem>>
      tpu.wait_dma2 semaphore(%run_scoped3A_50 : memref<!tpu.dma_semaphore, #tpu.memory_space<semaphore_mem>>) src(%dma_wait3A_72 : memref<128x128xf32, #tpu.memory_space<vmem>>) dst(%dma_wait3A_68 : memref<128x128xf32, #tpu.memory_space<vmem_shared>>)
      tpu.yield
    }) : () -> ()
    %mul3A_21 = arith.constant 632 : i32
    %mul3A_22 = arith.muli %arg1, %mul3A_21 : i32
    %add3A_23 = arith.constant 384 : i32
    %add3A_24 = arith.addi %mul3A_22, %add3A_23 : i32
    %run_scoped3A_25 = arith.constant 0 : i32
    "tpu.region"() ({
      %run_scoped3A_50 = tpu.sem_alloc : memref<!tpu.dma_semaphore, #tpu.memory_space<semaphore_mem>>
      %dma_start3A = arith.constant 0 : i32
      %dma_start3A_51 = arith.constant 0 : i32
      %dma_start3A_52 = tpu.memref_slice %arg10[%run_scoped3A_25, %dma_start3A, %dma_start3A_51] : memref<2x128x128xf32, #tpu.memory_space<vmem>> -> memref<1x128x128xf32, #tpu.memory_space<vmem>>
      %dma_start3A_53 = tpu.memref_squeeze %dma_start3A_52 : memref<1x128x128xf32, #tpu.memory_space<vmem>> -> memref<128x128xf32, #tpu.memory_space<vmem>>
      %dma_start3A_54 = arith.constant 0 : i32
      %dma_start3A_55 = tpu.memref_slice %arg14[%add3A_24, %dma_start3A_54] : memref<10112x128xf32, #tpu.memory_space<vmem_shared>> -> memref<128x128xf32, #tpu.memory_space<vmem_shared>>
      %dma_start3A_56 = arith.constant 0 : i32
      %dma_start3A_57 = tpu.memref_slice %arg14[%add3A_24, %dma_start3A_56] : memref<10112x128xf32, #tpu.memory_space<vmem_shared>> -> memref<128x128xf32, #tpu.memory_space<vmem_shared>>
      %dma_start3A_58 = arith.constant 0 : i32
      %dma_start3A_59 = arith.constant 0 : i32
      %dma_start3A_60 = tpu.memref_slice %arg10[%run_scoped3A_25, %dma_start3A_58, %dma_start3A_59] : memref<2x128x128xf32, #tpu.memory_space<vmem>> -> memref<1x128x128xf32, #tpu.memory_space<vmem>>
      %dma_start3A_61 = tpu.memref_squeeze %dma_start3A_60 : memref<1x128x128xf32, #tpu.memory_space<vmem>> -> memref<128x128xf32, #tpu.memory_space<vmem>>
      tpu.enqueue_dma source(%dma_start3A_61 : memref<128x128xf32, #tpu.memory_space<vmem>>) target(%dma_start3A_57 : memref<128x128xf32, #tpu.memory_space<vmem_shared>>) target_semaphore(%run_scoped3A_50 : memref<!tpu.dma_semaphore, #tpu.memory_space<semaphore_mem>>)
      %dma_wait3A = arith.constant 0 : i32
      %dma_wait3A_62 = arith.constant 0 : i32
      %dma_wait3A_63 = tpu.memref_slice %arg10[%run_scoped3A_25, %dma_wait3A, %dma_wait3A_62] : memref<2x128x128xf32, #tpu.memory_space<vmem>> -> memref<1x128x128xf32, #tpu.memory_space<vmem>>
      %dma_wait3A_64 = tpu.memref_squeeze %dma_wait3A_63 : memref<1x128x128xf32, #tpu.memory_space<vmem>> -> memref<128x128xf32, #tpu.memory_space<vmem>>
      %dma_wait3A_65 = arith.constant 0 : i32
      %dma_wait3A_66 = tpu.memref_slice %arg14[%add3A_24, %dma_wait3A_65] : memref<10112x128xf32, #tpu.memory_space<vmem_shared>> -> memref<128x128xf32, #tpu.memory_space<vmem_shared>>
      %dma_wait3A_67 = arith.constant 0 : i32
      %dma_wait3A_68 = tpu.memref_slice %arg14[%add3A_24, %dma_wait3A_67] : memref<10112x128xf32, #tpu.memory_space<vmem_shared>> -> memref<128x128xf32, #tpu.memory_space<vmem_shared>>
      %dma_wait3A_69 = arith.constant 0 : i32
      %dma_wait3A_70 = arith.constant 0 : i32
      %dma_wait3A_71 = tpu.memref_slice %arg10[%run_scoped3A_25, %dma_wait3A_69, %dma_wait3A_70] : memref<2x128x128xf32, #tpu.memory_space<vmem>> -> memref<1x128x128xf32, #tpu.memory_space<vmem>>
      %dma_wait3A_72 = tpu.memref_squeeze %dma_wait3A_71 : memref<1x128x128xf32, #tpu.memory_space<vmem>> -> memref<128x128xf32, #tpu.memory_space<vmem>>
      tpu.wait_dma2 semaphore(%run_scoped3A_50 : memref<!tpu.dma_semaphore, #tpu.memory_space<semaphore_mem>>) src(%dma_wait3A_72 : memref<128x128xf32, #tpu.memory_space<vmem>>) dst(%dma_wait3A_68 : memref<128x128xf32, #tpu.memory_space<vmem_shared>>)
      tpu.yield
    }) : () -> ()
    %mul3A_26 = arith.constant 632 : i32
    %mul3A_27 = arith.muli %arg1, %mul3A_26 : i32
    %add3A_28 = arith.constant 512 : i32
    %add3A_29 = arith.addi %mul3A_27, %add3A_28 : i32
    %run_scoped3A_30 = arith.constant 0 : i32
    "tpu.region"() ({
      %run_scoped3A_50 = tpu.sem_alloc : memref<!tpu.dma_semaphore, #tpu.memory_space<semaphore_mem>>
      %dma_start3A = arith.constant 0 : i32
      %dma_start3A_51 = arith.constant 0 : i32
      %dma_start3A_52 = tpu.memref_slice %arg10[%run_scoped3A_30, %dma_start3A, %dma_start3A_51] : memref<2x128x128xf32, #tpu.memory_space<vmem>> -> memref<1x120x128xf32, #tpu.memory_space<vmem>>
      %dma_start3A_53 = tpu.memref_squeeze %dma_start3A_52 : memref<1x120x128xf32, #tpu.memory_space<vmem>> -> memref<120x128xf32, #tpu.memory_space<vmem>>
      %dma_start3A_54 = arith.constant 0 : i32
      %dma_start3A_55 = tpu.memref_slice %arg14[%add3A_29, %dma_start3A_54] : memref<10112x128xf32, #tpu.memory_space<vmem_shared>> -> memref<120x128xf32, #tpu.memory_space<vmem_shared>>
      %dma_start3A_56 = arith.constant 0 : i32
      %dma_start3A_57 = tpu.memref_slice %arg14[%add3A_29, %dma_start3A_56] : memref<10112x128xf32, #tpu.memory_space<vmem_shared>> -> memref<120x128xf32, #tpu.memory_space<vmem_shared>>
      %dma_start3A_58 = arith.constant 0 : i32
      %dma_start3A_59 = arith.constant 0 : i32
      %dma_start3A_60 = tpu.memref_slice %arg10[%run_scoped3A_30, %dma_start3A_58, %dma_start3A_59] : memref<2x128x128xf32, #tpu.memory_space<vmem>> -> memref<1x120x128xf32, #tpu.memory_space<vmem>>
      %dma_start3A_61 = tpu.memref_squeeze %dma_start3A_60 : memref<1x120x128xf32, #tpu.memory_space<vmem>> -> memref<120x128xf32, #tpu.memory_space<vmem>>
      tpu.enqueue_dma source(%dma_start3A_61 : memref<120x128xf32, #tpu.memory_space<vmem>>) target(%dma_start3A_57 : memref<120x128xf32, #tpu.memory_space<vmem_shared>>) target_semaphore(%run_scoped3A_50 : memref<!tpu.dma_semaphore, #tpu.memory_space<semaphore_mem>>)
      %dma_wait3A = arith.constant 0 : i32
      %dma_wait3A_62 = arith.constant 0 : i32
      %dma_wait3A_63 = tpu.memref_slice %arg10[%run_scoped3A_30, %dma_wait3A, %dma_wait3A_62] : memref<2x128x128xf32, #tpu.memory_space<vmem>> -> memref<1x120x128xf32, #tpu.memory_space<vmem>>
      %dma_wait3A_64 = tpu.memref_squeeze %dma_wait3A_63 : memref<1x120x128xf32, #tpu.memory_space<vmem>> -> memref<120x128xf32, #tpu.memory_space<vmem>>
      %dma_wait3A_65 = arith.constant 0 : i32
      %dma_wait3A_66 = tpu.memref_slice %arg14[%add3A_29, %dma_wait3A_65] : memref<10112x128xf32, #tpu.memory_space<vmem_shared>> -> memref<120x128xf32, #tpu.memory_space<vmem_shared>>
      %dma_wait3A_67 = arith.constant 0 : i32
      %dma_wait3A_68 = tpu.memref_slice %arg14[%add3A_29, %dma_wait3A_67] : memref<10112x128xf32, #tpu.memory_space<vmem_shared>> -> memref<120x128xf32, #tpu.memory_space<vmem_shared>>
      %dma_wait3A_69 = arith.constant 0 : i32
      %dma_wait3A_70 = arith.constant 0 : i32
      %dma_wait3A_71 = tpu.memref_slice %arg10[%run_scoped3A_30, %dma_wait3A_69, %dma_wait3A_70] : memref<2x128x128xf32, #tpu.memory_space<vmem>> -> memref<1x120x128xf32, #tpu.memory_space<vmem>>
      %dma_wait3A_72 = tpu.memref_squeeze %dma_wait3A_71 : memref<1x120x128xf32, #tpu.memory_space<vmem>> -> memref<120x128xf32, #tpu.memory_space<vmem>>
      tpu.wait_dma2 semaphore(%run_scoped3A_50 : memref<!tpu.dma_semaphore, #tpu.memory_space<semaphore_mem>>) src(%dma_wait3A_72 : memref<120x128xf32, #tpu.memory_space<vmem>>) dst(%dma_wait3A_68 : memref<120x128xf32, #tpu.memory_space<vmem_shared>>)
      tpu.yield
    }) : () -> ()
    %barrier3A = arith.constant 0 : index
    tpu.barrier barrier_id(%barrier3A)
    %scan3A_31 = arith.constant 0 : i32
    %scan3A_32 = arith.constant 0 : i32
    %scan3A_33 = arith.constant 2 : i32
    %scan3A_34 = arith.addi %scan3A_32, %scan3A_33 : i32
    %scan3A_35 = arith.constant 1 : i32
    %scan3A_36 = scf.for %scan3A_50 = %scan3A_32 to %scan3A_34 step %scan3A_35 iter_args(%scan3A_51 = %scan3A_31) -> (i32)  : i32 {
      %dma_start3A = arith.constant 0 : i32
      %dma_start3A_52 = arith.constant 0 : i32
      %dma_start3A_53 = tpu.memref_slice %arg10[%scan3A_50, %dma_start3A, %dma_start3A_52] : memref<2x128x128xf32, #tpu.memory_space<vmem>> -> memref<1x128x128xf32, #tpu.memory_space<vmem>>
      %dma_start3A_54 = tpu.memref_squeeze %dma_start3A_53 : memref<1x128x128xf32, #tpu.memory_space<vmem>> -> memref<128x128xf32, #tpu.memory_space<vmem>>
      %dma_start3A_55 = arith.constant 0 : i32
      %dma_start3A_56 = tpu.memref_slice %arg7[%scan3A_50, %dma_start3A_55] : memref<79x128xi32, #tpu.memory_space<vmem>> -> memref<1x128xi32, #tpu.memory_space<vmem>>
      %dma_start3A_57 = tpu.memref_squeeze %dma_start3A_56 : memref<1x128xi32, #tpu.memory_space<vmem>> -> memref<128xi32, #tpu.memory_space<vmem>>
      %dma_start3A_58 = arith.constant 0 : i32
      %dma_start3A_59 = arith.constant 0 : i32
      %dma_start3A_60 = tpu.memref_slice %arg2[%dma_start3A_58, %dma_start3A_59] : memref<80000x128xf32, #tpu.memory_space<hbm>> -> memref<80000x128xf32, #tpu.memory_space<hbm>>
      %dma_start3A_61 = tpu.memref_slice %arg11[%scan3A_50] : memref<2x!tpu.dma_semaphore, #tpu.memory_space<semaphore_mem>> -> memref<1x!tpu.dma_semaphore, #tpu.memory_space<semaphore_mem>>
      %dma_start3A_62 = tpu.memref_squeeze %dma_start3A_61 : memref<1x!tpu.dma_semaphore, #tpu.memory_space<semaphore_mem>> -> memref<!tpu.dma_semaphore, #tpu.memory_space<semaphore_mem>>
      tpu.enqueue_indirect_dma source(%dma_start3A_60 : memref<80000x128xf32, #tpu.memory_space<hbm>>) target(%dma_start3A_54 : memref<128x128xf32, #tpu.memory_space<vmem>>) offsets(%dma_start3A_57 : memref<128xi32, #tpu.memory_space<vmem>>) semaphore(%dma_start3A_62 : memref<!tpu.dma_semaphore, #tpu.memory_space<semaphore_mem>>)
      %dma_start3A_63 = arith.constant 0 : i32
      %dma_start3A_64 = tpu.memref_slice %arg8[%scan3A_50, %dma_start3A_63] : memref<2x128xi32, #tpu.memory_space<vmem>> -> memref<1x128xi32, #tpu.memory_space<vmem>>
      %dma_start3A_65 = tpu.memref_squeeze %dma_start3A_64 : memref<1x128xi32, #tpu.memory_space<vmem>> -> memref<128xi32, #tpu.memory_space<vmem>>
      %dma_start3A_66 = arith.constant 0 : i32
      %dma_start3A_67 = tpu.memref_slice %arg4[%add3A, %scan3A_50, %dma_start3A_66] : memref<32x79x128xi32, #tpu.memory_space<hbm>> -> memref<1x1x128xi32, #tpu.memory_space<hbm>>
      %dma_start3A_68 = tpu.memref_squeeze %dma_start3A_67 : memref<1x1x128xi32, #tpu.memory_space<hbm>> -> memref<128xi32, #tpu.memory_space<hbm>>
      %dma_start3A_69 = tpu.memref_slice %arg12[%scan3A_50] : memref<2x!tpu.dma_semaphore, #tpu.memory_space<semaphore_mem>> -> memref<1x!tpu.dma_semaphore, #tpu.memory_space<semaphore_mem>>
      %dma_start3A_70 = tpu.memref_squeeze %dma_start3A_69 : memref<1x!tpu.dma_semaphore, #tpu.memory_space<semaphore_mem>> -> memref<!tpu.dma_semaphore, #tpu.memory_space<semaphore_mem>>
      %dma_start3A_71 = arith.constant 0 : i32
      %dma_start3A_72 = tpu.memref_slice %arg8[%scan3A_50, %dma_start3A_71] : memref<2x128xi32, #tpu.memory_space<vmem>> -> memref<1x128xi32, #tpu.memory_space<vmem>>
      %dma_start3A_73 = tpu.memref_squeeze %dma_start3A_72 : memref<1x128xi32, #tpu.memory_space<vmem>> -> memref<128xi32, #tpu.memory_space<vmem>>
      %dma_start3A_74 = arith.constant 0 : i32
      %dma_start3A_75 = tpu.memref_slice %arg4[%add3A, %scan3A_50, %dma_start3A_74] : memref<32x79x128xi32, #tpu.memory_space<hbm>> -> memref<1x1x128xi32, #tpu.memory_space<hbm>>
      %dma_start3A_76 = tpu.memref_squeeze %dma_start3A_75 : memref<1x1x128xi32, #tpu.memory_space<hbm>> -> memref<128xi32, #tpu.memory_space<hbm>>
      tpu.enqueue_dma source(%dma_start3A_76 : memref<128xi32, #tpu.memory_space<hbm>>) target(%dma_start3A_73 : memref<128xi32, #tpu.memory_space<vmem>>) target_semaphore(%dma_start3A_70 : memref<!tpu.dma_semaphore, #tpu.memory_space<semaphore_mem>>)
      %dma_start3A_77 = arith.constant 0 : i32
      %dma_start3A_78 = tpu.memref_slice %arg9[%scan3A_50, %dma_start3A_77] : memref<2x128xf32, #tpu.memory_space<vmem>> -> memref<1x128xf32, #tpu.memory_space<vmem>>
      %dma_start3A_79 = tpu.memref_squeeze %dma_start3A_78 : memref<1x128xf32, #tpu.memory_space<vmem>> -> memref<128xf32, #tpu.memory_space<vmem>>
      %dma_start3A_80 = arith.constant 0 : i32
      %dma_start3A_81 = tpu.memref_slice %arg5[%add3A, %scan3A_50, %dma_start3A_80] : memref<32x79x128xf32, #tpu.memory_space<hbm>> -> memref<1x1x128xf32, #tpu.memory_space<hbm>>
      %dma_start3A_82 = tpu.memref_squeeze %dma_start3A_81 : memref<1x1x128xf32, #tpu.memory_space<hbm>> -> memref<128xf32, #tpu.memory_space<hbm>>
      %dma_start3A_83 = tpu.memref_slice %arg13[%scan3A_50] : memref<2x!tpu.dma_semaphore, #tpu.memory_space<semaphore_mem>> -> memref<1x!tpu.dma_semaphore, #tpu.memory_space<semaphore_mem>>
      %dma_start3A_84 = tpu.memref_squeeze %dma_start3A_83 : memref<1x!tpu.dma_semaphore, #tpu.memory_space<semaphore_mem>> -> memref<!tpu.dma_semaphore, #tpu.memory_space<semaphore_mem>>
      %dma_start3A_85 = arith.constant 0 : i32
      %dma_start3A_86 = tpu.memref_slice %arg9[%scan3A_50, %dma_start3A_85] : memref<2x128xf32, #tpu.memory_space<vmem>> -> memref<1x128xf32, #tpu.memory_space<vmem>>
      %dma_start3A_87 = tpu.memref_squeeze %dma_start3A_86 : memref<1x128xf32, #tpu.memory_space<vmem>> -> memref<128xf32, #tpu.memory_space<vmem>>
      %dma_start3A_88 = arith.constant 0 : i32
      %dma_start3A_89 = tpu.memref_slice %arg5[%add3A, %scan3A_50, %dma_start3A_88] : memref<32x79x128xf32, #tpu.memory_space<hbm>> -> memref<1x1x128xf32, #tpu.memory_space<hbm>>
      %dma_start3A_90 = tpu.memref_squeeze %dma_start3A_89 : memref<1x1x128xf32, #tpu.memory_space<hbm>> -> memref<128xf32, #tpu.memory_space<hbm>>
      tpu.enqueue_dma source(%dma_start3A_90 : memref<128xf32, #tpu.memory_space<hbm>>) target(%dma_start3A_87 : memref<128xf32, #tpu.memory_space<vmem>>) target_semaphore(%dma_start3A_84 : memref<!tpu.dma_semaphore, #tpu.memory_space<semaphore_mem>>)
      %scan3A_91 = arith.constant 0 : i32
      scf.yield %scan3A_91 : i32
    }
    %scan3A_37 = arith.constant 2 : i32
    %scan3A_38 = arith.constant 0 : i32
    %scan3A_39 = arith.constant 0 : i32
    %scan3A_40 = arith.constant 79 : i32
    %scan3A_41 = arith.addi %scan3A_39, %scan3A_40 : i32
    %scan3A_42 = arith.constant 1 : i32
    %scan3A_43 = scf.for %scan3A_50 = %scan3A_39 to %scan3A_41 step %scan3A_42 iter_args(%scan3A_51 = %scan3A_38) -> (i32)  : i32 {
      %rem3A = arith.constant 2 : i32
      %rem3A_52 = arith.remsi %scan3A_50, %rem3A : i32
      %dma_wait3A = arith.constant 0 : i32
      %dma_wait3A_53 = arith.constant 0 : i32
      %dma_wait3A_54 = tpu.memref_slice %arg10[%rem3A_52, %dma_wait3A, %dma_wait3A_53] : memref<2x128x128xf32, #tpu.memory_space<vmem>> -> memref<1x128x128xf32, #tpu.memory_space<vmem>>
      %dma_wait3A_55 = tpu.memref_squeeze %dma_wait3A_54 : memref<1x128x128xf32, #tpu.memory_space<vmem>> -> memref<128x128xf32, #tpu.memory_space<vmem>>
      %dma_wait3A_56 = arith.constant 0 : i32
      %dma_wait3A_57 = tpu.memref_slice %arg7[%scan3A_50, %dma_wait3A_56] : memref<79x128xi32, #tpu.memory_space<vmem>> -> memref<1x128xi32, #tpu.memory_space<vmem>>
      %dma_wait3A_58 = tpu.memref_squeeze %dma_wait3A_57 : memref<1x128xi32, #tpu.memory_space<vmem>> -> memref<128xi32, #tpu.memory_space<vmem>>
      %dma_wait3A_59 = arith.constant 0 : i32
      %dma_wait3A_60 = arith.constant 0 : i32
      %dma_wait3A_61 = tpu.memref_slice %arg2[%dma_wait3A_59, %dma_wait3A_60] : memref<80000x128xf32, #tpu.memory_space<hbm>> -> memref<80000x128xf32, #tpu.memory_space<hbm>>
      %dma_wait3A_62 = tpu.memref_slice %arg11[%rem3A_52] : memref<2x!tpu.dma_semaphore, #tpu.memory_space<semaphore_mem>> -> memref<1x!tpu.dma_semaphore, #tpu.memory_space<semaphore_mem>>
      %dma_wait3A_63 = tpu.memref_squeeze %dma_wait3A_62 : memref<1x!tpu.dma_semaphore, #tpu.memory_space<semaphore_mem>> -> memref<!tpu.dma_semaphore, #tpu.memory_space<semaphore_mem>>
      tpu.wait_indirect_dma semaphore(%dma_wait3A_63 : memref<!tpu.dma_semaphore, #tpu.memory_space<semaphore_mem>>) src(%dma_wait3A_61 : memref<80000x128xf32, #tpu.memory_space<hbm>>) dst(%dma_wait3A_55 : memref<128x128xf32, #tpu.memory_space<vmem>>)
      %dma_wait3A_64 = arith.constant 0 : i32
      %dma_wait3A_65 = tpu.memref_slice %arg9[%rem3A_52, %dma_wait3A_64] : memref<2x128xf32, #tpu.memory_space<vmem>> -> memref<1x128xf32, #tpu.memory_space<vmem>>
      %dma_wait3A_66 = tpu.memref_squeeze %dma_wait3A_65 : memref<1x128xf32, #tpu.memory_space<vmem>> -> memref<128xf32, #tpu.memory_space<vmem>>
      %dma_wait3A_67 = arith.constant 0 : i32
      %dma_wait3A_68 = tpu.memref_slice %arg5[%add3A, %scan3A_50, %dma_wait3A_67] : memref<32x79x128xf32, #tpu.memory_space<hbm>> -> memref<1x1x128xf32, #tpu.memory_space<hbm>>
      %dma_wait3A_69 = tpu.memref_squeeze %dma_wait3A_68 : memref<1x1x128xf32, #tpu.memory_space<hbm>> -> memref<128xf32, #tpu.memory_space<hbm>>
      %dma_wait3A_70 = tpu.memref_slice %arg13[%rem3A_52] : memref<2x!tpu.dma_semaphore, #tpu.memory_space<semaphore_mem>> -> memref<1x!tpu.dma_semaphore, #tpu.memory_space<semaphore_mem>>
      %dma_wait3A_71 = tpu.memref_squeeze %dma_wait3A_70 : memref<1x!tpu.dma_semaphore, #tpu.memory_space<semaphore_mem>> -> memref<!tpu.dma_semaphore, #tpu.memory_space<semaphore_mem>>
      %dma_wait3A_72 = arith.constant 0 : i32
      %dma_wait3A_73 = tpu.memref_slice %arg9[%rem3A_52, %dma_wait3A_72] : memref<2x128xf32, #tpu.memory_space<vmem>> -> memref<1x128xf32, #tpu.memory_space<vmem>>
      %dma_wait3A_74 = tpu.memref_squeeze %dma_wait3A_73 : memref<1x128xf32, #tpu.memory_space<vmem>> -> memref<128xf32, #tpu.memory_space<vmem>>
      %dma_wait3A_75 = arith.constant 0 : i32
      %dma_wait3A_76 = tpu.memref_slice %arg5[%add3A, %scan3A_50, %dma_wait3A_75] : memref<32x79x128xf32, #tpu.memory_space<hbm>> -> memref<1x1x128xf32, #tpu.memory_space<hbm>>
      %dma_wait3A_77 = tpu.memref_squeeze %dma_wait3A_76 : memref<1x1x128xf32, #tpu.memory_space<hbm>> -> memref<128xf32, #tpu.memory_space<hbm>>
      tpu.wait_dma2 semaphore(%dma_wait3A_71 : memref<!tpu.dma_semaphore, #tpu.memory_space<semaphore_mem>>) src(%dma_wait3A_77 : memref<128xf32, #tpu.memory_space<hbm>>) dst(%dma_wait3A_74 : memref<128xf32, #tpu.memory_space<vmem>>)
      %broadcast_in_dim3A = vector.broadcast %rem3A_52 : i32 to vector<16xi32>
      %scan3A_78 = arith.constant 0 : i32
      %scan3A_79 = arith.constant 0 : i32
      %scan3A_80 = arith.constant 16 : i32
      %scan3A_81 = arith.addi %scan3A_79, %scan3A_80 : i32
      %scan3A_82 = arith.constant 1 : i32
      %scan3A_83 = scf.for %scan3A_104 = %scan3A_79 to %scan3A_81 step %scan3A_82 iter_args(%scan3A_105 = %scan3A_78) -> (i32)  : i32 {
        %mul3A_106 = arith.constant 8 : i32
        %mul3A_107 = arith.muli %scan3A_104, %mul3A_106 : i32
        %add3A_108 = arith.constant 0 : i32
        %add3A_109 = arith.addi %mul3A_107, %add3A_108 : i32
        %broadcast_in_dim3A_110 = vector.broadcast %add3A_109 : i32 to vector<16xi32>
        %gather3A = tpu.vector_load_idx %arg9[%broadcast_in_dim3A, %broadcast_in_dim3A_110] : memref<2x128xf32, #tpu.memory_space<vmem>>[vector<16xi32>, vector<16xi32>], vector<16xf32>,
        %get3A = arith.index_cast %rem3A_52 : i32 to index
        %get3A_111 = arith.index_cast %add3A_109 : i32 to index
        %get3A_112 = arith.constant 0 : index
        %get3A_113 = tpu.vector_load %arg10[%get3A, %get3A_111, %get3A_112] {strides = array<i32>} : memref<2x128x128xf32, #tpu.memory_space<vmem>>, vector<16xf32>,
        %mul3A_114 = arith.mulf %get3A_113, %gather3A : vector<16xf32>
        %swap3A = arith.index_cast %rem3A_52 : i32 to index
        %swap3A_115 = arith.index_cast %add3A_109 : i32 to index
        %swap3A_116 = arith.constant 0 : index
        %swap3A_117 = tpu.vector_load %arg10[%swap3A, %swap3A_115, %swap3A_116] {strides = array<i32>} : memref<2x128x128xf32, #tpu.memory_space<vmem>>, vector<16xf32>,
        tpu.vector_store %arg10[%swap3A, %swap3A_115, %swap3A_116], %mul3A_114 {strides = array<i32>} : memref<2x128x128xf32, #tpu.memory_space<vmem>>, vector<16xf32>,
        %get3A_118 = arith.index_cast %rem3A_52 : i32 to index
        %get3A_119 = arith.index_cast %add3A_109 : i32 to index
        %get3A_120 = arith.constant 16 : index
        %get3A_121 = tpu.vector_load %arg10[%get3A_118, %get3A_119, %get3A_120] {strides = array<i32>} : memref<2x128x128xf32, #tpu.memory_space<vmem>>, vector<16xf32>,
        %mul3A_122 = arith.mulf %get3A_121, %gather3A : vector<16xf32>
        %swap3A_123 = arith.index_cast %rem3A_52 : i32 to index
        %swap3A_124 = arith.index_cast %add3A_109 : i32 to index
        %swap3A_125 = arith.constant 16 : index
        %swap3A_126 = tpu.vector_load %arg10[%swap3A_123, %swap3A_124, %swap3A_125] {strides = array<i32>} : memref<2x128x128xf32, #tpu.memory_space<vmem>>, vector<16xf32>,
        tpu.vector_store %arg10[%swap3A_123, %swap3A_124, %swap3A_125], %mul3A_122 {strides = array<i32>} : memref<2x128x128xf32, #tpu.memory_space<vmem>>, vector<16xf32>,
        %get3A_127 = arith.index_cast %rem3A_52 : i32 to index
        %get3A_128 = arith.index_cast %add3A_109 : i32 to index
        %get3A_129 = arith.constant 32 : index
        %get3A_130 = tpu.vector_load %arg10[%get3A_127, %get3A_128, %get3A_129] {strides = array<i32>} : memref<2x128x128xf32, #tpu.memory_space<vmem>>, vector<16xf32>,
        %mul3A_131 = arith.mulf %get3A_130, %gather3A : vector<16xf32>
        %swap3A_132 = arith.index_cast %rem3A_52 : i32 to index
        %swap3A_133 = arith.index_cast %add3A_109 : i32 to index
        %swap3A_134 = arith.constant 32 : index
        %swap3A_135 = tpu.vector_load %arg10[%swap3A_132, %swap3A_133, %swap3A_134] {strides = array<i32>} : memref<2x128x128xf32, #tpu.memory_space<vmem>>, vector<16xf32>,
        tpu.vector_store %arg10[%swap3A_132, %swap3A_133, %swap3A_134], %mul3A_131 {strides = array<i32>} : memref<2x128x128xf32, #tpu.memory_space<vmem>>, vector<16xf32>,
        %get3A_136 = arith.index_cast %rem3A_52 : i32 to index
        %get3A_137 = arith.index_cast %add3A_109 : i32 to index
        %get3A_138 = arith.constant 48 : index
        %get3A_139 = tpu.vector_load %arg10[%get3A_136, %get3A_137, %get3A_138] {strides = array<i32>} : memref<2x128x128xf32, #tpu.memory_space<vmem>>, vector<16xf32>,
        %mul3A_140 = arith.mulf %get3A_139, %gather3A : vector<16xf32>
        %swap3A_141 = arith.index_cast %rem3A_52 : i32 to index
        %swap3A_142 = arith.index_cast %add3A_109 : i32 to index
        %swap3A_143 = arith.constant 48 : index
        %swap3A_144 = tpu.vector_load %arg10[%swap3A_141, %swap3A_142, %swap3A_143] {strides = array<i32>} : memref<2x128x128xf32, #tpu.memory_space<vmem>>, vector<16xf32>,
        tpu.vector_store %arg10[%swap3A_141, %swap3A_142, %swap3A_143], %mul3A_140 {strides = array<i32>} : memref<2x128x128xf32, #tpu.memory_space<vmem>>, vector<16xf32>,
        %get3A_145 = arith.index_cast %rem3A_52 : i32 to index
        %get3A_146 = arith.index_cast %add3A_109 : i32 to index
        %get3A_147 = arith.constant 64 : index
        %get3A_148 = tpu.vector_load %arg10[%get3A_145, %get3A_146, %get3A_147] {strides = array<i32>} : memref<2x128x128xf32, #tpu.memory_space<vmem>>, vector<16xf32>,
        %mul3A_149 = arith.mulf %get3A_148, %gather3A : vector<16xf32>
        %swap3A_150 = arith.index_cast %rem3A_52 : i32 to index
        %swap3A_151 = arith.index_cast %add3A_109 : i32 to index
        %swap3A_152 = arith.constant 64 : index
        %swap3A_153 = tpu.vector_load %arg10[%swap3A_150, %swap3A_151, %swap3A_152] {strides = array<i32>} : memref<2x128x128xf32, #tpu.memory_space<vmem>>, vector<16xf32>,
        tpu.vector_store %arg10[%swap3A_150, %swap3A_151, %swap3A_152], %mul3A_149 {strides = array<i32>} : memref<2x128x128xf32, #tpu.memory_space<vmem>>, vector<16xf32>,
        %get3A_154 = arith.index_cast %rem3A_52 : i32 to index
        %get3A_155 = arith.index_cast %add3A_109 : i32 to index
        %get3A_156 = arith.constant 80 : index
        %get3A_157 = tpu.vector_load %arg10[%get3A_154, %get3A_155, %get3A_156] {strides = array<i32>} : memref<2x128x128xf32, #tpu.memory_space<vmem>>, vector<16xf32>,
        %mul3A_158 = arith.mulf %get3A_157, %gather3A : vector<16xf32>
        %swap3A_159 = arith.index_cast %rem3A_52 : i32 to index
        %swap3A_160 = arith.index_cast %add3A_109 : i32 to index
        %swap3A_161 = arith.constant 80 : index
        %swap3A_162 = tpu.vector_load %arg10[%swap3A_159, %swap3A_160, %swap3A_161] {strides = array<i32>} : memref<2x128x128xf32, #tpu.memory_space<vmem>>, vector<16xf32>,
        tpu.vector_store %arg10[%swap3A_159, %swap3A_160, %swap3A_161], %mul3A_158 {strides = array<i32>} : memref<2x128x128xf32, #tpu.memory_space<vmem>>, vector<16xf32>,
        %get3A_163 = arith.index_cast %rem3A_52 : i32 to index
        %get3A_164 = arith.index_cast %add3A_109 : i32 to index
        %get3A_165 = arith.constant 96 : index
        %get3A_166 = tpu.vector_load %arg10[%get3A_163, %get3A_164, %get3A_165] {strides = array<i32>} : memref<2x128x128xf32, #tpu.memory_space<vmem>>, vector<16xf32>,
        %mul3A_167 = arith.mulf %get3A_166, %gather3A : vector<16xf32>
        %swap3A_168 = arith.index_cast %rem3A_52 : i32 to index
        %swap3A_169 = arith.index_cast %add3A_109 : i32 to index
        %swap3A_170 = arith.constant 96 : index
        %swap3A_171 = tpu.vector_load %arg10[%swap3A_168, %swap3A_169, %swap3A_170] {strides = array<i32>} : memref<2x128x128xf32, #tpu.memory_space<vmem>>, vector<16xf32>,
        tpu.vector_store %arg10[%swap3A_168, %swap3A_169, %swap3A_170], %mul3A_167 {strides = array<i32>} : memref<2x128x128xf32, #tpu.memory_space<vmem>>, vector<16xf32>,
        %get3A_172 = arith.index_cast %rem3A_52 : i32 to index
        %get3A_173 = arith.index_cast %add3A_109 : i32 to index
        %get3A_174 = arith.constant 112 : index
        %get3A_175 = tpu.vector_load %arg10[%get3A_172, %get3A_173, %get3A_174] {strides = array<i32>} : memref<2x128x128xf32, #tpu.memory_space<vmem>>, vector<16xf32>,
        %mul3A_176 = arith.mulf %get3A_175, %gather3A : vector<16xf32>
        %swap3A_177 = arith.index_cast %rem3A_52 : i32 to index
        %swap3A_178 = arith.index_cast %add3A_109 : i32 to index
        %swap3A_179 = arith.constant 112 : index
        %swap3A_180 = tpu.vector_load %arg10[%swap3A_177, %swap3A_178, %swap3A_179] {strides = array<i32>} : memref<2x128x128xf32, #tpu.memory_space<vmem>>, vector<16xf32>,
        tpu.vector_store %arg10[%swap3A_177, %swap3A_178, %swap3A_179], %mul3A_176 {strides = array<i32>} : memref<2x128x128xf32, #tpu.memory_space<vmem>>, vector<16xf32>,
        %mul3A_181 = arith.constant 8 : i32
        %mul3A_182 = arith.muli %scan3A_104, %mul3A_181 : i32
        %add3A_183 = arith.constant 1 : i32
        %add3A_184 = arith.addi %mul3A_182, %add3A_183 : i32
        %broadcast_in_dim3A_185 = vector.broadcast %add3A_184 : i32 to vector<16xi32>
        %gather3A_186 = tpu.vector_load_idx %arg9[%broadcast_in_dim3A, %broadcast_in_dim3A_185] : memref<2x128xf32, #tpu.memory_space<vmem>>[vector<16xi32>, vector<16xi32>], vector<16xf32>,
        %get3A_187 = arith.index_cast %rem3A_52 : i32 to index
        %get3A_188 = arith.index_cast %add3A_184 : i32 to index
        %get3A_189 = arith.constant 0 : index
        %get3A_190 = tpu.vector_load %arg10[%get3A_187, %get3A_188, %get3A_189] {strides = array<i32>} : memref<2x128x128xf32, #tpu.memory_space<vmem>>, vector<16xf32>,
        %mul3A_191 = arith.mulf %get3A_190, %gather3A_186 : vector<16xf32>
        %swap3A_192 = arith.index_cast %rem3A_52 : i32 to index
        %swap3A_193 = arith.index_cast %add3A_184 : i32 to index
        %swap3A_194 = arith.constant 0 : index
        %swap3A_195 = tpu.vector_load %arg10[%swap3A_192, %swap3A_193, %swap3A_194] {strides = array<i32>} : memref<2x128x128xf32, #tpu.memory_space<vmem>>, vector<16xf32>,
        tpu.vector_store %arg10[%swap3A_192, %swap3A_193, %swap3A_194], %mul3A_191 {strides = array<i32>} : memref<2x128x128xf32, #tpu.memory_space<vmem>>, vector<16xf32>,
        %get3A_196 = arith.index_cast %rem3A_52 : i32 to index
        %get3A_197 = arith.index_cast %add3A_184 : i32 to index
        %get3A_198 = arith.constant 16 : index
        %get3A_199 = tpu.vector_load %arg10[%get3A_196, %get3A_197, %get3A_198] {strides = array<i32>} : memref<2x128x128xf32, #tpu.memory_space<vmem>>, vector<16xf32>,
        %mul3A_200 = arith.mulf %get3A_199, %gather3A_186 : vector<16xf32>
        %swap3A_201 = arith.index_cast %rem3A_52 : i32 to index
        %swap3A_202 = arith.index_cast %add3A_184 : i32 to index
        %swap3A_203 = arith.constant 16 : index
        %swap3A_204 = tpu.vector_load %arg10[%swap3A_201, %swap3A_202, %swap3A_203] {strides = array<i32>} : memref<2x128x128xf32, #tpu.memory_space<vmem>>, vector<16xf32>,
        tpu.vector_store %arg10[%swap3A_201, %swap3A_202, %swap3A_203], %mul3A_200 {strides = array<i32>} : memref<2x128x128xf32, #tpu.memory_space<vmem>>, vector<16xf32>,
        %get3A_205 = arith.index_cast %rem3A_52 : i32 to index
        %get3A_206 = arith.index_cast %add3A_184 : i32 to index
        %get3A_207 = arith.constant 32 : index
        %get3A_208 = tpu.vector_load %arg10[%get3A_205, %get3A_206, %get3A_207] {strides = array<i32>} : memref<2x128x128xf32, #tpu.memory_space<vmem>>, vector<16xf32>,
        %mul3A_209 = arith.mulf %get3A_208, %gather3A_186 : vector<16xf32>
        %swap3A_210 = arith.index_cast %rem3A_52 : i32 to index
        %swap3A_211 = arith.index_cast %add3A_184 : i32 to index
        %swap3A_212 = arith.constant 32 : index
        %swap3A_213 = tpu.vector_load %arg10[%swap3A_210, %swap3A_211, %swap3A_212] {strides = array<i32>} : memref<2x128x128xf32, #tpu.memory_space<vmem>>, vector<16xf32>,
        tpu.vector_store %arg10[%swap3A_210, %swap3A_211, %swap3A_212], %mul3A_209 {strides = array<i32>} : memref<2x128x128xf32, #tpu.memory_space<vmem>>, vector<16xf32>,
        %get3A_214 = arith.index_cast %rem3A_52 : i32 to index
        %get3A_215 = arith.index_cast %add3A_184 : i32 to index
        %get3A_216 = arith.constant 48 : index
        %get3A_217 = tpu.vector_load %arg10[%get3A_214, %get3A_215, %get3A_216] {strides = array<i32>} : memref<2x128x128xf32, #tpu.memory_space<vmem>>, vector<16xf32>,
        %mul3A_218 = arith.mulf %get3A_217, %gather3A_186 : vector<16xf32>
        %swap3A_219 = arith.index_cast %rem3A_52 : i32 to index
        %swap3A_220 = arith.index_cast %add3A_184 : i32 to index
        %swap3A_221 = arith.constant 48 : index
        %swap3A_222 = tpu.vector_load %arg10[%swap3A_219, %swap3A_220, %swap3A_221] {strides = array<i32>} : memref<2x128x128xf32, #tpu.memory_space<vmem>>, vector<16xf32>,
        tpu.vector_store %arg10[%swap3A_219, %swap3A_220, %swap3A_221], %mul3A_218 {strides = array<i32>} : memref<2x128x128xf32, #tpu.memory_space<vmem>>, vector<16xf32>,
        %get3A_223 = arith.index_cast %rem3A_52 : i32 to index
        %get3A_224 = arith.index_cast %add3A_184 : i32 to index
        %get3A_225 = arith.constant 64 : index
        %get3A_226 = tpu.vector_load %arg10[%get3A_223, %get3A_224, %get3A_225] {strides = array<i32>} : memref<2x128x128xf32, #tpu.memory_space<vmem>>, vector<16xf32>,
        %mul3A_227 = arith.mulf %get3A_226, %gather3A_186 : vector<16xf32>
        %swap3A_228 = arith.index_cast %rem3A_52 : i32 to index
        %swap3A_229 = arith.index_cast %add3A_184 : i32 to index
        %swap3A_230 = arith.constant 64 : index
        %swap3A_231 = tpu.vector_load %arg10[%swap3A_228, %swap3A_229, %swap3A_230] {strides = array<i32>} : memref<2x128x128xf32, #tpu.memory_space<vmem>>, vector<16xf32>,
        tpu.vector_store %arg10[%swap3A_228, %swap3A_229, %swap3A_230], %mul3A_227 {strides = array<i32>} : memref<2x128x128xf32, #tpu.memory_space<vmem>>, vector<16xf32>,
        %get3A_232 = arith.index_cast %rem3A_52 : i32 to index
        %get3A_233 = arith.index_cast %add3A_184 : i32 to index
        %get3A_234 = arith.constant 80 : index
        %get3A_235 = tpu.vector_load %arg10[%get3A_232, %get3A_233, %get3A_234] {strides = array<i32>} : memref<2x128x128xf32, #tpu.memory_space<vmem>>, vector<16xf32>,
        %mul3A_236 = arith.mulf %get3A_235, %gather3A_186 : vector<16xf32>
        %swap3A_237 = arith.index_cast %rem3A_52 : i32 to index
        %swap3A_238 = arith.index_cast %add3A_184 : i32 to index
        %swap3A_239 = arith.constant 80 : index
        %swap3A_240 = tpu.vector_load %arg10[%swap3A_237, %swap3A_238, %swap3A_239] {strides = array<i32>} : memref<2x128x128xf32, #tpu.memory_space<vmem>>, vector<16xf32>,
        tpu.vector_store %arg10[%swap3A_237, %swap3A_238, %swap3A_239], %mul3A_236 {strides = array<i32>} : memref<2x128x128xf32, #tpu.memory_space<vmem>>, vector<16xf32>,
        %get3A_241 = arith.index_cast %rem3A_52 : i32 to index
        %get3A_242 = arith.index_cast %add3A_184 : i32 to index
        %get3A_243 = arith.constant 96 : index
        %get3A_244 = tpu.vector_load %arg10[%get3A_241, %get3A_242, %get3A_243] {strides = array<i32>} : memref<2x128x128xf32, #tpu.memory_space<vmem>>, vector<16xf32>,
        %mul3A_245 = arith.mulf %get3A_244, %gather3A_186 : vector<16xf32>
        %swap3A_246 = arith.index_cast %rem3A_52 : i32 to index
        %swap3A_247 = arith.index_cast %add3A_184 : i32 to index
        %swap3A_248 = arith.constant 96 : index
        %swap3A_249 = tpu.vector_load %arg10[%swap3A_246, %swap3A_247, %swap3A_248] {strides = array<i32>} : memref<2x128x128xf32, #tpu.memory_space<vmem>>, vector<16xf32>,
        tpu.vector_store %arg10[%swap3A_246, %swap3A_247, %swap3A_248], %mul3A_245 {strides = array<i32>} : memref<2x128x128xf32, #tpu.memory_space<vmem>>, vector<16xf32>,
        %get3A_250 = arith.index_cast %rem3A_52 : i32 to index
        %get3A_251 = arith.index_cast %add3A_184 : i32 to index
        %get3A_252 = arith.constant 112 : index
        %get3A_253 = tpu.vector_load %arg10[%get3A_250, %get3A_251, %get3A_252] {strides = array<i32>} : memref<2x128x128xf32, #tpu.memory_space<vmem>>, vector<16xf32>,
        %mul3A_254 = arith.mulf %get3A_253, %gather3A_186 : vector<16xf32>
        %swap3A_255 = arith.index_cast %rem3A_52 : i32 to index
        %swap3A_256 = arith.index_cast %add3A_184 : i32 to index
        %swap3A_257 = arith.constant 112 : index
        %swap3A_258 = tpu.vector_load %arg10[%swap3A_255, %swap3A_256, %swap3A_257] {strides = array<i32>} : memref<2x128x128xf32, #tpu.memory_space<vmem>>, vector<16xf32>,
        tpu.vector_store %arg10[%swap3A_255, %swap3A_256, %swap3A_257], %mul3A_254 {strides = array<i32>} : memref<2x128x128xf32, #tpu.memory_space<vmem>>, vector<16xf32>,
        %mul3A_259 = arith.constant 8 : i32
        %mul3A_260 = arith.muli %scan3A_104, %mul3A_259 : i32
        %add3A_261 = arith.constant 2 : i32
        %add3A_262 = arith.addi %mul3A_260, %add3A_261 : i32
        %broadcast_in_dim3A_263 = vector.broadcast %add3A_262 : i32 to vector<16xi32>
        %gather3A_264 = tpu.vector_load_idx %arg9[%broadcast_in_dim3A, %broadcast_in_dim3A_263] : memref<2x128xf32, #tpu.memory_space<vmem>>[vector<16xi32>, vector<16xi32>], vector<16xf32>,
        %get3A_265 = arith.index_cast %rem3A_52 : i32 to index
        %get3A_266 = arith.index_cast %add3A_262 : i32 to index
        %get3A_267 = arith.constant 0 : index
        %get3A_268 = tpu.vector_load %arg10[%get3A_265, %get3A_266, %get3A_267] {strides = array<i32>} : memref<2x128x128xf32, #tpu.memory_space<vmem>>, vector<16xf32>,
        %mul3A_269 = arith.mulf %get3A_268, %gather3A_264 : vector<16xf32>
        %swap3A_270 = arith.index_cast %rem3A_52 : i32 to index
        %swap3A_271 = arith.index_cast %add3A_262 : i32 to index
        %swap3A_272 = arith.constant 0 : index
        %swap3A_273 = tpu.vector_load %arg10[%swap3A_270, %swap3A_271, %swap3A_272] {strides = array<i32>} : memref<2x128x128xf32, #tpu.memory_space<vmem>>, vector<16xf32>,
        tpu.vector_store %arg10[%swap3A_270, %swap3A_271, %swap3A_272], %mul3A_269 {strides = array<i32>} : memref<2x128x128xf32, #tpu.memory_space<vmem>>, vector<16xf32>,
        %get3A_274 = arith.index_cast %rem3A_52 : i32 to index
        %get3A_275 = arith.index_cast %add3A_262 : i32 to index
        %get3A_276 = arith.constant 16 : index
        %get3A_277 = tpu.vector_load %arg10[%get3A_274, %get3A_275, %get3A_276] {strides = array<i32>} : memref<2x128x128xf32, #tpu.memory_space<vmem>>, vector<16xf32>,
        %mul3A_278 = arith.mulf %get3A_277, %gather3A_264 : vector<16xf32>
        %swap3A_279 = arith.index_cast %rem3A_52 : i32 to index
        %swap3A_280 = arith.index_cast %add3A_262 : i32 to index
        %swap3A_281 = arith.constant 16 : index
        %swap3A_282 = tpu.vector_load %arg10[%swap3A_279, %swap3A_280, %swap3A_281] {strides = array<i32>} : memref<2x128x128xf32, #tpu.memory_space<vmem>>, vector<16xf32>,
        tpu.vector_store %arg10[%swap3A_279, %swap3A_280, %swap3A_281], %mul3A_278 {strides = array<i32>} : memref<2x128x128xf32, #tpu.memory_space<vmem>>, vector<16xf32>,
        %get3A_283 = arith.index_cast %rem3A_52 : i32 to index
        %get3A_284 = arith.index_cast %add3A_262 : i32 to index
        %get3A_285 = arith.constant 32 : index
        %get3A_286 = tpu.vector_load %arg10[%get3A_283, %get3A_284, %get3A_285] {strides = array<i32>} : memref<2x128x128xf32, #tpu.memory_space<vmem>>, vector<16xf32>,
        %mul3A_287 = arith.mulf %get3A_286, %gather3A_264 : vector<16xf32>
        %swap3A_288 = arith.index_cast %rem3A_52 : i32 to index
        %swap3A_289 = arith.index_cast %add3A_262 : i32 to index
        %swap3A_290 = arith.constant 32 : index
        %swap3A_291 = tpu.vector_load %arg10[%swap3A_288, %swap3A_289, %swap3A_290] {strides = array<i32>} : memref<2x128x128xf32, #tpu.memory_space<vmem>>, vector<16xf32>,
        tpu.vector_store %arg10[%swap3A_288, %swap3A_289, %swap3A_290], %mul3A_287 {strides = array<i32>} : memref<2x128x128xf32, #tpu.memory_space<vmem>>, vector<16xf32>,
        %get3A_292 = arith.index_cast %rem3A_52 : i32 to index
        %get3A_293 = arith.index_cast %add3A_262 : i32 to index
        %get3A_294 = arith.constant 48 : index
        %get3A_295 = tpu.vector_load %arg10[%get3A_292, %get3A_293, %get3A_294] {strides = array<i32>} : memref<2x128x128xf32, #tpu.memory_space<vmem>>, vector<16xf32>,
        %mul3A_296 = arith.mulf %get3A_295, %gather3A_264 : vector<16xf32>
        %swap3A_297 = arith.index_cast %rem3A_52 : i32 to index
        %swap3A_298 = arith.index_cast %add3A_262 : i32 to index
        %swap3A_299 = arith.constant 48 : index
        %swap3A_300 = tpu.vector_load %arg10[%swap3A_297, %swap3A_298, %swap3A_299] {strides = array<i32>} : memref<2x128x128xf32, #tpu.memory_space<vmem>>, vector<16xf32>,
        tpu.vector_store %arg10[%swap3A_297, %swap3A_298, %swap3A_299], %mul3A_296 {strides = array<i32>} : memref<2x128x128xf32, #tpu.memory_space<vmem>>, vector<16xf32>,
        %get3A_301 = arith.index_cast %rem3A_52 : i32 to index
        %get3A_302 = arith.index_cast %add3A_262 : i32 to index
        %get3A_303 = arith.constant 64 : index
        %get3A_304 = tpu.vector_load %arg10[%get3A_301, %get3A_302, %get3A_303] {strides = array<i32>} : memref<2x128x128xf32, #tpu.memory_space<vmem>>, vector<16xf32>,
        %mul3A_305 = arith.mulf %get3A_304, %gather3A_264 : vector<16xf32>
        %swap3A_306 = arith.index_cast %rem3A_52 : i32 to index
        %swap3A_307 = arith.index_cast %add3A_262 : i32 to index
        %swap3A_308 = arith.constant 64 : index
        %swap3A_309 = tpu.vector_load %arg10[%swap3A_306, %swap3A_307, %swap3A_308] {strides = array<i32>} : memref<2x128x128xf32, #tpu.memory_space<vmem>>, vector<16xf32>,
        tpu.vector_store %arg10[%swap3A_306, %swap3A_307, %swap3A_308], %mul3A_305 {strides = array<i32>} : memref<2x128x128xf32, #tpu.memory_space<vmem>>, vector<16xf32>,
        %get3A_310 = arith.index_cast %rem3A_52 : i32 to index
        %get3A_311 = arith.index_cast %add3A_262 : i32 to index
        %get3A_312 = arith.constant 80 : index
        %get3A_313 = tpu.vector_load %arg10[%get3A_310, %get3A_311, %get3A_312] {strides = array<i32>} : memref<2x128x128xf32, #tpu.memory_space<vmem>>, vector<16xf32>,
        %mul3A_314 = arith.mulf %get3A_313, %gather3A_264 : vector<16xf32>
        %swap3A_315 = arith.index_cast %rem3A_52 : i32 to index
        %swap3A_316 = arith.index_cast %add3A_262 : i32 to index
        %swap3A_317 = arith.constant 80 : index
        %swap3A_318 = tpu.vector_load %arg10[%swap3A_315, %swap3A_316, %swap3A_317] {strides = array<i32>} : memref<2x128x128xf32, #tpu.memory_space<vmem>>, vector<16xf32>,
        tpu.vector_store %arg10[%swap3A_315, %swap3A_316, %swap3A_317], %mul3A_314 {strides = array<i32>} : memref<2x128x128xf32, #tpu.memory_space<vmem>>, vector<16xf32>,
        %get3A_319 = arith.index_cast %rem3A_52 : i32 to index
        %get3A_320 = arith.index_cast %add3A_262 : i32 to index
        %get3A_321 = arith.constant 96 : index
        %get3A_322 = tpu.vector_load %arg10[%get3A_319, %get3A_320, %get3A_321] {strides = array<i32>} : memref<2x128x128xf32, #tpu.memory_space<vmem>>, vector<16xf32>,
        %mul3A_323 = arith.mulf %get3A_322, %gather3A_264 : vector<16xf32>
        %swap3A_324 = arith.index_cast %rem3A_52 : i32 to index
        %swap3A_325 = arith.index_cast %add3A_262 : i32 to index
        %swap3A_326 = arith.constant 96 : index
        %swap3A_327 = tpu.vector_load %arg10[%swap3A_324, %swap3A_325, %swap3A_326] {strides = array<i32>} : memref<2x128x128xf32, #tpu.memory_space<vmem>>, vector<16xf32>,
        tpu.vector_store %arg10[%swap3A_324, %swap3A_325, %swap3A_326], %mul3A_323 {strides = array<i32>} : memref<2x128x128xf32, #tpu.memory_space<vmem>>, vector<16xf32>,
        %get3A_328 = arith.index_cast %rem3A_52 : i32 to index
        %get3A_329 = arith.index_cast %add3A_262 : i32 to index
        %get3A_330 = arith.constant 112 : index
        %get3A_331 = tpu.vector_load %arg10[%get3A_328, %get3A_329, %get3A_330] {strides = array<i32>} : memref<2x128x128xf32, #tpu.memory_space<vmem>>, vector<16xf32>,
        %mul3A_332 = arith.mulf %get3A_331, %gather3A_264 : vector<16xf32>
        %swap3A_333 = arith.index_cast %rem3A_52 : i32 to index
        %swap3A_334 = arith.index_cast %add3A_262 : i32 to index
        %swap3A_335 = arith.constant 112 : index
        %swap3A_336 = tpu.vector_load %arg10[%swap3A_333, %swap3A_334, %swap3A_335] {strides = array<i32>} : memref<2x128x128xf32, #tpu.memory_space<vmem>>, vector<16xf32>,
        tpu.vector_store %arg10[%swap3A_333, %swap3A_334, %swap3A_335], %mul3A_332 {strides = array<i32>} : memref<2x128x128xf32, #tpu.memory_space<vmem>>, vector<16xf32>,
        %mul3A_337 = arith.constant 8 : i32
        %mul3A_338 = arith.muli %scan3A_104, %mul3A_337 : i32
        %add3A_339 = arith.constant 3 : i32
        %add3A_340 = arith.addi %mul3A_338, %add3A_339 : i32
        %broadcast_in_dim3A_341 = vector.broadcast %add3A_340 : i32 to vector<16xi32>
        %gather3A_342 = tpu.vector_load_idx %arg9[%broadcast_in_dim3A, %broadcast_in_dim3A_341] : memref<2x128xf32, #tpu.memory_space<vmem>>[vector<16xi32>, vector<16xi32>], vector<16xf32>,
        %get3A_343 = arith.index_cast %rem3A_52 : i32 to index
        %get3A_344 = arith.index_cast %add3A_340 : i32 to index
        %get3A_345 = arith.constant 0 : index
        %get3A_346 = tpu.vector_load %arg10[%get3A_343, %get3A_344, %get3A_345] {strides = array<i32>} : memref<2x128x128xf32, #tpu.memory_space<vmem>>, vector<16xf32>,
        %mul3A_347 = arith.mulf %get3A_346, %gather3A_342 : vector<16xf32>
        %swap3A_348 = arith.index_cast %rem3A_52 : i32 to index
        %swap3A_349 = arith.index_cast %add3A_340 : i32 to index
        %swap3A_350 = arith.constant 0 : index
        %swap3A_351 = tpu.vector_load %arg10[%swap3A_348, %swap3A_349, %swap3A_350] {strides = array<i32>} : memref<2x128x128xf32, #tpu.memory_space<vmem>>, vector<16xf32>,
        tpu.vector_store %arg10[%swap3A_348, %swap3A_349, %swap3A_350], %mul3A_347 {strides = array<i32>} : memref<2x128x128xf32, #tpu.memory_space<vmem>>, vector<16xf32>,
        %get3A_352 = arith.index_cast %rem3A_52 : i32 to index
        %get3A_353 = arith.index_cast %add3A_340 : i32 to index
        %get3A_354 = arith.constant 16 : index
        %get3A_355 = tpu.vector_load %arg10[%get3A_352, %get3A_353, %get3A_354] {strides = array<i32>} : memref<2x128x128xf32, #tpu.memory_space<vmem>>, vector<16xf32>,
        %mul3A_356 = arith.mulf %get3A_355, %gather3A_342 : vector<16xf32>
        %swap3A_357 = arith.index_cast %rem3A_52 : i32 to index
        %swap3A_358 = arith.index_cast %add3A_340 : i32 to index
        %swap3A_359 = arith.constant 16 : index
        %swap3A_360 = tpu.vector_load %arg10[%swap3A_357, %swap3A_358, %swap3A_359] {strides = array<i32>} : memref<2x128x128xf32, #tpu.memory_space<vmem>>, vector<16xf32>,
        tpu.vector_store %arg10[%swap3A_357, %swap3A_358, %swap3A_359], %mul3A_356 {strides = array<i32>} : memref<2x128x128xf32, #tpu.memory_space<vmem>>, vector<16xf32>,
        %get3A_361 = arith.index_cast %rem3A_52 : i32 to index
        %get3A_362 = arith.index_cast %add3A_340 : i32 to index
        %get3A_363 = arith.constant 32 : index
        %get3A_364 = tpu.vector_load %arg10[%get3A_361, %get3A_362, %get3A_363] {strides = array<i32>} : memref<2x128x128xf32, #tpu.memory_space<vmem>>, vector<16xf32>,
        %mul3A_365 = arith.mulf %get3A_364, %gather3A_342 : vector<16xf32>
        %swap3A_366 = arith.index_cast %rem3A_52 : i32 to index
        %swap3A_367 = arith.index_cast %add3A_340 : i32 to index
        %swap3A_368 = arith.constant 32 : index
        %swap3A_369 = tpu.vector_load %arg10[%swap3A_366, %swap3A_367, %swap3A_368] {strides = array<i32>} : memref<2x128x128xf32, #tpu.memory_space<vmem>>, vector<16xf32>,
        tpu.vector_store %arg10[%swap3A_366, %swap3A_367, %swap3A_368], %mul3A_365 {strides = array<i32>} : memref<2x128x128xf32, #tpu.memory_space<vmem>>, vector<16xf32>,
        %get3A_370 = arith.index_cast %rem3A_52 : i32 to index
        %get3A_371 = arith.index_cast %add3A_340 : i32 to index
        %get3A_372 = arith.constant 48 : index
        %get3A_373 = tpu.vector_load %arg10[%get3A_370, %get3A_371, %get3A_372] {strides = array<i32>} : memref<2x128x128xf32, #tpu.memory_space<vmem>>, vector<16xf32>,
        %mul3A_374 = arith.mulf %get3A_373, %gather3A_342 : vector<16xf32>
        %swap3A_375 = arith.index_cast %rem3A_52 : i32 to index
        %swap3A_376 = arith.index_cast %add3A_340 : i32 to index
        %swap3A_377 = arith.constant 48 : index
        %swap3A_378 = tpu.vector_load %arg10[%swap3A_375, %swap3A_376, %swap3A_377] {strides = array<i32>} : memref<2x128x128xf32, #tpu.memory_space<vmem>>, vector<16xf32>,
        tpu.vector_store %arg10[%swap3A_375, %swap3A_376, %swap3A_377], %mul3A_374 {strides = array<i32>} : memref<2x128x128xf32, #tpu.memory_space<vmem>>, vector<16xf32>,
        %get3A_379 = arith.index_cast %rem3A_52 : i32 to index
        %get3A_380 = arith.index_cast %add3A_340 : i32 to index
        %get3A_381 = arith.constant 64 : index
        %get3A_382 = tpu.vector_load %arg10[%get3A_379, %get3A_380, %get3A_381] {strides = array<i32>} : memref<2x128x128xf32, #tpu.memory_space<vmem>>, vector<16xf32>,
        %mul3A_383 = arith.mulf %get3A_382, %gather3A_342 : vector<16xf32>
        %swap3A_384 = arith.index_cast %rem3A_52 : i32 to index
        %swap3A_385 = arith.index_cast %add3A_340 : i32 to index
        %swap3A_386 = arith.constant 64 : index
        %swap3A_387 = tpu.vector_load %arg10[%swap3A_384, %swap3A_385, %swap3A_386] {strides = array<i32>} : memref<2x128x128xf32, #tpu.memory_space<vmem>>, vector<16xf32>,
        tpu.vector_store %arg10[%swap3A_384, %swap3A_385, %swap3A_386], %mul3A_383 {strides = array<i32>} : memref<2x128x128xf32, #tpu.memory_space<vmem>>, vector<16xf32>,
        %get3A_388 = arith.index_cast %rem3A_52 : i32 to index
        %get3A_389 = arith.index_cast %add3A_340 : i32 to index
        %get3A_390 = arith.constant 80 : index
        %get3A_391 = tpu.vector_load %arg10[%get3A_388, %get3A_389, %get3A_390] {strides = array<i32>} : memref<2x128x128xf32, #tpu.memory_space<vmem>>, vector<16xf32>,
        %mul3A_392 = arith.mulf %get3A_391, %gather3A_342 : vector<16xf32>
        %swap3A_393 = arith.index_cast %rem3A_52 : i32 to index
        %swap3A_394 = arith.index_cast %add3A_340 : i32 to index
        %swap3A_395 = arith.constant 80 : index
        %swap3A_396 = tpu.vector_load %arg10[%swap3A_393, %swap3A_394, %swap3A_395] {strides = array<i32>} : memref<2x128x128xf32, #tpu.memory_space<vmem>>, vector<16xf32>,
        tpu.vector_store %arg10[%swap3A_393, %swap3A_394, %swap3A_395], %mul3A_392 {strides = array<i32>} : memref<2x128x128xf32, #tpu.memory_space<vmem>>, vector<16xf32>,
        %get3A_397 = arith.index_cast %rem3A_52 : i32 to index
        %get3A_398 = arith.index_cast %add3A_340 : i32 to index
        %get3A_399 = arith.constant 96 : index
        %get3A_400 = tpu.vector_load %arg10[%get3A_397, %get3A_398, %get3A_399] {strides = array<i32>} : memref<2x128x128xf32, #tpu.memory_space<vmem>>, vector<16xf32>,
        %mul3A_401 = arith.mulf %get3A_400, %gather3A_342 : vector<16xf32>
        %swap3A_402 = arith.index_cast %rem3A_52 : i32 to index
        %swap3A_403 = arith.index_cast %add3A_340 : i32 to index
        %swap3A_404 = arith.constant 96 : index
        %swap3A_405 = tpu.vector_load %arg10[%swap3A_402, %swap3A_403, %swap3A_404] {strides = array<i32>} : memref<2x128x128xf32, #tpu.memory_space<vmem>>, vector<16xf32>,
        tpu.vector_store %arg10[%swap3A_402, %swap3A_403, %swap3A_404], %mul3A_401 {strides = array<i32>} : memref<2x128x128xf32, #tpu.memory_space<vmem>>, vector<16xf32>,
        %get3A_406 = arith.index_cast %rem3A_52 : i32 to index
        %get3A_407 = arith.index_cast %add3A_340 : i32 to index
        %get3A_408 = arith.constant 112 : index
        %get3A_409 = tpu.vector_load %arg10[%get3A_406, %get3A_407, %get3A_408] {strides = array<i32>} : memref<2x128x128xf32, #tpu.memory_space<vmem>>, vector<16xf32>,
        %mul3A_410 = arith.mulf %get3A_409, %gather3A_342 : vector<16xf32>
        %swap3A_411 = arith.index_cast %rem3A_52 : i32 to index
        %swap3A_412 = arith.index_cast %add3A_340 : i32 to index
        %swap3A_413 = arith.constant 112 : index
        %swap3A_414 = tpu.vector_load %arg10[%swap3A_411, %swap3A_412, %swap3A_413] {strides = array<i32>} : memref<2x128x128xf32, #tpu.memory_space<vmem>>, vector<16xf32>,
        tpu.vector_store %arg10[%swap3A_411, %swap3A_412, %swap3A_413], %mul3A_410 {strides = array<i32>} : memref<2x128x128xf32, #tpu.memory_space<vmem>>, vector<16xf32>,
        %mul3A_415 = arith.constant 8 : i32
        %mul3A_416 = arith.muli %scan3A_104, %mul3A_415 : i32
        %add3A_417 = arith.constant 4 : i32
        %add3A_418 = arith.addi %mul3A_416, %add3A_417 : i32
        %broadcast_in_dim3A_419 = vector.broadcast %add3A_418 : i32 to vector<16xi32>
        %gather3A_420 = tpu.vector_load_idx %arg9[%broadcast_in_dim3A, %broadcast_in_dim3A_419] : memref<2x128xf32, #tpu.memory_space<vmem>>[vector<16xi32>, vector<16xi32>], vector<16xf32>,
        %get3A_421 = arith.index_cast %rem3A_52 : i32 to index
        %get3A_422 = arith.index_cast %add3A_418 : i32 to index
        %get3A_423 = arith.constant 0 : index
        %get3A_424 = tpu.vector_load %arg10[%get3A_421, %get3A_422, %get3A_423] {strides = array<i32>} : memref<2x128x128xf32, #tpu.memory_space<vmem>>, vector<16xf32>,
        %mul3A_425 = arith.mulf %get3A_424, %gather3A_420 : vector<16xf32>
        %swap3A_426 = arith.index_cast %rem3A_52 : i32 to index
        %swap3A_427 = arith.index_cast %add3A_418 : i32 to index
        %swap3A_428 = arith.constant 0 : index
        %swap3A_429 = tpu.vector_load %arg10[%swap3A_426, %swap3A_427, %swap3A_428] {strides = array<i32>} : memref<2x128x128xf32, #tpu.memory_space<vmem>>, vector<16xf32>,
        tpu.vector_store %arg10[%swap3A_426, %swap3A_427, %swap3A_428], %mul3A_425 {strides = array<i32>} : memref<2x128x128xf32, #tpu.memory_space<vmem>>, vector<16xf32>,
        %get3A_430 = arith.index_cast %rem3A_52 : i32 to index
        %get3A_431 = arith.index_cast %add3A_418 : i32 to index
        %get3A_432 = arith.constant 16 : index
        %get3A_433 = tpu.vector_load %arg10[%get3A_430, %get3A_431, %get3A_432] {strides = array<i32>} : memref<2x128x128xf32, #tpu.memory_space<vmem>>, vector<16xf32>,
        %mul3A_434 = arith.mulf %get3A_433, %gather3A_420 : vector<16xf32>
        %swap3A_435 = arith.index_cast %rem3A_52 : i32 to index
        %swap3A_436 = arith.index_cast %add3A_418 : i32 to index
        %swap3A_437 = arith.constant 16 : index
        %swap3A_438 = tpu.vector_load %arg10[%swap3A_435, %swap3A_436, %swap3A_437] {strides = array<i32>} : memref<2x128x128xf32, #tpu.memory_space<vmem>>, vector<16xf32>,
        tpu.vector_store %arg10[%swap3A_435, %swap3A_436, %swap3A_437], %mul3A_434 {strides = array<i32>} : memref<2x128x128xf32, #tpu.memory_space<vmem>>, vector<16xf32>,
        %get3A_439 = arith.index_cast %rem3A_52 : i32 to index
        %get3A_440 = arith.index_cast %add3A_418 : i32 to index
        %get3A_441 = arith.constant 32 : index
        %get3A_442 = tpu.vector_load %arg10[%get3A_439, %get3A_440, %get3A_441] {strides = array<i32>} : memref<2x128x128xf32, #tpu.memory_space<vmem>>, vector<16xf32>,
        %mul3A_443 = arith.mulf %get3A_442, %gather3A_420 : vector<16xf32>
        %swap3A_444 = arith.index_cast %rem3A_52 : i32 to index
        %swap3A_445 = arith.index_cast %add3A_418 : i32 to index
        %swap3A_446 = arith.constant 32 : index
        %swap3A_447 = tpu.vector_load %arg10[%swap3A_444, %swap3A_445, %swap3A_446] {strides = array<i32>} : memref<2x128x128xf32, #tpu.memory_space<vmem>>, vector<16xf32>,
        tpu.vector_store %arg10[%swap3A_444, %swap3A_445, %swap3A_446], %mul3A_443 {strides = array<i32>} : memref<2x128x128xf32, #tpu.memory_space<vmem>>, vector<16xf32>,
        %get3A_448 = arith.index_cast %rem3A_52 : i32 to index
        %get3A_449 = arith.index_cast %add3A_418 : i32 to index
        %get3A_450 = arith.constant 48 : index
        %get3A_451 = tpu.vector_load %arg10[%get3A_448, %get3A_449, %get3A_450] {strides = array<i32>} : memref<2x128x128xf32, #tpu.memory_space<vmem>>, vector<16xf32>,
        %mul3A_452 = arith.mulf %get3A_451, %gather3A_420 : vector<16xf32>
        %swap3A_453 = arith.index_cast %rem3A_52 : i32 to index
        %swap3A_454 = arith.index_cast %add3A_418 : i32 to index
        %swap3A_455 = arith.constant 48 : index
        %swap3A_456 = tpu.vector_load %arg10[%swap3A_453, %swap3A_454, %swap3A_455] {strides = array<i32>} : memref<2x128x128xf32, #tpu.memory_space<vmem>>, vector<16xf32>,
        tpu.vector_store %arg10[%swap3A_453, %swap3A_454, %swap3A_455], %mul3A_452 {strides = array<i32>} : memref<2x128x128xf32, #tpu.memory_space<vmem>>, vector<16xf32>,
        %get3A_457 = arith.index_cast %rem3A_52 : i32 to index
        %get3A_458 = arith.index_cast %add3A_418 : i32 to index
        %get3A_459 = arith.constant 64 : index
        %get3A_460 = tpu.vector_load %arg10[%get3A_457, %get3A_458, %get3A_459] {strides = array<i32>} : memref<2x128x128xf32, #tpu.memory_space<vmem>>, vector<16xf32>,
        %mul3A_461 = arith.mulf %get3A_460, %gather3A_420 : vector<16xf32>
        %swap3A_462 = arith.index_cast %rem3A_52 : i32 to index
        %swap3A_463 = arith.index_cast %add3A_418 : i32 to index
        %swap3A_464 = arith.constant 64 : index
        %swap3A_465 = tpu.vector_load %arg10[%swap3A_462, %swap3A_463, %swap3A_464] {strides = array<i32>} : memref<2x128x128xf32, #tpu.memory_space<vmem>>, vector<16xf32>,
        tpu.vector_store %arg10[%swap3A_462, %swap3A_463, %swap3A_464], %mul3A_461 {strides = array<i32>} : memref<2x128x128xf32, #tpu.memory_space<vmem>>, vector<16xf32>,
        %get3A_466 = arith.index_cast %rem3A_52 : i32 to index
        %get3A_467 = arith.index_cast %add3A_418 : i32 to index
        %get3A_468 = arith.constant 80 : index
        %get3A_469 = tpu.vector_load %arg10[%get3A_466, %get3A_467, %get3A_468] {strides = array<i32>} : memref<2x128x128xf32, #tpu.memory_space<vmem>>, vector<16xf32>,
        %mul3A_470 = arith.mulf %get3A_469, %gather3A_420 : vector<16xf32>
        %swap3A_471 = arith.index_cast %rem3A_52 : i32 to index
        %swap3A_472 = arith.index_cast %add3A_418 : i32 to index
        %swap3A_473 = arith.constant 80 : index
        %swap3A_474 = tpu.vector_load %arg10[%swap3A_471, %swap3A_472, %swap3A_473] {strides = array<i32>} : memref<2x128x128xf32, #tpu.memory_space<vmem>>, vector<16xf32>,
        tpu.vector_store %arg10[%swap3A_471, %swap3A_472, %swap3A_473], %mul3A_470 {strides = array<i32>} : memref<2x128x128xf32, #tpu.memory_space<vmem>>, vector<16xf32>,
        %get3A_475 = arith.index_cast %rem3A_52 : i32 to index
        %get3A_476 = arith.index_cast %add3A_418 : i32 to index
        %get3A_477 = arith.constant 96 : index
        %get3A_478 = tpu.vector_load %arg10[%get3A_475, %get3A_476, %get3A_477] {strides = array<i32>} : memref<2x128x128xf32, #tpu.memory_space<vmem>>, vector<16xf32>,
        %mul3A_479 = arith.mulf %get3A_478, %gather3A_420 : vector<16xf32>
        %swap3A_480 = arith.index_cast %rem3A_52 : i32 to index
        %swap3A_481 = arith.index_cast %add3A_418 : i32 to index
        %swap3A_482 = arith.constant 96 : index
        %swap3A_483 = tpu.vector_load %arg10[%swap3A_480, %swap3A_481, %swap3A_482] {strides = array<i32>} : memref<2x128x128xf32, #tpu.memory_space<vmem>>, vector<16xf32>,
        tpu.vector_store %arg10[%swap3A_480, %swap3A_481, %swap3A_482], %mul3A_479 {strides = array<i32>} : memref<2x128x128xf32, #tpu.memory_space<vmem>>, vector<16xf32>,
        %get3A_484 = arith.index_cast %rem3A_52 : i32 to index
        %get3A_485 = arith.index_cast %add3A_418 : i32 to index
        %get3A_486 = arith.constant 112 : index
        %get3A_487 = tpu.vector_load %arg10[%get3A_484, %get3A_485, %get3A_486] {strides = array<i32>} : memref<2x128x128xf32, #tpu.memory_space<vmem>>, vector<16xf32>,
        %mul3A_488 = arith.mulf %get3A_487, %gather3A_420 : vector<16xf32>
        %swap3A_489 = arith.index_cast %rem3A_52 : i32 to index
        %swap3A_490 = arith.index_cast %add3A_418 : i32 to index
        %swap3A_491 = arith.constant 112 : index
        %swap3A_492 = tpu.vector_load %arg10[%swap3A_489, %swap3A_490, %swap3A_491] {strides = array<i32>} : memref<2x128x128xf32, #tpu.memory_space<vmem>>, vector<16xf32>,
        tpu.vector_store %arg10[%swap3A_489, %swap3A_490, %swap3A_491], %mul3A_488 {strides = array<i32>} : memref<2x128x128xf32, #tpu.memory_space<vmem>>, vector<16xf32>,
        %mul3A_493 = arith.constant 8 : i32
        %mul3A_494 = arith.muli %scan3A_104, %mul3A_493 : i32
        %add3A_495 = arith.constant 5 : i32
        %add3A_496 = arith.addi %mul3A_494, %add3A_495 : i32
        %broadcast_in_dim3A_497 = vector.broadcast %add3A_496 : i32 to vector<16xi32>
        %gather3A_498 = tpu.vector_load_idx %arg9[%broadcast_in_dim3A, %broadcast_in_dim3A_497] : memref<2x128xf32, #tpu.memory_space<vmem>>[vector<16xi32>, vector<16xi32>], vector<16xf32>,
        %get3A_499 = arith.index_cast %rem3A_52 : i32 to index
        %get3A_500 = arith.index_cast %add3A_496 : i32 to index
        %get3A_501 = arith.constant 0 : index
        %get3A_502 = tpu.vector_load %arg10[%get3A_499, %get3A_500, %get3A_501] {strides = array<i32>} : memref<2x128x128xf32, #tpu.memory_space<vmem>>, vector<16xf32>,
        %mul3A_503 = arith.mulf %get3A_502, %gather3A_498 : vector<16xf32>
        %swap3A_504 = arith.index_cast %rem3A_52 : i32 to index
        %swap3A_505 = arith.index_cast %add3A_496 : i32 to index
        %swap3A_506 = arith.constant 0 : index
        %swap3A_507 = tpu.vector_load %arg10[%swap3A_504, %swap3A_505, %swap3A_506] {strides = array<i32>} : memref<2x128x128xf32, #tpu.memory_space<vmem>>, vector<16xf32>,
        tpu.vector_store %arg10[%swap3A_504, %swap3A_505, %swap3A_506], %mul3A_503 {strides = array<i32>} : memref<2x128x128xf32, #tpu.memory_space<vmem>>, vector<16xf32>,
        %get3A_508 = arith.index_cast %rem3A_52 : i32 to index
        %get3A_509 = arith.index_cast %add3A_496 : i32 to index
        %get3A_510 = arith.constant 16 : index
        %get3A_511 = tpu.vector_load %arg10[%get3A_508, %get3A_509, %get3A_510] {strides = array<i32>} : memref<2x128x128xf32, #tpu.memory_space<vmem>>, vector<16xf32>,
        %mul3A_512 = arith.mulf %get3A_511, %gather3A_498 : vector<16xf32>
        %swap3A_513 = arith.index_cast %rem3A_52 : i32 to index
        %swap3A_514 = arith.index_cast %add3A_496 : i32 to index
        %swap3A_515 = arith.constant 16 : index
        %swap3A_516 = tpu.vector_load %arg10[%swap3A_513, %swap3A_514, %swap3A_515] {strides = array<i32>} : memref<2x128x128xf32, #tpu.memory_space<vmem>>, vector<16xf32>,
        tpu.vector_store %arg10[%swap3A_513, %swap3A_514, %swap3A_515], %mul3A_512 {strides = array<i32>} : memref<2x128x128xf32, #tpu.memory_space<vmem>>, vector<16xf32>,
        %get3A_517 = arith.index_cast %rem3A_52 : i32 to index
        %get3A_518 = arith.index_cast %add3A_496 : i32 to index
        %get3A_519 = arith.constant 32 : index
        %get3A_520 = tpu.vector_load %arg10[%get3A_517, %get3A_518, %get3A_519] {strides = array<i32>} : memref<2x128x128xf32, #tpu.memory_space<vmem>>, vector<16xf32>,
        %mul3A_521 = arith.mulf %get3A_520, %gather3A_498 : vector<16xf32>
        %swap3A_522 = arith.index_cast %rem3A_52 : i32 to index
        %swap3A_523 = arith.index_cast %add3A_496 : i32 to index
        %swap3A_524 = arith.constant 32 : index
        %swap3A_525 = tpu.vector_load %arg10[%swap3A_522, %swap3A_523, %swap3A_524] {strides = array<i32>} : memref<2x128x128xf32, #tpu.memory_space<vmem>>, vector<16xf32>,
        tpu.vector_store %arg10[%swap3A_522, %swap3A_523, %swap3A_524], %mul3A_521 {strides = array<i32>} : memref<2x128x128xf32, #tpu.memory_space<vmem>>, vector<16xf32>,
        %get3A_526 = arith.index_cast %rem3A_52 : i32 to index
        %get3A_527 = arith.index_cast %add3A_496 : i32 to index
        %get3A_528 = arith.constant 48 : index
        %get3A_529 = tpu.vector_load %arg10[%get3A_526, %get3A_527, %get3A_528] {strides = array<i32>} : memref<2x128x128xf32, #tpu.memory_space<vmem>>, vector<16xf32>,
        %mul3A_530 = arith.mulf %get3A_529, %gather3A_498 : vector<16xf32>
        %swap3A_531 = arith.index_cast %rem3A_52 : i32 to index
        %swap3A_532 = arith.index_cast %add3A_496 : i32 to index
        %swap3A_533 = arith.constant 48 : index
        %swap3A_534 = tpu.vector_load %arg10[%swap3A_531, %swap3A_532, %swap3A_533] {strides = array<i32>} : memref<2x128x128xf32, #tpu.memory_space<vmem>>, vector<16xf32>,
        tpu.vector_store %arg10[%swap3A_531, %swap3A_532, %swap3A_533], %mul3A_530 {strides = array<i32>} : memref<2x128x128xf32, #tpu.memory_space<vmem>>, vector<16xf32>,
        %get3A_535 = arith.index_cast %rem3A_52 : i32 to index
        %get3A_536 = arith.index_cast %add3A_496 : i32 to index
        %get3A_537 = arith.constant 64 : index
        %get3A_538 = tpu.vector_load %arg10[%get3A_535, %get3A_536, %get3A_537] {strides = array<i32>} : memref<2x128x128xf32, #tpu.memory_space<vmem>>, vector<16xf32>,
        %mul3A_539 = arith.mulf %get3A_538, %gather3A_498 : vector<16xf32>
        %swap3A_540 = arith.index_cast %rem3A_52 : i32 to index
        %swap3A_541 = arith.index_cast %add3A_496 : i32 to index
        %swap3A_542 = arith.constant 64 : index
        %swap3A_543 = tpu.vector_load %arg10[%swap3A_540, %swap3A_541, %swap3A_542] {strides = array<i32>} : memref<2x128x128xf32, #tpu.memory_space<vmem>>, vector<16xf32>,
        tpu.vector_store %arg10[%swap3A_540, %swap3A_541, %swap3A_542], %mul3A_539 {strides = array<i32>} : memref<2x128x128xf32, #tpu.memory_space<vmem>>, vector<16xf32>,
        %get3A_544 = arith.index_cast %rem3A_52 : i32 to index
        %get3A_545 = arith.index_cast %add3A_496 : i32 to index
        %get3A_546 = arith.constant 80 : index
        %get3A_547 = tpu.vector_load %arg10[%get3A_544, %get3A_545, %get3A_546] {strides = array<i32>} : memref<2x128x128xf32, #tpu.memory_space<vmem>>, vector<16xf32>,
        %mul3A_548 = arith.mulf %get3A_547, %gather3A_498 : vector<16xf32>
        %swap3A_549 = arith.index_cast %rem3A_52 : i32 to index
        %swap3A_550 = arith.index_cast %add3A_496 : i32 to index
        %swap3A_551 = arith.constant 80 : index
        %swap3A_552 = tpu.vector_load %arg10[%swap3A_549, %swap3A_550, %swap3A_551] {strides = array<i32>} : memref<2x128x128xf32, #tpu.memory_space<vmem>>, vector<16xf32>,
        tpu.vector_store %arg10[%swap3A_549, %swap3A_550, %swap3A_551], %mul3A_548 {strides = array<i32>} : memref<2x128x128xf32, #tpu.memory_space<vmem>>, vector<16xf32>,
        %get3A_553 = arith.index_cast %rem3A_52 : i32 to index
        %get3A_554 = arith.index_cast %add3A_496 : i32 to index
        %get3A_555 = arith.constant 96 : index
        %get3A_556 = tpu.vector_load %arg10[%get3A_553, %get3A_554, %get3A_555] {strides = array<i32>} : memref<2x128x128xf32, #tpu.memory_space<vmem>>, vector<16xf32>,
        %mul3A_557 = arith.mulf %get3A_556, %gather3A_498 : vector<16xf32>
        %swap3A_558 = arith.index_cast %rem3A_52 : i32 to index
        %swap3A_559 = arith.index_cast %add3A_496 : i32 to index
        %swap3A_560 = arith.constant 96 : index
        %swap3A_561 = tpu.vector_load %arg10[%swap3A_558, %swap3A_559, %swap3A_560] {strides = array<i32>} : memref<2x128x128xf32, #tpu.memory_space<vmem>>, vector<16xf32>,
        tpu.vector_store %arg10[%swap3A_558, %swap3A_559, %swap3A_560], %mul3A_557 {strides = array<i32>} : memref<2x128x128xf32, #tpu.memory_space<vmem>>, vector<16xf32>,
        %get3A_562 = arith.index_cast %rem3A_52 : i32 to index
        %get3A_563 = arith.index_cast %add3A_496 : i32 to index
        %get3A_564 = arith.constant 112 : index
        %get3A_565 = tpu.vector_load %arg10[%get3A_562, %get3A_563, %get3A_564] {strides = array<i32>} : memref<2x128x128xf32, #tpu.memory_space<vmem>>, vector<16xf32>,
        %mul3A_566 = arith.mulf %get3A_565, %gather3A_498 : vector<16xf32>
        %swap3A_567 = arith.index_cast %rem3A_52 : i32 to index
        %swap3A_568 = arith.index_cast %add3A_496 : i32 to index
        %swap3A_569 = arith.constant 112 : index
        %swap3A_570 = tpu.vector_load %arg10[%swap3A_567, %swap3A_568, %swap3A_569] {strides = array<i32>} : memref<2x128x128xf32, #tpu.memory_space<vmem>>, vector<16xf32>,
        tpu.vector_store %arg10[%swap3A_567, %swap3A_568, %swap3A_569], %mul3A_566 {strides = array<i32>} : memref<2x128x128xf32, #tpu.memory_space<vmem>>, vector<16xf32>,
        %mul3A_571 = arith.constant 8 : i32
        %mul3A_572 = arith.muli %scan3A_104, %mul3A_571 : i32
        %add3A_573 = arith.constant 6 : i32
        %add3A_574 = arith.addi %mul3A_572, %add3A_573 : i32
        %broadcast_in_dim3A_575 = vector.broadcast %add3A_574 : i32 to vector<16xi32>
        %gather3A_576 = tpu.vector_load_idx %arg9[%broadcast_in_dim3A, %broadcast_in_dim3A_575] : memref<2x128xf32, #tpu.memory_space<vmem>>[vector<16xi32>, vector<16xi32>], vector<16xf32>,
        %get3A_577 = arith.index_cast %rem3A_52 : i32 to index
        %get3A_578 = arith.index_cast %add3A_574 : i32 to index
        %get3A_579 = arith.constant 0 : index
        %get3A_580 = tpu.vector_load %arg10[%get3A_577, %get3A_578, %get3A_579] {strides = array<i32>} : memref<2x128x128xf32, #tpu.memory_space<vmem>>, vector<16xf32>,
        %mul3A_581 = arith.mulf %get3A_580, %gather3A_576 : vector<16xf32>
        %swap3A_582 = arith.index_cast %rem3A_52 : i32 to index
        %swap3A_583 = arith.index_cast %add3A_574 : i32 to index
        %swap3A_584 = arith.constant 0 : index
        %swap3A_585 = tpu.vector_load %arg10[%swap3A_582, %swap3A_583, %swap3A_584] {strides = array<i32>} : memref<2x128x128xf32, #tpu.memory_space<vmem>>, vector<16xf32>,
        tpu.vector_store %arg10[%swap3A_582, %swap3A_583, %swap3A_584], %mul3A_581 {strides = array<i32>} : memref<2x128x128xf32, #tpu.memory_space<vmem>>, vector<16xf32>,
        %get3A_586 = arith.index_cast %rem3A_52 : i32 to index
        %get3A_587 = arith.index_cast %add3A_574 : i32 to index
        %get3A_588 = arith.constant 16 : index
        %get3A_589 = tpu.vector_load %arg10[%get3A_586, %get3A_587, %get3A_588] {strides = array<i32>} : memref<2x128x128xf32, #tpu.memory_space<vmem>>, vector<16xf32>,
        %mul3A_590 = arith.mulf %get3A_589, %gather3A_576 : vector<16xf32>
        %swap3A_591 = arith.index_cast %rem3A_52 : i32 to index
        %swap3A_592 = arith.index_cast %add3A_574 : i32 to index
        %swap3A_593 = arith.constant 16 : index
        %swap3A_594 = tpu.vector_load %arg10[%swap3A_591, %swap3A_592, %swap3A_593] {strides = array<i32>} : memref<2x128x128xf32, #tpu.memory_space<vmem>>, vector<16xf32>,
        tpu.vector_store %arg10[%swap3A_591, %swap3A_592, %swap3A_593], %mul3A_590 {strides = array<i32>} : memref<2x128x128xf32, #tpu.memory_space<vmem>>, vector<16xf32>,
        %get3A_595 = arith.index_cast %rem3A_52 : i32 to index
        %get3A_596 = arith.index_cast %add3A_574 : i32 to index
        %get3A_597 = arith.constant 32 : index
        %get3A_598 = tpu.vector_load %arg10[%get3A_595, %get3A_596, %get3A_597] {strides = array<i32>} : memref<2x128x128xf32, #tpu.memory_space<vmem>>, vector<16xf32>,
        %mul3A_599 = arith.mulf %get3A_598, %gather3A_576 : vector<16xf32>
        %swap3A_600 = arith.index_cast %rem3A_52 : i32 to index
        %swap3A_601 = arith.index_cast %add3A_574 : i32 to index
        %swap3A_602 = arith.constant 32 : index
        %swap3A_603 = tpu.vector_load %arg10[%swap3A_600, %swap3A_601, %swap3A_602] {strides = array<i32>} : memref<2x128x128xf32, #tpu.memory_space<vmem>>, vector<16xf32>,
        tpu.vector_store %arg10[%swap3A_600, %swap3A_601, %swap3A_602], %mul3A_599 {strides = array<i32>} : memref<2x128x128xf32, #tpu.memory_space<vmem>>, vector<16xf32>,
        %get3A_604 = arith.index_cast %rem3A_52 : i32 to index
        %get3A_605 = arith.index_cast %add3A_574 : i32 to index
        %get3A_606 = arith.constant 48 : index
        %get3A_607 = tpu.vector_load %arg10[%get3A_604, %get3A_605, %get3A_606] {strides = array<i32>} : memref<2x128x128xf32, #tpu.memory_space<vmem>>, vector<16xf32>,
        %mul3A_608 = arith.mulf %get3A_607, %gather3A_576 : vector<16xf32>
        %swap3A_609 = arith.index_cast %rem3A_52 : i32 to index
        %swap3A_610 = arith.index_cast %add3A_574 : i32 to index
        %swap3A_611 = arith.constant 48 : index
        %swap3A_612 = tpu.vector_load %arg10[%swap3A_609, %swap3A_610, %swap3A_611] {strides = array<i32>} : memref<2x128x128xf32, #tpu.memory_space<vmem>>, vector<16xf32>,
        tpu.vector_store %arg10[%swap3A_609, %swap3A_610, %swap3A_611], %mul3A_608 {strides = array<i32>} : memref<2x128x128xf32, #tpu.memory_space<vmem>>, vector<16xf32>,
        %get3A_613 = arith.index_cast %rem3A_52 : i32 to index
        %get3A_614 = arith.index_cast %add3A_574 : i32 to index
        %get3A_615 = arith.constant 64 : index
        %get3A_616 = tpu.vector_load %arg10[%get3A_613, %get3A_614, %get3A_615] {strides = array<i32>} : memref<2x128x128xf32, #tpu.memory_space<vmem>>, vector<16xf32>,
        %mul3A_617 = arith.mulf %get3A_616, %gather3A_576 : vector<16xf32>
        %swap3A_618 = arith.index_cast %rem3A_52 : i32 to index
        %swap3A_619 = arith.index_cast %add3A_574 : i32 to index
        %swap3A_620 = arith.constant 64 : index
        %swap3A_621 = tpu.vector_load %arg10[%swap3A_618, %swap3A_619, %swap3A_620] {strides = array<i32>} : memref<2x128x128xf32, #tpu.memory_space<vmem>>, vector<16xf32>,
        tpu.vector_store %arg10[%swap3A_618, %swap3A_619, %swap3A_620], %mul3A_617 {strides = array<i32>} : memref<2x128x128xf32, #tpu.memory_space<vmem>>, vector<16xf32>,
        %get3A_622 = arith.index_cast %rem3A_52 : i32 to index
        %get3A_623 = arith.index_cast %add3A_574 : i32 to index
        %get3A_624 = arith.constant 80 : index
        %get3A_625 = tpu.vector_load %arg10[%get3A_622, %get3A_623, %get3A_624] {strides = array<i32>} : memref<2x128x128xf32, #tpu.memory_space<vmem>>, vector<16xf32>,
        %mul3A_626 = arith.mulf %get3A_625, %gather3A_576 : vector<16xf32>
        %swap3A_627 = arith.index_cast %rem3A_52 : i32 to index
        %swap3A_628 = arith.index_cast %add3A_574 : i32 to index
        %swap3A_629 = arith.constant 80 : index
        %swap3A_630 = tpu.vector_load %arg10[%swap3A_627, %swap3A_628, %swap3A_629] {strides = array<i32>} : memref<2x128x128xf32, #tpu.memory_space<vmem>>, vector<16xf32>,
        tpu.vector_store %arg10[%swap3A_627, %swap3A_628, %swap3A_629], %mul3A_626 {strides = array<i32>} : memref<2x128x128xf32, #tpu.memory_space<vmem>>, vector<16xf32>,
        %get3A_631 = arith.index_cast %rem3A_52 : i32 to index
        %get3A_632 = arith.index_cast %add3A_574 : i32 to index
        %get3A_633 = arith.constant 96 : index
        %get3A_634 = tpu.vector_load %arg10[%get3A_631, %get3A_632, %get3A_633] {strides = array<i32>} : memref<2x128x128xf32, #tpu.memory_space<vmem>>, vector<16xf32>,
        %mul3A_635 = arith.mulf %get3A_634, %gather3A_576 : vector<16xf32>
        %swap3A_636 = arith.index_cast %rem3A_52 : i32 to index
        %swap3A_637 = arith.index_cast %add3A_574 : i32 to index
        %swap3A_638 = arith.constant 96 : index
        %swap3A_639 = tpu.vector_load %arg10[%swap3A_636, %swap3A_637, %swap3A_638] {strides = array<i32>} : memref<2x128x128xf32, #tpu.memory_space<vmem>>, vector<16xf32>,
        tpu.vector_store %arg10[%swap3A_636, %swap3A_637, %swap3A_638], %mul3A_635 {strides = array<i32>} : memref<2x128x128xf32, #tpu.memory_space<vmem>>, vector<16xf32>,
        %get3A_640 = arith.index_cast %rem3A_52 : i32 to index
        %get3A_641 = arith.index_cast %add3A_574 : i32 to index
        %get3A_642 = arith.constant 112 : index
        %get3A_643 = tpu.vector_load %arg10[%get3A_640, %get3A_641, %get3A_642] {strides = array<i32>} : memref<2x128x128xf32, #tpu.memory_space<vmem>>, vector<16xf32>,
        %mul3A_644 = arith.mulf %get3A_643, %gather3A_576 : vector<16xf32>
        %swap3A_645 = arith.index_cast %rem3A_52 : i32 to index
        %swap3A_646 = arith.index_cast %add3A_574 : i32 to index
        %swap3A_647 = arith.constant 112 : index
        %swap3A_648 = tpu.vector_load %arg10[%swap3A_645, %swap3A_646, %swap3A_647] {strides = array<i32>} : memref<2x128x128xf32, #tpu.memory_space<vmem>>, vector<16xf32>,
        tpu.vector_store %arg10[%swap3A_645, %swap3A_646, %swap3A_647], %mul3A_644 {strides = array<i32>} : memref<2x128x128xf32, #tpu.memory_space<vmem>>, vector<16xf32>,
        %mul3A_649 = arith.constant 8 : i32
        %mul3A_650 = arith.muli %scan3A_104, %mul3A_649 : i32
        %add3A_651 = arith.constant 7 : i32
        %add3A_652 = arith.addi %mul3A_650, %add3A_651 : i32
        %broadcast_in_dim3A_653 = vector.broadcast %add3A_652 : i32 to vector<16xi32>
        %gather3A_654 = tpu.vector_load_idx %arg9[%broadcast_in_dim3A, %broadcast_in_dim3A_653] : memref<2x128xf32, #tpu.memory_space<vmem>>[vector<16xi32>, vector<16xi32>], vector<16xf32>,
        %get3A_655 = arith.index_cast %rem3A_52 : i32 to index
        %get3A_656 = arith.index_cast %add3A_652 : i32 to index
        %get3A_657 = arith.constant 0 : index
        %get3A_658 = tpu.vector_load %arg10[%get3A_655, %get3A_656, %get3A_657] {strides = array<i32>} : memref<2x128x128xf32, #tpu.memory_space<vmem>>, vector<16xf32>,
        %mul3A_659 = arith.mulf %get3A_658, %gather3A_654 : vector<16xf32>
        %swap3A_660 = arith.index_cast %rem3A_52 : i32 to index
        %swap3A_661 = arith.index_cast %add3A_652 : i32 to index
        %swap3A_662 = arith.constant 0 : index
        %swap3A_663 = tpu.vector_load %arg10[%swap3A_660, %swap3A_661, %swap3A_662] {strides = array<i32>} : memref<2x128x128xf32, #tpu.memory_space<vmem>>, vector<16xf32>,
        tpu.vector_store %arg10[%swap3A_660, %swap3A_661, %swap3A_662], %mul3A_659 {strides = array<i32>} : memref<2x128x128xf32, #tpu.memory_space<vmem>>, vector<16xf32>,
        %get3A_664 = arith.index_cast %rem3A_52 : i32 to index
        %get3A_665 = arith.index_cast %add3A_652 : i32 to index
        %get3A_666 = arith.constant 16 : index
        %get3A_667 = tpu.vector_load %arg10[%get3A_664, %get3A_665, %get3A_666] {strides = array<i32>} : memref<2x128x128xf32, #tpu.memory_space<vmem>>, vector<16xf32>,
        %mul3A_668 = arith.mulf %get3A_667, %gather3A_654 : vector<16xf32>
        %swap3A_669 = arith.index_cast %rem3A_52 : i32 to index
        %swap3A_670 = arith.index_cast %add3A_652 : i32 to index
        %swap3A_671 = arith.constant 16 : index
        %swap3A_672 = tpu.vector_load %arg10[%swap3A_669, %swap3A_670, %swap3A_671] {strides = array<i32>} : memref<2x128x128xf32, #tpu.memory_space<vmem>>, vector<16xf32>,
        tpu.vector_store %arg10[%swap3A_669, %swap3A_670, %swap3A_671], %mul3A_668 {strides = array<i32>} : memref<2x128x128xf32, #tpu.memory_space<vmem>>, vector<16xf32>,
        %get3A_673 = arith.index_cast %rem3A_52 : i32 to index
        %get3A_674 = arith.index_cast %add3A_652 : i32 to index
        %get3A_675 = arith.constant 32 : index
        %get3A_676 = tpu.vector_load %arg10[%get3A_673, %get3A_674, %get3A_675] {strides = array<i32>} : memref<2x128x128xf32, #tpu.memory_space<vmem>>, vector<16xf32>,
        %mul3A_677 = arith.mulf %get3A_676, %gather3A_654 : vector<16xf32>
        %swap3A_678 = arith.index_cast %rem3A_52 : i32 to index
        %swap3A_679 = arith.index_cast %add3A_652 : i32 to index
        %swap3A_680 = arith.constant 32 : index
        %swap3A_681 = tpu.vector_load %arg10[%swap3A_678, %swap3A_679, %swap3A_680] {strides = array<i32>} : memref<2x128x128xf32, #tpu.memory_space<vmem>>, vector<16xf32>,
        tpu.vector_store %arg10[%swap3A_678, %swap3A_679, %swap3A_680], %mul3A_677 {strides = array<i32>} : memref<2x128x128xf32, #tpu.memory_space<vmem>>, vector<16xf32>,
        %get3A_682 = arith.index_cast %rem3A_52 : i32 to index
        %get3A_683 = arith.index_cast %add3A_652 : i32 to index
        %get3A_684 = arith.constant 48 : index
        %get3A_685 = tpu.vector_load %arg10[%get3A_682, %get3A_683, %get3A_684] {strides = array<i32>} : memref<2x128x128xf32, #tpu.memory_space<vmem>>, vector<16xf32>,
        %mul3A_686 = arith.mulf %get3A_685, %gather3A_654 : vector<16xf32>
        %swap3A_687 = arith.index_cast %rem3A_52 : i32 to index
        %swap3A_688 = arith.index_cast %add3A_652 : i32 to index
        %swap3A_689 = arith.constant 48 : index
        %swap3A_690 = tpu.vector_load %arg10[%swap3A_687, %swap3A_688, %swap3A_689] {strides = array<i32>} : memref<2x128x128xf32, #tpu.memory_space<vmem>>, vector<16xf32>,
        tpu.vector_store %arg10[%swap3A_687, %swap3A_688, %swap3A_689], %mul3A_686 {strides = array<i32>} : memref<2x128x128xf32, #tpu.memory_space<vmem>>, vector<16xf32>,
        %get3A_691 = arith.index_cast %rem3A_52 : i32 to index
        %get3A_692 = arith.index_cast %add3A_652 : i32 to index
        %get3A_693 = arith.constant 64 : index
        %get3A_694 = tpu.vector_load %arg10[%get3A_691, %get3A_692, %get3A_693] {strides = array<i32>} : memref<2x128x128xf32, #tpu.memory_space<vmem>>, vector<16xf32>,
        %mul3A_695 = arith.mulf %get3A_694, %gather3A_654 : vector<16xf32>
        %swap3A_696 = arith.index_cast %rem3A_52 : i32 to index
        %swap3A_697 = arith.index_cast %add3A_652 : i32 to index
        %swap3A_698 = arith.constant 64 : index
        %swap3A_699 = tpu.vector_load %arg10[%swap3A_696, %swap3A_697, %swap3A_698] {strides = array<i32>} : memref<2x128x128xf32, #tpu.memory_space<vmem>>, vector<16xf32>,
        tpu.vector_store %arg10[%swap3A_696, %swap3A_697, %swap3A_698], %mul3A_695 {strides = array<i32>} : memref<2x128x128xf32, #tpu.memory_space<vmem>>, vector<16xf32>,
        %get3A_700 = arith.index_cast %rem3A_52 : i32 to index
        %get3A_701 = arith.index_cast %add3A_652 : i32 to index
        %get3A_702 = arith.constant 80 : index
        %get3A_703 = tpu.vector_load %arg10[%get3A_700, %get3A_701, %get3A_702] {strides = array<i32>} : memref<2x128x128xf32, #tpu.memory_space<vmem>>, vector<16xf32>,
        %mul3A_704 = arith.mulf %get3A_703, %gather3A_654 : vector<16xf32>
        %swap3A_705 = arith.index_cast %rem3A_52 : i32 to index
        %swap3A_706 = arith.index_cast %add3A_652 : i32 to index
        %swap3A_707 = arith.constant 80 : index
        %swap3A_708 = tpu.vector_load %arg10[%swap3A_705, %swap3A_706, %swap3A_707] {strides = array<i32>} : memref<2x128x128xf32, #tpu.memory_space<vmem>>, vector<16xf32>,
        tpu.vector_store %arg10[%swap3A_705, %swap3A_706, %swap3A_707], %mul3A_704 {strides = array<i32>} : memref<2x128x128xf32, #tpu.memory_space<vmem>>, vector<16xf32>,
        %get3A_709 = arith.index_cast %rem3A_52 : i32 to index
        %get3A_710 = arith.index_cast %add3A_652 : i32 to index
        %get3A_711 = arith.constant 96 : index
        %get3A_712 = tpu.vector_load %arg10[%get3A_709, %get3A_710, %get3A_711] {strides = array<i32>} : memref<2x128x128xf32, #tpu.memory_space<vmem>>, vector<16xf32>,
        %mul3A_713 = arith.mulf %get3A_712, %gather3A_654 : vector<16xf32>
        %swap3A_714 = arith.index_cast %rem3A_52 : i32 to index
        %swap3A_715 = arith.index_cast %add3A_652 : i32 to index
        %swap3A_716 = arith.constant 96 : index
        %swap3A_717 = tpu.vector_load %arg10[%swap3A_714, %swap3A_715, %swap3A_716] {strides = array<i32>} : memref<2x128x128xf32, #tpu.memory_space<vmem>>, vector<16xf32>,
        tpu.vector_store %arg10[%swap3A_714, %swap3A_715, %swap3A_716], %mul3A_713 {strides = array<i32>} : memref<2x128x128xf32, #tpu.memory_space<vmem>>, vector<16xf32>,
        %get3A_718 = arith.index_cast %rem3A_52 : i32 to index
        %get3A_719 = arith.index_cast %add3A_652 : i32 to index
        %get3A_720 = arith.constant 112 : index
        %get3A_721 = tpu.vector_load %arg10[%get3A_718, %get3A_719, %get3A_720] {strides = array<i32>} : memref<2x128x128xf32, #tpu.memory_space<vmem>>, vector<16xf32>,
        %mul3A_722 = arith.mulf %get3A_721, %gather3A_654 : vector<16xf32>
        %swap3A_723 = arith.index_cast %rem3A_52 : i32 to index
        %swap3A_724 = arith.index_cast %add3A_652 : i32 to index
        %swap3A_725 = arith.constant 112 : index
        %swap3A_726 = tpu.vector_load %arg10[%swap3A_723, %swap3A_724, %swap3A_725] {strides = array<i32>} : memref<2x128x128xf32, #tpu.memory_space<vmem>>, vector<16xf32>,
        tpu.vector_store %arg10[%swap3A_723, %swap3A_724, %swap3A_725], %mul3A_722 {strides = array<i32>} : memref<2x128x128xf32, #tpu.memory_space<vmem>>, vector<16xf32>,
        %scan3A_727 = arith.constant 0 : i32
        scf.yield %scan3A_727 : i32
      }
      %scan3A_84 = arith.constant 16 : i32
      %dma_wait3A_85 = arith.constant 0 : i32
      %dma_wait3A_86 = tpu.memref_slice %arg8[%rem3A_52, %dma_wait3A_85] : memref<2x128xi32, #tpu.memory_space<vmem>> -> memref<1x128xi32, #tpu.memory_space<vmem>>
      %dma_wait3A_87 = tpu.memref_squeeze %dma_wait3A_86 : memref<1x128xi32, #tpu.memory_space<vmem>> -> memref<128xi32, #tpu.memory_space<vmem>>
      %dma_wait3A_88 = arith.constant 0 : i32
      %dma_wait3A_89 = tpu.memref_slice %arg4[%add3A, %scan3A_50, %dma_wait3A_88] : memref<32x79x128xi32, #tpu.memory_space<hbm>> -> memref<1x1x128xi32, #tpu.memory_space<hbm>>
      %dma_wait3A_90 = tpu.memref_squeeze %dma_wait3A_89 : memref<1x1x128xi32, #tpu.memory_space<hbm>> -> memref<128xi32, #tpu.memory_space<hbm>>
      %dma_wait3A_91 = tpu.memref_slice %arg12[%rem3A_52] : memref<2x!tpu.dma_semaphore, #tpu.memory_space<semaphore_mem>> -> memref<1x!tpu.dma_semaphore, #tpu.memory_space<semaphore_mem>>
      %dma_wait3A_92 = tpu.memref_squeeze %dma_wait3A_91 : memref<1x!tpu.dma_semaphore, #tpu.memory_space<semaphore_mem>> -> memref<!tpu.dma_semaphore, #tpu.memory_space<semaphore_mem>>
      %dma_wait3A_93 = arith.constant 0 : i32
      %dma_wait3A_94 = tpu.memref_slice %arg8[%rem3A_52, %dma_wait3A_93] : memref<2x128xi32, #tpu.memory_space<vmem>> -> memref<1x128xi32, #tpu.memory_space<vmem>>
      %dma_wait3A_95 = tpu.memref_squeeze %dma_wait3A_94 : memref<1x128xi32, #tpu.memory_space<vmem>> -> memref<128xi32, #tpu.memory_space<vmem>>
      %dma_wait3A_96 = arith.constant 0 : i32
      %dma_wait3A_97 = tpu.memref_slice %arg4[%add3A, %scan3A_50, %dma_wait3A_96] : memref<32x79x128xi32, #tpu.memory_space<hbm>> -> memref<1x1x128xi32, #tpu.memory_space<hbm>>
      %dma_wait3A_98 = tpu.memref_squeeze %dma_wait3A_97 : memref<1x1x128xi32, #tpu.memory_space<hbm>> -> memref<128xi32, #tpu.memory_space<hbm>>
      tpu.wait_dma2 semaphore(%dma_wait3A_92 : memref<!tpu.dma_semaphore, #tpu.memory_space<semaphore_mem>>) src(%dma_wait3A_98 : memref<128xi32, #tpu.memory_space<hbm>>) dst(%dma_wait3A_95 : memref<128xi32, #tpu.memory_space<vmem>>)
      "tpu.region"() ({
        %run_scoped3A_104 = tpu.sem_alloc : memref<!tpu.dma_semaphore, #tpu.memory_space<semaphore_mem>>
        %dma_start3A = arith.constant 0 : i32
        %dma_start3A_105 = arith.constant 0 : i32
        %dma_start3A_106 = tpu.memref_slice %arg10[%rem3A_52, %dma_start3A, %dma_start3A_105] : memref<2x128x128xf32, #tpu.memory_space<vmem>> -> memref<1x128x128xf32, #tpu.memory_space<vmem>>
        %dma_start3A_107 = tpu.memref_squeeze %dma_start3A_106 : memref<1x128x128xf32, #tpu.memory_space<vmem>> -> memref<128x128xf32, #tpu.memory_space<vmem>>
        %dma_start3A_108 = arith.constant 0 : i32
        %dma_start3A_109 = tpu.memref_slice %arg8[%rem3A_52, %dma_start3A_108] : memref<2x128xi32, #tpu.memory_space<vmem>> -> memref<1x128xi32, #tpu.memory_space<vmem>>
        %dma_start3A_110 = tpu.memref_squeeze %dma_start3A_109 : memref<1x128xi32, #tpu.memory_space<vmem>> -> memref<128xi32, #tpu.memory_space<vmem>>
        %dma_start3A_111 = arith.constant 0 : i32
        %dma_start3A_112 = arith.constant 0 : i32
        %dma_start3A_113 = tpu.memref_slice %arg14[%dma_start3A_111, %dma_start3A_112] : memref<10112x128xf32, #tpu.memory_space<vmem_shared>> -> memref<10112x128xf32, #tpu.memory_space<vmem_shared>>
        tpu.enqueue_indirect_dma source(%dma_start3A_107 : memref<128x128xf32, #tpu.memory_space<vmem>>) target(%dma_start3A_113 : memref<10112x128xf32, #tpu.memory_space<vmem_shared>>) offsets(%dma_start3A_110 : memref<128xi32, #tpu.memory_space<vmem>>) semaphore(%run_scoped3A_104 : memref<!tpu.dma_semaphore, #tpu.memory_space<semaphore_mem>>) {add = true}
        %dma_wait3A_114 = arith.constant 0 : i32
        %dma_wait3A_115 = arith.constant 0 : i32
        %dma_wait3A_116 = tpu.memref_slice %arg10[%rem3A_52, %dma_wait3A_114, %dma_wait3A_115] : memref<2x128x128xf32, #tpu.memory_space<vmem>> -> memref<1x128x128xf32, #tpu.memory_space<vmem>>
        %dma_wait3A_117 = tpu.memref_squeeze %dma_wait3A_116 : memref<1x128x128xf32, #tpu.memory_space<vmem>> -> memref<128x128xf32, #tpu.memory_space<vmem>>
        %dma_wait3A_118 = arith.constant 0 : i32
        %dma_wait3A_119 = tpu.memref_slice %arg8[%rem3A_52, %dma_wait3A_118] : memref<2x128xi32, #tpu.memory_space<vmem>> -> memref<1x128xi32, #tpu.memory_space<vmem>>
        %dma_wait3A_120 = tpu.memref_squeeze %dma_wait3A_119 : memref<1x128xi32, #tpu.memory_space<vmem>> -> memref<128xi32, #tpu.memory_space<vmem>>
        %dma_wait3A_121 = arith.constant 0 : i32
        %dma_wait3A_122 = arith.constant 0 : i32
        %dma_wait3A_123 = tpu.memref_slice %arg14[%dma_wait3A_121, %dma_wait3A_122] : memref<10112x128xf32, #tpu.memory_space<vmem_shared>> -> memref<10112x128xf32, #tpu.memory_space<vmem_shared>>
        tpu.wait_indirect_dma semaphore(%run_scoped3A_104 : memref<!tpu.dma_semaphore, #tpu.memory_space<semaphore_mem>>) src(%dma_wait3A_117 : memref<128x128xf32, #tpu.memory_space<vmem>>) dst(%dma_wait3A_123 : memref<10112x128xf32, #tpu.memory_space<vmem_shared>>)
        tpu.yield
      }) : () -> ()
      %add3A_99 = arith.constant 2 : i32
      %add3A_100 = arith.addi %scan3A_50, %add3A_99 : i32
      %lt3A = arith.constant 79 : i32
      %lt3A_101 = arith.cmpi slt, %add3A_100, %lt3A : i32
      %convert_element_type3A = arith.extui %lt3A_101 : i1 to i32
      %cond3A = arith.constant 0 : i32
      %cond3A_102 = arith.cmpi ne, %convert_element_type3A, %cond3A : i32
      scf.if %cond3A_102 {
        %add3A_104 = arith.constant 2 : i32
        %add3A_105 = arith.addi %scan3A_50, %add3A_104 : i32
        %dma_start3A = arith.constant 0 : i32
        %dma_start3A_106 = arith.constant 0 : i32
        %dma_start3A_107 = tpu.memref_slice %arg10[%rem3A_52, %dma_start3A, %dma_start3A_106] : memref<2x128x128xf32, #tpu.memory_space<vmem>> -> memref<1x128x128xf32, #tpu.memory_space<vmem>>
        %dma_start3A_108 = tpu.memref_squeeze %dma_start3A_107 : memref<1x128x128xf32, #tpu.memory_space<vmem>> -> memref<128x128xf32, #tpu.memory_space<vmem>>
        %dma_start3A_109 = arith.constant 0 : i32
        %dma_start3A_110 = tpu.memref_slice %arg7[%add3A_105, %dma_start3A_109] : memref<79x128xi32, #tpu.memory_space<vmem>> -> memref<1x128xi32, #tpu.memory_space<vmem>>
        %dma_start3A_111 = tpu.memref_squeeze %dma_start3A_110 : memref<1x128xi32, #tpu.memory_space<vmem>> -> memref<128xi32, #tpu.memory_space<vmem>>
        %dma_start3A_112 = arith.constant 0 : i32
        %dma_start3A_113 = arith.constant 0 : i32
        %dma_start3A_114 = tpu.memref_slice %arg2[%dma_start3A_112, %dma_start3A_113] : memref<80000x128xf32, #tpu.memory_space<hbm>> -> memref<80000x128xf32, #tpu.memory_space<hbm>>
        %dma_start3A_115 = tpu.memref_slice %arg11[%rem3A_52] : memref<2x!tpu.dma_semaphore, #tpu.memory_space<semaphore_mem>> -> memref<1x!tpu.dma_semaphore, #tpu.memory_space<semaphore_mem>>
        %dma_start3A_116 = tpu.memref_squeeze %dma_start3A_115 : memref<1x!tpu.dma_semaphore, #tpu.memory_space<semaphore_mem>> -> memref<!tpu.dma_semaphore, #tpu.memory_space<semaphore_mem>>
        tpu.enqueue_indirect_dma source(%dma_start3A_114 : memref<80000x128xf32, #tpu.memory_space<hbm>>) target(%dma_start3A_108 : memref<128x128xf32, #tpu.memory_space<vmem>>) offsets(%dma_start3A_111 : memref<128xi32, #tpu.memory_space<vmem>>) semaphore(%dma_start3A_116 : memref<!tpu.dma_semaphore, #tpu.memory_space<semaphore_mem>>)
        %dma_start3A_117 = arith.constant 0 : i32
        %dma_start3A_118 = tpu.memref_slice %arg8[%rem3A_52, %dma_start3A_117] : memref<2x128xi32, #tpu.memory_space<vmem>> -> memref<1x128xi32, #tpu.memory_space<vmem>>
        %dma_start3A_119 = tpu.memref_squeeze %dma_start3A_118 : memref<1x128xi32, #tpu.memory_space<vmem>> -> memref<128xi32, #tpu.memory_space<vmem>>
        %dma_start3A_120 = arith.constant 0 : i32
        %dma_start3A_121 = tpu.memref_slice %arg4[%add3A, %add3A_105, %dma_start3A_120] : memref<32x79x128xi32, #tpu.memory_space<hbm>> -> memref<1x1x128xi32, #tpu.memory_space<hbm>>
        %dma_start3A_122 = tpu.memref_squeeze %dma_start3A_121 : memref<1x1x128xi32, #tpu.memory_space<hbm>> -> memref<128xi32, #tpu.memory_space<hbm>>
        %dma_start3A_123 = tpu.memref_slice %arg12[%rem3A_52] : memref<2x!tpu.dma_semaphore, #tpu.memory_space<semaphore_mem>> -> memref<1x!tpu.dma_semaphore, #tpu.memory_space<semaphore_mem>>
        %dma_start3A_124 = tpu.memref_squeeze %dma_start3A_123 : memref<1x!tpu.dma_semaphore, #tpu.memory_space<semaphore_mem>> -> memref<!tpu.dma_semaphore, #tpu.memory_space<semaphore_mem>>
        %dma_start3A_125 = arith.constant 0 : i32
        %dma_start3A_126 = tpu.memref_slice %arg8[%rem3A_52, %dma_start3A_125] : memref<2x128xi32, #tpu.memory_space<vmem>> -> memref<1x128xi32, #tpu.memory_space<vmem>>
        %dma_start3A_127 = tpu.memref_squeeze %dma_start3A_126 : memref<1x128xi32, #tpu.memory_space<vmem>> -> memref<128xi32, #tpu.memory_space<vmem>>
        %dma_start3A_128 = arith.constant 0 : i32
        %dma_start3A_129 = tpu.memref_slice %arg4[%add3A, %add3A_105, %dma_start3A_128] : memref<32x79x128xi32, #tpu.memory_space<hbm>> -> memref<1x1x128xi32, #tpu.memory_space<hbm>>
        %dma_start3A_130 = tpu.memref_squeeze %dma_start3A_129 : memref<1x1x128xi32, #tpu.memory_space<hbm>> -> memref<128xi32, #tpu.memory_space<hbm>>
        tpu.enqueue_dma source(%dma_start3A_130 : memref<128xi32, #tpu.memory_space<hbm>>) target(%dma_start3A_127 : memref<128xi32, #tpu.memory_space<vmem>>) target_semaphore(%dma_start3A_124 : memref<!tpu.dma_semaphore, #tpu.memory_space<semaphore_mem>>)
        %dma_start3A_131 = arith.constant 0 : i32
        %dma_start3A_132 = tpu.memref_slice %arg9[%rem3A_52, %dma_start3A_131] : memref<2x128xf32, #tpu.memory_space<vmem>> -> memref<1x128xf32, #tpu.memory_space<vmem>>
        %dma_start3A_133 = tpu.memref_squeeze %dma_start3A_132 : memref<1x128xf32, #tpu.memory_space<vmem>> -> memref<128xf32, #tpu.memory_space<vmem>>
        %dma_start3A_134 = arith.constant 0 : i32
        %dma_start3A_135 = tpu.memref_slice %arg5[%add3A, %add3A_105, %dma_start3A_134] : memref<32x79x128xf32, #tpu.memory_space<hbm>> -> memref<1x1x128xf32, #tpu.memory_space<hbm>>
        %dma_start3A_136 = tpu.memref_squeeze %dma_start3A_135 : memref<1x1x128xf32, #tpu.memory_space<hbm>> -> memref<128xf32, #tpu.memory_space<hbm>>
        %dma_start3A_137 = tpu.memref_slice %arg13[%rem3A_52] : memref<2x!tpu.dma_semaphore, #tpu.memory_space<semaphore_mem>> -> memref<1x!tpu.dma_semaphore, #tpu.memory_space<semaphore_mem>>
        %dma_start3A_138 = tpu.memref_squeeze %dma_start3A_137 : memref<1x!tpu.dma_semaphore, #tpu.memory_space<semaphore_mem>> -> memref<!tpu.dma_semaphore, #tpu.memory_space<semaphore_mem>>
        %dma_start3A_139 = arith.constant 0 : i32
        %dma_start3A_140 = tpu.memref_slice %arg9[%rem3A_52, %dma_start3A_139] : memref<2x128xf32, #tpu.memory_space<vmem>> -> memref<1x128xf32, #tpu.memory_space<vmem>>
        %dma_start3A_141 = tpu.memref_squeeze %dma_start3A_140 : memref<1x128xf32, #tpu.memory_space<vmem>> -> memref<128xf32, #tpu.memory_space<vmem>>
        %dma_start3A_142 = arith.constant 0 : i32
        %dma_start3A_143 = tpu.memref_slice %arg5[%add3A, %add3A_105, %dma_start3A_142] : memref<32x79x128xf32, #tpu.memory_space<hbm>> -> memref<1x1x128xf32, #tpu.memory_space<hbm>>
        %dma_start3A_144 = tpu.memref_squeeze %dma_start3A_143 : memref<1x1x128xf32, #tpu.memory_space<hbm>> -> memref<128xf32, #tpu.memory_space<hbm>>
        tpu.enqueue_dma source(%dma_start3A_144 : memref<128xf32, #tpu.memory_space<hbm>>) target(%dma_start3A_141 : memref<128xf32, #tpu.memory_space<vmem>>) target_semaphore(%dma_start3A_138 : memref<!tpu.dma_semaphore, #tpu.memory_space<semaphore_mem>>)
      } else {
      }
      %scan3A_103 = arith.constant 0 : i32
      scf.yield %scan3A_103 : i32
    }
    %scan3A_44 = arith.constant 79 : i32
    %barrier3A_45 = arith.constant 0 : index
    tpu.barrier barrier_id(%barrier3A_45)
    %mul3A_46 = arith.constant 632 : i32
    %mul3A_47 = arith.muli %arg1, %mul3A_46 : i32
    %mul3A_48 = arith.constant 632 : i32
    %mul3A_49 = arith.muli %arg1, %mul3A_48 : i32
    "tpu.region"() ({
      %run_scoped3A_50 = tpu.sem_alloc : memref<!tpu.dma_semaphore, #tpu.memory_space<semaphore_mem>>
      %dma_start3A = arith.constant 0 : i32
      %dma_start3A_51 = tpu.memref_slice %arg6[%arg0, %mul3A_49, %dma_start3A] : memref<2x10112x128xf32, #tpu.memory_space<hbm>> -> memref<1x632x128xf32, #tpu.memory_space<hbm>>
      %dma_start3A_52 = tpu.memref_squeeze %dma_start3A_51 : memref<1x632x128xf32, #tpu.memory_space<hbm>> -> memref<632x128xf32, #tpu.memory_space<hbm>>
      %dma_start3A_53 = arith.constant 0 : i32
      %dma_start3A_54 = tpu.memref_slice %arg14[%mul3A_47, %dma_start3A_53] : memref<10112x128xf32, #tpu.memory_space<vmem_shared>> -> memref<632x128xf32, #tpu.memory_space<vmem_shared>>
      tpu.enqueue_dma source(%dma_start3A_54 : memref<632x128xf32, #tpu.memory_space<vmem_shared>>) target(%dma_start3A_52 : memref<632x128xf32, #tpu.memory_space<hbm>>) target_semaphore(%run_scoped3A_50 : memref<!tpu.dma_semaphore, #tpu.memory_space<semaphore_mem>>)
      %dma_wait3A = arith.constant 0 : i32
      %dma_wait3A_55 = tpu.memref_slice %arg6[%arg0, %mul3A_49, %dma_wait3A] : memref<2x10112x128xf32, #tpu.memory_space<hbm>> -> memref<1x632x128xf32, #tpu.memory_space<hbm>>
      %dma_wait3A_56 = tpu.memref_squeeze %dma_wait3A_55 : memref<1x632x128xf32, #tpu.memory_space<hbm>> -> memref<632x128xf32, #tpu.memory_space<hbm>>
      %dma_wait3A_57 = arith.constant 0 : i32
      %dma_wait3A_58 = tpu.memref_slice %arg14[%mul3A_47, %dma_wait3A_57] : memref<10112x128xf32, #tpu.memory_space<vmem_shared>> -> memref<632x128xf32, #tpu.memory_space<vmem_shared>>
      tpu.wait_dma2 semaphore(%run_scoped3A_50 : memref<!tpu.dma_semaphore, #tpu.memory_space<semaphore_mem>>) src(%dma_wait3A_58 : memref<632x128xf32, #tpu.memory_space<vmem_shared>>) dst(%dma_wait3A_56 : memref<632x128xf32, #tpu.memory_space<hbm>>)
      tpu.yield
    }) : () -> ()
    return
  }
}

module attributes {stable_mosaic.version = 14 : i64} {
  func.func @body(%arg0: i32, %arg1: memref<2000x128xf32, #tpu.memory_space<vmem>>, %arg2: memref<8x128x128xf32, #tpu.memory_space<vmem>>, %arg3: memref<2000x8x128xf32, #tpu.memory_space<vmem>>) attributes {dimension_semantics = [#tpu.dimension_semantics<arbitrary>], iteration_bounds = array<i64: 5>, scalar_prefetch = 0 : i64, scratch_operands = 0 : i64, tpu.core_type = #tpu.core_type<tc>, window_params = [{transform_indices = @transform_0, window_bounds = array<i64: 2000, 128>}, {pipeline_mode = #tpu.pipeline_mode<synchronous>, transform_indices = @transform_1, window_bounds = array<i64: 8, 128, 128>}, {transform_indices = @transform_2, window_bounds = array<i64: 2000, 8, 128>}]} {
    %get3A = arith.constant 0 : index
    %get3A_0 = arith.constant 0 : index
    %get3A_1 = vector.load %arg1[%get3A, %get3A_0] : memref<2000x128xf32, #tpu.memory_space<vmem>>, vector<2000x128xf32>
    %get3A_2 = arith.constant 0 : index
    %get3A_3 = arith.constant 0 : index
    %get3A_4 = arith.constant 0 : index
    %get3A_5 = vector.load %arg2[%get3A_2, %get3A_3, %get3A_4] : memref<8x128x128xf32, #tpu.memory_space<vmem>>, vector<1x128x128xf32>
    %get3A_6 = vector.shape_cast %get3A_5 : vector<1x128x128xf32> to vector<128x128xf32>
    %dot_general3A = arith.constant dense<0.000000e+00> : vector<2000x128xf32>
    %dot_general3A_7 = tpu.matmul %get3A_1, %get3A_6, %dot_general3A {dimension_numbers = #tpu.dot_dimension_numbers<[1], [0], [0], [1], [0, 0, 1, 1], [], []>, transpose_lhs_hint = false} : vector<2000x128xf32>, vector<128x128xf32>, vector<2000x128xf32> -> vector<2000x128xf32>
    %swap3A = arith.constant 0 : index
    %swap3A_8 = arith.constant 0 : index
    %swap3A_9 = arith.constant 0 : index
    %swap3A_10 = vector.load %arg3[%swap3A, %swap3A_8, %swap3A_9] : memref<2000x8x128xf32, #tpu.memory_space<vmem>>, vector<2000x1x128xf32>
    %swap3A_11 = vector.shape_cast %swap3A_10 : vector<2000x1x128xf32> to vector<2000x128xf32>
    %swap3A_12 = vector.shape_cast %dot_general3A_7 : vector<2000x128xf32> to vector<2000x1x128xf32>
    tpu.vector_store %arg3[%swap3A, %swap3A_8, %swap3A_9], %swap3A_12 {strides = array<i32>} : memref<2000x8x128xf32, #tpu.memory_space<vmem>>, vector<2000x1x128xf32>,
    %get3A_13 = arith.constant 1 : index
    %get3A_14 = arith.constant 0 : index
    %get3A_15 = arith.constant 0 : index
    %get3A_16 = vector.load %arg2[%get3A_13, %get3A_14, %get3A_15] : memref<8x128x128xf32, #tpu.memory_space<vmem>>, vector<1x128x128xf32>
    %get3A_17 = vector.shape_cast %get3A_16 : vector<1x128x128xf32> to vector<128x128xf32>
    %dot_general3A_18 = arith.constant dense<0.000000e+00> : vector<2000x128xf32>
    %dot_general3A_19 = tpu.matmul %get3A_1, %get3A_17, %dot_general3A_18 {dimension_numbers = #tpu.dot_dimension_numbers<[1], [0], [0], [1], [0, 0, 1, 1], [], []>, transpose_lhs_hint = false} : vector<2000x128xf32>, vector<128x128xf32>, vector<2000x128xf32> -> vector<2000x128xf32>
    %swap3A_20 = arith.constant 0 : index
    %swap3A_21 = arith.constant 1 : index
    %swap3A_22 = arith.constant 0 : index
    %swap3A_23 = vector.load %arg3[%swap3A_20, %swap3A_21, %swap3A_22] : memref<2000x8x128xf32, #tpu.memory_space<vmem>>, vector<2000x1x128xf32>
    %swap3A_24 = vector.shape_cast %swap3A_23 : vector<2000x1x128xf32> to vector<2000x128xf32>
    %swap3A_25 = vector.shape_cast %dot_general3A_19 : vector<2000x128xf32> to vector<2000x1x128xf32>
    tpu.vector_store %arg3[%swap3A_20, %swap3A_21, %swap3A_22], %swap3A_25 {strides = array<i32>} : memref<2000x8x128xf32, #tpu.memory_space<vmem>>, vector<2000x1x128xf32>,
    %get3A_26 = arith.constant 2 : index
    %get3A_27 = arith.constant 0 : index
    %get3A_28 = arith.constant 0 : index
    %get3A_29 = vector.load %arg2[%get3A_26, %get3A_27, %get3A_28] : memref<8x128x128xf32, #tpu.memory_space<vmem>>, vector<1x128x128xf32>
    %get3A_30 = vector.shape_cast %get3A_29 : vector<1x128x128xf32> to vector<128x128xf32>
    %dot_general3A_31 = arith.constant dense<0.000000e+00> : vector<2000x128xf32>
    %dot_general3A_32 = tpu.matmul %get3A_1, %get3A_30, %dot_general3A_31 {dimension_numbers = #tpu.dot_dimension_numbers<[1], [0], [0], [1], [0, 0, 1, 1], [], []>, transpose_lhs_hint = false} : vector<2000x128xf32>, vector<128x128xf32>, vector<2000x128xf32> -> vector<2000x128xf32>
    %swap3A_33 = arith.constant 0 : index
    %swap3A_34 = arith.constant 2 : index
    %swap3A_35 = arith.constant 0 : index
    %swap3A_36 = vector.load %arg3[%swap3A_33, %swap3A_34, %swap3A_35] : memref<2000x8x128xf32, #tpu.memory_space<vmem>>, vector<2000x1x128xf32>
    %swap3A_37 = vector.shape_cast %swap3A_36 : vector<2000x1x128xf32> to vector<2000x128xf32>
    %swap3A_38 = vector.shape_cast %dot_general3A_32 : vector<2000x128xf32> to vector<2000x1x128xf32>
    tpu.vector_store %arg3[%swap3A_33, %swap3A_34, %swap3A_35], %swap3A_38 {strides = array<i32>} : memref<2000x8x128xf32, #tpu.memory_space<vmem>>, vector<2000x1x128xf32>,
    %get3A_39 = arith.constant 3 : index
    %get3A_40 = arith.constant 0 : index
    %get3A_41 = arith.constant 0 : index
    %get3A_42 = vector.load %arg2[%get3A_39, %get3A_40, %get3A_41] : memref<8x128x128xf32, #tpu.memory_space<vmem>>, vector<1x128x128xf32>
    %get3A_43 = vector.shape_cast %get3A_42 : vector<1x128x128xf32> to vector<128x128xf32>
    %dot_general3A_44 = arith.constant dense<0.000000e+00> : vector<2000x128xf32>
    %dot_general3A_45 = tpu.matmul %get3A_1, %get3A_43, %dot_general3A_44 {dimension_numbers = #tpu.dot_dimension_numbers<[1], [0], [0], [1], [0, 0, 1, 1], [], []>, transpose_lhs_hint = false} : vector<2000x128xf32>, vector<128x128xf32>, vector<2000x128xf32> -> vector<2000x128xf32>
    %swap3A_46 = arith.constant 0 : index
    %swap3A_47 = arith.constant 3 : index
    %swap3A_48 = arith.constant 0 : index
    %swap3A_49 = vector.load %arg3[%swap3A_46, %swap3A_47, %swap3A_48] : memref<2000x8x128xf32, #tpu.memory_space<vmem>>, vector<2000x1x128xf32>
    %swap3A_50 = vector.shape_cast %swap3A_49 : vector<2000x1x128xf32> to vector<2000x128xf32>
    %swap3A_51 = vector.shape_cast %dot_general3A_45 : vector<2000x128xf32> to vector<2000x1x128xf32>
    tpu.vector_store %arg3[%swap3A_46, %swap3A_47, %swap3A_48], %swap3A_51 {strides = array<i32>} : memref<2000x8x128xf32, #tpu.memory_space<vmem>>, vector<2000x1x128xf32>,
    %get3A_52 = arith.constant 4 : index
    %get3A_53 = arith.constant 0 : index
    %get3A_54 = arith.constant 0 : index
    %get3A_55 = vector.load %arg2[%get3A_52, %get3A_53, %get3A_54] : memref<8x128x128xf32, #tpu.memory_space<vmem>>, vector<1x128x128xf32>
    %get3A_56 = vector.shape_cast %get3A_55 : vector<1x128x128xf32> to vector<128x128xf32>
    %dot_general3A_57 = arith.constant dense<0.000000e+00> : vector<2000x128xf32>
    %dot_general3A_58 = tpu.matmul %get3A_1, %get3A_56, %dot_general3A_57 {dimension_numbers = #tpu.dot_dimension_numbers<[1], [0], [0], [1], [0, 0, 1, 1], [], []>, transpose_lhs_hint = false} : vector<2000x128xf32>, vector<128x128xf32>, vector<2000x128xf32> -> vector<2000x128xf32>
    %swap3A_59 = arith.constant 0 : index
    %swap3A_60 = arith.constant 4 : index
    %swap3A_61 = arith.constant 0 : index
    %swap3A_62 = vector.load %arg3[%swap3A_59, %swap3A_60, %swap3A_61] : memref<2000x8x128xf32, #tpu.memory_space<vmem>>, vector<2000x1x128xf32>
    %swap3A_63 = vector.shape_cast %swap3A_62 : vector<2000x1x128xf32> to vector<2000x128xf32>
    %swap3A_64 = vector.shape_cast %dot_general3A_58 : vector<2000x128xf32> to vector<2000x1x128xf32>
    tpu.vector_store %arg3[%swap3A_59, %swap3A_60, %swap3A_61], %swap3A_64 {strides = array<i32>} : memref<2000x8x128xf32, #tpu.memory_space<vmem>>, vector<2000x1x128xf32>,
    %get3A_65 = arith.constant 5 : index
    %get3A_66 = arith.constant 0 : index
    %get3A_67 = arith.constant 0 : index
    %get3A_68 = vector.load %arg2[%get3A_65, %get3A_66, %get3A_67] : memref<8x128x128xf32, #tpu.memory_space<vmem>>, vector<1x128x128xf32>
    %get3A_69 = vector.shape_cast %get3A_68 : vector<1x128x128xf32> to vector<128x128xf32>
    %dot_general3A_70 = arith.constant dense<0.000000e+00> : vector<2000x128xf32>
    %dot_general3A_71 = tpu.matmul %get3A_1, %get3A_69, %dot_general3A_70 {dimension_numbers = #tpu.dot_dimension_numbers<[1], [0], [0], [1], [0, 0, 1, 1], [], []>, transpose_lhs_hint = false} : vector<2000x128xf32>, vector<128x128xf32>, vector<2000x128xf32> -> vector<2000x128xf32>
    %swap3A_72 = arith.constant 0 : index
    %swap3A_73 = arith.constant 5 : index
    %swap3A_74 = arith.constant 0 : index
    %swap3A_75 = vector.load %arg3[%swap3A_72, %swap3A_73, %swap3A_74] : memref<2000x8x128xf32, #tpu.memory_space<vmem>>, vector<2000x1x128xf32>
    %swap3A_76 = vector.shape_cast %swap3A_75 : vector<2000x1x128xf32> to vector<2000x128xf32>
    %swap3A_77 = vector.shape_cast %dot_general3A_71 : vector<2000x128xf32> to vector<2000x1x128xf32>
    tpu.vector_store %arg3[%swap3A_72, %swap3A_73, %swap3A_74], %swap3A_77 {strides = array<i32>} : memref<2000x8x128xf32, #tpu.memory_space<vmem>>, vector<2000x1x128xf32>,
    %get3A_78 = arith.constant 6 : index
    %get3A_79 = arith.constant 0 : index
    %get3A_80 = arith.constant 0 : index
    %get3A_81 = vector.load %arg2[%get3A_78, %get3A_79, %get3A_80] : memref<8x128x128xf32, #tpu.memory_space<vmem>>, vector<1x128x128xf32>
    %get3A_82 = vector.shape_cast %get3A_81 : vector<1x128x128xf32> to vector<128x128xf32>
    %dot_general3A_83 = arith.constant dense<0.000000e+00> : vector<2000x128xf32>
    %dot_general3A_84 = tpu.matmul %get3A_1, %get3A_82, %dot_general3A_83 {dimension_numbers = #tpu.dot_dimension_numbers<[1], [0], [0], [1], [0, 0, 1, 1], [], []>, transpose_lhs_hint = false} : vector<2000x128xf32>, vector<128x128xf32>, vector<2000x128xf32> -> vector<2000x128xf32>
    %swap3A_85 = arith.constant 0 : index
    %swap3A_86 = arith.constant 6 : index
    %swap3A_87 = arith.constant 0 : index
    %swap3A_88 = vector.load %arg3[%swap3A_85, %swap3A_86, %swap3A_87] : memref<2000x8x128xf32, #tpu.memory_space<vmem>>, vector<2000x1x128xf32>
    %swap3A_89 = vector.shape_cast %swap3A_88 : vector<2000x1x128xf32> to vector<2000x128xf32>
    %swap3A_90 = vector.shape_cast %dot_general3A_84 : vector<2000x128xf32> to vector<2000x1x128xf32>
    tpu.vector_store %arg3[%swap3A_85, %swap3A_86, %swap3A_87], %swap3A_90 {strides = array<i32>} : memref<2000x8x128xf32, #tpu.memory_space<vmem>>, vector<2000x1x128xf32>,
    %get3A_91 = arith.constant 7 : index
    %get3A_92 = arith.constant 0 : index
    %get3A_93 = arith.constant 0 : index
    %get3A_94 = vector.load %arg2[%get3A_91, %get3A_92, %get3A_93] : memref<8x128x128xf32, #tpu.memory_space<vmem>>, vector<1x128x128xf32>
    %get3A_95 = vector.shape_cast %get3A_94 : vector<1x128x128xf32> to vector<128x128xf32>
    %dot_general3A_96 = arith.constant dense<0.000000e+00> : vector<2000x128xf32>
    %dot_general3A_97 = tpu.matmul %get3A_1, %get3A_95, %dot_general3A_96 {dimension_numbers = #tpu.dot_dimension_numbers<[1], [0], [0], [1], [0, 0, 1, 1], [], []>, transpose_lhs_hint = false} : vector<2000x128xf32>, vector<128x128xf32>, vector<2000x128xf32> -> vector<2000x128xf32>
    %swap3A_98 = arith.constant 0 : index
    %swap3A_99 = arith.constant 7 : index
    %swap3A_100 = arith.constant 0 : index
    %swap3A_101 = vector.load %arg3[%swap3A_98, %swap3A_99, %swap3A_100] : memref<2000x8x128xf32, #tpu.memory_space<vmem>>, vector<2000x1x128xf32>
    %swap3A_102 = vector.shape_cast %swap3A_101 : vector<2000x1x128xf32> to vector<2000x128xf32>
    %swap3A_103 = vector.shape_cast %dot_general3A_97 : vector<2000x128xf32> to vector<2000x1x128xf32>
    tpu.vector_store %arg3[%swap3A_98, %swap3A_99, %swap3A_100], %swap3A_103 {strides = array<i32>} : memref<2000x8x128xf32, #tpu.memory_space<vmem>>, vector<2000x1x128xf32>,
    return
  }
  func.func @transform_0(%arg0: i32) -> (i32, i32) {
    %c0_i32 = arith.constant 0 : i32
    %c0_i32_0 = arith.constant 0 : i32
    return %arg0, %c0_i32 : i32, i32
  }
  func.func @transform_1(%arg0: i32) -> (i32, i32, i32) {
    %c0_i32 = arith.constant 0 : i32
    %c0_i32_0 = arith.constant 0 : i32
    %c0_i32_1 = arith.constant 0 : i32
    %c0_i32_2 = arith.constant 0 : i32
    return %c0_i32, %c0_i32_0, %c0_i32_1 : i32, i32, i32
  }
  func.func @transform_2(%arg0: i32) -> (i32, i32, i32) {
    %c0_i32 = arith.constant 0 : i32
    %c0_i32_0 = arith.constant 0 : i32
    %c0_i32_1 = arith.constant 0 : i32
    return %arg0, %c0_i32, %c0_i32_0 : i32, i32, i32
  }
}

module attributes {stable_mosaic.version = 14 : i64} {
  func.func @body(%arg0: i32, %arg1: memref<2x2000x128xf32, #tpu.memory_space<vmem>>, %arg2: memref<2000x128xf32, #tpu.memory_space<vmem>>, %arg3: memref<128x128xf32, #tpu.memory_space<vmem>>, %arg4: memref<1x128xf32, #tpu.memory_space<vmem>>, %arg5: memref<8x128x128xf32, #tpu.memory_space<vmem>>, %arg6: memref<2000x128xf32, #tpu.memory_space<vmem>>, %arg7: memref<2000x8x128xf32, #tpu.memory_space<vmem>>) attributes {dimension_semantics = [#tpu.dimension_semantics<arbitrary>], iteration_bounds = array<i64: 5>, scalar_prefetch = 0 : i64, scratch_operands = 0 : i64, tpu.core_type = #tpu.core_type<tc>, window_params = [{transform_indices = @transform_0, window_bounds = array<i64: 2, 2000, 128>}, {transform_indices = @transform_1, window_bounds = array<i64: 2000, 128>}, {pipeline_mode = #tpu.pipeline_mode<synchronous>, transform_indices = @transform_2, window_bounds = array<i64: 128, 128>}, {pipeline_mode = #tpu.pipeline_mode<synchronous>, transform_indices = @transform_3, window_bounds = array<i64: 1, 128>}, {pipeline_mode = #tpu.pipeline_mode<synchronous>, transform_indices = @transform_4, window_bounds = array<i64: 8, 128, 128>}, {transform_indices = @transform_5, window_bounds = array<i64: 2000, 128>}, {transform_indices = @transform_6, window_bounds = array<i64: 2000, 8, 128>}]} {
    %get3A = arith.constant 0 : index
    %get3A_0 = arith.constant 0 : index
    %get3A_1 = arith.constant 0 : index
    %get3A_2 = vector.load %arg1[%get3A, %get3A_0, %get3A_1] : memref<2x2000x128xf32, #tpu.memory_space<vmem>>, vector<1x2000x128xf32>
    %get3A_3 = vector.shape_cast %get3A_2 : vector<1x2000x128xf32> to vector<2000x128xf32>
    %get3A_4 = arith.constant 1 : index
    %get3A_5 = arith.constant 0 : index
    %get3A_6 = arith.constant 0 : index
    %get3A_7 = vector.load %arg1[%get3A_4, %get3A_5, %get3A_6] : memref<2x2000x128xf32, #tpu.memory_space<vmem>>, vector<1x2000x128xf32>
    %get3A_8 = vector.shape_cast %get3A_7 : vector<1x2000x128xf32> to vector<2000x128xf32>
    %add3A = arith.addf %get3A_3, %get3A_8 : vector<2000x128xf32>
    %get3A_9 = arith.constant 0 : index
    %get3A_10 = arith.constant 0 : index
    %get3A_11 = vector.load %arg2[%get3A_9, %get3A_10] : memref<2000x128xf32, #tpu.memory_space<vmem>>, vector<2000x128xf32>
    %get3A_12 = arith.constant 0 : index
    %get3A_13 = arith.constant 0 : index
    %get3A_14 = vector.load %arg3[%get3A_12, %get3A_13] : memref<128x128xf32, #tpu.memory_space<vmem>>, vector<128x128xf32>
    %dot_general3A = arith.constant dense<0.000000e+00> : vector<2000x128xf32>
    %dot_general3A_15 = tpu.matmul %get3A_11, %get3A_14, %dot_general3A {dimension_numbers = #tpu.dot_dimension_numbers<[1], [0], [0], [1], [0, 0, 1, 1], [], []>, transpose_lhs_hint = false} : vector<2000x128xf32>, vector<128x128xf32>, vector<2000x128xf32> -> vector<2000x128xf32>
    %add3A_16 = arith.addf %add3A, %dot_general3A_15 : vector<2000x128xf32>
    %get3A_17 = arith.constant 0 : index
    %get3A_18 = arith.constant 0 : index
    %get3A_19 = vector.load %arg4[%get3A_17, %get3A_18] : memref<1x128xf32, #tpu.memory_space<vmem>>, vector<1x128xf32>
    %add3A_20 = vector.broadcast %get3A_19 : vector<1x128xf32> to vector<2000x128xf32>
    %add3A_21 = arith.addf %add3A_16, %add3A_20 : vector<2000x128xf32>
    %max3A = arith.constant 0.000000e+00 : f32
    %max3A_22 = vector.broadcast %max3A : f32 to vector<2000x128xf32>
    %max3A_23 = arith.maximumf %add3A_21, %max3A_22 : vector<2000x128xf32>
    %swap3A = arith.constant 0 : index
    %swap3A_24 = arith.constant 0 : index
    %swap3A_25 = vector.load %arg6[%swap3A, %swap3A_24] : memref<2000x128xf32, #tpu.memory_space<vmem>>, vector<2000x128xf32>
    tpu.vector_store %arg6[%swap3A, %swap3A_24], %max3A_23 {strides = array<i32>} : memref<2000x128xf32, #tpu.memory_space<vmem>>, vector<2000x128xf32>,
    %get3A_26 = arith.constant 0 : index
    %get3A_27 = arith.constant 0 : index
    %get3A_28 = arith.constant 0 : index
    %get3A_29 = vector.load %arg5[%get3A_26, %get3A_27, %get3A_28] : memref<8x128x128xf32, #tpu.memory_space<vmem>>, vector<1x128x128xf32>
    %get3A_30 = vector.shape_cast %get3A_29 : vector<1x128x128xf32> to vector<128x128xf32>
    %dot_general3A_31 = arith.constant dense<0.000000e+00> : vector<2000x128xf32>
    %dot_general3A_32 = tpu.matmul %max3A_23, %get3A_30, %dot_general3A_31 {dimension_numbers = #tpu.dot_dimension_numbers<[1], [0], [0], [1], [0, 0, 1, 1], [], []>, transpose_lhs_hint = false} : vector<2000x128xf32>, vector<128x128xf32>, vector<2000x128xf32> -> vector<2000x128xf32>
    %swap3A_33 = arith.constant 0 : index
    %swap3A_34 = arith.constant 0 : index
    %swap3A_35 = arith.constant 0 : index
    %swap3A_36 = vector.load %arg7[%swap3A_33, %swap3A_34, %swap3A_35] : memref<2000x8x128xf32, #tpu.memory_space<vmem>>, vector<2000x1x128xf32>
    %swap3A_37 = vector.shape_cast %swap3A_36 : vector<2000x1x128xf32> to vector<2000x128xf32>
    %swap3A_38 = vector.shape_cast %dot_general3A_32 : vector<2000x128xf32> to vector<2000x1x128xf32>
    tpu.vector_store %arg7[%swap3A_33, %swap3A_34, %swap3A_35], %swap3A_38 {strides = array<i32>} : memref<2000x8x128xf32, #tpu.memory_space<vmem>>, vector<2000x1x128xf32>,
    %get3A_39 = arith.constant 1 : index
    %get3A_40 = arith.constant 0 : index
    %get3A_41 = arith.constant 0 : index
    %get3A_42 = vector.load %arg5[%get3A_39, %get3A_40, %get3A_41] : memref<8x128x128xf32, #tpu.memory_space<vmem>>, vector<1x128x128xf32>
    %get3A_43 = vector.shape_cast %get3A_42 : vector<1x128x128xf32> to vector<128x128xf32>
    %dot_general3A_44 = arith.constant dense<0.000000e+00> : vector<2000x128xf32>
    %dot_general3A_45 = tpu.matmul %max3A_23, %get3A_43, %dot_general3A_44 {dimension_numbers = #tpu.dot_dimension_numbers<[1], [0], [0], [1], [0, 0, 1, 1], [], []>, transpose_lhs_hint = false} : vector<2000x128xf32>, vector<128x128xf32>, vector<2000x128xf32> -> vector<2000x128xf32>
    %swap3A_46 = arith.constant 0 : index
    %swap3A_47 = arith.constant 1 : index
    %swap3A_48 = arith.constant 0 : index
    %swap3A_49 = vector.load %arg7[%swap3A_46, %swap3A_47, %swap3A_48] : memref<2000x8x128xf32, #tpu.memory_space<vmem>>, vector<2000x1x128xf32>
    %swap3A_50 = vector.shape_cast %swap3A_49 : vector<2000x1x128xf32> to vector<2000x128xf32>
    %swap3A_51 = vector.shape_cast %dot_general3A_45 : vector<2000x128xf32> to vector<2000x1x128xf32>
    tpu.vector_store %arg7[%swap3A_46, %swap3A_47, %swap3A_48], %swap3A_51 {strides = array<i32>} : memref<2000x8x128xf32, #tpu.memory_space<vmem>>, vector<2000x1x128xf32>,
    %get3A_52 = arith.constant 2 : index
    %get3A_53 = arith.constant 0 : index
    %get3A_54 = arith.constant 0 : index
    %get3A_55 = vector.load %arg5[%get3A_52, %get3A_53, %get3A_54] : memref<8x128x128xf32, #tpu.memory_space<vmem>>, vector<1x128x128xf32>
    %get3A_56 = vector.shape_cast %get3A_55 : vector<1x128x128xf32> to vector<128x128xf32>
    %dot_general3A_57 = arith.constant dense<0.000000e+00> : vector<2000x128xf32>
    %dot_general3A_58 = tpu.matmul %max3A_23, %get3A_56, %dot_general3A_57 {dimension_numbers = #tpu.dot_dimension_numbers<[1], [0], [0], [1], [0, 0, 1, 1], [], []>, transpose_lhs_hint = false} : vector<2000x128xf32>, vector<128x128xf32>, vector<2000x128xf32> -> vector<2000x128xf32>
    %swap3A_59 = arith.constant 0 : index
    %swap3A_60 = arith.constant 2 : index
    %swap3A_61 = arith.constant 0 : index
    %swap3A_62 = vector.load %arg7[%swap3A_59, %swap3A_60, %swap3A_61] : memref<2000x8x128xf32, #tpu.memory_space<vmem>>, vector<2000x1x128xf32>
    %swap3A_63 = vector.shape_cast %swap3A_62 : vector<2000x1x128xf32> to vector<2000x128xf32>
    %swap3A_64 = vector.shape_cast %dot_general3A_58 : vector<2000x128xf32> to vector<2000x1x128xf32>
    tpu.vector_store %arg7[%swap3A_59, %swap3A_60, %swap3A_61], %swap3A_64 {strides = array<i32>} : memref<2000x8x128xf32, #tpu.memory_space<vmem>>, vector<2000x1x128xf32>,
    %get3A_65 = arith.constant 3 : index
    %get3A_66 = arith.constant 0 : index
    %get3A_67 = arith.constant 0 : index
    %get3A_68 = vector.load %arg5[%get3A_65, %get3A_66, %get3A_67] : memref<8x128x128xf32, #tpu.memory_space<vmem>>, vector<1x128x128xf32>
    %get3A_69 = vector.shape_cast %get3A_68 : vector<1x128x128xf32> to vector<128x128xf32>
    %dot_general3A_70 = arith.constant dense<0.000000e+00> : vector<2000x128xf32>
    %dot_general3A_71 = tpu.matmul %max3A_23, %get3A_69, %dot_general3A_70 {dimension_numbers = #tpu.dot_dimension_numbers<[1], [0], [0], [1], [0, 0, 1, 1], [], []>, transpose_lhs_hint = false} : vector<2000x128xf32>, vector<128x128xf32>, vector<2000x128xf32> -> vector<2000x128xf32>
    %swap3A_72 = arith.constant 0 : index
    %swap3A_73 = arith.constant 3 : index
    %swap3A_74 = arith.constant 0 : index
    %swap3A_75 = vector.load %arg7[%swap3A_72, %swap3A_73, %swap3A_74] : memref<2000x8x128xf32, #tpu.memory_space<vmem>>, vector<2000x1x128xf32>
    %swap3A_76 = vector.shape_cast %swap3A_75 : vector<2000x1x128xf32> to vector<2000x128xf32>
    %swap3A_77 = vector.shape_cast %dot_general3A_71 : vector<2000x128xf32> to vector<2000x1x128xf32>
    tpu.vector_store %arg7[%swap3A_72, %swap3A_73, %swap3A_74], %swap3A_77 {strides = array<i32>} : memref<2000x8x128xf32, #tpu.memory_space<vmem>>, vector<2000x1x128xf32>,
    %get3A_78 = arith.constant 4 : index
    %get3A_79 = arith.constant 0 : index
    %get3A_80 = arith.constant 0 : index
    %get3A_81 = vector.load %arg5[%get3A_78, %get3A_79, %get3A_80] : memref<8x128x128xf32, #tpu.memory_space<vmem>>, vector<1x128x128xf32>
    %get3A_82 = vector.shape_cast %get3A_81 : vector<1x128x128xf32> to vector<128x128xf32>
    %dot_general3A_83 = arith.constant dense<0.000000e+00> : vector<2000x128xf32>
    %dot_general3A_84 = tpu.matmul %max3A_23, %get3A_82, %dot_general3A_83 {dimension_numbers = #tpu.dot_dimension_numbers<[1], [0], [0], [1], [0, 0, 1, 1], [], []>, transpose_lhs_hint = false} : vector<2000x128xf32>, vector<128x128xf32>, vector<2000x128xf32> -> vector<2000x128xf32>
    %swap3A_85 = arith.constant 0 : index
    %swap3A_86 = arith.constant 4 : index
    %swap3A_87 = arith.constant 0 : index
    %swap3A_88 = vector.load %arg7[%swap3A_85, %swap3A_86, %swap3A_87] : memref<2000x8x128xf32, #tpu.memory_space<vmem>>, vector<2000x1x128xf32>
    %swap3A_89 = vector.shape_cast %swap3A_88 : vector<2000x1x128xf32> to vector<2000x128xf32>
    %swap3A_90 = vector.shape_cast %dot_general3A_84 : vector<2000x128xf32> to vector<2000x1x128xf32>
    tpu.vector_store %arg7[%swap3A_85, %swap3A_86, %swap3A_87], %swap3A_90 {strides = array<i32>} : memref<2000x8x128xf32, #tpu.memory_space<vmem>>, vector<2000x1x128xf32>,
    %get3A_91 = arith.constant 5 : index
    %get3A_92 = arith.constant 0 : index
    %get3A_93 = arith.constant 0 : index
    %get3A_94 = vector.load %arg5[%get3A_91, %get3A_92, %get3A_93] : memref<8x128x128xf32, #tpu.memory_space<vmem>>, vector<1x128x128xf32>
    %get3A_95 = vector.shape_cast %get3A_94 : vector<1x128x128xf32> to vector<128x128xf32>
    %dot_general3A_96 = arith.constant dense<0.000000e+00> : vector<2000x128xf32>
    %dot_general3A_97 = tpu.matmul %max3A_23, %get3A_95, %dot_general3A_96 {dimension_numbers = #tpu.dot_dimension_numbers<[1], [0], [0], [1], [0, 0, 1, 1], [], []>, transpose_lhs_hint = false} : vector<2000x128xf32>, vector<128x128xf32>, vector<2000x128xf32> -> vector<2000x128xf32>
    %swap3A_98 = arith.constant 0 : index
    %swap3A_99 = arith.constant 5 : index
    %swap3A_100 = arith.constant 0 : index
    %swap3A_101 = vector.load %arg7[%swap3A_98, %swap3A_99, %swap3A_100] : memref<2000x8x128xf32, #tpu.memory_space<vmem>>, vector<2000x1x128xf32>
    %swap3A_102 = vector.shape_cast %swap3A_101 : vector<2000x1x128xf32> to vector<2000x128xf32>
    %swap3A_103 = vector.shape_cast %dot_general3A_97 : vector<2000x128xf32> to vector<2000x1x128xf32>
    tpu.vector_store %arg7[%swap3A_98, %swap3A_99, %swap3A_100], %swap3A_103 {strides = array<i32>} : memref<2000x8x128xf32, #tpu.memory_space<vmem>>, vector<2000x1x128xf32>,
    %get3A_104 = arith.constant 6 : index
    %get3A_105 = arith.constant 0 : index
    %get3A_106 = arith.constant 0 : index
    %get3A_107 = vector.load %arg5[%get3A_104, %get3A_105, %get3A_106] : memref<8x128x128xf32, #tpu.memory_space<vmem>>, vector<1x128x128xf32>
    %get3A_108 = vector.shape_cast %get3A_107 : vector<1x128x128xf32> to vector<128x128xf32>
    %dot_general3A_109 = arith.constant dense<0.000000e+00> : vector<2000x128xf32>
    %dot_general3A_110 = tpu.matmul %max3A_23, %get3A_108, %dot_general3A_109 {dimension_numbers = #tpu.dot_dimension_numbers<[1], [0], [0], [1], [0, 0, 1, 1], [], []>, transpose_lhs_hint = false} : vector<2000x128xf32>, vector<128x128xf32>, vector<2000x128xf32> -> vector<2000x128xf32>
    %swap3A_111 = arith.constant 0 : index
    %swap3A_112 = arith.constant 6 : index
    %swap3A_113 = arith.constant 0 : index
    %swap3A_114 = vector.load %arg7[%swap3A_111, %swap3A_112, %swap3A_113] : memref<2000x8x128xf32, #tpu.memory_space<vmem>>, vector<2000x1x128xf32>
    %swap3A_115 = vector.shape_cast %swap3A_114 : vector<2000x1x128xf32> to vector<2000x128xf32>
    %swap3A_116 = vector.shape_cast %dot_general3A_110 : vector<2000x128xf32> to vector<2000x1x128xf32>
    tpu.vector_store %arg7[%swap3A_111, %swap3A_112, %swap3A_113], %swap3A_116 {strides = array<i32>} : memref<2000x8x128xf32, #tpu.memory_space<vmem>>, vector<2000x1x128xf32>,
    %get3A_117 = arith.constant 7 : index
    %get3A_118 = arith.constant 0 : index
    %get3A_119 = arith.constant 0 : index
    %get3A_120 = vector.load %arg5[%get3A_117, %get3A_118, %get3A_119] : memref<8x128x128xf32, #tpu.memory_space<vmem>>, vector<1x128x128xf32>
    %get3A_121 = vector.shape_cast %get3A_120 : vector<1x128x128xf32> to vector<128x128xf32>
    %dot_general3A_122 = arith.constant dense<0.000000e+00> : vector<2000x128xf32>
    %dot_general3A_123 = tpu.matmul %max3A_23, %get3A_121, %dot_general3A_122 {dimension_numbers = #tpu.dot_dimension_numbers<[1], [0], [0], [1], [0, 0, 1, 1], [], []>, transpose_lhs_hint = false} : vector<2000x128xf32>, vector<128x128xf32>, vector<2000x128xf32> -> vector<2000x128xf32>
    %swap3A_124 = arith.constant 0 : index
    %swap3A_125 = arith.constant 7 : index
    %swap3A_126 = arith.constant 0 : index
    %swap3A_127 = vector.load %arg7[%swap3A_124, %swap3A_125, %swap3A_126] : memref<2000x8x128xf32, #tpu.memory_space<vmem>>, vector<2000x1x128xf32>
    %swap3A_128 = vector.shape_cast %swap3A_127 : vector<2000x1x128xf32> to vector<2000x128xf32>
    %swap3A_129 = vector.shape_cast %dot_general3A_123 : vector<2000x128xf32> to vector<2000x1x128xf32>
    tpu.vector_store %arg7[%swap3A_124, %swap3A_125, %swap3A_126], %swap3A_129 {strides = array<i32>} : memref<2000x8x128xf32, #tpu.memory_space<vmem>>, vector<2000x1x128xf32>,
    return
  }
  func.func @transform_0(%arg0: i32) -> (i32, i32, i32) {
    %c0_i32 = arith.constant 0 : i32
    %c0_i32_0 = arith.constant 0 : i32
    %c0_i32_1 = arith.constant 0 : i32
    return %c0_i32, %arg0, %c0_i32_0 : i32, i32, i32
  }
  func.func @transform_1(%arg0: i32) -> (i32, i32) {
    %c0_i32 = arith.constant 0 : i32
    %c0_i32_0 = arith.constant 0 : i32
    return %arg0, %c0_i32 : i32, i32
  }
  func.func @transform_2(%arg0: i32) -> (i32, i32) {
    %c0_i32 = arith.constant 0 : i32
    %c0_i32_0 = arith.constant 0 : i32
    %c0_i32_1 = arith.constant 0 : i32
    return %c0_i32, %c0_i32_0 : i32, i32
  }
  func.func @transform_3(%arg0: i32) -> (i32, i32) {
    %c0_i32 = arith.constant 0 : i32
    %c0_i32_0 = arith.constant 0 : i32
    %c0_i32_1 = arith.constant 0 : i32
    return %c0_i32, %c0_i32_0 : i32, i32
  }
  func.func @transform_4(%arg0: i32) -> (i32, i32, i32) {
    %c0_i32 = arith.constant 0 : i32
    %c0_i32_0 = arith.constant 0 : i32
    %c0_i32_1 = arith.constant 0 : i32
    %c0_i32_2 = arith.constant 0 : i32
    return %c0_i32, %c0_i32_0, %c0_i32_1 : i32, i32, i32
  }
  func.func @transform_5(%arg0: i32) -> (i32, i32) {
    %c0_i32 = arith.constant 0 : i32
    %c0_i32_0 = arith.constant 0 : i32
    return %arg0, %c0_i32 : i32, i32
  }
  func.func @transform_6(%arg0: i32) -> (i32, i32, i32) {
    %c0_i32 = arith.constant 0 : i32
    %c0_i32_0 = arith.constant 0 : i32
    %c0_i32_1 = arith.constant 0 : i32
    return %arg0, %c0_i32, %c0_i32_0 : i32, i32, i32
  }
}

module attributes {stable_mosaic.version = 14 : i64} {
  func.func @body(%arg0: i32, %arg1: memref<2x2000x128xf32, #tpu.memory_space<vmem>>, %arg2: memref<2000x128xf32, #tpu.memory_space<vmem>>, %arg3: memref<128x128xf32, #tpu.memory_space<vmem>>, %arg4: memref<1x128xf32, #tpu.memory_space<vmem>>, %arg5: memref<128x128xf32, #tpu.memory_space<vmem>>, %arg6: memref<1x128xf32, #tpu.memory_space<vmem>>, %arg7: memref<2000x128xf32, #tpu.memory_space<vmem>>, %arg8: memref<2000x128xf32, #tpu.memory_space<vmem>>) attributes {dimension_semantics = [#tpu.dimension_semantics<arbitrary>], iteration_bounds = array<i64: 5>, scalar_prefetch = 0 : i64, scratch_operands = 0 : i64, tpu.core_type = #tpu.core_type<tc>, window_params = [{transform_indices = @transform_0, window_bounds = array<i64: 2, 2000, 128>}, {transform_indices = @transform_1, window_bounds = array<i64: 2000, 128>}, {pipeline_mode = #tpu.pipeline_mode<synchronous>, transform_indices = @transform_2, window_bounds = array<i64: 128, 128>}, {pipeline_mode = #tpu.pipeline_mode<synchronous>, transform_indices = @transform_3, window_bounds = array<i64: 1, 128>}, {pipeline_mode = #tpu.pipeline_mode<synchronous>, transform_indices = @transform_4, window_bounds = array<i64: 128, 128>}, {pipeline_mode = #tpu.pipeline_mode<synchronous>, transform_indices = @transform_5, window_bounds = array<i64: 1, 128>}, {transform_indices = @transform_6, window_bounds = array<i64: 2000, 128>}, {transform_indices = @transform_7, window_bounds = array<i64: 2000, 128>}]} {
    %get3A = arith.constant 0 : index
    %get3A_0 = arith.constant 0 : index
    %get3A_1 = arith.constant 0 : index
    %get3A_2 = vector.load %arg1[%get3A, %get3A_0, %get3A_1] : memref<2x2000x128xf32, #tpu.memory_space<vmem>>, vector<1x2000x128xf32>
    %get3A_3 = vector.shape_cast %get3A_2 : vector<1x2000x128xf32> to vector<2000x128xf32>
    %get3A_4 = arith.constant 1 : index
    %get3A_5 = arith.constant 0 : index
    %get3A_6 = arith.constant 0 : index
    %get3A_7 = vector.load %arg1[%get3A_4, %get3A_5, %get3A_6] : memref<2x2000x128xf32, #tpu.memory_space<vmem>>, vector<1x2000x128xf32>
    %get3A_8 = vector.shape_cast %get3A_7 : vector<1x2000x128xf32> to vector<2000x128xf32>
    %add3A = arith.addf %get3A_3, %get3A_8 : vector<2000x128xf32>
    %get3A_9 = arith.constant 0 : index
    %get3A_10 = arith.constant 0 : index
    %get3A_11 = vector.load %arg2[%get3A_9, %get3A_10] : memref<2000x128xf32, #tpu.memory_space<vmem>>, vector<2000x128xf32>
    %get3A_12 = arith.constant 0 : index
    %get3A_13 = arith.constant 0 : index
    %get3A_14 = vector.load %arg3[%get3A_12, %get3A_13] : memref<128x128xf32, #tpu.memory_space<vmem>>, vector<128x128xf32>
    %dot_general3A = arith.constant dense<0.000000e+00> : vector<2000x128xf32>
    %dot_general3A_15 = tpu.matmul %get3A_11, %get3A_14, %dot_general3A {dimension_numbers = #tpu.dot_dimension_numbers<[1], [0], [0], [1], [0, 0, 1, 1], [], []>, transpose_lhs_hint = false} : vector<2000x128xf32>, vector<128x128xf32>, vector<2000x128xf32> -> vector<2000x128xf32>
    %add3A_16 = arith.addf %add3A, %dot_general3A_15 : vector<2000x128xf32>
    %get3A_17 = arith.constant 0 : index
    %get3A_18 = arith.constant 0 : index
    %get3A_19 = vector.load %arg4[%get3A_17, %get3A_18] : memref<1x128xf32, #tpu.memory_space<vmem>>, vector<1x128xf32>
    %add3A_20 = vector.broadcast %get3A_19 : vector<1x128xf32> to vector<2000x128xf32>
    %add3A_21 = arith.addf %add3A_16, %add3A_20 : vector<2000x128xf32>
    %swap3A = arith.constant 0 : index
    %swap3A_22 = arith.constant 0 : index
    %swap3A_23 = vector.load %arg7[%swap3A, %swap3A_22] : memref<2000x128xf32, #tpu.memory_space<vmem>>, vector<2000x128xf32>
    tpu.vector_store %arg7[%swap3A, %swap3A_22], %add3A_21 {strides = array<i32>} : memref<2000x128xf32, #tpu.memory_space<vmem>>, vector<2000x128xf32>,
    %get3A_24 = arith.constant 0 : index
    %get3A_25 = arith.constant 0 : index
    %get3A_26 = vector.load %arg5[%get3A_24, %get3A_25] : memref<128x128xf32, #tpu.memory_space<vmem>>, vector<128x128xf32>
    %dot_general3A_27 = arith.constant dense<0.000000e+00> : vector<2000x128xf32>
    %dot_general3A_28 = tpu.matmul %add3A_21, %get3A_26, %dot_general3A_27 {dimension_numbers = #tpu.dot_dimension_numbers<[1], [0], [0], [1], [0, 0, 1, 1], [], []>, transpose_lhs_hint = false} : vector<2000x128xf32>, vector<128x128xf32>, vector<2000x128xf32> -> vector<2000x128xf32>
    %get3A_29 = arith.constant 0 : index
    %get3A_30 = arith.constant 0 : index
    %get3A_31 = vector.load %arg6[%get3A_29, %get3A_30] : memref<1x128xf32, #tpu.memory_space<vmem>>, vector<1x128xf32>
    %add3A_32 = vector.broadcast %get3A_31 : vector<1x128xf32> to vector<2000x128xf32>
    %add3A_33 = arith.addf %dot_general3A_28, %add3A_32 : vector<2000x128xf32>
    %swap3A_34 = arith.constant 0 : index
    %swap3A_35 = arith.constant 0 : index
    %swap3A_36 = vector.load %arg8[%swap3A_34, %swap3A_35] : memref<2000x128xf32, #tpu.memory_space<vmem>>, vector<2000x128xf32>
    tpu.vector_store %arg8[%swap3A_34, %swap3A_35], %add3A_33 {strides = array<i32>} : memref<2000x128xf32, #tpu.memory_space<vmem>>, vector<2000x128xf32>,
    return
  }
  func.func @transform_0(%arg0: i32) -> (i32, i32, i32) {
    %c0_i32 = arith.constant 0 : i32
    %c0_i32_0 = arith.constant 0 : i32
    %c0_i32_1 = arith.constant 0 : i32
    return %c0_i32, %arg0, %c0_i32_0 : i32, i32, i32
  }
  func.func @transform_1(%arg0: i32) -> (i32, i32) {
    %c0_i32 = arith.constant 0 : i32
    %c0_i32_0 = arith.constant 0 : i32
    return %arg0, %c0_i32 : i32, i32
  }
  func.func @transform_2(%arg0: i32) -> (i32, i32) {
    %c0_i32 = arith.constant 0 : i32
    %c0_i32_0 = arith.constant 0 : i32
    %c0_i32_1 = arith.constant 0 : i32
    return %c0_i32, %c0_i32_0 : i32, i32
  }
  func.func @transform_3(%arg0: i32) -> (i32, i32) {
    %c0_i32 = arith.constant 0 : i32
    %c0_i32_0 = arith.constant 0 : i32
    %c0_i32_1 = arith.constant 0 : i32
    return %c0_i32, %c0_i32_0 : i32, i32
  }
  func.func @transform_4(%arg0: i32) -> (i32, i32) {
    %c0_i32 = arith.constant 0 : i32
    %c0_i32_0 = arith.constant 0 : i32
    %c0_i32_1 = arith.constant 0 : i32
    return %c0_i32, %c0_i32_0 : i32, i32
  }
  func.func @transform_5(%arg0: i32) -> (i32, i32) {
    %c0_i32 = arith.constant 0 : i32
    %c0_i32_0 = arith.constant 0 : i32
    %c0_i32_1 = arith.constant 0 : i32
    return %c0_i32, %c0_i32_0 : i32, i32
  }
  func.func @transform_6(%arg0: i32) -> (i32, i32) {
    %c0_i32 = arith.constant 0 : i32
    %c0_i32_0 = arith.constant 0 : i32
    return %arg0, %c0_i32 : i32, i32
  }
  func.func @transform_7(%arg0: i32) -> (i32, i32) {
    %c0_i32 = arith.constant 0 : i32
    %c0_i32_0 = arith.constant 0 : i32
    return %arg0, %c0_i32 : i32, i32
  }
}

</mosaic_0001>

<sc_bundles>
// kernel: kernel.11.cloned.1.call-start
scs
__scs_entry_jumppad:
0x0: {  	(pc) =	sbr.rel $0x88, $3  }
0x1: {  	(tag) =	ssettag $0x0;
	lr =	simm.s32 $0x1  }
0x2: {  	[smem:$0x3F96] =	sst lr;
	_ =	strace $0xD0000000  }
0x3: {  	_ = 	snop  }
0x4: {  	_ = 	snop  }
0x5: {  	_ = 	snop  }
0x6: {  	_ = 	snop  }
0x7: {  	_ = 	snop  }
__scs_overlays_trampoline_lowered:
0x8: {  	[smem:$0x3FA5] =	sst s0  }
0x9: {  	[smem:$0x3FA6] =	sst s1  }
0xa: {  	[smem:$0x3FA7] =	sst s2  }
0xb: {  	[smem:$0x3FA8] =	sst s3  }
0xc: {  	[smem:$0x3FA9] =	sst s4  }
0xd: {  	[smem:$0x3FAA] =	sst s5  }
0xe: {  	[smem:$0x3FAB] =	sst s6  }
0xf: {  	[smem:$0x3FAC] =	sst s7  }
0x10: {  	[smem:$0x3FAD] =	sst s8  }
0x11: {  	[smem:$0x3FAE] =	sst s9;
	s0 =	simm.s32 @!p0 $0x0  }
0x12: {  	s1 =	sld [smem:$0x3F94];
	s0 =	simm.s32 @p0 $0x1  }
0x13: {  	[smem:$0x3FAF] =	sst s0;
	s0 =	simm.s32 @!p1 $0x0  }
0x14: {  	s2 =	sld [smem:$0x3F93];
	s0 =	simm.s32 @p1 $0x1  }
0x15: {  	[smem:$0x3FB0] =	sst s0;
	s0 =	simm.s32 @!p2 $0x0  }
0x16: {  	s3 =	sld [smem:$0x3FDB];
	s0 =	simm.s32 @p2 $0x1  }
0x17: {  	s4 =	simm.s32 $0x1BF5;
	[smem:$0x3FB2] =	sst s0  }
0x18: {  	s0 =	sld [smem:$0x3F95];
	_ =	swait.ge [sflag:s4], $0x0  }
0x19: {  	s7 =	sld [smem:$0x3F96]  }
0x1a: {  	s8 =	sadd.s32 $0xFFFFE003, lr  }
0x1b: {  	s9 =	sadd.s32 $0xFFFFFEF7, lr;
	s5 =	simm.s32 $0xFFFFFFFF;
	p2 =	slt.u32 s8, $0xFFFFF086  }
0x1c: {  	p1 =	slt.u32 s9, $0xF7A;
	s5 =	simm.s32 @!p2 $0x0  }
0x1d: {  	s5 =	simm.s32 @p1 $0x1;
	p0 =	seq.s32 s7, s2  }
0x1e: {  	s7 =	smul.u32 @!p0 $0xF7A, s2;
	p2 =	seq.s32 @!p0 s5, $0x0  }
0x1f: {  	s9 =	smul.u32 $0xF7A, s1;
	s8 =	simm.s32 @!p0 $0x1BF5;
	p2 =	por !p2, p0  }
0x20: {  	[sflag:s8] =	ssyncset.s32 @!p0 $0xFFFFF086;
	s6 =	sadd.s32 @!p0 s3, s7;
	s7 =	simm.s32 @!p0 $0x108  }
0x21: {  	s3 =	sadd.s32 s3, s9;
	s6 =	sadd.s32 @!p0 $0x88, s6;
	s7 =	simm.s32 @p2 $0x1082  }
0x22: {  	[simem:s7], [sflag:s8] =	dma.local @!p0 [hbm:s6], $0xF7A  }
0x23: {  	s9 =	sor.u32 $0xD0000000, s2;
	s6 =	simm.s32 $0x108;
	_ =	swait.ge @!p0 [sflag:s8], $0x0  }
0x24: {  	s3 =	sadd.s32 $0x88, s3;
	s6 =	simm.s32 @!p1 $0x1082;
	[sflag:s4] =	ssyncset.s32 $0xFFFFF086  }
0x25: {  	[simem:s6], [sflag:s4] =	dma.local [hbm:s3], $0xF7A  }
0x26: {  	[smem:$0x3F96] =	sst s1;
	(tag) =	ssettag s2;
	_ =	strace s9  }
0x27: {  	s1 =	sld [smem:$0x3FA6]  }
0x28: {  	s2 =	sld [smem:$0x3FA7]  }
0x29: {  	s4 =	sld [smem:$0x3FA9]  }
0x2a: {  	p0 =	seq.s32 s5, $0x0;
	s5 =	sld [smem:$0x3FAA]  }
0x2b: {  	s6 =	sld [smem:$0x3FAB]  }
0x2c: {  	s7 =	sld [smem:$0x3FAC]  }
0x2d: {  	s3 =	simm.s32 $0x108;
	s8 =	sld [smem:$0x3FAD]  }
0x2e: {  	s3 =	simm.s32 @!p0 $0x1082;
	s9 =	sld [smem:$0x3FAE]  }
0x2f: {  	lr =	sadd.s32 s0, s3;
	s0 =	sld [smem:$0x3FA5]  }
0x30: {  	s3 =	sld [smem:$0x3FA8]  }
0x31: {  	[smem:$0x3FB1] =	sst s10  }
0x32: {  	s10 =	sld [smem:$0x3FAF];
	_ =	sdelay $0x3  }
0x33: {  	p0 =	seq.s32 s10, $0x1;
	s10 =	sld [smem:$0x3FB1];
	_ =	sdelay $0x3  }
0x34: {  	[smem:$0x3FB1] =	sst s10  }
0x35: {  	s10 =	sld [smem:$0x3FB0];
	_ =	sdelay $0x3  }
0x36: {  	p1 =	seq.s32 s10, $0x1;
	s10 =	sld [smem:$0x3FB1];
	_ =	sdelay $0x3  }
0x37: {  	[smem:$0x3FB1] =	sst s10  }
0x38: {  	s10 =	sld [smem:$0x3FB2]  }
0x39: {  	_ = 	snop;
	(pc) =	sbr.ind lr, $3  }
0x3a: {  	_ = 	snop  }
0x3b: {  	_ = 	snop  }
0x3c: {  	p2 =	seq.s32 s10, $0x1;
	s10 =	sld [smem:$0x3FB1]  }
0x3d: {  	_ =	shalt  }
0x3e: {  	_ =	shalt  }
0x3f: {  	_ =	shalt  }
0x40: {  	_ =	shalt  }
0x41: {  	_ =	shalt  }
0x42: {  	_ =	shalt  }
0x43: {  	_ =	shalt  }
0x44: {  	_ =	shalt  }
0x45: {  	_ =	shalt  }
0x46: {  	_ =	shalt  }
0x47: {  	_ =	shalt  }
0x48: {  	_ =	shalt  }
0x49: {  	_ =	shalt  }
0x4a: {  	_ =	shalt  }
0x4b: {  	_ =	shalt  }
0x4c: {  	_ =	shalt  }
0x4d: {  	_ =	shalt  }
0x4e: {  	_ =	shalt  }
0x4f: {  	_ =	shalt  }
0x50: {  	_ =	shalt  }
0x51: {  	_ =	shalt  }
0x52: {  	_ =	shalt  }
0x53: {  	_ =	shalt  }
0x54: {  	_ =	shalt  }
0x55: {  	_ =	shalt  }
0x56: {  	_ =	shalt  }
0x57: {  	_ =	shalt  }
0x58: {  	_ =	shalt  }
0x59: {  	_ =	shalt  }
0x5a: {  	_ =	shalt  }
0x5b: {  	_ =	shalt  }
0x5c: {  	_ =	shalt  }
0x5d: {  	_ =	shalt  }
0x5e: {  	_ =	shalt  }
0x5f: {  	_ =	shalt  }
0x60: {  	_ =	shalt  }
0x61: {  	_ =	shalt  }
0x62: {  	_ =	shalt  }
0x63: {  	_ =	shalt  }
0x64: {  	_ =	shalt  }
0x65: {  	_ =	shalt  }
0x66: {  	_ =	shalt  }
0x67: {  	_ =	shalt  }
0x68: {  	_ =	shalt  }
0x69: {  	_ =	shalt  }
0x6a: {  	_ =	shalt  }
0x6b: {  	_ =	shalt  }
0x6c: {  	_ =	shalt  }
0x6d: {  	_ =	shalt  }
0x6e: {  	_ =	shalt  }
0x6f: {  	_ =	shalt  }
0x70: {  	_ =	shalt  }
0x71: {  	_ =	shalt  }
0x72: {  	_ =	shalt  }
0x73: {  	_ =	shalt  }
0x74: {  	_ =	shalt  }
0x75: {  	_ =	shalt  }
0x76: {  	_ =	shalt  }
0x77: {  	_ =	shalt  }
0x78: {  	_ =	shalt  }
0x79: {  	_ =	shalt  }
0x7a: {  	_ =	shalt  }
0x7b: {  	_ =	shalt  }
0x7c: {  	_ =	shalt  }
0x7d: {  	_ =	shalt  }
0x7e: {  	_ =	shalt  }
0x7f: {  	_ =	shalt  }
0x80: {  	_ =	shalt  }
0x81: {  	_ =	shalt  }
0x82: {  	_ =	shalt  }
0x83: {  	_ =	shalt  }
0x84: {  	_ =	shalt  }
0x85: {  	_ =	shalt  }
0x86: {  	_ =	shalt  }
0x87: {  	_ =	shalt  }
.Lfunc_end0:
.L_simem_size_0:
called_computation.1_lowered:
.L_overlay_start_0:
0x88: {  	s2 =	sld [smem:$0x3FD9]  }
0x89: {  	s3 =	sld [smem:$0x3FFE];
	_ =	sdelay $0x1  }
0x8a: {  	s1 =	srdreg.scid  }
0x8b: {  	s0 =	sand.u32 $0x1, s1  }
0x8c: {  	s14 =	sshll.u32 s0, $0xA;
	s2 =	sadd.s32 s3, s2  }
0x8d: {  	s2 =	sadd.s32 s2, s14  }
0x8e: {  	[smem:$0x3FBD] =	sst s2  }
0x8f: {  	_ = 	snop  }
0x90: {  	s2 =	sld [smem:$0x3FD0];
	_ =	sdelay $0x2  }
0x91: {  	s15 =	simm.s32 $0xA;
	s4 =	simm.s32 $0x10  }
0x92: {  	[smem:s4], [sflag:s15] =	dma.local [hbm:s2], $0x1  }
0x93: {  	_ =	swait.eq [sflag:s15], $0x1  }
0x94: {  	[sflag:s15] =	ssyncset.done $0x0  }
0x95: {  	[sflag:s15] =	ssyncadd.s32 $0xFFFFFFFF  }
0x96: {  	s16 =	sld [smem:$0x10];
	(tm) =	ssettm $0x1  }
0x97: {  	s17 =	sld [smem:$0x3FFB];
	_ =	sdelay $0x3  }
0x98: {  	_ =	strace s17  }
0x99: {  	s3 =	sld [smem:$0x3FFC];
	_ =	sdelay $0x3  }
0x9a: {  	_ =	strace s3  }
0x9b: {  	s3 =	sld [smem:$0x3FFD];
	_ =	sdelay $0x3  }
0x9c: {  	_ =	strace s3  }
0x9d: {  	_ =	strace $0x8FFFFFFF  }
0x9e: {  	s18 =	sld [smem:$0x3FDB];
	_ =	sdelay $0x1  }
0x9f: {  	s19 =	simm.s32 $_scs_section_size  }
0xa0: {  	s5 =	simm.s32 $_size__tile_overlayer_lowered;
	s6 =	simm.s32 $_tile_overlayer_lowered  }
0xa1: {  	s22 =	simm.s32 $0x1BFF;
	s21 =	sshll.u32 s6, $0x1;
	s3 =	sadd.s32 s19, s18  }
0xa2: {  	s7 =	simm.s32 $0x0;
	s20 =	sshll.u32 s5, $0x1;
	s5 =	sadd.s32 s21, s3  }
0xa3: {  	[timem:s7], [sflag:s22] =	dma.local [hbm:s5], s20  }
0xa4: {  	_ =	swait.ge [sflag:s22], s20  }
0xa5: {  	s4 =	ssub.s32 $0x0, s20;
	[sflag:s22] =	ssyncset.done $0x0  }
0xa6: {  	[sflag:s22] =	ssyncadd.s32 s4;
	_ =	sdelay $0x1  }
0xa7: {  	s23 =	simm.s32 $0x1B8B  }
0xa8: {  	_ =	swait.ge [sflag:s23], $0x1  }
0xa9: {  	[sflag:s23] =	ssyncset.done $0x0  }
0xaa: {  	s25 =	simm.s32 $0x1B8E;
	s24 =	sld [smem:$0x3FFE];
	[sflag:s23] =	ssyncadd.s32 $0xFFFFFFFF  }
0xab: {  	s26 =	simm.s32 $execute0_lowered;
	[smem:$0x3FD2] =	sst s25  }
0xac: {  	s5 =	sshll.u32 s26, $0x1;
	_ =	strace $0x80000049;
	[dreg:$0x1] =	wrdreg $0xFFFFFFFF  }
0xad: {  	s28 =	simm.s32 $_size_execute0_lowered;
	s3 =	sadd.s32 s3, s5;
	[dreg:$0x0] =	wrdreg $0x0  }
0xae: {  	s5 =	sshll.u32 s28, $0x1;
	[dreg:$0x2] =	wrdreg s3  }
0xaf: {  	[dreg:$0x3] =	wrdreg s5  }
0xb0: {  	[dreg:$0x4] =	wrdreg $0xC0  }
0xb1: {  	_ =	task [dreg:s7], $0x5FFFF  }
0xb2: {  	[dreg:$0x1] =	wrdreg $0xFFFFFFFF  }
0xb3: {  	[dreg:$0x0] =	wrdreg $0x60  }
0xb4: {  	[dreg:$0x2] =	wrdreg s24  }
0xb5: {  	[dreg:$0x3] =	wrdreg s16  }
0xb6: {  	[dreg:$0x4] =	wrdreg $0xAA000  }
0xb7: {  	[dreg:$0x5] =	wrdreg $0x9  }
0xb8: {  	_ =	task.clear_ibuf [dreg:s7], $0x6FFFF;
	_ =	strace $0x90000049  }
0xb9: {  	s29 =	simm.s32 $0x9;
	_ =	strace $0x8000004B  }
0xba: {  	_ =	swait.ge [sflag:s29], $0x1  }
0xbb: {  	[sflag:s29] =	ssyncadd.s32 $0xFFFFFFFF  }
0xbc: {  	_ =	strace $0x9000004B  }
0xbd: {  	_ =	sfence  }
0xbe: {  	s30 =	sld [smem:$0x0];
	_ =	sdelay $0x2  }
0xbf: {  	s31 =	sshll.u32 s1, $0xD;
	s1 =	sshrl.u32 s1, $0x2  }
0xc0: {  	s3 =	sand.u32 $0x4000, s31;
	s1 =	sadd.s32 s1, s30  }
0xc1: {  	s0 =	sor.u32 s3, s0;
	s1 =	sshll.u32 s1, $0x11  }
0xc2: {  	s0 =	sor.u32 s1, s0  }
0xc3: {  	s0 =	sadd.s32 $0x8F2B, s0  }
0xc4: {  	[sflag:s0] =	ssyncadd.remote.s32 $0x1  }
0xc5: {  	_ =	sfence.sel $0xFFFF  }
0xc6: {  	[dreg:$0x0] =	wrdreg $0xFFFFFFFF;
	(pc) =	sbr.abs _section_cstart, $3  }
0xc7: {  	[dreg:$0x1] =	wrdreg $0xFFFFFFFF  }
0xc8: {  	_ =	task.clear_ibuf [dreg:s7], $0x2FFFF;
	_ =	strace $0x9FFFFFFF  }
0xc9: {  	(tm) =	ssettm $0x7FFFFFFF  }
tec
execute0_lowered:
.L_overlay_start_1:
0x0: {  	(tag) =	ssettag $0x1  }
0x1: {  	s0 =	rddreg [dreg:$0x0]  }
0x2: {  	s2 =	rddreg [dreg:$0x1]  }
0x3: {  	s1 =	rddreg [dreg:$0x2];
	s4 =	simm.s32 $0x0;
	s3 =	srdreg.scid  }
0x4: {  	s10 =	stileid.u32;
	s20 =	simm.s32 $0x7;
	s21 =	simm.s32 $0x2A00  }
0x5: {  	s29 =	simm.s32 $0x0;
	[smem:$0x7FF] =	sst s4;
	s3 =	sand.u32 $0x1, s3  }
0x6: {  	s4 =	sadd.s32 $0x20200, s0;
	s8 =	smul.u32 $0x13C00, s10;
	s5 =	sadd.s32 $0x16200, s0  }
0x7: {  	s6 =	sadd.s32 $0xC200, s0;
	s9 =	sshll.u32 s10, $0x1;
	s23 =	smul.u32 $0x4F000, s10  }
0x8: {  	s7 =	smul.u32 $0x13C000, s3;
	s22 =	sor.u32 s3, s9;
	s3 =	ssub.s32 $0x2, s3  }
0x9: {  	_ =	strace $0x8000004A;
	s25 =	sshrl.u32 s3, $0x1;
	s9 =	sshrl.u32 s23, $0x2  }
0xa: {  	s7 =	sadd.s32 s8, s7;
	s3 =	ssub.s32 s3, s25;
	s8 =	sadd.s32 s9, s1  }
0xb: {  	s24 =	sshrl.u32 s7, $0x3;
	s7 =	smul.u32 $0x2800, s22;
	s28 =	sadd.s32 $0x4000, s8  }
0xc: {  	s30 =	sadd.s32 $0x8000, s8;
	s12 =	sadd.s32 $0xC000, s8;
	s13 =	sadd.s32 $0x10000, s8  }
0xd: {  	s15 =	smax.u32 s3, $0x1;
	s22 =	simm.s32 $0x80;
	[dreg:$0x5] =	wrdreg s28  }
0xe: {  	s0 =	sadd.s32 s24, s0;
	[dreg:$0x6] =	wrdreg s30;
	s26 =	sshrl.u32 s7, $0x3  }
0xf: {  	s24 =	simm.s32 $0x2900;
	s14 =	sadd.s32 $0x158A00, s0;
	s2 =	sadd.s32 s2, s26  }
0x10: {  	s16 =	sadd.s32 s5, s26;
	s31 =	sor.u32 $0x10, s26;
	s17 =	sadd.s32 s6, s26  }
0x11: {  	v0 =	vimm.f32 $0.0e+00;
	[dreg:$0x4] =	wrdreg s2;
	s18 =	sadd.s32 s5, s31;
	s19 =	sadd.s32 s6, s31  }
.LBB2_1:
0x12: {  	s0 =	simm.s32 $0x0;
	s2 =	rddreg [dreg:$0x4]  }
0x13: {  	[tilespmem:s0], [sflag:$0x7] =	stream.linear.gather [hbm4b:s2+s0], $0x2780, $0x38;
	[tilespmem:$0x1E600] =	vst v63  }
0x14: {  	_ =	swait.ge [sflag:s20], $0x2780  }
0x15: {  	[sflag:s20] =	ssyncset.done $0x0  }
0x16: {  	s0 =	simm.s32 $0x0;
	s2 =	simm.s32 $0x200;
	[sflag:s20] =	ssyncadd.s32 $0xFFFFD880  }
.LBB2_2:
0x17: {  	p0 =	sne.s32 s2, $0xFE00;
	[tilespmem:s0+$0x2A70] =	vst v0  }
0x18: {  	[tilespmem:s0+$0x2A00] =	vst v0  }
0x19: {  	[tilespmem:s0+$0x2A10] =	vst v0  }
.Ltmp0:
0x1a: {  	[tilespmem:s0+$0x2A20] =	vst v0;
	(pc) =	sbr.rel @p0 .LBB2_2-.Ltmp0, $4  }
0x1b: {  	[tilespmem:s0+$0x2A30] =	vst v0  }
0x1c: {  	[tilespmem:s0+$0x2A40] =	vst v0  }
0x1d: {  	[tilespmem:s0+$0x2A50] =	vst v0  }
0x1e: {  	[tilespmem:s0+$0x2A60] =	vst v0;
	s0 =	sshra.s32 s2, $0x2;
	s2 =	sadd.s32 $0x200, s2  }
0x1f: {  	[tilespmem:s0+$0x2A70] =	vst v0  }
0x20: {  	[tilespmem:s0+$0x2A00] =	vst v0  }
0x21: {  	[tilespmem:s0+$0x2A10] =	vst v0  }
0x22: {  	[tilespmem:s0+$0x2A20] =	vst v0  }
0x23: {  	[tilespmem:s0+$0x2A30] =	vst v0  }
0x24: {  	[tilespmem:s0+$0x2A40] =	vst v0  }
0x25: {  	[tilespmem:s0+$0x2A50] =	vst v0  }
0x26: {  	[tilespmem:s0+$0x2A60] =	vst v0  }
0x27: {  	[spmem:s8] =	stream.linear.scatter [tilespmem:s21], [sflag:$0x7], $0x4000, $0x38;
	[tilespmem:$0x1E600] =	vst v63  }
0x28: {  	_ =	swait.ge [sflag:s20], $0x4000  }
0x29: {  	[sflag:s20] =	ssyncset.done $0x0  }
0x2a: {  	s11 =	rddreg [dreg:$0x5];
	[sflag:s20] =	ssyncadd.s32 $0xFFFFC000  }
0x2b: {  	[spmem:s11] =	stream.linear.scatter [tilespmem:s21], [sflag:$0x7], $0x4000, $0x38;
	[tilespmem:$0x1E600] =	vst v63  }
0x2c: {  	_ =	swait.ge [sflag:s20], $0x4000  }
0x2d: {  	[sflag:s20] =	ssyncset.done $0x0  }
0x2e: {  	s23 =	rddreg [dreg:$0x6];
	[sflag:s20] =	ssyncadd.s32 $0xFFFFC000  }
0x2f: {  	[spmem:s23] =	stream.linear.scatter [tilespmem:s21], [sflag:$0x7], $0x4000, $0x38;
	[tilespmem:$0x1E600] =	vst v63  }
0x30: {  	_ =	swait.ge [sflag:s20], $0x4000  }
0x31: {  	[sflag:s20] =	ssyncset.done $0x0  }
0x32: {  	[sflag:s20] =	ssyncadd.s32 $0xFFFFC000  }
0x33: {  	[spmem:s12] =	stream.linear.scatter [tilespmem:s21], [sflag:$0x7], $0x4000, $0x38;
	[tilespmem:$0x1E600] =	vst v63  }
0x34: {  	_ =	swait.ge [sflag:s20], $0x4000  }
0x35: {  	[sflag:s20] =	ssyncset.done $0x0  }
0x36: {  	[sflag:s20] =	ssyncadd.s32 $0xFFFFC000  }
0x37: {  	[spmem:s13] =	stream.linear.scatter [tilespmem:s21], [sflag:$0x7], $0x3C00, $0x38;
	[tilespmem:$0x1E600] =	vst v63  }
0x38: {  	_ =	swait.ge [sflag:s20], $0x3C00  }
0x39: {  	[sflag:s20] =	ssyncset.done $0x0  }
0x3a: {  	[sflag:s20] =	ssyncadd.s32 $0xFFFFC400  }
0x3b: {  	s30 =	simm.s32 $0x0;
	[bflag:$0x0] =	sbarrier.arrive $0xFFFF  }
0x3c: {  	[tilespmem:s21], [sflag:$0x1] =	stream.indirect.gather [hbm4b:s4+s22], $0x80, s30, s22, $0xb8;
	[tilespmem:$0x1E600] =	vst v63  }
0x3d: {  	s25 =	simm.s32 $0x2800  }
0x3e: {  	[tilespmem:s25], [sflag:$0x3] =	stream.linear.gather [hbm4b:s16+s30], $0x80, $0x38;
	[tilespmem:$0x1E600] =	vst v63  }
0x3f: {  	_ = 	snop  }
0x40: {  	[tilespmem:s24], [sflag:$0x5] =	stream.linear.gather [hbm4b:s17+s30], $0x80, $0x38;
	[tilespmem:$0x1E600] =	vst v63  }
0x41: {  	s26 =	simm.s32 $0x6A00  }
0x42: {  	[tilespmem:s26], [sflag:$0x2] =	stream.indirect.gather [hbm4b:s4+s22], $0x80, s22, s22, $0xb8;
	[tilespmem:$0x1E600] =	vst v63  }
0x43: {  	s28 =	simm.s32 $0x2880  }
0x44: {  	[tilespmem:s28], [sflag:$0x4] =	stream.linear.gather [hbm4b:s18+s30], $0x80, $0x38;
	[tilespmem:$0x1E600] =	vst v63  }
0x45: {  	s31 =	simm.s32 $0x2980;
	p0 =	por $0x0, $0x0  }
0x46: {  	[tilespmem:s31], [sflag:$0x6] =	stream.linear.gather [hbm4b:s19+s30], $0x80, $0x38;
	[tilespmem:$0x1E600] =	vst v63  }
.LBB2_4:
0x47: {  	s23 =	sand.u32 $0x1, s30;
	s0 =	simm.s32 $0x0  }
0x48: {  	s31 =	sshll.u32 s23, $0x7;
	v2 =	vmov s0  }
0x49: {  	s3 =	sadd.s32 $0x1, s23;
	v1 =	vmov s31;
	v2 =	vand.u32 $0x78, v2  }
0x4a: {  	_ =	swait.ge [sflag:s3], $0x4000;
	v2 =	vor.u32 v1, v2  }
0x4b: {  	[sflag:s3] =	ssyncset.done $0x0;
	v2 =	vbroadcast v2, $0x0  }
0x4c: {  	s2 =	simm.s32 $0x1;
	s0 =	sadd.s32 $0x5, s23;
	[sflag:s3] =	ssyncadd.s32 $0xFFFFC000  }
0x4d: {  	s2 =	simm.s32 @!p0 $0x0;
	_ =	swait.ge [sflag:s0], $0x80  }
0x4e: {  	s2 =	sshll.u32 s2, $0xE;
	[sflag:s0] =	ssyncset.done $0x0  }
0x4f: {  	s25 =	sor.u32 $0x2C00, s2;
	[sflag:s0] =	ssyncadd.s32 $0xFFFFFF80  }
0x50: {  	v3 =	vld [tilespmem:s25+$0xFFFFFE00]  }
0x51: {  	v2 =	vld.idx.msk [tilespmem:v2+s24+$0x0], $0xffff  }
0x52: {  	v4 =	vld [tilespmem:s25+$0xFFFFFE70]  }
0x53: {  	v5 =	vld [tilespmem:s25+$0xFFFFFE50]  }
0x54: {  	v6 =	vld [tilespmem:s25+$0xFFFFFE20]  }
0x55: {  	v7 =	vld [tilespmem:s25+$0xFFFFFE30]  }
0x56: {  	s26 =	simm.s32 $0x1;
	v8 =	vld [tilespmem:s25+$0xFFFFFE10];
	v3 =	vmul.f32 v3, v2  }
0x57: {  	v10 =	vmov s26;
	v9 =	vld [tilespmem:s25+$0xFFFFFE60];
	v4 =	vmul.f32 v4, v2  }
0x58: {  	v11 =	vld [tilespmem:s25+$0xFFFFFE40];
	v5 =	vmul.f32 v5, v2;
	[tilespmem:s25+$0xFFFFFE00] =	vst v3;
	v3 =	vand.u32 $0x79, v10  }
0x59: {  	v6 =	vmul.f32 v6, v2;
	[tilespmem:s25+$0xFFFFFE70] =	vst v4;
	v3 =	vor.u32 v1, v3  }
0x5a: {  	v4 =	vmul.f32 v7, v2;
	[tilespmem:s25+$0xFFFFFE50] =	vst v5;
	v3 =	vbroadcast v3, $0x0  }
0x5b: {  	v5 =	vmul.f32 v8, v2;
	[tilespmem:s25+$0xFFFFFE20] =	vst v6  }
0x5c: {  	v6 =	vmul.f32 v9, v2;
	[tilespmem:s25+$0xFFFFFE30] =	vst v4  }
0x5d: {  	v2 =	vmul.f32 v11, v2;
	[tilespmem:s25+$0xFFFFFE10] =	vst v5  }
0x5e: {  	[tilespmem:s25+$0xFFFFFE60] =	vst v6  }
0x5f: {  	[tilespmem:s25+$0xFFFFFE40] =	vst v2;
	v2 =	vld [tilespmem:s25+$0xFFFFFEE0]  }
0x60: {  	v3 =	vld.idx.msk [tilespmem:v3+s24+$0x0], $0xffff  }
0x61: {  	v4 =	vld [tilespmem:s25+$0xFFFFFE80]  }
0x62: {  	v5 =	vld [tilespmem:s25+$0xFFFFFE90]  }
0x63: {  	v6 =	vld [tilespmem:s25+$0xFFFFFED0]  }
0x64: {  	v7 =	vld [tilespmem:s25+$0xFFFFFEC0]  }
0x65: {  	s9 =	simm.s32 $0x2;
	v8 =	vld [tilespmem:s25+$0xFFFFFEB0];
	v2 =	vmul.f32 v2, v3  }
0x66: {  	v9 =	vld [tilespmem:s25+$0xFFFFFEF0];
	v10 =	vmov s9;
	v4 =	vmul.f32 v4, v3  }
0x67: {  	v11 =	vld [tilespmem:s25+$0xFFFFFEA0];
	v5 =	vmul.f32 v5, v3;
	[tilespmem:s25+$0xFFFFFEE0] =	vst v2;
	v2 =	vand.u32 $0x7A, v10  }
0x68: {  	v6 =	vmul.f32 v6, v3;
	[tilespmem:s25+$0xFFFFFE80] =	vst v4;
	v2 =	vor.u32 v1, v2  }
0x69: {  	v4 =	vmul.f32 v7, v3;
	[tilespmem:s25+$0xFFFFFE90] =	vst v5;
	v2 =	vbroadcast v2, $0x0  }
0x6a: {  	v5 =	vmul.f32 v8, v3;
	[tilespmem:s25+$0xFFFFFED0] =	vst v6  }
0x6b: {  	v6 =	vmul.f32 v9, v3;
	[tilespmem:s25+$0xFFFFFEC0] =	vst v4  }
0x6c: {  	v3 =	vmul.f32 v11, v3;
	[tilespmem:s25+$0xFFFFFEB0] =	vst v5  }
0x6d: {  	[tilespmem:s25+$0xFFFFFEF0] =	vst v6  }
0x6e: {  	[tilespmem:s25+$0xFFFFFEA0] =	vst v3;
	v3 =	vld [tilespmem:s25+$0xFFFFFF40]  }
0x6f: {  	v2 =	vld.idx.msk [tilespmem:v2+s24+$0x0], $0xffff  }
0x70: {  	v5 =	vld [tilespmem:s25+$0xFFFFFF20]  }
0x71: {  	v6 =	vld [tilespmem:s25+$0xFFFFFF10]  }
0x72: {  	v7 =	vld [tilespmem:s25+$0xFFFFFF50]  }
0x73: {  	v4 =	vld [tilespmem:s25+$0xFFFFFF70]  }
0x74: {  	s10 =	simm.s32 $0x3;
	v8 =	vld [tilespmem:s25+$0xFFFFFF00];
	v3 =	vmul.f32 v3, v2  }
0x75: {  	v9 =	vld [tilespmem:s25+$0xFFFFFF30];
	v11 =	vmov s10;
	v5 =	vmul.f32 v5, v2  }
0x76: {  	v10 =	vld [tilespmem:s25+$0xFFFFFF60];
	v6 =	vmul.f32 v6, v2;
	[tilespmem:s25+$0xFFFFFF40] =	vst v3;
	v3 =	vand.u32 $0x7B, v11  }
0x77: {  	v7 =	vmul.f32 v7, v2;
	[tilespmem:s25+$0xFFFFFF20] =	vst v5;
	v3 =	vor.u32 v1, v3  }
0x78: {  	v4 =	vmul.f32 v4, v2;
	[tilespmem:s25+$0xFFFFFF10] =	vst v6;
	v3 =	vbroadcast v3, $0x0  }
0x79: {  	v5 =	vmul.f32 v8, v2;
	[tilespmem:s25+$0xFFFFFF50] =	vst v7  }
0x7a: {  	v6 =	vmul.f32 v9, v2;
	[tilespmem:s25+$0xFFFFFF70] =	vst v4  }
0x7b: {  	v2 =	vmul.f32 v10, v2;
	[tilespmem:s25+$0xFFFFFF00] =	vst v5  }
0x7c: {  	[tilespmem:s25+$0xFFFFFF30] =	vst v6  }
0x7d: {  	[tilespmem:s25+$0xFFFFFF60] =	vst v2  }
0x7e: {  	v2 =	vld.idx.msk [tilespmem:v3+s24+$0x0], $0xffff  }
0x7f: {  	v3 =	vld [tilespmem:s25+$0xFFFFFFA0]  }
0x80: {  	v5 =	vld [tilespmem:s25+$0xFFFFFFE0]  }
0x81: {  	v6 =	vld [tilespmem:s25+$0xFFFFFF80]  }
0x82: {  	v7 =	vld [tilespmem:s25+$0xFFFFFFC0]  }
0x83: {  	v8 =	vld [tilespmem:s25+$0xFFFFFFF0]  }
0x84: {  	s11 =	simm.s32 $0x4;
	v4 =	vld [tilespmem:s25+$0xFFFFFF90];
	v3 =	vmul.f32 v3, v2  }
0x85: {  	v10 =	vld [tilespmem:s25+$0xFFFFFFB0];
	v11 =	vmov s11;
	v5 =	vmul.f32 v5, v2  }
0x86: {  	v9 =	vld [tilespmem:s25+$0xFFFFFFD0];
	v6 =	vmul.f32 v6, v2;
	[tilespmem:s25+$0xFFFFFFA0] =	vst v3;
	v3 =	vand.u32 $0x7C, v11  }
0x87: {  	v7 =	vmul.f32 v7, v2;
	[tilespmem:s25+$0xFFFFFFE0] =	vst v5;
	v3 =	vor.u32 v1, v3  }
0x88: {  	v5 =	vmul.f32 v8, v2;
	[tilespmem:s25+$0xFFFFFF80] =	vst v6;
	v6 =	vbroadcast v3, $0x0  }
0x89: {  	[tilespmem:s25+$0xFFFFFFC0] =	vst v7;
	v3 =	vmul.f32 v4, v2  }
0x8a: {  	v7 =	vld [tilespmem:s25+$0x0];
	v4 =	vmul.f32 v10, v2;
	[tilespmem:s25+$0xFFFFFFF0] =	vst v5  }
0x8b: {  	v11 =	vld [tilespmem:s25+$0x40];
	v2 =	vmul.f32 v9, v2;
	[tilespmem:s25+$0xFFFFFF90] =	vst v3  }
0x8c: {  	v8 =	vld [tilespmem:s25+$0x20];
	[tilespmem:s25+$0xFFFFFFB0] =	vst v4  }
0x8d: {  	v9 =	vld [tilespmem:s25+$0x30];
	[tilespmem:s25+$0xFFFFFFD0] =	vst v2  }
0x8e: {  	v2 =	vld.idx.msk [tilespmem:v6+s24+$0x0], $0xffff  }
0x8f: {  	v5 =	vld [tilespmem:s25+$0x70]  }
0x90: {  	v3 =	vld [tilespmem:s25+$0x50]  }
0x91: {  	s26 =	sshll.u32 s23, $0xE;
	v4 =	vld [tilespmem:s25+$0x10]  }
0x92: {  	s26 =	sor.u32 $0x2A00, s26;
	s2 =	simm.s32 $0x7;
	v6 =	vld [tilespmem:s25+$0x60]  }
0x93: {  	s28 =	smov.u32 s25;
	s9 =	simm.s32 $0xF;
	s10 =	simm.s32 $0x5;
	v10 =	vmul.f32 v7, v2;
	v7 =	vmul.f32 v11, v2  }
.LBB2_5:
0x94: {  	p1 =	sne.s32 s9, $0x7F  }
0x95: {  	v8 =	vmul.f32 v8, v2;
	v9 =	vmul.f32 v9, v2;
	v11 =	vmov s10;
	s25 =	sadd.s32 $0x400, s25;
	s10 =	smov.u32 s9;
	s9 =	sadd.s32 $0x8, s9  }
0x96: {  	v4 =	vmul.f32 v4, v2;
	v3 =	vmul.f32 v3, v2;
	[tilespmem:s28+$0x0] =	vst v10;
	v10 =	vand.u32 $0x7D, v11  }
0x97: {  	[tilespmem:s28+$0x20] =	vst v8;
	v6 =	vmul.f32 v6, v2;
	v2 =	vmul.f32 v5, v2;
	v5 =	vor.u32 v1, v10  }
0x98: {  	[tilespmem:s28+$0x50] =	vst v3;
	v3 =	vbroadcast v5, $0x0  }
0x99: {  	[tilespmem:s28+$0x40] =	vst v7  }
0x9a: {  	[tilespmem:s28+$0x10] =	vst v4;
	v4 =	vld [tilespmem:s28+$0x80]  }
0x9b: {  	[tilespmem:s28+$0x30] =	vst v9;
	v5 =	vld [tilespmem:s28+$0xE0]  }
0x9c: {  	[tilespmem:s28+$0x70] =	vst v2;
	v2 =	vld [tilespmem:s28+$0x90]  }
0x9d: {  	[tilespmem:s28+$0x60] =	vst v6;
	v6 =	vld [tilespmem:s28+$0xF0]  }
0x9e: {  	v3 =	vld.idx.msk [tilespmem:v3+s24+$0x0], $0xffff  }
0x9f: {  	v7 =	vld [tilespmem:s28+$0xD0]  }
0xa0: {  	v8 =	vld [tilespmem:s28+$0xA0]  }
0xa1: {  	v9 =	vld [tilespmem:s28+$0xC0]  }
0xa2: {  	v10 =	vld [tilespmem:s28+$0xB0];
	_ =	sdelay $0x1  }
0xa3: {  	s11 =	sadd.s32 $0xFFFFFFFF, s2;
	v4 =	vmul.f32 v4, v3;
	v7 =	vmul.f32 v7, v3  }
0xa4: {  	v11 =	vmov s11;
	v6 =	vmul.f32 v6, v3;
	v8 =	vmul.f32 v8, v3  }
0xa5: {  	v2 =	vmul.f32 v2, v3;
	[tilespmem:s28+$0x80] =	vst v4;
	v4 =	vmul.f32 v9, v3;
	v9 =	vand.u32 $0x7E, v11  }
0xa6: {  	v10 =	vmul.f32 v10, v3;
	[tilespmem:s28+$0xD0] =	vst v7;
	v3 =	vmul.f32 v5, v3;
	v5 =	vor.u32 v1, v9  }
0xa7: {  	[tilespmem:s28+$0xF0] =	vst v6;
	v5 =	vbroadcast v5, $0x0  }
0xa8: {  	[tilespmem:s28+$0x90] =	vst v2  }
0xa9: {  	[tilespmem:s28+$0xE0] =	vst v3;
	v2 =	vld [tilespmem:s28+$0x170]  }
0xaa: {  	[tilespmem:s28+$0xC0] =	vst v4;
	v3 =	vld [tilespmem:s28+$0x160]  }
0xab: {  	[tilespmem:s28+$0xA0] =	vst v8;
	v4 =	vld [tilespmem:s28+$0x130]  }
0xac: {  	[tilespmem:s28+$0xB0] =	vst v10;
	v6 =	vld [tilespmem:s28+$0x110]  }
0xad: {  	v5 =	vld.idx.msk [tilespmem:v5+s24+$0x0], $0xffff  }
0xae: {  	v7 =	vld [tilespmem:s28+$0x100]  }
0xaf: {  	v8 =	vld [tilespmem:s28+$0x120]  }
0xb0: {  	v9 =	vld [tilespmem:s28+$0x140]  }
0xb1: {  	v10 =	vld [tilespmem:s28+$0x150];
	_ =	sdelay $0x1  }
0xb2: {  	v6 =	vmul.f32 v6, v5;
	v7 =	vmul.f32 v7, v5  }
0xb3: {  	v11 =	vmov s2;
	s2 =	smov.u32 s10;
	v4 =	vmul.f32 v4, v5;
	v8 =	vmul.f32 v8, v5  }
0xb4: {  	v3 =	vmul.f32 v3, v5;
	[tilespmem:s28+$0x100] =	vst v7;
	v7 =	vmul.f32 v9, v5;
	v9 =	vand.u32 $0x7F, v11  }
0xb5: {  	v2 =	vmul.f32 v2, v5;
	[tilespmem:s28+$0x110] =	vst v6;
	v6 =	vmul.f32 v10, v5;
	v5 =	vor.u32 v1, v9  }
0xb6: {  	[tilespmem:s28+$0x130] =	vst v4;
	v4 =	vbroadcast v5, $0x0  }
0xb7: {  	[tilespmem:s28+$0x160] =	vst v3  }
0xb8: {  	[tilespmem:s28+$0x170] =	vst v2;
	v2 =	vld [tilespmem:s28+$0x180]  }
0xb9: {  	[tilespmem:s28+$0x120] =	vst v8;
	v3 =	vld [tilespmem:s28+$0x1D0]  }
0xba: {  	[tilespmem:s28+$0x150] =	vst v6;
	v5 =	vld [tilespmem:s28+$0x1F0]  }
0xbb: {  	[tilespmem:s28+$0x140] =	vst v7;
	v6 =	vld [tilespmem:s28+$0x1A0]  }
0xbc: {  	v4 =	vld.idx.msk [tilespmem:v4+s24+$0x0], $0xffff  }
0xbd: {  	v7 =	vld [tilespmem:s28+$0x190]  }
0xbe: {  	v8 =	vld [tilespmem:s28+$0x1B0]  }
0xbf: {  	v9 =	vld [tilespmem:s28+$0x1C0]  }
0xc0: {  	v10 =	vld [tilespmem:s28+$0x1E0];
	_ =	sdelay $0x1  }
0xc1: {  	s10 =	sadd.s32 $0xFFFFFFF9, s2;
	v2 =	vmul.f32 v2, v4;
	v7 =	vmul.f32 v7, v4  }
0xc2: {  	v11 =	vmov s10;
	v6 =	vmul.f32 v6, v4;
	v8 =	vmul.f32 v8, v4  }
0xc3: {  	v11 =	vand.u32 $0x78, v11;
	v3 =	vmul.f32 v3, v4;
	[tilespmem:s28+$0x180] =	vst v2;
	v2 =	vmul.f32 v9, v4  }
0xc4: {  	v9 =	vor.u32 v1, v11;
	[tilespmem:s28+$0x190] =	vst v7;
	v7 =	vmul.f32 v10, v4;
	v4 =	vmul.f32 v5, v4  }
0xc5: {  	v5 =	vbroadcast v9, $0x0;
	[tilespmem:s28+$0x1D0] =	vst v3  }
0xc6: {  	[tilespmem:s28+$0x1F0] =	vst v4  }
0xc7: {  	v3 =	vld [tilespmem:s25+$0xFFFFFE40];
	[tilespmem:s28+$0x1A0] =	vst v6  }
0xc8: {  	v4 =	vld [tilespmem:s25+$0xFFFFFE60];
	[tilespmem:s28+$0x1B0] =	vst v8  }
0xc9: {  	v6 =	vld [tilespmem:s25+$0xFFFFFE50];
	[tilespmem:s28+$0x1E0] =	vst v7  }
0xca: {  	v7 =	vld [tilespmem:s25+$0xFFFFFE70];
	[tilespmem:s28+$0x1C0] =	vst v2;
	s28 =	smov.u32 s25  }
0xcb: {  	v2 =	vld.idx.msk [tilespmem:v5+s24+$0x0], $0xffff  }
0xcc: {  	v5 =	vld [tilespmem:s25+$0xFFFFFE00]  }
0xcd: {  	v8 =	vld [tilespmem:s25+$0xFFFFFE20]  }
0xce: {  	v9 =	vld [tilespmem:s25+$0xFFFFFE10]  }
0xcf: {  	v10 =	vld [tilespmem:s25+$0xFFFFFE30];
	_ =	sdelay $0x1  }
0xd0: {  	s10 =	sadd.s32 $0xFFFFFFFA, s2;
	v7 =	vmul.f32 v7, v2;
	v5 =	vmul.f32 v5, v2  }
0xd1: {  	v11 =	vmov s10;
	v6 =	vmul.f32 v6, v2;
	v8 =	vmul.f32 v8, v2  }
0xd2: {  	v4 =	vmul.f32 v4, v2;
	[tilespmem:s25+$0xFFFFFE00] =	vst v5;
	v5 =	vmul.f32 v9, v2;
	v9 =	vand.u32 $0x79, v11  }
0xd3: {  	v10 =	vmul.f32 v10, v2;
	v2 =	vmul.f32 v3, v2;
	[tilespmem:s25+$0xFFFFFE70] =	vst v7;
	v3 =	vor.u32 v1, v9  }
0xd4: {  	[tilespmem:s25+$0xFFFFFE50] =	vst v6;
	v3 =	vbroadcast v3, $0x0  }
0xd5: {  	[tilespmem:s25+$0xFFFFFE20] =	vst v8  }
0xd6: {  	[tilespmem:s25+$0xFFFFFE30] =	vst v10;
	v6 =	vld [tilespmem:s25+$0xFFFFFEF0]  }
0xd7: {  	[tilespmem:s25+$0xFFFFFE10] =	vst v5;
	v5 =	vld [tilespmem:s25+$0xFFFFFED0]  }
0xd8: {  	[tilespmem:s25+$0xFFFFFE60] =	vst v4;
	v4 =	vld [tilespmem:s25+$0xFFFFFEB0]  }
0xd9: {  	[tilespmem:s25+$0xFFFFFE40] =	vst v2;
	v2 =	vld [tilespmem:s25+$0xFFFFFEE0]  }
0xda: {  	v3 =	vld.idx.msk [tilespmem:v3+s24+$0x0], $0xffff  }
0xdb: {  	v7 =	vld [tilespmem:s25+$0xFFFFFE80]  }
0xdc: {  	v8 =	vld [tilespmem:s25+$0xFFFFFE90]  }
0xdd: {  	v9 =	vld [tilespmem:s25+$0xFFFFFEA0]  }
0xde: {  	v10 =	vld [tilespmem:s25+$0xFFFFFEC0];
	_ =	sdelay $0x1  }
0xdf: {  	s10 =	sadd.s32 $0xFFFFFFFB, s2;
	v2 =	vmul.f32 v2, v3;
	v7 =	vmul.f32 v7, v3  }
0xe0: {  	v11 =	vmov s10;
	v4 =	vmul.f32 v4, v3;
	v8 =	vmul.f32 v8, v3  }
0xe1: {  	v5 =	vmul.f32 v5, v3;
	v9 =	vmul.f32 v9, v3;
	[tilespmem:s25+$0xFFFFFEE0] =	vst v2;
	v2 =	vand.u32 $0x7A, v11  }
0xe2: {  	[tilespmem:s25+$0xFFFFFE80] =	vst v7;
	v7 =	vmul.f32 v10, v3;
	v3 =	vmul.f32 v6, v3;
	v2 =	vor.u32 v1, v2  }
0xe3: {  	[tilespmem:s25+$0xFFFFFE90] =	vst v8;
	v2 =	vbroadcast v2, $0x0  }
0xe4: {  	[tilespmem:s25+$0xFFFFFED0] =	vst v5  }
0xe5: {  	[tilespmem:s25+$0xFFFFFEC0] =	vst v7;
	v5 =	vld [tilespmem:s25+$0xFFFFFF70]  }
0xe6: {  	[tilespmem:s25+$0xFFFFFEB0] =	vst v4;
	v4 =	vld [tilespmem:s25+$0xFFFFFF50]  }
0xe7: {  	[tilespmem:s25+$0xFFFFFEF0] =	vst v3;
	v3 =	vld [tilespmem:s25+$0xFFFFFF30]  }
0xe8: {  	[tilespmem:s25+$0xFFFFFEA0] =	vst v9;
	v6 =	vld [tilespmem:s25+$0xFFFFFF40]  }
0xe9: {  	v2 =	vld.idx.msk [tilespmem:v2+s24+$0x0], $0xffff  }
0xea: {  	v7 =	vld [tilespmem:s25+$0xFFFFFF20]  }
0xeb: {  	v8 =	vld [tilespmem:s25+$0xFFFFFF10]  }
0xec: {  	v9 =	vld [tilespmem:s25+$0xFFFFFF00]  }
0xed: {  	v10 =	vld [tilespmem:s25+$0xFFFFFF60];
	_ =	sdelay $0x1  }
0xee: {  	s10 =	sadd.s32 $0xFFFFFFFC, s2;
	v6 =	vmul.f32 v6, v2;
	v7 =	vmul.f32 v7, v2  }
0xef: {  	v11 =	vmov s10;
	v3 =	vmul.f32 v3, v2;
	v8 =	vmul.f32 v8, v2  }
0xf0: {  	v4 =	vmul.f32 v4, v2;
	v9 =	vmul.f32 v9, v2;
	[tilespmem:s25+$0xFFFFFF40] =	vst v6;
	v6 =	vand.u32 $0x7B, v11  }
0xf1: {  	[tilespmem:s25+$0xFFFFFF20] =	vst v7;
	v7 =	vmul.f32 v10, v2;
	v2 =	vmul.f32 v5, v2;
	v5 =	vor.u32 v1, v6  }
0xf2: {  	[tilespmem:s25+$0xFFFFFF10] =	vst v8;
	v5 =	vbroadcast v5, $0x0  }
0xf3: {  	[tilespmem:s25+$0xFFFFFF50] =	vst v4  }
0xf4: {  	[tilespmem:s25+$0xFFFFFF00] =	vst v9;
	v4 =	vld [tilespmem:s25+$0xFFFFFFF0]  }
0xf5: {  	[tilespmem:s25+$0xFFFFFF30] =	vst v3;
	v3 =	vld [tilespmem:s25+$0xFFFFFFD0]  }
0xf6: {  	[tilespmem:s25+$0xFFFFFF70] =	vst v2;
	v2 =	vld [tilespmem:s25+$0xFFFFFF90]  }
0xf7: {  	[tilespmem:s25+$0xFFFFFF60] =	vst v7;
	v6 =	vld [tilespmem:s25+$0xFFFFFFE0]  }
0xf8: {  	v5 =	vld.idx.msk [tilespmem:v5+s24+$0x0], $0xffff  }
0xf9: {  	v7 =	vld [tilespmem:s25+$0xFFFFFFA0]  }
0xfa: {  	v8 =	vld [tilespmem:s25+$0xFFFFFF80]  }
0xfb: {  	v9 =	vld [tilespmem:s25+$0xFFFFFFC0]  }
0xfc: {  	v10 =	vld [tilespmem:s25+$0xFFFFFFB0];
	_ =	sdelay $0x1  }
0xfd: {  	s10 =	sadd.s32 $0xFFFFFFFD, s2;
	v6 =	vmul.f32 v6, v5;
	v7 =	vmul.f32 v7, v5  }
0xfe: {  	v11 =	vmov s10;
	v2 =	vmul.f32 v2, v5;
	v8 =	vmul.f32 v8, v5  }
0xff: {  	[tilespmem:s25+$0xFFFFFFA0] =	vst v7;
	v7 =	vmul.f32 v9, v5;
	v9 =	vmul.f32 v3, v5;
	v3 =	vand.u32 $0x7C, v11  }
0x100: {  	v4 =	vmul.f32 v4, v5;
	v10 =	vmul.f32 v10, v5;
	[tilespmem:s25+$0xFFFFFFE0] =	vst v6;
	v3 =	vor.u32 v1, v3  }
0x101: {  	[tilespmem:s25+$0xFFFFFF80] =	vst v8;
	v5 =	vbroadcast v3, $0x0  }
0x102: {  	[tilespmem:s25+$0xFFFFFFC0] =	vst v7  }
0x103: {  	[tilespmem:s25+$0xFFFFFFF0] =	vst v4;
	v3 =	vld [tilespmem:s25+$0x50]  }
0x104: {  	[tilespmem:s25+$0xFFFFFF90] =	vst v2;
	v8 =	vld [tilespmem:s25+$0x20]  }
0x105: {  	[tilespmem:s25+$0xFFFFFFB0] =	vst v10;
	v7 =	vld [tilespmem:s25+$0x0]  }
0x106: {  	[tilespmem:s25+$0xFFFFFFD0] =	vst v9;
	v4 =	vld [tilespmem:s25+$0x10]  }
0x107: {  	v2 =	vld.idx.msk [tilespmem:v5+s24+$0x0], $0xffff  }
0x108: {  	v11 =	vld [tilespmem:s25+$0x40]  }
.Ltmp1:
0x109: {  	v9 =	vld [tilespmem:s25+$0x30];
	(pc) =	sbr.rel @p1 .LBB2_5-.Ltmp1, $3  }
0x10a: {  	v5 =	vld [tilespmem:s25+$0x70]  }
0x10b: {  	v6 =	vld [tilespmem:s25+$0x60];
	_ =	sdelay $0x1  }
0x10c: {  	s10 =	sadd.s32 $0xFFFFFFFE, s2;
	v10 =	vmul.f32 v7, v2;
	v7 =	vmul.f32 v11, v2  }
0x10d: {  	v11 =	vmov s10  }
0x10e: {  	v3 =	vmul.f32 v3, v2;
	[tilespmem:s28+$0x0] =	vst v10;
	v32 =	vand.u32 $0x7D, v11  }
0x10f: {  	v8 =	vmul.f32 v8, v2;
	[tilespmem:s28+$0x40] =	vst v7;
	v33 =	vor.u32 v1, v32  }
0x110: {  	v4 =	vmul.f32 v4, v2;
	[tilespmem:s28+$0x50] =	vst v3;
	v3 =	vbroadcast v33, $0x0  }
0x111: {  	v34 =	vmul.f32 v9, v2;
	[tilespmem:s28+$0x20] =	vst v8  }
0x112: {  	v5 =	vmul.f32 v5, v2;
	[tilespmem:s28+$0x10] =	vst v4  }
0x113: {  	v2 =	vmul.f32 v6, v2;
	[tilespmem:s28+$0x30] =	vst v34  }
0x114: {  	[tilespmem:s28+$0x70] =	vst v5  }
0x115: {  	v35 =	vld [tilespmem:s28+$0x80];
	[tilespmem:s28+$0x60] =	vst v2  }
0x116: {  	v2 =	vld.idx.msk [tilespmem:v3+s24+$0x0], $0xffff  }
0x117: {  	v3 =	vld [tilespmem:s28+$0xD0]  }
0x118: {  	v37 =	vld [tilespmem:s28+$0xF0]  }
0x119: {  	v36 =	vld [tilespmem:s28+$0x90]  }
0x11a: {  	v38 =	vld [tilespmem:s28+$0xE0]  }
0x11b: {  	v40 =	vld [tilespmem:s28+$0xC0];
	s9 =	sadd.s32 $0xFFFFFFFF, s2;
	v4 =	vmul.f32 v35, v2  }
0x11c: {  	v39 =	vld [tilespmem:s28+$0xA0];
	v42 =	vmov s9;
	v3 =	vmul.f32 v3, v2  }
0x11d: {  	v41 =	vld [tilespmem:s28+$0xB0];
	v43 =	vand.u32 $0x7E, v42;
	v6 =	vmul.f32 v37, v2;
	[tilespmem:s28+$0x80] =	vst v4  }
0x11e: {  	v5 =	vmul.f32 v36, v2;
	[tilespmem:s28+$0xD0] =	vst v3;
	v3 =	vor.u32 v1, v43  }
0x11f: {  	v44 =	vmul.f32 v38, v2;
	[tilespmem:s28+$0xF0] =	vst v6;
	v3 =	vbroadcast v3, $0x0  }
0x120: {  	v45 =	vmul.f32 v40, v2;
	[tilespmem:s28+$0x90] =	vst v5  }
0x121: {  	v46 =	vmul.f32 v39, v2;
	[tilespmem:s28+$0xE0] =	vst v44  }
0x122: {  	v2 =	vmul.f32 v41, v2;
	[tilespmem:s28+$0xC0] =	vst v45  }
0x123: {  	[tilespmem:s28+$0xA0] =	vst v46  }
0x124: {  	[tilespmem:s28+$0xB0] =	vst v2  }
0x125: {  	v2 =	vld.idx.msk [tilespmem:v3+s24+$0x0], $0xffff  }
0x126: {  	v3 =	vld [tilespmem:s28+$0x100]  }
0x127: {  	v47 =	vld [tilespmem:s28+$0x110]  }
0x128: {  	v48 =	vld [tilespmem:s28+$0x130]  }
0x129: {  	v49 =	vld [tilespmem:s28+$0x160]  }
0x12a: {  	v51 =	vld [tilespmem:s28+$0x120]  }
0x12b: {  	v52 =	vld [tilespmem:s28+$0x150];
	v3 =	vmul.f32 v3, v2  }
0x12c: {  	v50 =	vld [tilespmem:s28+$0x170];
	v53 =	vmov s2;
	v4 =	vmul.f32 v47, v2  }
0x12d: {  	v54 =	vld [tilespmem:s28+$0x140];
	v5 =	vmul.f32 v48, v2;
	[tilespmem:s28+$0x100] =	vst v3;
	v3 =	vand.u32 $0x7F, v53  }
0x12e: {  	v6 =	vmul.f32 v49, v2;
	[tilespmem:s28+$0x110] =	vst v4;
	v1 =	vor.u32 v1, v3  }
0x12f: {  	v55 =	vmul.f32 v51, v2;
	[tilespmem:s28+$0x130] =	vst v5;
	v1 =	vbroadcast v1, $0x0  }
0x130: {  	v56 =	vmul.f32 v52, v2;
	[tilespmem:s28+$0x160] =	vst v6  }
0x131: {  	[tilespmem:s28+$0x120] =	vst v55;
	v3 =	vmul.f32 v50, v2  }
0x132: {  	[tilespmem:s28+$0x150] =	vst v56;
	v2 =	vmul.f32 v54, v2  }
0x133: {  	[tilespmem:s28+$0x170] =	vst v3  }
0x134: {  	v3 =	vld [tilespmem:s28+$0x180];
	[tilespmem:s28+$0x140] =	vst v2  }
0x135: {  	v1 =	vld.idx.msk [tilespmem:v1+s24+$0x0], $0xffff  }
0x136: {  	v2 =	vld [tilespmem:s28+$0x190]  }
0x137: {  	v59 =	vld [tilespmem:s28+$0x1A0]  }
0x138: {  	v57 =	vld [tilespmem:s28+$0x1D0]  }
0x139: {  	v58 =	vld [tilespmem:s28+$0x1F0]  }
0x13a: {  	v60 =	vld [tilespmem:s28+$0x1B0];
	v3 =	vmul.f32 v3, v1  }
0x13b: {  	v61 =	vld [tilespmem:s28+$0x1E0];
	v2 =	vmul.f32 v2, v1  }
0x13c: {  	v62 =	vld [tilespmem:s28+$0x1C0];
	v63 =	vmul.f32 v59, v1;
	[tilespmem:s28+$0x180] =	vst v3  }
0x13d: {  	v3 =	vmul.f32 v57, v1;
	[tilespmem:s28+$0x190] =	vst v2  }
0x13e: {  	v2 =	vmul.f32 v58, v1;
	[tilespmem:s28+$0x1A0] =	vst v63  }
0x13f: {  	[tilespmem:s28+$0x1D0] =	vst v3;
	v3 =	vmul.f32 v60, v1  }
0x140: {  	[tilespmem:s28+$0x1F0] =	vst v2;
	v2 =	vmul.f32 v61, v1  }
0x141: {  	v1 =	vmul.f32 v62, v1;
	[tilespmem:s28+$0x1B0] =	vst v3  }
0x142: {  	[tilespmem:s28+$0x1E0] =	vst v2  }
0x143: {  	s2 =	sadd.s32 $0x3, s23;
	[tilespmem:s28+$0x1C0] =	vst v1  }
0x144: {  	_ =	swait.ge [sflag:s2], $0x80  }
0x145: {  	[sflag:s2] =	ssyncset.done $0x0  }
0x146: {  	p1 =	sgt.u32 s30, $0x4C;
	s9 =	sor.u32 $0x2800, s31;
	[sflag:s2] =	ssyncadd.s32 $0xFFFFFF80  }
0x147: {  	[spmem:s1] =	stream.indirect.scatter.add.f32 [tilespmem:s26], [sflag:$0x7], $0x80, s9, s22, $0xb8;
	[tilespmem:$0x1E600] =	vst v63  }
0x148: {  	s10 =	sshll.u32 @!p1 s30, $0x7;
	_ =	swait.ge [sflag:s20], $0x4000  }
0x149: {  	s10 =	sadd.s32 @!p1 $0x100, s10;
	[sflag:s20] =	ssyncset.done $0x0  }
0x14a: {  	s23 =	simm.s32 @!p1 $0x80;
	s11 =	sand.u32 @!p1 $0x3FFFFF80, s10;
	[sflag:s20] =	ssyncadd.s32 $0xFFFFC000  }
0x14b: {  	[tilespmem:s26], [sflag:s3] =	stream.indirect.gather @!p1 [hbm4b:s4+s23], $0x80, s11, s23, $0xb8;
	[tilespmem:$0x1E600] =	vst v63  }
0x14c: {  	s3 =	sand.u32 @!p1 $0x7C00, s10  }
0x14d: {  	s10 =	sand.u32 @!p1 $0x380, s10;
	s3 =	sadd.s32 @!p1 s7, s3  }
0x14e: {  	s3 =	sor.u32 @!p1 s10, s3  }
0x14f: {  	s3 =	sshrl.u32 @!p1 s3, $0x3  }
0x150: {  	s11 =	simm.s32 @!p1 $0x0;
	s10 =	sadd.s32 @!p1 s5, s3  }
0x151: {  	[tilespmem:s9], [sflag:s2] =	stream.linear.gather @!p1 [hbm4b:s10+s11], $0x80, $0x38;
	[tilespmem:$0x1E600] =	vst v63  }
0x152: {  	s30 =	sadd.s32 $0x1, s30;
	s3 =	sadd.s32 @!p1 s6, s3;
	s2 =	sor.u32 @!p1 $0x2900, s31  }
0x153: {  	[tilespmem:s2], [sflag:s0] =	stream.linear.gather @!p1 [hbm4b:s3+s11], $0x80, $0x38;
	[tilespmem:$0x1E600] =	vst v63  }
0x154: {  	p1 =	sne.s32 s30, $0x4F  }
.Ltmp2:
0x155: {  	_ = 	snop;
	(pc) =	sbr.rel @p1 .LBB2_4-.Ltmp2, $2  }
0x156: {  	_ =	sdelay $0x2  }
0x157: {  	p0 =	por !p0, !p0  }
0x158: {  	s0 =	stileid.u32;
	s29 =	sadd.s32 $0x1, s29  }
0x159: {  	[bflag:$0x0] =	sbarrier.arrive $0xFFFF;
	s0 =	sshll.u32 s0, $0x6;
	p0 =	sne.s32 s29, s15  }
.Ltmp3:
0x15a: {  	s2 =	sshrl.u32 s8, $0x3;
	s0 =	sor.u32 $0x1C07, s0;
	(pc) =	sbr.rel @p0 .LBB2_1-.Ltmp3, $4  }
0x15b: {  	[hbm:s14], [sflag:s0] =	dma.local [spmem:s2], $0x2780  }
0x15c: {  	_ =	swait.ge [sflag:s20], $0x2780  }
0x15d: {  	[sflag:s20] =	ssyncset.done $0x0  }
0x15e: {  	[sflag:s20] =	ssyncadd.s32 $0xFFFFD880  }
0x15f: {  	_ =	sfence.sel $0x180000  }
0x160: {  	[bflag:$0x0] =	sbarrier.arrive $0xFFFF  }
0x161: {  	_ =	strace $0x9000004A  }
0x162: {  	s0 =	stileid.u32;
	[bflag:$0x2] =	sbarrier.arrive $0xFFFF  }
0x163: {  	p0 =	sne.s32 s0, $0x0;
	s0 =	rddreg [dreg:$0x3]  }
0x164: {  	s0 =	sadd.s32 @!p0 $0x100000, s0  }
0x165: {  	[sflag:s0] =	ssyncadd.tile.s32 @!p0 $0x1;
	_ =	shalt  }
.Lfunc_end2:
_tile_overlayer_lowered:
.L_overlay_start_2:
0x166: {  	(tag) =	ssettag $0x2  }
0x167: {  	s0 =	rddreg [dreg:$0x0];
	s2 =	stileid.u32  }
0x168: {  	s1 =	rddreg [dreg:$0x1];
	p0 =	sne.s32 s2, $0x0  }
0x169: {  	s3 =	rddreg [dreg:$0x2];
	[bflag:$0x3] =	sbarrier.arrive $0xFFFF;
	s2 =	simm.s32 @!p0 $0x1C07  }
0x16a: {  	[timem:s3], [sflag:s2] =	dma.local @!p0 [hbm:s0], s1  }
0x16b: {  	s0 =	simm.s32 @!p0 $0x7  }
0x16c: {  	_ =	swait.ge @!p0 [sflag:s0], s1  }
0x16d: {  	s1 =	ssub.s32 @!p0 $0x0, s1;
	[sflag:s0] =	ssyncset.done @!p0 $0x0  }
0x16e: {  	[sflag:s0] =	ssyncadd.s32 @!p0 s1  }
0x16f: {  	[bflag:$0x3] =	sbarrier.arrive $0xFFFF  }
0x170: {  	_ =	shalt  }

// kernel: kernel.14.cloned.1.call-start
scs
__scs_entry_jumppad:
0x0: {  	(pc) =	sbr.rel $0x88, $3  }
0x1: {  	(tag) =	ssettag $0x0;
	lr =	simm.s32 $0x1  }
0x2: {  	[smem:$0x3F96] =	sst lr;
	_ =	strace $0xD0000000  }
0x3: {  	_ = 	snop  }
0x4: {  	_ = 	snop  }
0x5: {  	_ = 	snop  }
0x6: {  	_ = 	snop  }
0x7: {  	_ = 	snop  }
__scs_overlays_trampoline_lowered:
0x8: {  	[smem:$0x3FA5] =	sst s0  }
0x9: {  	[smem:$0x3FA6] =	sst s1  }
0xa: {  	[smem:$0x3FA7] =	sst s2  }
0xb: {  	[smem:$0x3FA8] =	sst s3  }
0xc: {  	[smem:$0x3FA9] =	sst s4  }
0xd: {  	[smem:$0x3FAA] =	sst s5  }
0xe: {  	[smem:$0x3FAB] =	sst s6  }
0xf: {  	[smem:$0x3FAC] =	sst s7  }
0x10: {  	[smem:$0x3FAD] =	sst s8  }
0x11: {  	[smem:$0x3FAE] =	sst s9;
	s0 =	simm.s32 @!p0 $0x0  }
0x12: {  	s1 =	sld [smem:$0x3F94];
	s0 =	simm.s32 @p0 $0x1  }
0x13: {  	[smem:$0x3FAF] =	sst s0;
	s0 =	simm.s32 @!p1 $0x0  }
0x14: {  	s2 =	sld [smem:$0x3F93];
	s0 =	simm.s32 @p1 $0x1  }
0x15: {  	[smem:$0x3FB0] =	sst s0;
	s0 =	simm.s32 @!p2 $0x0  }
0x16: {  	s3 =	sld [smem:$0x3FDB];
	s0 =	simm.s32 @p2 $0x1  }
0x17: {  	s4 =	simm.s32 $0x1BF5;
	[smem:$0x3FB2] =	sst s0  }
0x18: {  	s0 =	sld [smem:$0x3F95];
	_ =	swait.ge [sflag:s4], $0x0  }
0x19: {  	s7 =	sld [smem:$0x3F96]  }
0x1a: {  	s8 =	sadd.s32 $0xFFFFE003, lr  }
0x1b: {  	s9 =	sadd.s32 $0xFFFFFEF7, lr;
	s5 =	simm.s32 $0xFFFFFFFF;
	p2 =	slt.u32 s8, $0xFFFFF086  }
0x1c: {  	p1 =	slt.u32 s9, $0xF7A;
	s5 =	simm.s32 @!p2 $0x0  }
0x1d: {  	s5 =	simm.s32 @p1 $0x1;
	p0 =	seq.s32 s7, s2  }
0x1e: {  	s7 =	smul.u32 @!p0 $0xF7A, s2;
	p2 =	seq.s32 @!p0 s5, $0x0  }
0x1f: {  	s9 =	smul.u32 $0xF7A, s1;
	s8 =	simm.s32 @!p0 $0x1BF5;
	p2 =	por !p2, p0  }
0x20: {  	[sflag:s8] =	ssyncset.s32 @!p0 $0xFFFFF086;
	s6 =	sadd.s32 @!p0 s3, s7;
	s7 =	simm.s32 @!p0 $0x108  }
0x21: {  	s3 =	sadd.s32 s3, s9;
	s6 =	sadd.s32 @!p0 $0x88, s6;
	s7 =	simm.s32 @p2 $0x1082  }
0x22: {  	[simem:s7], [sflag:s8] =	dma.local @!p0 [hbm:s6], $0xF7A  }
0x23: {  	s9 =	sor.u32 $0xD0000000, s2;
	s6 =	simm.s32 $0x108;
	_ =	swait.ge @!p0 [sflag:s8], $0x0  }
0x24: {  	s3 =	sadd.s32 $0x88, s3;
	s6 =	simm.s32 @!p1 $0x1082;
	[sflag:s4] =	ssyncset.s32 $0xFFFFF086  }
0x25: {  	[simem:s6], [sflag:s4] =	dma.local [hbm:s3], $0xF7A  }
0x26: {  	[smem:$0x3F96] =	sst s1;
	(tag) =	ssettag s2;
	_ =	strace s9  }
0x27: {  	s1 =	sld [smem:$0x3FA6]  }
0x28: {  	s2 =	sld [smem:$0x3FA7]  }
0x29: {  	s4 =	sld [smem:$0x3FA9]  }
0x2a: {  	p0 =	seq.s32 s5, $0x0;
	s5 =	sld [smem:$0x3FAA]  }
0x2b: {  	s6 =	sld [smem:$0x3FAB]  }
0x2c: {  	s7 =	sld [smem:$0x3FAC]  }
0x2d: {  	s3 =	simm.s32 $0x108;
	s8 =	sld [smem:$0x3FAD]  }
0x2e: {  	s3 =	simm.s32 @!p0 $0x1082;
	s9 =	sld [smem:$0x3FAE]  }
0x2f: {  	lr =	sadd.s32 s0, s3;
	s0 =	sld [smem:$0x3FA5]  }
0x30: {  	s3 =	sld [smem:$0x3FA8]  }
0x31: {  	[smem:$0x3FB1] =	sst s10  }
0x32: {  	s10 =	sld [smem:$0x3FAF];
	_ =	sdelay $0x3  }
0x33: {  	p0 =	seq.s32 s10, $0x1;
	s10 =	sld [smem:$0x3FB1];
	_ =	sdelay $0x3  }
0x34: {  	[smem:$0x3FB1] =	sst s10  }
0x35: {  	s10 =	sld [smem:$0x3FB0];
	_ =	sdelay $0x3  }
0x36: {  	p1 =	seq.s32 s10, $0x1;
	s10 =	sld [smem:$0x3FB1];
	_ =	sdelay $0x3  }
0x37: {  	[smem:$0x3FB1] =	sst s10  }
0x38: {  	s10 =	sld [smem:$0x3FB2]  }
0x39: {  	_ = 	snop;
	(pc) =	sbr.ind lr, $3  }
0x3a: {  	_ = 	snop  }
0x3b: {  	_ = 	snop  }
0x3c: {  	p2 =	seq.s32 s10, $0x1;
	s10 =	sld [smem:$0x3FB1]  }
0x3d: {  	_ =	shalt  }
0x3e: {  	_ =	shalt  }
0x3f: {  	_ =	shalt  }
0x40: {  	_ =	shalt  }
0x41: {  	_ =	shalt  }
0x42: {  	_ =	shalt  }
0x43: {  	_ =	shalt  }
0x44: {  	_ =	shalt  }
0x45: {  	_ =	shalt  }
0x46: {  	_ =	shalt  }
0x47: {  	_ =	shalt  }
0x48: {  	_ =	shalt  }
0x49: {  	_ =	shalt  }
0x4a: {  	_ =	shalt  }
0x4b: {  	_ =	shalt  }
0x4c: {  	_ =	shalt  }
0x4d: {  	_ =	shalt  }
0x4e: {  	_ =	shalt  }
0x4f: {  	_ =	shalt  }
0x50: {  	_ =	shalt  }
0x51: {  	_ =	shalt  }
0x52: {  	_ =	shalt  }
0x53: {  	_ =	shalt  }
0x54: {  	_ =	shalt  }
0x55: {  	_ =	shalt  }
0x56: {  	_ =	shalt  }
0x57: {  	_ =	shalt  }
0x58: {  	_ =	shalt  }
0x59: {  	_ =	shalt  }
0x5a: {  	_ =	shalt  }
0x5b: {  	_ =	shalt  }
0x5c: {  	_ =	shalt  }
0x5d: {  	_ =	shalt  }
0x5e: {  	_ =	shalt  }
0x5f: {  	_ =	shalt  }
0x60: {  	_ =	shalt  }
0x61: {  	_ =	shalt  }
0x62: {  	_ =	shalt  }
0x63: {  	_ =	shalt  }
0x64: {  	_ =	shalt  }
0x65: {  	_ =	shalt  }
0x66: {  	_ =	shalt  }
0x67: {  	_ =	shalt  }
0x68: {  	_ =	shalt  }
0x69: {  	_ =	shalt  }
0x6a: {  	_ =	shalt  }
0x6b: {  	_ =	shalt  }
0x6c: {  	_ =	shalt  }
0x6d: {  	_ =	shalt  }
0x6e: {  	_ =	shalt  }
0x6f: {  	_ =	shalt  }
0x70: {  	_ =	shalt  }
0x71: {  	_ =	shalt  }
0x72: {  	_ =	shalt  }
0x73: {  	_ =	shalt  }
0x74: {  	_ =	shalt  }
0x75: {  	_ =	shalt  }
0x76: {  	_ =	shalt  }
0x77: {  	_ =	shalt  }
0x78: {  	_ =	shalt  }
0x79: {  	_ =	shalt  }
0x7a: {  	_ =	shalt  }
0x7b: {  	_ =	shalt  }
0x7c: {  	_ =	shalt  }
0x7d: {  	_ =	shalt  }
0x7e: {  	_ =	shalt  }
0x7f: {  	_ =	shalt  }
0x80: {  	_ =	shalt  }
0x81: {  	_ =	shalt  }
0x82: {  	_ =	shalt  }
0x83: {  	_ =	shalt  }
0x84: {  	_ =	shalt  }
0x85: {  	_ =	shalt  }
0x86: {  	_ =	shalt  }
0x87: {  	_ =	shalt  }
.Lfunc_end0:
.L_simem_size_0:
called_computation.2_lowered:
.L_overlay_start_0:
0x88: {  	s2 =	sld [smem:$0x3FD9]  }
0x89: {  	s3 =	sld [smem:$0x3FFE];
	_ =	sdelay $0x1  }
0x8a: {  	s1 =	srdreg.scid  }
0x8b: {  	s0 =	sand.u32 $0x1, s1  }
0x8c: {  	s14 =	sshll.u32 s0, $0xA;
	s2 =	sadd.s32 s3, s2  }
0x8d: {  	s2 =	sadd.s32 s2, s14  }
0x8e: {  	[smem:$0x3FBD] =	sst s2  }
0x8f: {  	_ = 	snop  }
0x90: {  	s2 =	sld [smem:$0x3FD0];
	_ =	sdelay $0x2  }
0x91: {  	s15 =	simm.s32 $0xA;
	s4 =	simm.s32 $0x10  }
0x92: {  	[smem:s4], [sflag:s15] =	dma.local [hbm:s2], $0x1  }
0x93: {  	_ =	swait.eq [sflag:s15], $0x1  }
0x94: {  	[sflag:s15] =	ssyncset.done $0x0  }
0x95: {  	[sflag:s15] =	ssyncadd.s32 $0xFFFFFFFF  }
0x96: {  	s16 =	sld [smem:$0x10];
	(tm) =	ssettm $0x1  }
0x97: {  	s17 =	sld [smem:$0x3FFB];
	_ =	sdelay $0x3  }
0x98: {  	_ =	strace s17  }
0x99: {  	s3 =	sld [smem:$0x3FFC];
	_ =	sdelay $0x3  }
0x9a: {  	_ =	strace s3  }
0x9b: {  	s3 =	sld [smem:$0x3FFD];
	_ =	sdelay $0x3  }
0x9c: {  	_ =	strace s3  }
0x9d: {  	_ =	strace $0x8FFFFFFF  }
0x9e: {  	s18 =	sld [smem:$0x3FDB];
	_ =	sdelay $0x1  }
0x9f: {  	s19 =	simm.s32 $_scs_section_size  }
0xa0: {  	s5 =	simm.s32 $_size__tile_overlayer_lowered;
	s6 =	simm.s32 $_tile_overlayer_lowered  }
0xa1: {  	s22 =	simm.s32 $0x1BFF;
	s21 =	sshll.u32 s6, $0x1;
	s3 =	sadd.s32 s19, s18  }
0xa2: {  	s7 =	simm.s32 $0x0;
	s20 =	sshll.u32 s5, $0x1;
	s5 =	sadd.s32 s21, s3  }
0xa3: {  	[timem:s7], [sflag:s22] =	dma.local [hbm:s5], s20  }
0xa4: {  	_ =	swait.ge [sflag:s22], s20  }
0xa5: {  	s4 =	ssub.s32 $0x0, s20;
	[sflag:s22] =	ssyncset.done $0x0  }
0xa6: {  	[sflag:s22] =	ssyncadd.s32 s4;
	_ =	sdelay $0x1  }
0xa7: {  	s23 =	simm.s32 $0x1B8B  }
0xa8: {  	_ =	swait.ge [sflag:s23], $0x1  }
0xa9: {  	[sflag:s23] =	ssyncset.done $0x0  }
0xaa: {  	s25 =	simm.s32 $0x1B8E;
	s24 =	sld [smem:$0x3FFE];
	[sflag:s23] =	ssyncadd.s32 $0xFFFFFFFF  }
0xab: {  	s26 =	simm.s32 $execute0_lowered;
	[smem:$0x3FD2] =	sst s25  }
0xac: {  	s5 =	sshll.u32 s26, $0x1;
	_ =	strace $0x8000004C;
	[dreg:$0x1] =	wrdreg $0xFFFFFFFF  }
0xad: {  	s28 =	simm.s32 $_size_execute0_lowered;
	s3 =	sadd.s32 s3, s5;
	[dreg:$0x0] =	wrdreg $0x0  }
0xae: {  	s5 =	sshll.u32 s28, $0x1;
	[dreg:$0x2] =	wrdreg s3  }
0xaf: {  	[dreg:$0x3] =	wrdreg s5  }
0xb0: {  	[dreg:$0x4] =	wrdreg $0xC0  }
0xb1: {  	_ =	task [dreg:s7], $0x5FFFF  }
0xb2: {  	[dreg:$0x1] =	wrdreg $0xFFFFFFFF  }
0xb3: {  	[dreg:$0x0] =	wrdreg $0x60  }
0xb4: {  	[dreg:$0x2] =	wrdreg s24  }
0xb5: {  	[dreg:$0x3] =	wrdreg s16  }
0xb6: {  	[dreg:$0x4] =	wrdreg $0xAA000  }
0xb7: {  	[dreg:$0x5] =	wrdreg $0x9  }
0xb8: {  	_ =	task.clear_ibuf [dreg:s7], $0x6FFFF;
	_ =	strace $0x9000004C  }
0xb9: {  	s29 =	simm.s32 $0x9;
	_ =	strace $0x8000004E  }
0xba: {  	_ =	swait.ge [sflag:s29], $0x1  }
0xbb: {  	[sflag:s29] =	ssyncadd.s32 $0xFFFFFFFF  }
0xbc: {  	_ =	strace $0x9000004E  }
0xbd: {  	_ =	sfence  }
0xbe: {  	s30 =	sld [smem:$0x0];
	_ =	sdelay $0x2  }
0xbf: {  	s31 =	sshll.u32 s1, $0xD;
	s1 =	sshrl.u32 s1, $0x2  }
0xc0: {  	s3 =	sand.u32 $0x4000, s31;
	s1 =	sadd.s32 s1, s30  }
0xc1: {  	s0 =	sor.u32 s3, s0;
	s1 =	sshll.u32 s1, $0x11  }
0xc2: {  	s0 =	sor.u32 s1, s0  }
0xc3: {  	s0 =	sadd.s32 $0x8F2B, s0  }
0xc4: {  	[sflag:s0] =	ssyncadd.remote.s32 $0x1  }
0xc5: {  	_ =	sfence.sel $0xFFFF  }
0xc6: {  	[dreg:$0x0] =	wrdreg $0xFFFFFFFF;
	(pc) =	sbr.abs _section_cstart, $3  }
0xc7: {  	[dreg:$0x1] =	wrdreg $0xFFFFFFFF  }
0xc8: {  	_ =	task.clear_ibuf [dreg:s7], $0x2FFFF;
	_ =	strace $0x9FFFFFFF  }
0xc9: {  	(tm) =	ssettm $0x7FFFFFFF  }
tec
execute0_lowered:
.L_overlay_start_1:
0x0: {  	(tag) =	ssettag $0x1  }
0x1: {  	s0 =	rddreg [dreg:$0x0]  }
0x2: {  	s2 =	rddreg [dreg:$0x1]  }
0x3: {  	s1 =	rddreg [dreg:$0x2];
	s4 =	simm.s32 $0x0;
	s3 =	srdreg.scid  }
0x4: {  	s10 =	stileid.u32;
	s20 =	simm.s32 $0x7;
	s21 =	simm.s32 $0x2A00  }
0x5: {  	s29 =	simm.s32 $0x0;
	[smem:$0x7FF] =	sst s4;
	s3 =	sand.u32 $0x1, s3  }
0x6: {  	s4 =	sadd.s32 $0x20200, s0;
	s8 =	smul.u32 $0x13C00, s10;
	s5 =	sadd.s32 $0x16200, s0  }
0x7: {  	s6 =	sadd.s32 $0xC200, s0;
	s9 =	sshll.u32 s10, $0x1;
	s23 =	smul.u32 $0x4F000, s10  }
0x8: {  	s7 =	smul.u32 $0x13C000, s3;
	s22 =	sor.u32 s3, s9;
	s3 =	ssub.s32 $0x2, s3  }
0x9: {  	_ =	strace $0x8000004D;
	s25 =	sshrl.u32 s3, $0x1;
	s9 =	sshrl.u32 s23, $0x2  }
0xa: {  	s7 =	sadd.s32 s8, s7;
	s3 =	ssub.s32 s3, s25;
	s8 =	sadd.s32 s9, s1  }
0xb: {  	s24 =	sshrl.u32 s7, $0x3;
	s7 =	smul.u32 $0x2800, s22;
	s28 =	sadd.s32 $0x4000, s8  }
0xc: {  	s30 =	sadd.s32 $0x8000, s8;
	s12 =	sadd.s32 $0xC000, s8;
	s13 =	sadd.s32 $0x10000, s8  }
0xd: {  	s15 =	smax.u32 s3, $0x1;
	s22 =	simm.s32 $0x80;
	[dreg:$0x5] =	wrdreg s28  }
0xe: {  	s0 =	sadd.s32 s24, s0;
	[dreg:$0x6] =	wrdreg s30;
	s26 =	sshrl.u32 s7, $0x3  }
0xf: {  	s24 =	simm.s32 $0x2900;
	s14 =	sadd.s32 $0x158A00, s0;
	s2 =	sadd.s32 s2, s26  }
0x10: {  	s16 =	sadd.s32 s5, s26;
	s31 =	sor.u32 $0x10, s26;
	s17 =	sadd.s32 s6, s26  }
0x11: {  	v0 =	vimm.f32 $0.0e+00;
	[dreg:$0x4] =	wrdreg s2;
	s18 =	sadd.s32 s5, s31;
	s19 =	sadd.s32 s6, s31  }
.LBB2_1:
0x12: {  	s0 =	simm.s32 $0x0;
	s2 =	rddreg [dreg:$0x4]  }
0x13: {  	[tilespmem:s0], [sflag:$0x7] =	stream.linear.gather [hbm4b:s2+s0], $0x2780, $0x38;
	[tilespmem:$0x1E600] =	vst v63  }
0x14: {  	_ =	swait.ge [sflag:s20], $0x2780  }
0x15: {  	[sflag:s20] =	ssyncset.done $0x0  }
0x16: {  	s0 =	simm.s32 $0x0;
	s2 =	simm.s32 $0x200;
	[sflag:s20] =	ssyncadd.s32 $0xFFFFD880  }
.LBB2_2:
0x17: {  	p0 =	sne.s32 s2, $0xFE00;
	[tilespmem:s0+$0x2A70] =	vst v0  }
0x18: {  	[tilespmem:s0+$0x2A00] =	vst v0  }
0x19: {  	[tilespmem:s0+$0x2A10] =	vst v0  }
.Ltmp0:
0x1a: {  	[tilespmem:s0+$0x2A20] =	vst v0;
	(pc) =	sbr.rel @p0 .LBB2_2-.Ltmp0, $4  }
0x1b: {  	[tilespmem:s0+$0x2A30] =	vst v0  }
0x1c: {  	[tilespmem:s0+$0x2A40] =	vst v0  }
0x1d: {  	[tilespmem:s0+$0x2A50] =	vst v0  }
0x1e: {  	[tilespmem:s0+$0x2A60] =	vst v0;
	s0 =	sshra.s32 s2, $0x2;
	s2 =	sadd.s32 $0x200, s2  }
0x1f: {  	[tilespmem:s0+$0x2A70] =	vst v0  }
0x20: {  	[tilespmem:s0+$0x2A00] =	vst v0  }
0x21: {  	[tilespmem:s0+$0x2A10] =	vst v0  }
0x22: {  	[tilespmem:s0+$0x2A20] =	vst v0  }
0x23: {  	[tilespmem:s0+$0x2A30] =	vst v0  }
0x24: {  	[tilespmem:s0+$0x2A40] =	vst v0  }
0x25: {  	[tilespmem:s0+$0x2A50] =	vst v0  }
0x26: {  	[tilespmem:s0+$0x2A60] =	vst v0  }
0x27: {  	[spmem:s8] =	stream.linear.scatter [tilespmem:s21], [sflag:$0x7], $0x4000, $0x38;
	[tilespmem:$0x1E600] =	vst v63  }
0x28: {  	_ =	swait.ge [sflag:s20], $0x4000  }
0x29: {  	[sflag:s20] =	ssyncset.done $0x0  }
0x2a: {  	s11 =	rddreg [dreg:$0x5];
	[sflag:s20] =	ssyncadd.s32 $0xFFFFC000  }
0x2b: {  	[spmem:s11] =	stream.linear.scatter [tilespmem:s21], [sflag:$0x7], $0x4000, $0x38;
	[tilespmem:$0x1E600] =	vst v63  }
0x2c: {  	_ =	swait.ge [sflag:s20], $0x4000  }
0x2d: {  	[sflag:s20] =	ssyncset.done $0x0  }
0x2e: {  	s23 =	rddreg [dreg:$0x6];
	[sflag:s20] =	ssyncadd.s32 $0xFFFFC000  }
0x2f: {  	[spmem:s23] =	stream.linear.scatter [tilespmem:s21], [sflag:$0x7], $0x4000, $0x38;
	[tilespmem:$0x1E600] =	vst v63  }
0x30: {  	_ =	swait.ge [sflag:s20], $0x4000  }
0x31: {  	[sflag:s20] =	ssyncset.done $0x0  }
0x32: {  	[sflag:s20] =	ssyncadd.s32 $0xFFFFC000  }
0x33: {  	[spmem:s12] =	stream.linear.scatter [tilespmem:s21], [sflag:$0x7], $0x4000, $0x38;
	[tilespmem:$0x1E600] =	vst v63  }
0x34: {  	_ =	swait.ge [sflag:s20], $0x4000  }
0x35: {  	[sflag:s20] =	ssyncset.done $0x0  }
0x36: {  	[sflag:s20] =	ssyncadd.s32 $0xFFFFC000  }
0x37: {  	[spmem:s13] =	stream.linear.scatter [tilespmem:s21], [sflag:$0x7], $0x3C00, $0x38;
	[tilespmem:$0x1E600] =	vst v63  }
0x38: {  	_ =	swait.ge [sflag:s20], $0x3C00  }
0x39: {  	[sflag:s20] =	ssyncset.done $0x0  }
0x3a: {  	[sflag:s20] =	ssyncadd.s32 $0xFFFFC400  }
0x3b: {  	s30 =	simm.s32 $0x0;
	[bflag:$0x0] =	sbarrier.arrive $0xFFFF  }
0x3c: {  	[tilespmem:s21], [sflag:$0x1] =	stream.indirect.gather [hbm4b:s4+s22], $0x80, s30, s22, $0xb8;
	[tilespmem:$0x1E600] =	vst v63  }
0x3d: {  	s25 =	simm.s32 $0x2800  }
0x3e: {  	[tilespmem:s25], [sflag:$0x3] =	stream.linear.gather [hbm4b:s16+s30], $0x80, $0x38;
	[tilespmem:$0x1E600] =	vst v63  }
0x3f: {  	_ = 	snop  }
0x40: {  	[tilespmem:s24], [sflag:$0x5] =	stream.linear.gather [hbm4b:s17+s30], $0x80, $0x38;
	[tilespmem:$0x1E600] =	vst v63  }
0x41: {  	s26 =	simm.s32 $0x6A00  }
0x42: {  	[tilespmem:s26], [sflag:$0x2] =	stream.indirect.gather [hbm4b:s4+s22], $0x80, s22, s22, $0xb8;
	[tilespmem:$0x1E600] =	vst v63  }
0x43: {  	s28 =	simm.s32 $0x2880  }
0x44: {  	[tilespmem:s28], [sflag:$0x4] =	stream.linear.gather [hbm4b:s18+s30], $0x80, $0x38;
	[tilespmem:$0x1E600] =	vst v63  }
0x45: {  	s31 =	simm.s32 $0x2980;
	p0 =	por $0x0, $0x0  }
0x46: {  	[tilespmem:s31], [sflag:$0x6] =	stream.linear.gather [hbm4b:s19+s30], $0x80, $0x38;
	[tilespmem:$0x1E600] =	vst v63  }
.LBB2_4:
0x47: {  	s23 =	sand.u32 $0x1, s30;
	s0 =	simm.s32 $0x0  }
0x48: {  	s31 =	sshll.u32 s23, $0x7;
	v2 =	vmov s0  }
0x49: {  	s3 =	sadd.s32 $0x1, s23;
	v1 =	vmov s31;
	v2 =	vand.u32 $0x78, v2  }
0x4a: {  	_ =	swait.ge [sflag:s3], $0x4000;
	v2 =	vor.u32 v1, v2  }
0x4b: {  	[sflag:s3] =	ssyncset.done $0x0;
	v2 =	vbroadcast v2, $0x0  }
0x4c: {  	s2 =	simm.s32 $0x1;
	s0 =	sadd.s32 $0x5, s23;
	[sflag:s3] =	ssyncadd.s32 $0xFFFFC000  }
0x4d: {  	s2 =	simm.s32 @!p0 $0x0;
	_ =	swait.ge [sflag:s0], $0x80  }
0x4e: {  	s2 =	sshll.u32 s2, $0xE;
	[sflag:s0] =	ssyncset.done $0x0  }
0x4f: {  	s25 =	sor.u32 $0x2C00, s2;
	[sflag:s0] =	ssyncadd.s32 $0xFFFFFF80  }
0x50: {  	v3 =	vld [tilespmem:s25+$0xFFFFFE00]  }
0x51: {  	v2 =	vld.idx.msk [tilespmem:v2+s24+$0x0], $0xffff  }
0x52: {  	v4 =	vld [tilespmem:s25+$0xFFFFFE70]  }
0x53: {  	v5 =	vld [tilespmem:s25+$0xFFFFFE50]  }
0x54: {  	v6 =	vld [tilespmem:s25+$0xFFFFFE20]  }
0x55: {  	v7 =	vld [tilespmem:s25+$0xFFFFFE30]  }
0x56: {  	s26 =	simm.s32 $0x1;
	v8 =	vld [tilespmem:s25+$0xFFFFFE10];
	v3 =	vmul.f32 v3, v2  }
0x57: {  	v10 =	vmov s26;
	v9 =	vld [tilespmem:s25+$0xFFFFFE60];
	v4 =	vmul.f32 v4, v2  }
0x58: {  	v11 =	vld [tilespmem:s25+$0xFFFFFE40];
	v5 =	vmul.f32 v5, v2;
	[tilespmem:s25+$0xFFFFFE00] =	vst v3;
	v3 =	vand.u32 $0x79, v10  }
0x59: {  	v6 =	vmul.f32 v6, v2;
	[tilespmem:s25+$0xFFFFFE70] =	vst v4;
	v3 =	vor.u32 v1, v3  }
0x5a: {  	v4 =	vmul.f32 v7, v2;
	[tilespmem:s25+$0xFFFFFE50] =	vst v5;
	v3 =	vbroadcast v3, $0x0  }
0x5b: {  	v5 =	vmul.f32 v8, v2;
	[tilespmem:s25+$0xFFFFFE20] =	vst v6  }
0x5c: {  	v6 =	vmul.f32 v9, v2;
	[tilespmem:s25+$0xFFFFFE30] =	vst v4  }
0x5d: {  	v2 =	vmul.f32 v11, v2;
	[tilespmem:s25+$0xFFFFFE10] =	vst v5  }
0x5e: {  	[tilespmem:s25+$0xFFFFFE60] =	vst v6  }
0x5f: {  	[tilespmem:s25+$0xFFFFFE40] =	vst v2;
	v2 =	vld [tilespmem:s25+$0xFFFFFEE0]  }
0x60: {  	v3 =	vld.idx.msk [tilespmem:v3+s24+$0x0], $0xffff  }
0x61: {  	v4 =	vld [tilespmem:s25+$0xFFFFFE80]  }
0x62: {  	v5 =	vld [tilespmem:s25+$0xFFFFFE90]  }
0x63: {  	v6 =	vld [tilespmem:s25+$0xFFFFFED0]  }
0x64: {  	v7 =	vld [tilespmem:s25+$0xFFFFFEC0]  }
0x65: {  	s9 =	simm.s32 $0x2;
	v8 =	vld [tilespmem:s25+$0xFFFFFEB0];
	v2 =	vmul.f32 v2, v3  }
0x66: {  	v9 =	vld [tilespmem:s25+$0xFFFFFEF0];
	v10 =	vmov s9;
	v4 =	vmul.f32 v4, v3  }
0x67: {  	v11 =	vld [tilespmem:s25+$0xFFFFFEA0];
	v5 =	vmul.f32 v5, v3;
	[tilespmem:s25+$0xFFFFFEE0] =	vst v2;
	v2 =	vand.u32 $0x7A, v10  }
0x68: {  	v6 =	vmul.f32 v6, v3;
	[tilespmem:s25+$0xFFFFFE80] =	vst v4;
	v2 =	vor.u32 v1, v2  }
0x69: {  	v4 =	vmul.f32 v7, v3;
	[tilespmem:s25+$0xFFFFFE90] =	vst v5;
	v2 =	vbroadcast v2, $0x0  }
0x6a: {  	v5 =	vmul.f32 v8, v3;
	[tilespmem:s25+$0xFFFFFED0] =	vst v6  }
0x6b: {  	v6 =	vmul.f32 v9, v3;
	[tilespmem:s25+$0xFFFFFEC0] =	vst v4  }
0x6c: {  	v3 =	vmul.f32 v11, v3;
	[tilespmem:s25+$0xFFFFFEB0] =	vst v5  }
0x6d: {  	[tilespmem:s25+$0xFFFFFEF0] =	vst v6  }
0x6e: {  	[tilespmem:s25+$0xFFFFFEA0] =	vst v3;
	v3 =	vld [tilespmem:s25+$0xFFFFFF40]  }
0x6f: {  	v2 =	vld.idx.msk [tilespmem:v2+s24+$0x0], $0xffff  }
0x70: {  	v5 =	vld [tilespmem:s25+$0xFFFFFF20]  }
0x71: {  	v6 =	vld [tilespmem:s25+$0xFFFFFF10]  }
0x72: {  	v7 =	vld [tilespmem:s25+$0xFFFFFF50]  }
0x73: {  	v4 =	vld [tilespmem:s25+$0xFFFFFF70]  }
0x74: {  	s10 =	simm.s32 $0x3;
	v8 =	vld [tilespmem:s25+$0xFFFFFF00];
	v3 =	vmul.f32 v3, v2  }
0x75: {  	v9 =	vld [tilespmem:s25+$0xFFFFFF30];
	v11 =	vmov s10;
	v5 =	vmul.f32 v5, v2  }
0x76: {  	v10 =	vld [tilespmem:s25+$0xFFFFFF60];
	v6 =	vmul.f32 v6, v2;
	[tilespmem:s25+$0xFFFFFF40] =	vst v3;
	v3 =	vand.u32 $0x7B, v11  }
0x77: {  	v7 =	vmul.f32 v7, v2;
	[tilespmem:s25+$0xFFFFFF20] =	vst v5;
	v3 =	vor.u32 v1, v3  }
0x78: {  	v4 =	vmul.f32 v4, v2;
	[tilespmem:s25+$0xFFFFFF10] =	vst v6;
	v3 =	vbroadcast v3, $0x0  }
0x79: {  	v5 =	vmul.f32 v8, v2;
	[tilespmem:s25+$0xFFFFFF50] =	vst v7  }
0x7a: {  	v6 =	vmul.f32 v9, v2;
	[tilespmem:s25+$0xFFFFFF70] =	vst v4  }
0x7b: {  	v2 =	vmul.f32 v10, v2;
	[tilespmem:s25+$0xFFFFFF00] =	vst v5  }
0x7c: {  	[tilespmem:s25+$0xFFFFFF30] =	vst v6  }
0x7d: {  	[tilespmem:s25+$0xFFFFFF60] =	vst v2  }
0x7e: {  	v2 =	vld.idx.msk [tilespmem:v3+s24+$0x0], $0xffff  }
0x7f: {  	v3 =	vld [tilespmem:s25+$0xFFFFFFA0]  }
0x80: {  	v5 =	vld [tilespmem:s25+$0xFFFFFFE0]  }
0x81: {  	v6 =	vld [tilespmem:s25+$0xFFFFFF80]  }
0x82: {  	v7 =	vld [tilespmem:s25+$0xFFFFFFC0]  }
0x83: {  	v8 =	vld [tilespmem:s25+$0xFFFFFFF0]  }
0x84: {  	s11 =	simm.s32 $0x4;
	v4 =	vld [tilespmem:s25+$0xFFFFFF90];
	v3 =	vmul.f32 v3, v2  }
0x85: {  	v10 =	vld [tilespmem:s25+$0xFFFFFFB0];
	v11 =	vmov s11;
	v5 =	vmul.f32 v5, v2  }
0x86: {  	v9 =	vld [tilespmem:s25+$0xFFFFFFD0];
	v6 =	vmul.f32 v6, v2;
	[tilespmem:s25+$0xFFFFFFA0] =	vst v3;
	v3 =	vand.u32 $0x7C, v11  }
0x87: {  	v7 =	vmul.f32 v7, v2;
	[tilespmem:s25+$0xFFFFFFE0] =	vst v5;
	v3 =	vor.u32 v1, v3  }
0x88: {  	v5 =	vmul.f32 v8, v2;
	[tilespmem:s25+$0xFFFFFF80] =	vst v6;
	v6 =	vbroadcast v3, $0x0  }
0x89: {  	[tilespmem:s25+$0xFFFFFFC0] =	vst v7;
	v3 =	vmul.f32 v4, v2  }
0x8a: {  	v7 =	vld [tilespmem:s25+$0x0];
	v4 =	vmul.f32 v10, v2;
	[tilespmem:s25+$0xFFFFFFF0] =	vst v5  }
0x8b: {  	v11 =	vld [tilespmem:s25+$0x40];
	v2 =	vmul.f32 v9, v2;
	[tilespmem:s25+$0xFFFFFF90] =	vst v3  }
0x8c: {  	v8 =	vld [tilespmem:s25+$0x20];
	[tilespmem:s25+$0xFFFFFFB0] =	vst v4  }
0x8d: {  	v9 =	vld [tilespmem:s25+$0x30];
	[tilespmem:s25+$0xFFFFFFD0] =	vst v2  }
0x8e: {  	v2 =	vld.idx.msk [tilespmem:v6+s24+$0x0], $0xffff  }
0x8f: {  	v5 =	vld [tilespmem:s25+$0x70]  }
0x90: {  	v3 =	vld [tilespmem:s25+$0x50]  }
0x91: {  	s26 =	sshll.u32 s23, $0xE;
	v4 =	vld [tilespmem:s25+$0x10]  }
0x92: {  	s26 =	sor.u32 $0x2A00, s26;
	s2 =	simm.s32 $0x7;
	v6 =	vld [tilespmem:s25+$0x60]  }
0x93: {  	s28 =	smov.u32 s25;
	s9 =	simm.s32 $0xF;
	s10 =	simm.s32 $0x5;
	v10 =	vmul.f32 v7, v2;
	v7 =	vmul.f32 v11, v2  }
.LBB2_5:
0x94: {  	p1 =	sne.s32 s9, $0x7F  }
0x95: {  	v8 =	vmul.f32 v8, v2;
	v9 =	vmul.f32 v9, v2;
	v11 =	vmov s10;
	s25 =	sadd.s32 $0x400, s25;
	s10 =	smov.u32 s9;
	s9 =	sadd.s32 $0x8, s9  }
0x96: {  	v4 =	vmul.f32 v4, v2;
	v3 =	vmul.f32 v3, v2;
	[tilespmem:s28+$0x0] =	vst v10;
	v10 =	vand.u32 $0x7D, v11  }
0x97: {  	[tilespmem:s28+$0x20] =	vst v8;
	v6 =	vmul.f32 v6, v2;
	v2 =	vmul.f32 v5, v2;
	v5 =	vor.u32 v1, v10  }
0x98: {  	[tilespmem:s28+$0x50] =	vst v3;
	v3 =	vbroadcast v5, $0x0  }
0x99: {  	[tilespmem:s28+$0x40] =	vst v7  }
0x9a: {  	[tilespmem:s28+$0x10] =	vst v4;
	v4 =	vld [tilespmem:s28+$0x80]  }
0x9b: {  	[tilespmem:s28+$0x30] =	vst v9;
	v5 =	vld [tilespmem:s28+$0xE0]  }
0x9c: {  	[tilespmem:s28+$0x70] =	vst v2;
	v2 =	vld [tilespmem:s28+$0x90]  }
0x9d: {  	[tilespmem:s28+$0x60] =	vst v6;
	v6 =	vld [tilespmem:s28+$0xF0]  }
0x9e: {  	v3 =	vld.idx.msk [tilespmem:v3+s24+$0x0], $0xffff  }
0x9f: {  	v7 =	vld [tilespmem:s28+$0xD0]  }
0xa0: {  	v8 =	vld [tilespmem:s28+$0xA0]  }
0xa1: {  	v9 =	vld [tilespmem:s28+$0xC0]  }
0xa2: {  	v10 =	vld [tilespmem:s28+$0xB0];
	_ =	sdelay $0x1  }
0xa3: {  	s11 =	sadd.s32 $0xFFFFFFFF, s2;
	v4 =	vmul.f32 v4, v3;
	v7 =	vmul.f32 v7, v3  }
0xa4: {  	v11 =	vmov s11;
	v6 =	vmul.f32 v6, v3;
	v8 =	vmul.f32 v8, v3  }
0xa5: {  	v2 =	vmul.f32 v2, v3;
	[tilespmem:s28+$0x80] =	vst v4;
	v4 =	vmul.f32 v9, v3;
	v9 =	vand.u32 $0x7E, v11  }
0xa6: {  	v10 =	vmul.f32 v10, v3;
	[tilespmem:s28+$0xD0] =	vst v7;
	v3 =	vmul.f32 v5, v3;
	v5 =	vor.u32 v1, v9  }
0xa7: {  	[tilespmem:s28+$0xF0] =	vst v6;
	v5 =	vbroadcast v5, $0x0  }
0xa8: {  	[tilespmem:s28+$0x90] =	vst v2  }
0xa9: {  	[tilespmem:s28+$0xE0] =	vst v3;
	v2 =	vld [tilespmem:s28+$0x170]  }
0xaa: {  	[tilespmem:s28+$0xC0] =	vst v4;
	v3 =	vld [tilespmem:s28+$0x160]  }
0xab: {  	[tilespmem:s28+$0xA0] =	vst v8;
	v4 =	vld [tilespmem:s28+$0x130]  }
0xac: {  	[tilespmem:s28+$0xB0] =	vst v10;
	v6 =	vld [tilespmem:s28+$0x110]  }
0xad: {  	v5 =	vld.idx.msk [tilespmem:v5+s24+$0x0], $0xffff  }
0xae: {  	v7 =	vld [tilespmem:s28+$0x100]  }
0xaf: {  	v8 =	vld [tilespmem:s28+$0x120]  }
0xb0: {  	v9 =	vld [tilespmem:s28+$0x140]  }
0xb1: {  	v10 =	vld [tilespmem:s28+$0x150];
	_ =	sdelay $0x1  }
0xb2: {  	v6 =	vmul.f32 v6, v5;
	v7 =	vmul.f32 v7, v5  }
0xb3: {  	v11 =	vmov s2;
	s2 =	smov.u32 s10;
	v4 =	vmul.f32 v4, v5;
	v8 =	vmul.f32 v8, v5  }
0xb4: {  	v3 =	vmul.f32 v3, v5;
	[tilespmem:s28+$0x100] =	vst v7;
	v7 =	vmul.f32 v9, v5;
	v9 =	vand.u32 $0x7F, v11  }
0xb5: {  	v2 =	vmul.f32 v2, v5;
	[tilespmem:s28+$0x110] =	vst v6;
	v6 =	vmul.f32 v10, v5;
	v5 =	vor.u32 v1, v9  }
0xb6: {  	[tilespmem:s28+$0x130] =	vst v4;
	v4 =	vbroadcast v5, $0x0  }
0xb7: {  	[tilespmem:s28+$0x160] =	vst v3  }
0xb8: {  	[tilespmem:s28+$0x170] =	vst v2;
	v2 =	vld [tilespmem:s28+$0x180]  }
0xb9: {  	[tilespmem:s28+$0x120] =	vst v8;
	v3 =	vld [tilespmem:s28+$0x1D0]  }
0xba: {  	[tilespmem:s28+$0x150] =	vst v6;
	v5 =	vld [tilespmem:s28+$0x1F0]  }
0xbb: {  	[tilespmem:s28+$0x140] =	vst v7;
	v6 =	vld [tilespmem:s28+$0x1A0]  }
0xbc: {  	v4 =	vld.idx.msk [tilespmem:v4+s24+$0x0], $0xffff  }
0xbd: {  	v7 =	vld [tilespmem:s28+$0x190]  }
0xbe: {  	v8 =	vld [tilespmem:s28+$0x1B0]  }
0xbf: {  	v9 =	vld [tilespmem:s28+$0x1C0]  }
0xc0: {  	v10 =	vld [tilespmem:s28+$0x1E0];
	_ =	sdelay $0x1  }
0xc1: {  	s10 =	sadd.s32 $0xFFFFFFF9, s2;
	v2 =	vmul.f32 v2, v4;
	v7 =	vmul.f32 v7, v4  }
0xc2: {  	v11 =	vmov s10;
	v6 =	vmul.f32 v6, v4;
	v8 =	vmul.f32 v8, v4  }
0xc3: {  	v11 =	vand.u32 $0x78, v11;
	v3 =	vmul.f32 v3, v4;
	[tilespmem:s28+$0x180] =	vst v2;
	v2 =	vmul.f32 v9, v4  }
0xc4: {  	v9 =	vor.u32 v1, v11;
	[tilespmem:s28+$0x190] =	vst v7;
	v7 =	vmul.f32 v10, v4;
	v4 =	vmul.f32 v5, v4  }
0xc5: {  	v5 =	vbroadcast v9, $0x0;
	[tilespmem:s28+$0x1D0] =	vst v3  }
0xc6: {  	[tilespmem:s28+$0x1F0] =	vst v4  }
0xc7: {  	v3 =	vld [tilespmem:s25+$0xFFFFFE40];
	[tilespmem:s28+$0x1A0] =	vst v6  }
0xc8: {  	v4 =	vld [tilespmem:s25+$0xFFFFFE60];
	[tilespmem:s28+$0x1B0] =	vst v8  }
0xc9: {  	v6 =	vld [tilespmem:s25+$0xFFFFFE50];
	[tilespmem:s28+$0x1E0] =	vst v7  }
0xca: {  	v7 =	vld [tilespmem:s25+$0xFFFFFE70];
	[tilespmem:s28+$0x1C0] =	vst v2;
	s28 =	smov.u32 s25  }
0xcb: {  	v2 =	vld.idx.msk [tilespmem:v5+s24+$0x0], $0xffff  }
0xcc: {  	v5 =	vld [tilespmem:s25+$0xFFFFFE00]  }
0xcd: {  	v8 =	vld [tilespmem:s25+$0xFFFFFE20]  }
0xce: {  	v9 =	vld [tilespmem:s25+$0xFFFFFE10]  }
0xcf: {  	v10 =	vld [tilespmem:s25+$0xFFFFFE30];
	_ =	sdelay $0x1  }
0xd0: {  	s10 =	sadd.s32 $0xFFFFFFFA, s2;
	v7 =	vmul.f32 v7, v2;
	v5 =	vmul.f32 v5, v2  }
0xd1: {  	v11 =	vmov s10;
	v6 =	vmul.f32 v6, v2;
	v8 =	vmul.f32 v8, v2  }
0xd2: {  	v4 =	vmul.f32 v4, v2;
	[tilespmem:s25+$0xFFFFFE00] =	vst v5;
	v5 =	vmul.f32 v9, v2;
	v9 =	vand.u32 $0x79, v11  }
0xd3: {  	v10 =	vmul.f32 v10, v2;
	v2 =	vmul.f32 v3, v2;
	[tilespmem:s25+$0xFFFFFE70] =	vst v7;
	v3 =	vor.u32 v1, v9  }
0xd4: {  	[tilespmem:s25+$0xFFFFFE50] =	vst v6;
	v3 =	vbroadcast v3, $0x0  }
0xd5: {  	[tilespmem:s25+$0xFFFFFE20] =	vst v8  }
0xd6: {  	[tilespmem:s25+$0xFFFFFE30] =	vst v10;
	v6 =	vld [tilespmem:s25+$0xFFFFFEF0]  }
0xd7: {  	[tilespmem:s25+$0xFFFFFE10] =	vst v5;
	v5 =	vld [tilespmem:s25+$0xFFFFFED0]  }
0xd8: {  	[tilespmem:s25+$0xFFFFFE60] =	vst v4;
	v4 =	vld [tilespmem:s25+$0xFFFFFEB0]  }
0xd9: {  	[tilespmem:s25+$0xFFFFFE40] =	vst v2;
	v2 =	vld [tilespmem:s25+$0xFFFFFEE0]  }
0xda: {  	v3 =	vld.idx.msk [tilespmem:v3+s24+$0x0], $0xffff  }
0xdb: {  	v7 =	vld [tilespmem:s25+$0xFFFFFE80]  }
0xdc: {  	v8 =	vld [tilespmem:s25+$0xFFFFFE90]  }
0xdd: {  	v9 =	vld [tilespmem:s25+$0xFFFFFEA0]  }
0xde: {  	v10 =	vld [tilespmem:s25+$0xFFFFFEC0];
	_ =	sdelay $0x1  }
0xdf: {  	s10 =	sadd.s32 $0xFFFFFFFB, s2;
	v2 =	vmul.f32 v2, v3;
	v7 =	vmul.f32 v7, v3  }
0xe0: {  	v11 =	vmov s10;
	v4 =	vmul.f32 v4, v3;
	v8 =	vmul.f32 v8, v3  }
0xe1: {  	v5 =	vmul.f32 v5, v3;
	v9 =	vmul.f32 v9, v3;
	[tilespmem:s25+$0xFFFFFEE0] =	vst v2;
	v2 =	vand.u32 $0x7A, v11  }
0xe2: {  	[tilespmem:s25+$0xFFFFFE80] =	vst v7;
	v7 =	vmul.f32 v10, v3;
	v3 =	vmul.f32 v6, v3;
	v2 =	vor.u32 v1, v2  }
0xe3: {  	[tilespmem:s25+$0xFFFFFE90] =	vst v8;
	v2 =	vbroadcast v2, $0x0  }
0xe4: {  	[tilespmem:s25+$0xFFFFFED0] =	vst v5  }
0xe5: {  	[tilespmem:s25+$0xFFFFFEC0] =	vst v7;
	v5 =	vld [tilespmem:s25+$0xFFFFFF70]  }
0xe6: {  	[tilespmem:s25+$0xFFFFFEB0] =	vst v4;
	v4 =	vld [tilespmem:s25+$0xFFFFFF50]  }
0xe7: {  	[tilespmem:s25+$0xFFFFFEF0] =	vst v3;
	v3 =	vld [tilespmem:s25+$0xFFFFFF30]  }
0xe8: {  	[tilespmem:s25+$0xFFFFFEA0] =	vst v9;
	v6 =	vld [tilespmem:s25+$0xFFFFFF40]  }
0xe9: {  	v2 =	vld.idx.msk [tilespmem:v2+s24+$0x0], $0xffff  }
0xea: {  	v7 =	vld [tilespmem:s25+$0xFFFFFF20]  }
0xeb: {  	v8 =	vld [tilespmem:s25+$0xFFFFFF10]  }
0xec: {  	v9 =	vld [tilespmem:s25+$0xFFFFFF00]  }
0xed: {  	v10 =	vld [tilespmem:s25+$0xFFFFFF60];
	_ =	sdelay $0x1  }
0xee: {  	s10 =	sadd.s32 $0xFFFFFFFC, s2;
	v6 =	vmul.f32 v6, v2;
	v7 =	vmul.f32 v7, v2  }
0xef: {  	v11 =	vmov s10;
	v3 =	vmul.f32 v3, v2;
	v8 =	vmul.f32 v8, v2  }
0xf0: {  	v4 =	vmul.f32 v4, v2;
	v9 =	vmul.f32 v9, v2;
	[tilespmem:s25+$0xFFFFFF40] =	vst v6;
	v6 =	vand.u32 $0x7B, v11  }
0xf1: {  	[tilespmem:s25+$0xFFFFFF20] =	vst v7;
	v7 =	vmul.f32 v10, v2;
	v2 =	vmul.f32 v5, v2;
	v5 =	vor.u32 v1, v6  }
0xf2: {  	[tilespmem:s25+$0xFFFFFF10] =	vst v8;
	v5 =	vbroadcast v5, $0x0  }
0xf3: {  	[tilespmem:s25+$0xFFFFFF50] =	vst v4  }
0xf4: {  	[tilespmem:s25+$0xFFFFFF00] =	vst v9;
	v4 =	vld [tilespmem:s25+$0xFFFFFFF0]  }
0xf5: {  	[tilespmem:s25+$0xFFFFFF30] =	vst v3;
	v3 =	vld [tilespmem:s25+$0xFFFFFFD0]  }
0xf6: {  	[tilespmem:s25+$0xFFFFFF70] =	vst v2;
	v2 =	vld [tilespmem:s25+$0xFFFFFF90]  }
0xf7: {  	[tilespmem:s25+$0xFFFFFF60] =	vst v7;
	v6 =	vld [tilespmem:s25+$0xFFFFFFE0]  }
0xf8: {  	v5 =	vld.idx.msk [tilespmem:v5+s24+$0x0], $0xffff  }
0xf9: {  	v7 =	vld [tilespmem:s25+$0xFFFFFFA0]  }
0xfa: {  	v8 =	vld [tilespmem:s25+$0xFFFFFF80]  }
0xfb: {  	v9 =	vld [tilespmem:s25+$0xFFFFFFC0]  }
0xfc: {  	v10 =	vld [tilespmem:s25+$0xFFFFFFB0];
	_ =	sdelay $0x1  }
0xfd: {  	s10 =	sadd.s32 $0xFFFFFFFD, s2;
	v6 =	vmul.f32 v6, v5;
	v7 =	vmul.f32 v7, v5  }
0xfe: {  	v11 =	vmov s10;
	v2 =	vmul.f32 v2, v5;
	v8 =	vmul.f32 v8, v5  }
0xff: {  	[tilespmem:s25+$0xFFFFFFA0] =	vst v7;
	v7 =	vmul.f32 v9, v5;
	v9 =	vmul.f32 v3, v5;
	v3 =	vand.u32 $0x7C, v11  }
0x100: {  	v4 =	vmul.f32 v4, v5;
	v10 =	vmul.f32 v10, v5;
	[tilespmem:s25+$0xFFFFFFE0] =	vst v6;
	v3 =	vor.u32 v1, v3  }
0x101: {  	[tilespmem:s25+$0xFFFFFF80] =	vst v8;
	v5 =	vbroadcast v3, $0x0  }
0x102: {  	[tilespmem:s25+$0xFFFFFFC0] =	vst v7  }
0x103: {  	[tilespmem:s25+$0xFFFFFFF0] =	vst v4;
	v3 =	vld [tilespmem:s25+$0x50]  }
0x104: {  	[tilespmem:s25+$0xFFFFFF90] =	vst v2;
	v8 =	vld [tilespmem:s25+$0x20]  }
0x105: {  	[tilespmem:s25+$0xFFFFFFB0] =	vst v10;
	v7 =	vld [tilespmem:s25+$0x0]  }
0x106: {  	[tilespmem:s25+$0xFFFFFFD0] =	vst v9;
	v4 =	vld [tilespmem:s25+$0x10]  }
0x107: {  	v2 =	vld.idx.msk [tilespmem:v5+s24+$0x0], $0xffff  }
0x108: {  	v11 =	vld [tilespmem:s25+$0x40]  }
.Ltmp1:
0x109: {  	v9 =	vld [tilespmem:s25+$0x30];
	(pc) =	sbr.rel @p1 .LBB2_5-.Ltmp1, $3  }
0x10a: {  	v5 =	vld [tilespmem:s25+$0x70]  }
0x10b: {  	v6 =	vld [tilespmem:s25+$0x60];
	_ =	sdelay $0x1  }
0x10c: {  	s10 =	sadd.s32 $0xFFFFFFFE, s2;
	v10 =	vmul.f32 v7, v2;
	v7 =	vmul.f32 v11, v2  }
0x10d: {  	v11 =	vmov s10  }
0x10e: {  	v3 =	vmul.f32 v3, v2;
	[tilespmem:s28+$0x0] =	vst v10;
	v32 =	vand.u32 $0x7D, v11  }
0x10f: {  	v8 =	vmul.f32 v8, v2;
	[tilespmem:s28+$0x40] =	vst v7;
	v33 =	vor.u32 v1, v32  }
0x110: {  	v4 =	vmul.f32 v4, v2;
	[tilespmem:s28+$0x50] =	vst v3;
	v3 =	vbroadcast v33, $0x0  }
0x111: {  	v34 =	vmul.f32 v9, v2;
	[tilespmem:s28+$0x20] =	vst v8  }
0x112: {  	v5 =	vmul.f32 v5, v2;
	[tilespmem:s28+$0x10] =	vst v4  }
0x113: {  	v2 =	vmul.f32 v6, v2;
	[tilespmem:s28+$0x30] =	vst v34  }
0x114: {  	[tilespmem:s28+$0x70] =	vst v5  }
0x115: {  	v35 =	vld [tilespmem:s28+$0x80];
	[tilespmem:s28+$0x60] =	vst v2  }
0x116: {  	v2 =	vld.idx.msk [tilespmem:v3+s24+$0x0], $0xffff  }
0x117: {  	v3 =	vld [tilespmem:s28+$0xD0]  }
0x118: {  	v37 =	vld [tilespmem:s28+$0xF0]  }
0x119: {  	v36 =	vld [tilespmem:s28+$0x90]  }
0x11a: {  	v38 =	vld [tilespmem:s28+$0xE0]  }
0x11b: {  	v40 =	vld [tilespmem:s28+$0xC0];
	s9 =	sadd.s32 $0xFFFFFFFF, s2;
	v4 =	vmul.f32 v35, v2  }
0x11c: {  	v39 =	vld [tilespmem:s28+$0xA0];
	v42 =	vmov s9;
	v3 =	vmul.f32 v3, v2  }
0x11d: {  	v41 =	vld [tilespmem:s28+$0xB0];
	v43 =	vand.u32 $0x7E, v42;
	v6 =	vmul.f32 v37, v2;
	[tilespmem:s28+$0x80] =	vst v4  }
0x11e: {  	v5 =	vmul.f32 v36, v2;
	[tilespmem:s28+$0xD0] =	vst v3;
	v3 =	vor.u32 v1, v43  }
0x11f: {  	v44 =	vmul.f32 v38, v2;
	[tilespmem:s28+$0xF0] =	vst v6;
	v3 =	vbroadcast v3, $0x0  }
0x120: {  	v45 =	vmul.f32 v40, v2;
	[tilespmem:s28+$0x90] =	vst v5  }
0x121: {  	v46 =	vmul.f32 v39, v2;
	[tilespmem:s28+$0xE0] =	vst v44  }
0x122: {  	v2 =	vmul.f32 v41, v2;
	[tilespmem:s28+$0xC0] =	vst v45  }
0x123: {  	[tilespmem:s28+$0xA0] =	vst v46  }
0x124: {  	[tilespmem:s28+$0xB0] =	vst v2  }
0x125: {  	v2 =	vld.idx.msk [tilespmem:v3+s24+$0x0], $0xffff  }
0x126: {  	v3 =	vld [tilespmem:s28+$0x100]  }
0x127: {  	v47 =	vld [tilespmem:s28+$0x110]  }
0x128: {  	v48 =	vld [tilespmem:s28+$0x130]  }
0x129: {  	v49 =	vld [tilespmem:s28+$0x160]  }
0x12a: {  	v51 =	vld [tilespmem:s28+$0x120]  }
0x12b: {  	v52 =	vld [tilespmem:s28+$0x150];
	v3 =	vmul.f32 v3, v2  }
0x12c: {  	v50 =	vld [tilespmem:s28+$0x170];
	v53 =	vmov s2;
	v4 =	vmul.f32 v47, v2  }
0x12d: {  	v54 =	vld [tilespmem:s28+$0x140];
	v5 =	vmul.f32 v48, v2;
	[tilespmem:s28+$0x100] =	vst v3;
	v3 =	vand.u32 $0x7F, v53  }
0x12e: {  	v6 =	vmul.f32 v49, v2;
	[tilespmem:s28+$0x110] =	vst v4;
	v1 =	vor.u32 v1, v3  }
0x12f: {  	v55 =	vmul.f32 v51, v2;
	[tilespmem:s28+$0x130] =	vst v5;
	v1 =	vbroadcast v1, $0x0  }
0x130: {  	v56 =	vmul.f32 v52, v2;
	[tilespmem:s28+$0x160] =	vst v6  }
0x131: {  	[tilespmem:s28+$0x120] =	vst v55;
	v3 =	vmul.f32 v50, v2  }
0x132: {  	[tilespmem:s28+$0x150] =	vst v56;
	v2 =	vmul.f32 v54, v2  }
0x133: {  	[tilespmem:s28+$0x170] =	vst v3  }
0x134: {  	v3 =	vld [tilespmem:s28+$0x180];
	[tilespmem:s28+$0x140] =	vst v2  }
0x135: {  	v1 =	vld.idx.msk [tilespmem:v1+s24+$0x0], $0xffff  }
0x136: {  	v2 =	vld [tilespmem:s28+$0x190]  }
0x137: {  	v59 =	vld [tilespmem:s28+$0x1A0]  }
0x138: {  	v57 =	vld [tilespmem:s28+$0x1D0]  }
0x139: {  	v58 =	vld [tilespmem:s28+$0x1F0]  }
0x13a: {  	v60 =	vld [tilespmem:s28+$0x1B0];
	v3 =	vmul.f32 v3, v1  }
0x13b: {  	v61 =	vld [tilespmem:s28+$0x1E0];
	v2 =	vmul.f32 v2, v1  }
0x13c: {  	v62 =	vld [tilespmem:s28+$0x1C0];
	v63 =	vmul.f32 v59, v1;
	[tilespmem:s28+$0x180] =	vst v3  }
0x13d: {  	v3 =	vmul.f32 v57, v1;
	[tilespmem:s28+$0x190] =	vst v2  }
0x13e: {  	v2 =	vmul.f32 v58, v1;
	[tilespmem:s28+$0x1A0] =	vst v63  }
0x13f: {  	[tilespmem:s28+$0x1D0] =	vst v3;
	v3 =	vmul.f32 v60, v1  }
0x140: {  	[tilespmem:s28+$0x1F0] =	vst v2;
	v2 =	vmul.f32 v61, v1  }
0x141: {  	v1 =	vmul.f32 v62, v1;
	[tilespmem:s28+$0x1B0] =	vst v3  }
0x142: {  	[tilespmem:s28+$0x1E0] =	vst v2  }
0x143: {  	s2 =	sadd.s32 $0x3, s23;
	[tilespmem:s28+$0x1C0] =	vst v1  }
0x144: {  	_ =	swait.ge [sflag:s2], $0x80  }
0x145: {  	[sflag:s2] =	ssyncset.done $0x0  }
0x146: {  	p1 =	sgt.u32 s30, $0x4C;
	s9 =	sor.u32 $0x2800, s31;
	[sflag:s2] =	ssyncadd.s32 $0xFFFFFF80  }
0x147: {  	[spmem:s1] =	stream.indirect.scatter.add.f32 [tilespmem:s26], [sflag:$0x7], $0x80, s9, s22, $0xb8;
	[tilespmem:$0x1E600] =	vst v63  }
0x148: {  	s10 =	sshll.u32 @!p1 s30, $0x7;
	_ =	swait.ge [sflag:s20], $0x4000  }
0x149: {  	s10 =	sadd.s32 @!p1 $0x100, s10;
	[sflag:s20] =	ssyncset.done $0x0  }
0x14a: {  	s23 =	simm.s32 @!p1 $0x80;
	s11 =	sand.u32 @!p1 $0x3FFFFF80, s10;
	[sflag:s20] =	ssyncadd.s32 $0xFFFFC000  }
0x14b: {  	[tilespmem:s26], [sflag:s3] =	stream.indirect.gather @!p1 [hbm4b:s4+s23], $0x80, s11, s23, $0xb8;
	[tilespmem:$0x1E600] =	vst v63  }
0x14c: {  	s3 =	sand.u32 @!p1 $0x7C00, s10  }
0x14d: {  	s10 =	sand.u32 @!p1 $0x380, s10;
	s3 =	sadd.s32 @!p1 s7, s3  }
0x14e: {  	s3 =	sor.u32 @!p1 s10, s3  }
0x14f: {  	s3 =	sshrl.u32 @!p1 s3, $0x3  }
0x150: {  	s11 =	simm.s32 @!p1 $0x0;
	s10 =	sadd.s32 @!p1 s5, s3  }
0x151: {  	[tilespmem:s9], [sflag:s2] =	stream.linear.gather @!p1 [hbm4b:s10+s11], $0x80, $0x38;
	[tilespmem:$0x1E600] =	vst v63  }
0x152: {  	s30 =	sadd.s32 $0x1, s30;
	s3 =	sadd.s32 @!p1 s6, s3;
	s2 =	sor.u32 @!p1 $0x2900, s31  }
0x153: {  	[tilespmem:s2], [sflag:s0] =	stream.linear.gather @!p1 [hbm4b:s3+s11], $0x80, $0x38;
	[tilespmem:$0x1E600] =	vst v63  }
0x154: {  	p1 =	sne.s32 s30, $0x4F  }
.Ltmp2:
0x155: {  	_ = 	snop;
	(pc) =	sbr.rel @p1 .LBB2_4-.Ltmp2, $2  }
0x156: {  	_ =	sdelay $0x2  }
0x157: {  	p0 =	por !p0, !p0  }
0x158: {  	s0 =	stileid.u32;
	s29 =	sadd.s32 $0x1, s29  }
0x159: {  	[bflag:$0x0] =	sbarrier.arrive $0xFFFF;
	s0 =	sshll.u32 s0, $0x6;
	p0 =	sne.s32 s29, s15  }
.Ltmp3:
0x15a: {  	s2 =	sshrl.u32 s8, $0x3;
	s0 =	sor.u32 $0x1C07, s0;
	(pc) =	sbr.rel @p0 .LBB2_1-.Ltmp3, $4  }
0x15b: {  	[hbm:s14], [sflag:s0] =	dma.local [spmem:s2], $0x2780  }
0x15c: {  	_ =	swait.ge [sflag:s20], $0x2780  }
0x15d: {  	[sflag:s20] =	ssyncset.done $0x0  }
0x15e: {  	[sflag:s20] =	ssyncadd.s32 $0xFFFFD880  }
0x15f: {  	_ =	sfence.sel $0x180000  }
0x160: {  	[bflag:$0x0] =	sbarrier.arrive $0xFFFF  }
0x161: {  	_ =	strace $0x9000004D  }
0x162: {  	s0 =	stileid.u32;
	[bflag:$0x2] =	sbarrier.arrive $0xFFFF  }
0x163: {  	p0 =	sne.s32 s0, $0x0;
	s0 =	rddreg [dreg:$0x3]  }
0x164: {  	s0 =	sadd.s32 @!p0 $0x100000, s0  }
0x165: {  	[sflag:s0] =	ssyncadd.tile.s32 @!p0 $0x1;
	_ =	shalt  }
.Lfunc_end2:
_tile_overlayer_lowered:
.L_overlay_start_2:
0x166: {  	(tag) =	ssettag $0x2  }
0x167: {  	s0 =	rddreg [dreg:$0x0];
	s2 =	stileid.u32  }
0x168: {  	s1 =	rddreg [dreg:$0x1];
	p0 =	sne.s32 s2, $0x0  }
0x169: {  	s3 =	rddreg [dreg:$0x2];
	[bflag:$0x3] =	sbarrier.arrive $0xFFFF;
	s2 =	simm.s32 @!p0 $0x1C07  }
0x16a: {  	[timem:s3], [sflag:s2] =	dma.local @!p0 [hbm:s0], s1  }
0x16b: {  	s0 =	simm.s32 @!p0 $0x7  }
0x16c: {  	_ =	swait.ge @!p0 [sflag:s0], s1  }
0x16d: {  	s1 =	ssub.s32 @!p0 $0x0, s1;
	[sflag:s0] =	ssyncset.done @!p0 $0x0  }
0x16e: {  	[sflag:s0] =	ssyncadd.s32 @!p0 s1  }
0x16f: {  	[bflag:$0x3] =	sbarrier.arrive $0xFFFF  }
0x170: {  	_ =	shalt  }

// kernel: kernel.8.cloned.1.call-start
scs
__scs_entry_jumppad:
0x0: {  	(pc) =	sbr.rel $0x88, $3  }
0x1: {  	(tag) =	ssettag $0x0;
	lr =	simm.s32 $0x1  }
0x2: {  	[smem:$0x3F96] =	sst lr;
	_ =	strace $0xD0000000  }
0x3: {  	_ = 	snop  }
0x4: {  	_ = 	snop  }
0x5: {  	_ = 	snop  }
0x6: {  	_ = 	snop  }
0x7: {  	_ = 	snop  }
__scs_overlays_trampoline_lowered:
0x8: {  	[smem:$0x3FA5] =	sst s0  }
0x9: {  	[smem:$0x3FA6] =	sst s1  }
0xa: {  	[smem:$0x3FA7] =	sst s2  }
0xb: {  	[smem:$0x3FA8] =	sst s3  }
0xc: {  	[smem:$0x3FA9] =	sst s4  }
0xd: {  	[smem:$0x3FAA] =	sst s5  }
0xe: {  	[smem:$0x3FAB] =	sst s6  }
0xf: {  	[smem:$0x3FAC] =	sst s7  }
0x10: {  	[smem:$0x3FAD] =	sst s8  }
0x11: {  	[smem:$0x3FAE] =	sst s9;
	s0 =	simm.s32 @!p0 $0x0  }
0x12: {  	s1 =	sld [smem:$0x3F94];
	s0 =	simm.s32 @p0 $0x1  }
0x13: {  	[smem:$0x3FAF] =	sst s0;
	s0 =	simm.s32 @!p1 $0x0  }
0x14: {  	s2 =	sld [smem:$0x3F93];
	s0 =	simm.s32 @p1 $0x1  }
0x15: {  	[smem:$0x3FB0] =	sst s0;
	s0 =	simm.s32 @!p2 $0x0  }
0x16: {  	s3 =	sld [smem:$0x3FDB];
	s0 =	simm.s32 @p2 $0x1  }
0x17: {  	s4 =	simm.s32 $0x1BF5;
	[smem:$0x3FB2] =	sst s0  }
0x18: {  	s0 =	sld [smem:$0x3F95];
	_ =	swait.ge [sflag:s4], $0x0  }
0x19: {  	s7 =	sld [smem:$0x3F96]  }
0x1a: {  	s8 =	sadd.s32 $0xFFFFE003, lr  }
0x1b: {  	s9 =	sadd.s32 $0xFFFFFEF7, lr;
	s5 =	simm.s32 $0xFFFFFFFF;
	p2 =	slt.u32 s8, $0xFFFFF086  }
0x1c: {  	p1 =	slt.u32 s9, $0xF7A;
	s5 =	simm.s32 @!p2 $0x0  }
0x1d: {  	s5 =	simm.s32 @p1 $0x1;
	p0 =	seq.s32 s7, s2  }
0x1e: {  	s7 =	smul.u32 @!p0 $0xF7A, s2;
	p2 =	seq.s32 @!p0 s5, $0x0  }
0x1f: {  	s9 =	smul.u32 $0xF7A, s1;
	s8 =	simm.s32 @!p0 $0x1BF5;
	p2 =	por !p2, p0  }
0x20: {  	[sflag:s8] =	ssyncset.s32 @!p0 $0xFFFFF086;
	s6 =	sadd.s32 @!p0 s3, s7;
	s7 =	simm.s32 @!p0 $0x108  }
0x21: {  	s3 =	sadd.s32 s3, s9;
	s6 =	sadd.s32 @!p0 $0x88, s6;
	s7 =	simm.s32 @p2 $0x1082  }
0x22: {  	[simem:s7], [sflag:s8] =	dma.local @!p0 [hbm:s6], $0xF7A  }
0x23: {  	s9 =	sor.u32 $0xD0000000, s2;
	s6 =	simm.s32 $0x108;
	_ =	swait.ge @!p0 [sflag:s8], $0x0  }
0x24: {  	s3 =	sadd.s32 $0x88, s3;
	s6 =	simm.s32 @!p1 $0x1082;
	[sflag:s4] =	ssyncset.s32 $0xFFFFF086  }
0x25: {  	[simem:s6], [sflag:s4] =	dma.local [hbm:s3], $0xF7A  }
0x26: {  	[smem:$0x3F96] =	sst s1;
	(tag) =	ssettag s2;
	_ =	strace s9  }
0x27: {  	s1 =	sld [smem:$0x3FA6]  }
0x28: {  	s2 =	sld [smem:$0x3FA7]  }
0x29: {  	s4 =	sld [smem:$0x3FA9]  }
0x2a: {  	p0 =	seq.s32 s5, $0x0;
	s5 =	sld [smem:$0x3FAA]  }
0x2b: {  	s6 =	sld [smem:$0x3FAB]  }
0x2c: {  	s7 =	sld [smem:$0x3FAC]  }
0x2d: {  	s3 =	simm.s32 $0x108;
	s8 =	sld [smem:$0x3FAD]  }
0x2e: {  	s3 =	simm.s32 @!p0 $0x1082;
	s9 =	sld [smem:$0x3FAE]  }
0x2f: {  	lr =	sadd.s32 s0, s3;
	s0 =	sld [smem:$0x3FA5]  }
0x30: {  	s3 =	sld [smem:$0x3FA8]  }
0x31: {  	[smem:$0x3FB1] =	sst s10  }
0x32: {  	s10 =	sld [smem:$0x3FAF];
	_ =	sdelay $0x3  }
0x33: {  	p0 =	seq.s32 s10, $0x1;
	s10 =	sld [smem:$0x3FB1];
	_ =	sdelay $0x3  }
0x34: {  	[smem:$0x3FB1] =	sst s10  }
0x35: {  	s10 =	sld [smem:$0x3FB0];
	_ =	sdelay $0x3  }
0x36: {  	p1 =	seq.s32 s10, $0x1;
	s10 =	sld [smem:$0x3FB1];
	_ =	sdelay $0x3  }
0x37: {  	[smem:$0x3FB1] =	sst s10  }
0x38: {  	s10 =	sld [smem:$0x3FB2]  }
0x39: {  	_ = 	snop;
	(pc) =	sbr.ind lr, $3  }
0x3a: {  	_ = 	snop  }
0x3b: {  	_ = 	snop  }
0x3c: {  	p2 =	seq.s32 s10, $0x1;
	s10 =	sld [smem:$0x3FB1]  }
0x3d: {  	_ =	shalt  }
0x3e: {  	_ =	shalt  }
0x3f: {  	_ =	shalt  }
0x40: {  	_ =	shalt  }
0x41: {  	_ =	shalt  }
0x42: {  	_ =	shalt  }
0x43: {  	_ =	shalt  }
0x44: {  	_ =	shalt  }
0x45: {  	_ =	shalt  }
0x46: {  	_ =	shalt  }
0x47: {  	_ =	shalt  }
0x48: {  	_ =	shalt  }
0x49: {  	_ =	shalt  }
0x4a: {  	_ =	shalt  }
0x4b: {  	_ =	shalt  }
0x4c: {  	_ =	shalt  }
0x4d: {  	_ =	shalt  }
0x4e: {  	_ =	shalt  }
0x4f: {  	_ =	shalt  }
0x50: {  	_ =	shalt  }
0x51: {  	_ =	shalt  }
0x52: {  	_ =	shalt  }
0x53: {  	_ =	shalt  }
0x54: {  	_ =	shalt  }
0x55: {  	_ =	shalt  }
0x56: {  	_ =	shalt  }
0x57: {  	_ =	shalt  }
0x58: {  	_ =	shalt  }
0x59: {  	_ =	shalt  }
0x5a: {  	_ =	shalt  }
0x5b: {  	_ =	shalt  }
0x5c: {  	_ =	shalt  }
0x5d: {  	_ =	shalt  }
0x5e: {  	_ =	shalt  }
0x5f: {  	_ =	shalt  }
0x60: {  	_ =	shalt  }
0x61: {  	_ =	shalt  }
0x62: {  	_ =	shalt  }
0x63: {  	_ =	shalt  }
0x64: {  	_ =	shalt  }
0x65: {  	_ =	shalt  }
0x66: {  	_ =	shalt  }
0x67: {  	_ =	shalt  }
0x68: {  	_ =	shalt  }
0x69: {  	_ =	shalt  }
0x6a: {  	_ =	shalt  }
0x6b: {  	_ =	shalt  }
0x6c: {  	_ =	shalt  }
0x6d: {  	_ =	shalt  }
0x6e: {  	_ =	shalt  }
0x6f: {  	_ =	shalt  }
0x70: {  	_ =	shalt  }
0x71: {  	_ =	shalt  }
0x72: {  	_ =	shalt  }
0x73: {  	_ =	shalt  }
0x74: {  	_ =	shalt  }
0x75: {  	_ =	shalt  }
0x76: {  	_ =	shalt  }
0x77: {  	_ =	shalt  }
0x78: {  	_ =	shalt  }
0x79: {  	_ =	shalt  }
0x7a: {  	_ =	shalt  }
0x7b: {  	_ =	shalt  }
0x7c: {  	_ =	shalt  }
0x7d: {  	_ =	shalt  }
0x7e: {  	_ =	shalt  }
0x7f: {  	_ =	shalt  }
0x80: {  	_ =	shalt  }
0x81: {  	_ =	shalt  }
0x82: {  	_ =	shalt  }
0x83: {  	_ =	shalt  }
0x84: {  	_ =	shalt  }
0x85: {  	_ =	shalt  }
0x86: {  	_ =	shalt  }
0x87: {  	_ =	shalt  }
.Lfunc_end0:
.L_simem_size_0:
called_computation_lowered:
.L_overlay_start_0:
0x88: {  	s2 =	sld [smem:$0x3FD9]  }
0x89: {  	s3 =	sld [smem:$0x3FFE];
	_ =	sdelay $0x1  }
0x8a: {  	s1 =	srdreg.scid  }
0x8b: {  	s0 =	sand.u32 $0x1, s1  }
0x8c: {  	s16 =	sshll.u32 s0, $0xA;
	s2 =	sadd.s32 s3, s2  }
0x8d: {  	s2 =	sadd.s32 s2, s16  }
0x8e: {  	[smem:$0x3FBD] =	sst s2  }
0x8f: {  	_ = 	snop  }
0x90: {  	(tm) =	ssettm $0x1  }
0x91: {  	s17 =	sld [smem:$0x3FFB];
	_ =	sdelay $0x3  }
0x92: {  	_ =	strace s17  }
0x93: {  	s2 =	sld [smem:$0x3FFC];
	_ =	sdelay $0x3  }
0x94: {  	_ =	strace s2  }
0x95: {  	s2 =	sld [smem:$0x3FFD];
	_ =	sdelay $0x3  }
0x96: {  	_ =	strace s2  }
0x97: {  	_ =	strace $0x8FFFFFFF  }
0x98: {  	s18 =	sld [smem:$0x3FDB];
	_ =	sdelay $0x1  }
0x99: {  	s19 =	simm.s32 $_scs_section_size  }
0x9a: {  	s4 =	simm.s32 $_size__tile_overlayer_lowered;
	s5 =	simm.s32 $_tile_overlayer_lowered  }
0x9b: {  	s22 =	simm.s32 $0x1BFF;
	s21 =	sshll.u32 s5, $0x1;
	s2 =	sadd.s32 s19, s18  }
0x9c: {  	s6 =	simm.s32 $0x0;
	s20 =	sshll.u32 s4, $0x1;
	s4 =	sadd.s32 s21, s2  }
0x9d: {  	[timem:s6], [sflag:s22] =	dma.local [hbm:s4], s20  }
0x9e: {  	_ =	swait.ge [sflag:s22], s20  }
0x9f: {  	s3 =	ssub.s32 $0x0, s20;
	[sflag:s22] =	ssyncset.done $0x0  }
0xa0: {  	[sflag:s22] =	ssyncadd.s32 s3;
	_ =	sdelay $0x1  }
0xa1: {  	s23 =	simm.s32 $0x1B8B  }
0xa2: {  	_ =	swait.ge [sflag:s23], $0x1  }
0xa3: {  	[sflag:s23] =	ssyncset.done $0x0  }
0xa4: {  	s25 =	simm.s32 $0x1B8E;
	s24 =	sld [smem:$0x3FFE];
	[sflag:s23] =	ssyncadd.s32 $0xFFFFFFFF  }
0xa5: {  	s26 =	simm.s32 $execute0_lowered;
	[smem:$0x3FD2] =	sst s25  }
0xa6: {  	s4 =	sshll.u32 s26, $0x1;
	_ =	strace $0x80000046;
	[dreg:$0x1] =	wrdreg $0xFFFFFFFF  }
0xa7: {  	s28 =	simm.s32 $_size_execute0_lowered;
	s2 =	sadd.s32 s2, s4;
	[dreg:$0x0] =	wrdreg $0x0  }
0xa8: {  	s4 =	sshll.u32 s28, $0x1;
	[dreg:$0x2] =	wrdreg s2  }
0xa9: {  	[dreg:$0x3] =	wrdreg s4  }
0xaa: {  	[dreg:$0x4] =	wrdreg $0xC0  }
0xab: {  	_ =	task [dreg:s6], $0x5FFFF  }
0xac: {  	[dreg:$0x1] =	wrdreg $0xFFFFFFFF  }
0xad: {  	[dreg:$0x0] =	wrdreg $0x60  }
0xae: {  	[dreg:$0x2] =	wrdreg s24  }
0xaf: {  	[dreg:$0x3] =	wrdreg $0x66800  }
0xb0: {  	[dreg:$0x4] =	wrdreg $0x9  }
0xb1: {  	_ =	task.clear_ibuf [dreg:s6], $0x5FFFF;
	_ =	strace $0x90000046  }
0xb2: {  	s29 =	simm.s32 $0x9;
	_ =	strace $0x80000048  }
0xb3: {  	_ =	swait.ge [sflag:s29], $0x1  }
0xb4: {  	[sflag:s29] =	ssyncadd.s32 $0xFFFFFFFF  }
0xb5: {  	_ =	strace $0x90000048  }
0xb6: {  	_ =	sfence  }
0xb7: {  	s30 =	sld [smem:$0x0];
	_ =	sdelay $0x2  }
0xb8: {  	s31 =	sshll.u32 s1, $0xD;
	s1 =	sshrl.u32 s1, $0x2  }
0xb9: {  	s3 =	sand.u32 $0x4000, s31;
	s1 =	sadd.s32 s1, s30  }
0xba: {  	s0 =	sor.u32 s3, s0;
	s1 =	sshll.u32 s1, $0x11  }
0xbb: {  	s0 =	sor.u32 s1, s0  }
0xbc: {  	s0 =	sadd.s32 $0x8F2B, s0  }
0xbd: {  	[sflag:s0] =	ssyncadd.remote.s32 $0x1  }
0xbe: {  	_ =	sfence.sel $0xFFFF  }
0xbf: {  	[dreg:$0x0] =	wrdreg $0xFFFFFFFF;
	(pc) =	sbr.abs _section_cstart, $3  }
0xc0: {  	[dreg:$0x1] =	wrdreg $0xFFFFFFFF  }
0xc1: {  	_ =	task.clear_ibuf [dreg:s6], $0x2FFFF;
	_ =	strace $0x9FFFFFFF  }
0xc2: {  	(tm) =	ssettm $0x7FFFFFFF  }
0xc3: {  	_ =	shalt  }
tec
execute0_lowered:
.L_overlay_start_1:
0x0: {  	(tag) =	ssettag $0x1  }
0x1: {  	s0 =	rddreg [dreg:$0x0]  }
0x2: {  	s1 =	rddreg [dreg:$0x1]  }
0x3: {  	s3 =	simm.s32 $0x0;
	s2 =	srdreg.scid;
	s9 =	stileid.u32  }
0x4: {  	s13 =	simm.s32 $0x6;
	s16 =	simm.s32 $0x80;
	s17 =	simm.s32 $0x5000  }
0x5: {  	s18 =	simm.s32 $0x1;
	s20 =	simm.s32 $0x5100;
	s21 =	simm.s32 $0x5  }
0x6: {  	s22 =	simm.s32 $0x4;
	s23 =	simm.s32 $0x0;
	[smem:$0x7FF] =	sst s3  }
0x7: {  	s2 =	sand.u32 $0x1, s2;
	s6 =	sadd.s32 $0x2200, s0;
	s7 =	smul.u32 $0xA00, s9  }
0x8: {  	s4 =	sadd.s32 $0xC200, s0;
	s8 =	smul.u32 $0x5000, s9;
	s30 =	sshll.u32 s9, $0x1  }
0x9: {  	s9 =	smul.u32 $0x4E40, s9;
	_ =	strace $0x80000047;
	s5 =	ssub.s32 $0x2, s2  }
0xa: {  	s10 =	sor.u32 s2, s30;
	s2 =	smul.u32 $0xA000, s2;
	s29 =	sshrl.u32 s5, $0x1  }
0xb: {  	s8 =	sshrl.u32 s8, $0x3;
	s31 =	sshrl.u32 s9, $0x2;
	s9 =	smul.u32 $0x2800, s10  }
0xc: {  	s0 =	ssub.s32 s5, s29;
	s5 =	sadd.s32 s6, s7;
	s6 =	sadd.s32 s6, s8  }
0xd: {  	s7 =	sadd.s32 s31, s1;
	s8 =	sshrl.u32 s2, $0x2;
	s6 =	sadd.s32 $0x500, s6  }
0xe: {  	v0 =	vimm.f32 $1.000000000e+00;
	v1 =	vimm.f32 $0.0e+00;
	s10 =	smax.u32 s0, $0x1;
	s11 =	sor.u32 $0x80, s8;
	s12 =	sor.u32 $0x100, s8  }
.LBB2_1:
0xf: {  	[tilespmem:$0x5000] =	vst v0  }
0x10: {  	[tilespmem:$0x5010] =	vst v0  }
0x11: {  	[tilespmem:$0x5020] =	vst v0  }
0x12: {  	[tilespmem:$0x5030] =	vst v0  }
0x13: {  	[tilespmem:$0x5040] =	vst v0  }
0x14: {  	[tilespmem:$0x5050] =	vst v0  }
0x15: {  	[tilespmem:$0x5060] =	vst v0  }
0x16: {  	[tilespmem:$0x5070] =	vst v0;
	s0 =	simm.s32 $0x40;
	s2 =	simm.s32 $0x0  }
.LBB2_2:
0x17: {  	p0 =	sne.s32 s0, $0x4E00;
	[tilespmem:s2+$0x5280] =	vst v1;
	s2 =	smov.u32 s0;
	s0 =	sadd.s32 $0x40, s0  }
.Ltmp0:
0x18: {  	(pc) =	sbr.rel @p0 .LBB2_2-.Ltmp0, $2  }
0x19: {  	_ =	sdelay $0x2  }
0x1a: {  	s2 =	sshra.s32 s2, $0x2  }
0x1b: {  	[tilespmem:s2+$0x5280] =	vst v1;
	s0 =	simm.s32 $0x0  }
0x1c: {  	[tilespmem:s0], [sflag:$0x6] =	stream.linear.gather [hbm4b:s5+s0], $0x2780, $0x38;
	[tilespmem:$0x7A10] =	vst v63  }
0x1d: {  	_ =	swait.ge [sflag:s13], $0x2780  }
0x1e: {  	[sflag:s13] =	ssyncset.done $0x0  }
0x1f: {  	s29 =	simm.s32 $0x2800;
	[sflag:s13] =	ssyncadd.s32 $0xFFFFD880  }
0x20: {  	[tilespmem:s29], [sflag:$0x6] =	stream.linear.gather [hbm4b:s6+s0], $0x2780, $0x38;
	[tilespmem:$0x7A10] =	vst v63  }
0x21: {  	_ =	swait.ge [sflag:s13], $0x2780  }
0x22: {  	[sflag:s13] =	ssyncset.done $0x0  }
0x23: {  	s30 =	simm.s32 $0x5280;
	[sflag:s13] =	ssyncadd.s32 $0xFFFFD880  }
0x24: {  	[spmem:s7] =	stream.linear.scatter [tilespmem:s30], [sflag:$0x6], $0x1390, $0x38;
	[tilespmem:$0x7A10] =	vst v63  }
0x25: {  	_ =	swait.ge [sflag:s13], $0x1390  }
0x26: {  	[sflag:s13] =	ssyncset.done $0x0  }
0x27: {  	s31 =	simm.s32 $0x0;
	[sflag:s13] =	ssyncadd.s32 $0xFFFFEC70  }
0x28: {  	s2 =	simm.s32 $0x2800;
	s0 =	simm.s32 $0x200;
	[bflag:$0x0] =	sbarrier.arrive $0xFFFF  }
0x29: {  	[spmem:s1] =	stream.indirect.scatter.add.f32 [tilespmem:s17], [sflag:$0x1], $0x1, s31, s16, $0xb8;
	[tilespmem:$0x7A10] =	vst v63  }
.LBB2_4:
0x2a: {  	[spmem:s1] =	stream.indirect.scatter.add.f32 [tilespmem:s17], [sflag:$0x1], $0x1, s2, s16, $0xb8;
	[tilespmem:$0x7A10] =	vst v63  }
0x2b: {  	s2 =	smov.u32 s0;
	p0 =	sne.s32 s0, $0x9C00  }
.Ltmp1:
0x2c: {  	s0 =	sadd.s32 $0x200, s0;
	(pc) =	sbr.rel @p0 .LBB2_4-.Ltmp1, $4  }
0x2d: {  	_ = 	snop  }
0x2e: {  	s2 =	sshra.s32 s2, $0x2  }
0x2f: {  	[spmem:s1] =	stream.indirect.scatter.add.f32 [tilespmem:s17], [sflag:$0x1], $0x1, s2, s16, $0xb8;
	[tilespmem:$0x7A10] =	vst v63  }
0x30: {  	s2 =	sadd.s32 $0x2800, s2  }
0x31: {  	[spmem:s1] =	stream.indirect.scatter.add.f32 [tilespmem:s17], [sflag:$0x1], $0x1, s2, s16, $0xb8;
	[tilespmem:$0x7A10] =	vst v63  }
0x32: {  	_ =	swait.ge [sflag:s18], $0x80  }
0x33: {  	[sflag:s18] =	ssyncset.done $0x0  }
0x34: {  	[sflag:s18] =	ssyncadd.s32 $0xFFFFFF80  }
0x35: {  	_ =	swait.ge [sflag:s18], $0x80  }
0x36: {  	s0 =	simm.s32 $0x4E;
	[sflag:s18] =	ssyncset.done $0x0  }
.LBB2_6:
0x37: {  	p0 =	sne.s32 s0, $0x1;
	s0 =	sadd.s32 $0xFFFFFFFF, s0;
	[sflag:s18] =	ssyncadd.s32 $0xFFFFFF80  }
.Ltmp2:
0x38: {  	_ =	swait.ge [sflag:s18], $0x80;
	(pc) =	sbr.rel @p0 .LBB2_6-.Ltmp2, $4  }
0x39: {  	[sflag:s18] =	ssyncset.done $0x0  }
0x3a: {  	[sflag:s18] =	ssyncadd.s32 $0xFFFFFF80  }
0x3b: {  	_ =	swait.ge [sflag:s18], $0x80  }
0x3c: {  	[sflag:s18] =	ssyncset.done $0x0  }
0x3d: {  	[sflag:s18] =	ssyncadd.s32 $0xFFFFFF80  }
0x3e: {  	s0 =	simm.s32 $0x5080;
	s14 =	simm.s32 $0x0;
	[bflag:$0x0] =	sbarrier.arrive $0xFFFF  }
0x3f: {  	[tilespmem:s0], [sflag:$0x2] =	stream.indirect.gather [spmem:s1], $0x1, s8, s16, $0xb8;
	[tilespmem:$0x7A10] =	vst v63  }
0x40: {  	s0 =	sand.u32 $0x1, s14  }
0x41: {  	s25 =	sor.u32 $0x2, s0  }
0x42: {  	[tilespmem:s20], [sflag:$0x3] =	stream.indirect.gather [spmem:s1], $0x1, s11, s16, $0xb8;
	[tilespmem:$0x7A10] =	vst v63  }
0x43: {  	_ =	swait.ge [sflag:s25], $0x80  }
0x44: {  	p0 =	por $0x1, $0x1;
	[sflag:s25] =	ssyncset.done $0x0  }
0x45: {  	s15 =	sor.u32 @!p0 $0x4, s0;
	[sflag:s25] =	ssyncadd.s32 $0xFFFFFF80  }
0x46: {  	_ =	swait.ge @!p0 [sflag:s15], $0x80  }
0x47: {  	[sflag:s15] =	ssyncset.done @!p0 $0x0  }
0x48: {  	s2 =	sshll.u32 s0, $0x7;
	[sflag:s15] =	ssyncadd.s32 @!p0 $0xFFFFFF80  }
0x49: {  	v2 =	vld [tilespmem:s2+$0x5080];
	_ =	sdelay $0x4  }
0x4a: {  	v2 =	vmax.f32 v2, $1.000000000e+00  }
0x4b: {  	(erf) = vrcp.f32 v2  }
0x4c: {  	v2 =	vld [tilespmem:s2+$0x5090];
	_ =	sdelay $0x2  }
0x4d: {  	v3 =	vld [tilespmem:s12+$0xFFFFFF00];
	_ =	sdelay $0x1  }
0x4e: {  	v2 =	vmax.f32 v2, $1.000000000e+00;
	_ =	sdelay $0x1  }
0x4f: {  	(erf) = vrcp.f32 v2  }
0x50: {  	vm0 =	vgt.s32 v3, $0x1387F;
	v2 =	vpop (erf)  }
0x51: {  	v3 =	vld [tilespmem:s2+$0x50A0];
	v2 =	vsel vm0, $0x0, v2  }
0x52: {  	[tilespmem:s2+$0x5180] =	vst v2  }
0x53: {  	v2 =	vld [tilespmem:s12+$0xFFFFFF10];
	_ =	sdelay $0x2  }
0x54: {  	v3 =	vmax.f32 v3, $1.000000000e+00  }
0x55: {  	(erf) = vrcp.f32 v3  }
0x56: {  	vm9 =	vgt.s32 v2, $0x1387F;
	v2 =	vpop (erf)  }
0x57: {  	v3 =	vld [tilespmem:s2+$0x50B0];
	v2 =	vsel vm9, $0x0, v2  }
0x58: {  	[tilespmem:s2+$0x5190] =	vst v2  }
0x59: {  	v2 =	vld [tilespmem:s12+$0xFFFFFF20];
	_ =	sdelay $0x2  }
0x5a: {  	v3 =	vmax.f32 v3, $1.000000000e+00  }
0x5b: {  	(erf) = vrcp.f32 v3  }
0x5c: {  	vm10 =	vgt.s32 v2, $0x1387F;
	v2 =	vpop (erf)  }
0x5d: {  	v3 =	vld [tilespmem:s2+$0x50C0];
	v2 =	vsel vm10, $0x0, v2  }
0x5e: {  	[tilespmem:s2+$0x51A0] =	vst v2  }
0x5f: {  	v2 =	vld [tilespmem:s12+$0xFFFFFF30];
	_ =	sdelay $0x2  }
0x60: {  	v3 =	vmax.f32 v3, $1.000000000e+00  }
0x61: {  	(erf) = vrcp.f32 v3  }
0x62: {  	vm11 =	vgt.s32 v2, $0x1387F;
	v2 =	vpop (erf)  }
0x63: {  	v3 =	vld [tilespmem:s2+$0x50D0];
	v2 =	vsel vm11, $0x0, v2  }
0x64: {  	[tilespmem:s2+$0x51B0] =	vst v2  }
0x65: {  	v2 =	vld [tilespmem:s12+$0xFFFFFF40];
	_ =	sdelay $0x2  }
0x66: {  	v3 =	vmax.f32 v3, $1.000000000e+00  }
0x67: {  	(erf) = vrcp.f32 v3  }
0x68: {  	vm12 =	vgt.s32 v2, $0x1387F;
	v2 =	vpop (erf)  }
0x69: {  	v3 =	vld [tilespmem:s2+$0x50E0];
	v2 =	vsel vm12, $0x0, v2  }
0x6a: {  	[tilespmem:s2+$0x51C0] =	vst v2  }
0x6b: {  	v2 =	vld [tilespmem:s12+$0xFFFFFF50];
	_ =	sdelay $0x2  }
0x6c: {  	v3 =	vmax.f32 v3, $1.000000000e+00  }
0x6d: {  	(erf) = vrcp.f32 v3  }
0x6e: {  	vm13 =	vgt.s32 v2, $0x1387F;
	v2 =	vpop (erf)  }
0x6f: {  	v3 =	vld [tilespmem:s2+$0x50F0];
	v2 =	vsel vm13, $0x0, v2  }
0x70: {  	[tilespmem:s2+$0x51D0] =	vst v2  }
0x71: {  	v2 =	vld [tilespmem:s12+$0xFFFFFF60];
	_ =	sdelay $0x2  }
0x72: {  	v3 =	vmax.f32 v3, $1.000000000e+00  }
0x73: {  	(erf) = vrcp.f32 v3  }
0x74: {  	vm14 =	vgt.s32 v2, $0x1387F;
	v2 =	vpop (erf)  }
0x75: {  	v2 =	vsel vm14, $0x0, v2  }
0x76: {  	[tilespmem:s2+$0x51E0] =	vst v2  }
0x77: {  	v2 =	vld [tilespmem:s12+$0xFFFFFF70];
	_ =	sdelay $0x2  }
0x78: {  	s30 =	simm.s32 $0x2;
	s24 =	sand.u32 $0x3C00, s14  }
0x79: {  	p1 =	por $0x0, $0x0;
	s14 =	sand.u32 $0x380, s14;
	s15 =	sadd.s32 s9, s24  }
0x7a: {  	s28 =	simm.s32 $0x80;
	s29 =	smov.u32 s12;
	s14 =	sor.u32 s14, s15;
	vm15 =	vgt.s32 v2, $0x1387F;
	v2 =	vpop (erf)  }
0x7b: {  	s31 =	smov.u32 s12;
	s0 =	sor.u32 $0x4, s0;
	s14 =	sshrl.u32 s14, $0x3;
	v2 =	vsel vm15, $0x0, v2  }
0x7c: {  	s26 =	sadd.s32 $0x5180, s2;
	s24 =	simm.s32 $0x1;
	s14 =	sadd.s32 s4, s14;
	[tilespmem:s2+$0x51F0] =	vst v2  }
0x7d: {  	[hbm4b:s14+s3] =	stream.linear.scatter [tilespmem:s26], [sflag:s0], $0x80, $0x38;
	[tilespmem:$0x7A10] =	vst v63  }
0x7e: {  	s15 =	simm.s32 @!p1 $0x80;
	s0 =	sadd.s32 $0x5080, s2;
	s26 =	sand.u32 $0x1, s24  }
.LBB2_8:
0x7f: {  	s14 =	sor.u32 $0x2, s26;
	s29 =	sadd.s32 $0x80, s29  }
0x80: {  	s2 =	smov.u32 s24;
	s24 =	smov.u32 s30;
	s30 =	sadd.s32 $0x1, s30  }
0x81: {  	[tilespmem:s0], [sflag:s25] =	stream.indirect.gather @!p1 [spmem:s1], $0x1, s31, s15, $0xb8;
	[tilespmem:$0x7A10] =	vst v63  }
0x82: {  	p0 =	sne.s32 s30, $0x4F;
	s25 =	smov.u32 s14;
	_ =	swait.ge [sflag:s14], $0x80  }
0x83: {  	p1 =	slt.u32 s2, $0x2;
	s31 =	smov.u32 s29;
	[sflag:s25] =	ssyncset.done $0x0  }
0x84: {  	s0 =	sor.u32 @!p1 $0x4, s26;
	[sflag:s25] =	ssyncadd.s32 $0xFFFFFF80  }
0x85: {  	_ =	swait.ge @!p1 [sflag:s0], $0x80  }
0x86: {  	[sflag:s0] =	ssyncset.done @!p1 $0x0  }
0x87: {  	s14 =	sshll.u32 s26, $0x7;
	[sflag:s0] =	ssyncadd.s32 @!p1 $0xFFFFFF80  }
0x88: {  	s0 =	sadd.s32 $0x5080, s14;
	v2 =	vld [tilespmem:s14+$0x5080]  }
0x89: {  	v3 =	vld [tilespmem:s14+$0x5090]  }
0x8a: {  	v4 =	vld [tilespmem:s14+$0x50A0]  }
0x8b: {  	v5 =	vld [tilespmem:s14+$0x50B0]  }
0x8c: {  	v6 =	vld [tilespmem:s14+$0x50C0]  }
0x8d: {  	v2 =	vmax.f32 v2, $1.000000000e+00;
	v7 =	vld [tilespmem:s14+$0x50D0]  }
0x8e: {  	v3 =	vmax.f32 v3, $1.000000000e+00;
	v8 =	vld [tilespmem:s14+$0x50E0];
	(erf) = vrcp.f32 v2  }
0x8f: {  	v2 =	vmax.f32 v4, $1.000000000e+00;
	v4 =	vld [tilespmem:s14+$0x50F0]  }
0x90: {  	v5 =	vmax.f32 v5, $1.000000000e+00  }
0x91: {  	v6 =	vmax.f32 v6, $1.000000000e+00  }
0x92: {  	v9 =	vld [tilespmem:s29+$0xFFFFFF00];
	v7 =	vmax.f32 v7, $1.000000000e+00  }
0x93: {  	v8 =	vmax.f32 v8, $1.000000000e+00  }
0x94: {  	v4 =	vmax.f32 v4, $1.000000000e+00;
	_ =	sdelay $0x1  }
0x95: {  	(erf) = vrcp.f32 v3  }
0x96: {  	vm0 =	vgt.s32 v9, $0x1387F;
	v3 =	vpop (erf)  }
0x97: {  	v3 =	vsel vm0, $0x0, v3  }
0x98: {  	[tilespmem:s14+$0x5180] =	vst v3  }
0x99: {  	v3 =	vld [tilespmem:s29+$0xFFFFFF10];
	_ =	sdelay $0x3  }
0x9a: {  	(erf) = vrcp.f32 v2  }
0x9b: {  	vm0 =	vgt.s32 v3, $0x1387F;
	v2 =	vpop (erf)  }
0x9c: {  	v2 =	vsel vm0, $0x0, v2  }
0x9d: {  	[tilespmem:s14+$0x5190] =	vst v2  }
0x9e: {  	v2 =	vld [tilespmem:s29+$0xFFFFFF20];
	_ =	sdelay $0x3  }
0x9f: {  	(erf) = vrcp.f32 v5  }
0xa0: {  	vm0 =	vgt.s32 v2, $0x1387F;
	v2 =	vpop (erf)  }
0xa1: {  	v2 =	vsel vm0, $0x0, v2  }
0xa2: {  	[tilespmem:s14+$0x51A0] =	vst v2  }
0xa3: {  	v2 =	vld [tilespmem:s29+$0xFFFFFF30];
	_ =	sdelay $0x3  }
0xa4: {  	(erf) = vrcp.f32 v6  }
0xa5: {  	vm0 =	vgt.s32 v2, $0x1387F;
	v2 =	vpop (erf)  }
0xa6: {  	v2 =	vsel vm0, $0x0, v2  }
0xa7: {  	[tilespmem:s14+$0x51B0] =	vst v2  }
0xa8: {  	v2 =	vld [tilespmem:s29+$0xFFFFFF40];
	_ =	sdelay $0x3  }
0xa9: {  	(erf) = vrcp.f32 v7  }
0xaa: {  	vm0 =	vgt.s32 v2, $0x1387F;
	v2 =	vpop (erf)  }
0xab: {  	v2 =	vsel vm0, $0x0, v2  }
0xac: {  	[tilespmem:s14+$0x51C0] =	vst v2  }
0xad: {  	v2 =	vld [tilespmem:s29+$0xFFFFFF50];
	_ =	sdelay $0x3  }
0xae: {  	(erf) = vrcp.f32 v8  }
0xaf: {  	vm0 =	vgt.s32 v2, $0x1387F;
	v2 =	vpop (erf)  }
0xb0: {  	v2 =	vsel vm0, $0x0, v2  }
0xb1: {  	[tilespmem:s14+$0x51D0] =	vst v2  }
0xb2: {  	v2 =	vld [tilespmem:s29+$0xFFFFFF60];
	_ =	sdelay $0x3  }
0xb3: {  	(erf) = vrcp.f32 v4  }
0xb4: {  	vm0 =	vgt.s32 v2, $0x1387F;
	v2 =	vpop (erf)  }
0xb5: {  	v2 =	vsel vm0, $0x0, v2  }
0xb6: {  	[tilespmem:s14+$0x51E0] =	vst v2  }
0xb7: {  	v2 =	vld [tilespmem:s29+$0xFFFFFF70];
	_ =	sdelay $0x2  }
0xb8: {  	s15 =	sand.u32 $0x3C00, s28  }
.Ltmp3:
0xb9: {  	s19 =	sand.u32 $0x380, s28;
	s15 =	sadd.s32 s9, s15;
	(pc) =	sbr.rel @p0 .LBB2_8-.Ltmp3, $4  }
0xba: {  	s28 =	sadd.s32 $0x80, s28;
	s15 =	sor.u32 s19, s15;
	p1 =	sgt.u32 s2, $0x4C;
	vm0 =	vgt.s32 v2, $0x1387F;
	v2 =	vpop (erf)  }
0xbb: {  	s19 =	sshrl.u32 s15, $0x3;
	s2 =	sadd.s32 $0x5180, s14;
	s15 =	simm.s32 @!p1 $0x80;
	v2 =	vsel vm0, $0x0, v2  }
0xbc: {  	s19 =	sadd.s32 s4, s19;
	[tilespmem:s14+$0x51F0] =	vst v2;
	s14 =	sor.u32 $0x4, s26;
	s26 =	sand.u32 $0x1, s24  }
0xbd: {  	[hbm4b:s19+s3] =	stream.linear.scatter [tilespmem:s2], [sflag:s14], $0x80, $0x38;
	[tilespmem:$0x7A10] =	vst v63  }
0xbe: {  	s2 =	sor.u32 $0x2, s26  }
0xbf: {  	[tilespmem:s0], [sflag:s25] =	stream.indirect.gather @!p1 [spmem:s1], $0x1, s31, s15, $0xb8;
	[tilespmem:$0x7A10] =	vst v63  }
0xc0: {  	_ =	swait.ge [sflag:s2], $0x80  }
0xc1: {  	p0 =	slt.u32 s24, $0x2;
	[sflag:s2] =	ssyncset.done $0x0  }
0xc2: {  	s14 =	sor.u32 @!p0 $0x4, s26;
	[sflag:s2] =	ssyncadd.s32 $0xFFFFFF80  }
0xc3: {  	_ =	swait.ge @!p0 [sflag:s14], $0x80  }
0xc4: {  	[sflag:s14] =	ssyncset.done @!p0 $0x0  }
0xc5: {  	s25 =	sshll.u32 s26, $0x7;
	[sflag:s14] =	ssyncadd.s32 @!p0 $0xFFFFFF80  }
0xc6: {  	v2 =	vld [tilespmem:s25+$0x5080];
	_ =	sdelay $0x4  }
0xc7: {  	v2 =	vmax.f32 v2, $1.000000000e+00  }
0xc8: {  	(erf) = vrcp.f32 v2  }
0xc9: {  	v2 =	vld [tilespmem:s25+$0x5090];
	_ =	sdelay $0x1  }
0xca: {  	s14 =	sadd.s32 $0x80, s29  }
0xcb: {  	v3 =	vld [tilespmem:s14+$0xFFFFFF00];
	_ =	sdelay $0x1  }
0xcc: {  	v2 =	vmax.f32 v2, $1.000000000e+00;
	_ =	sdelay $0x1  }
0xcd: {  	(erf) = vrcp.f32 v2  }
0xce: {  	vm0 =	vgt.s32 v3, $0x1387F;
	v2 =	vpop (erf)  }
0xcf: {  	v3 =	vld [tilespmem:s25+$0x50A0];
	v2 =	vsel vm0, $0x0, v2  }
0xd0: {  	[tilespmem:s25+$0x5180] =	vst v2  }
0xd1: {  	v2 =	vld [tilespmem:s14+$0xFFFFFF10];
	_ =	sdelay $0x2  }
0xd2: {  	v3 =	vmax.f32 v3, $1.000000000e+00  }
0xd3: {  	(erf) = vrcp.f32 v3  }
0xd4: {  	vm9 =	vgt.s32 v2, $0x1387F;
	v2 =	vpop (erf)  }
0xd5: {  	v3 =	vld [tilespmem:s25+$0x50B0];
	v2 =	vsel vm9, $0x0, v2  }
0xd6: {  	[tilespmem:s25+$0x5190] =	vst v2  }
0xd7: {  	v2 =	vld [tilespmem:s14+$0xFFFFFF20];
	_ =	sdelay $0x2  }
0xd8: {  	v3 =	vmax.f32 v3, $1.000000000e+00  }
0xd9: {  	(erf) = vrcp.f32 v3  }
0xda: {  	vm10 =	vgt.s32 v2, $0x1387F;
	v2 =	vpop (erf)  }
0xdb: {  	v3 =	vld [tilespmem:s25+$0x50C0];
	v2 =	vsel vm10, $0x0, v2  }
0xdc: {  	[tilespmem:s25+$0x51A0] =	vst v2  }
0xdd: {  	v2 =	vld [tilespmem:s14+$0xFFFFFF30];
	_ =	sdelay $0x2  }
0xde: {  	v3 =	vmax.f32 v3, $1.000000000e+00  }
0xdf: {  	(erf) = vrcp.f32 v3  }
0xe0: {  	vm11 =	vgt.s32 v2, $0x1387F;
	v2 =	vpop (erf)  }
0xe1: {  	v3 =	vld [tilespmem:s25+$0x50D0];
	v2 =	vsel vm11, $0x0, v2  }
0xe2: {  	[tilespmem:s25+$0x51B0] =	vst v2  }
0xe3: {  	v2 =	vld [tilespmem:s14+$0xFFFFFF40];
	_ =	sdelay $0x2  }
0xe4: {  	v3 =	vmax.f32 v3, $1.000000000e+00  }
0xe5: {  	(erf) = vrcp.f32 v3  }
0xe6: {  	vm12 =	vgt.s32 v2, $0x1387F;
	v2 =	vpop (erf)  }
0xe7: {  	v3 =	vld [tilespmem:s25+$0x50E0];
	v2 =	vsel vm12, $0x0, v2  }
0xe8: {  	[tilespmem:s25+$0x51C0] =	vst v2  }
0xe9: {  	v2 =	vld [tilespmem:s14+$0xFFFFFF50];
	_ =	sdelay $0x2  }
0xea: {  	v3 =	vmax.f32 v3, $1.000000000e+00  }
0xeb: {  	(erf) = vrcp.f32 v3  }
0xec: {  	vm13 =	vgt.s32 v2, $0x1387F;
	v2 =	vpop (erf)  }
0xed: {  	v3 =	vld [tilespmem:s25+$0x50F0];
	v2 =	vsel vm13, $0x0, v2  }
0xee: {  	[tilespmem:s25+$0x51D0] =	vst v2  }
0xef: {  	v2 =	vld [tilespmem:s14+$0xFFFFFF60];
	_ =	sdelay $0x2  }
0xf0: {  	v3 =	vmax.f32 v3, $1.000000000e+00  }
0xf1: {  	(erf) = vrcp.f32 v3  }
0xf2: {  	vm14 =	vgt.s32 v2, $0x1387F;
	v2 =	vpop (erf)  }
0xf3: {  	v2 =	vsel vm14, $0x0, v2  }
0xf4: {  	[tilespmem:s25+$0x51E0] =	vst v2  }
0xf5: {  	v2 =	vld [tilespmem:s14+$0xFFFFFF70];
	_ =	sdelay $0x2  }
0xf6: {  	s29 =	sand.u32 $0x3C00, s28  }
0xf7: {  	s19 =	sand.u32 $0x380, s28;
	s15 =	sadd.s32 s9, s29  }
0xf8: {  	s15 =	sor.u32 s19, s15;
	vm15 =	vgt.s32 v2, $0x1387F;
	v2 =	vpop (erf)  }
0xf9: {  	s31 =	sor.u32 $0x4, s26;
	s15 =	sshrl.u32 s15, $0x3;
	v2 =	vsel vm15, $0x0, v2  }
0xfa: {  	s30 =	sadd.s32 $0x5180, s25;
	p0 =	sgt.u32 s24, $0x4C;
	s15 =	sadd.s32 s4, s15;
	[tilespmem:s25+$0x51F0] =	vst v2  }
0xfb: {  	[hbm4b:s15+s3] =	stream.linear.scatter [tilespmem:s30], [sflag:s31], $0x80, $0x38;
	[tilespmem:$0x7A10] =	vst v63  }
0xfc: {  	s23 =	sadd.s32 $0x1, s23;
	s0 =	sadd.s32 $0x5080, s25;
	s15 =	simm.s32 @!p0 $0x80  }
0xfd: {  	[tilespmem:s0], [sflag:s2] =	stream.indirect.gather @!p0 [spmem:s1], $0x1, s14, s15, $0xb8;
	[tilespmem:$0x7A10] =	vst v63  }
0xfe: {  	p0 =	sne.s32 s23, s10;
	_ =	swait.ge [sflag:s21], $0x80  }
.Ltmp4:
0xff: {  	[sflag:s21] =	ssyncset.done $0x0;
	(pc) =	sbr.rel @p0 .LBB2_1-.Ltmp4, $4  }
0x100: {  	[sflag:s21] =	ssyncadd.s32 $0xFFFFFF80  }
0x101: {  	_ =	swait.ge [sflag:s22], $0x80  }
0x102: {  	[sflag:s22] =	ssyncset.done $0x0  }
0x103: {  	[sflag:s22] =	ssyncadd.s32 $0xFFFFFF80  }
0x104: {  	_ =	sfence.sel $0x180000  }
0x105: {  	[bflag:$0x0] =	sbarrier.arrive $0xFFFF  }
0x106: {  	_ =	strace $0x90000047  }
0x107: {  	s0 =	stileid.u32;
	[bflag:$0x2] =	sbarrier.arrive $0xFFFF  }
0x108: {  	p0 =	sne.s32 s0, $0x0;
	s0 =	rddreg [dreg:$0x2]  }
0x109: {  	s0 =	sadd.s32 @!p0 $0x100000, s0  }
0x10a: {  	[sflag:s0] =	ssyncadd.tile.s32 @!p0 $0x1;
	_ =	shalt  }
.Lfunc_end2:
_tile_overlayer_lowered:
.L_overlay_start_2:
0x10b: {  	(tag) =	ssettag $0x2  }
0x10c: {  	s0 =	rddreg [dreg:$0x0];
	s2 =	stileid.u32  }
0x10d: {  	s1 =	rddreg [dreg:$0x1];
	p0 =	sne.s32 s2, $0x0  }
0x10e: {  	s3 =	rddreg [dreg:$0x2];
	[bflag:$0x3] =	sbarrier.arrive $0xFFFF;
	s2 =	simm.s32 @!p0 $0x1C06  }
0x10f: {  	[timem:s3], [sflag:s2] =	dma.local @!p0 [hbm:s0], s1  }
0x110: {  	s0 =	simm.s32 @!p0 $0x6  }
0x111: {  	_ =	swait.ge @!p0 [sflag:s0], s1  }
0x112: {  	s1 =	ssub.s32 @!p0 $0x0, s1;
	[sflag:s0] =	ssyncset.done @!p0 $0x0  }
0x113: {  	[sflag:s0] =	ssyncadd.s32 @!p0 s1  }
0x114: {  	[bflag:$0x3] =	sbarrier.arrive $0xFFFF  }
0x115: {  	_ =	shalt  }

</sc_bundles>
